<compile_context>
chip_gen: v7x
topology: tpu7x:2x2x1
jax: 0.10.2.dev20260603
libtpu: 0.0.44.dev20260713+nightly
codegen_flags: <defaults>
</compile_context>

<pallas_src>
import functools

import jax
import jax.numpy as jnp
from jax import lax
from jax.experimental import pallas as pl
from jax.experimental.pallas import tpu as pltpu
from jax.experimental.pallas import tpu_sc as plsc

N = 10000
HID = 32
DEGW = 16

NC = 2
NS = 16
NW = NC * NS
K = 128
NBUF = 10
HALF = NBUF // 2

N_PAD = 10240
RPT = N_PAD // NS
FN = N_PAD * HID // 128
PIECES = RPT // K

_mesh = plsc.VectorSubcoreMesh(core_axis_name="c", subcore_axis_name="s")


def _zero_rows(ref, nrows, ncols):
    zero = jnp.zeros((16,), jnp.float32)

    def body(i, _):
        for c in range(ncols // 16):
            ref[i, pl.ds(c * 16, 16)] = zero
        return 0

    lax.fori_loop(0, nrows, body, 0)


def _nreal(e, wid, nchunk):
    return jnp.clip(e // K - wid * nchunk, 0, nchunk)


def _fire_col(ei_hbm, col_v, wid, nchunk, nreal, sem):
    base0 = wid * nchunk * K

    def issue(j, _):
        pltpu.async_copy(
            ei_hbm.at[1, pl.ds(base0 + j * K, K)], col_v.at[j], sem)
        return 0

    lax.fori_loop(0, nreal, issue, 0)

    padv = jnp.full((16,), N, jnp.int32)

    def fill(j, _):
        for c in range(K // 16):
            col_v[j, pl.ds(c * 16, 16)] = padv
        return 0

    lax.fori_loop(nreal, nchunk, fill, 0)


def _fire_row(ei_hbm, row_v, wid, nchunk, nreal, sem):
    base0 = wid * nchunk * K

    def issue(j, _):
        pltpu.async_copy(
            ei_hbm.at[0, pl.ds(base0 + j * K, K)],
            row_v.at[pl.ds(j * K, K)], sem)
        return 0

    lax.fori_loop(0, nreal, issue, 0)

    padv = jnp.full((16,), N, jnp.int32)

    def fill(j, _):
        for c in range(K // 16):
            row_v[pl.ds(j * K + c * 16, 16)] = padv
        return 0

    lax.fori_loop(nreal, nchunk, fill, 0)


def _drain_idx(ei_hbm, dst_slice, nreal, sem):

    def drain(j, _):
        pltpu.make_async_copy(
            ei_hbm.at[0, pl.ds(0, K)], dst_slice, sem).wait()
        return 0

    lax.fori_loop(0, nreal, drain, 0)


def _make_deg_kernel(nchunk, e):
    @functools.partial(
        pl.kernel,
        out_type=jax.ShapeDtypeStruct((NC, N_PAD, DEGW), jnp.float32),
        mesh=_mesh,
        scratch_types=[
            pltpu.VMEM((nchunk, K), jnp.int32),
            pltpu.VMEM((K, DEGW), jnp.float32),
            pltpu.VMEM((RPT, DEGW), jnp.float32),
            pltpu.VMEM_SHARED((N_PAD, DEGW), jnp.float32),
            pltpu.SemaphoreType.DMA,
        ],
        compiler_params=pltpu.CompilerParams(use_tc_tiling_on_sc=False),
    )
    def deg_kernel(ei_hbm, degp_hbm, col_v, ones_v, zrow_v, deg_sh, dsem):
        cid = lax.axis_index("c")
        sid = lax.axis_index("s")
        wid = sid * NC + cid
        nreal = _nreal(e, wid, nchunk)
        _fire_col(ei_hbm, col_v, wid, nchunk, nreal, dsem)

        one = jnp.full((16,), 1.0, jnp.float32)

        def fill_ones(i, _):
            ones_v[i, :] = one
            return 0

        lax.fori_loop(0, K, fill_ones, 0)
        _zero_rows(zrow_v, RPT, DEGW)

        pltpu.sync_copy(zrow_v, deg_sh.at[pl.ds(sid * RPT, RPT)])
        _drain_idx(ei_hbm, col_v.at[0], nreal, dsem)
        plsc.subcore_barrier()

        for j in range(8):
            pltpu.async_copy(ones_v, deg_sh.at[col_v.at[j]], dsem, add=True)

        def chunk(h, _):
            for j in range(8):
                s = 8 * h + j
                pltpu.make_async_copy(
                    ones_v, deg_sh.at[col_v.at[s]], dsem).wait()
                pltpu.async_copy(
                    ones_v, deg_sh.at[col_v.at[s + 8]], dsem, add=True)
            return 0

        lax.fori_loop(0, nchunk // 8 - 1, chunk, 0)
        for j in range(8):
            pltpu.make_async_copy(
                ones_v, deg_sh.at[col_v.at[j]], dsem).wait()
        plsc.subcore_barrier()

        pltpu.sync_copy(
            deg_sh.at[pl.ds(sid * RPT, RPT)],
            degp_hbm.at[cid, pl.ds(sid * RPT, RPT)],
        )

    return deg_kernel


def _ring(feat_sh, agg_sh, row_v, col_v, bufs, zrow_v, gsem, ssem, nchunk):

    def ridx(s):
        return row_v.at[pl.ds(s * K, K)]

    zsrc = zrow_v.at[pl.ds(0, K)]
    for j in range(HALF):
        pltpu.async_copy(
            zsrc, agg_sh.at[col_v.at[0]], ssem[HALF + j], add=True)
    for j in range(HALF):
        pltpu.async_copy(feat_sh.at[ridx(j)], bufs[j], gsem[j])

    def step(h, _):
        for j in range(NBUF):
            s = NBUF * h + j
            pltpu.make_async_copy(
                feat_sh.at[ridx(s)], bufs[j], gsem[j]).wait()
            pltpu.async_copy(
                bufs[j], agg_sh.at[col_v.at[s]], ssem[j], add=True)
            bb = (j + HALF) % NBUF
            pltpu.make_async_copy(
                bufs[bb], agg_sh.at[col_v.at[s]], ssem[bb]).wait()
            s2 = (s + HALF) % nchunk
            pltpu.async_copy(feat_sh.at[ridx(s2)], bufs[bb], gsem[bb])
        return 0

    lax.fori_loop(0, nchunk // NBUF, step, 0)

    for j in range(HALF):
        pltpu.make_async_copy(
            bufs[HALF + j], agg_sh.at[col_v.at[0]], ssem[HALF + j]).wait()
        pltpu.make_async_copy(
            feat_sh.at[ridx(j)], bufs[j], gsem[j]).wait()


def _make_agg1_kernel(nchunk, e):
    @functools.partial(
        pl.kernel,
        out_type=jax.ShapeDtypeStruct((NC, N_PAD, HID), jnp.float32),
        mesh=_mesh,
        scratch_types=[
            pltpu.VMEM((nchunk * K,), jnp.int32),
            pltpu.VMEM((nchunk, K), jnp.int32),
            [pltpu.VMEM((K, HID), jnp.float32) for _ in range(NBUF)],
            pltpu.VMEM((RPT, HID), jnp.float32),
            pltpu.VMEM_SHARED((N_PAD, HID), jnp.float32),
            pltpu.VMEM_SHARED((N_PAD, HID), jnp.float32),
            [pltpu.SemaphoreType.DMA for _ in range(NBUF)],
            [pltpu.SemaphoreType.DMA for _ in range(NBUF)],
        ],
        compiler_params=pltpu.CompilerParams(use_tc_tiling_on_sc=False),
    )
    def agg_kernel(feat_hbm, ei_hbm, aggp_hbm,
                   row_v, col_v, bufs, zrow_v, agg_sh, feat_sh, gsem, ssem):
        cid = lax.axis_index("c")
        sid = lax.axis_index("s")
        wid = sid * NC + cid
        nreal = _nreal(e, wid, nchunk)

        _fire_row(ei_hbm, row_v, wid, nchunk, nreal, gsem[0])
        _fire_col(ei_hbm, col_v, wid, nchunk, nreal, gsem[1])

        pltpu.sync_copy(
            feat_hbm.at[pl.ds(sid * RPT, RPT)],
            feat_sh.at[pl.ds(sid * RPT, RPT)],
        )

        _zero_rows(zrow_v, RPT, HID)
        pltpu.sync_copy(zrow_v, agg_sh.at[pl.ds(sid * RPT, RPT)])
        _drain_idx(ei_hbm, row_v.at[pl.ds(0, K)], nreal, gsem[0])
        _drain_idx(ei_hbm, col_v.at[0], nreal, gsem[1])
        plsc.subcore_barrier()

        _ring(feat_sh, agg_sh, row_v, col_v, bufs, zrow_v, gsem, ssem, nchunk)
        plsc.subcore_barrier()

        pltpu.sync_copy(
            agg_sh.at[pl.ds(sid * RPT, RPT)],
            aggp_hbm.at[cid, pl.ds(sid * RPT, RPT)],
        )

    return agg_kernel


def _make_agg2_kernel(nchunk, e):

    @functools.partial(
        pl.kernel,
        out_type=jax.ShapeDtypeStruct((NC, N_PAD, HID), jnp.float32),
        mesh=_mesh,
        scratch_types=[
            pltpu.VMEM((nchunk * K,), jnp.int32),
            pltpu.VMEM((nchunk, K), jnp.int32),
            [pltpu.VMEM((K, HID), jnp.float32) for _ in range(NBUF)],
            pltpu.VMEM((RPT, HID), jnp.float32),
            pltpu.VMEM((HID,), jnp.float32),
            pltpu.VMEM_SHARED((N_PAD, HID), jnp.float32),
            pltpu.VMEM_SHARED((N_PAD, HID), jnp.float32),
            [pltpu.SemaphoreType.DMA for _ in range(NBUF)],
            [pltpu.SemaphoreType.DMA for _ in range(NBUF)],
        ],
        compiler_params=pltpu.CompilerParams(use_tc_tiling_on_sc=False),
    )
    def agg_kernel(aggp_in_hbm, dinvw_hbm, b1_hbm, ei_hbm,
                   aggp_hbm, row_v, col_v, bufs, zrow_v, b1_v,
                   agg_sh, feat_sh, gsem, ssem):
        cid = lax.axis_index("c")
        sid = lax.axis_index("s")
        wid = sid * NC + cid
        nreal = _nreal(e, wid, nchunk)

        _fire_row(ei_hbm, row_v, wid, nchunk, nreal, gsem[7])
        _fire_col(ei_hbm, col_v, wid, nchunk, nreal, gsem[3])
        pltpu.sync_copy(b1_hbm, b1_v)

        def piece_srcs(p):
            base = sid * RPT + p * K
            return (aggp_in_hbm.at[0, pl.ds(base, K)],
                    aggp_in_hbm.at[1, pl.ds(base, K)],
                    dinvw_hbm.at[pl.ds(base, K)])

        def fire_piece(p):
            g = (p % 2) * 4
            for q, src in enumerate(piece_srcs(p)):
                pltpu.async_copy(src, bufs[g + q], gsem[g + q])

        fire_piece(0)
        fire_piece(1)
        _zero_rows(zrow_v, RPT, HID)

        for p in range(PIECES):
            g = (p % 2) * 4
            base = sid * RPT + p * K
            for q, src in enumerate(piece_srcs(p)):
                pltpu.make_async_copy(src, bufs[g + q], gsem[g + q]).wait()
            if p >= 2:
                pltpu.make_async_copy(
                    bufs[g + 3], feat_sh.at[pl.ds(0, K)],
                    ssem[p % 2]).wait()

            def row(i, _):
                for c in range(HID // 16):
                    sl = pl.ds(c * 16, 16)
                    d = bufs[g + 2][i, sl]
                    a = bufs[g][i, sl] + bufs[g + 1][i, sl]
                    h = jnp.maximum(a * d + b1_v[sl], 0.0)
                    bufs[g + 3][i, sl] = h * d
                return 0

            lax.fori_loop(0, K, row, 0)
            pltpu.async_copy(
                bufs[g + 3], feat_sh.at[pl.ds(base, K)], ssem[p % 2])
            if p + 2 < PIECES:
                fire_piece(p + 2)

        for p in (PIECES - 2, PIECES - 1):
            g = (p % 2) * 4
            pltpu.make_async_copy(
                bufs[g + 3], feat_sh.at[pl.ds(0, K)], ssem[p % 2]).wait()

        pltpu.sync_copy(zrow_v, agg_sh.at[pl.ds(sid * RPT, RPT)])
        _drain_idx(ei_hbm, row_v.at[pl.ds(0, K)], nreal, gsem[7])
        _drain_idx(ei_hbm, col_v.at[0], nreal, gsem[3])
        plsc.subcore_barrier()

        _ring(feat_sh, agg_sh, row_v, col_v, bufs, zrow_v, gsem, ssem, nchunk)
        plsc.subcore_barrier()

        pltpu.sync_copy(
            agg_sh.at[pl.ds(sid * RPT, RPT)],
            aggp_hbm.at[cid, pl.ds(sid * RPT, RPT)],
        )

    return agg_kernel


def _tc_xw_scale(x, w1, degp):

    def body(x_ref, w_ref, degp_ref, t1_ref, dinv_ref):
        g = pl.program_id(0)
        deg = degp_ref[0, :, 0:1] + degp_ref[1, :, 0:1]
        rows = g * FB + lax.broadcasted_iota(jnp.int32, (FB, 1), 0)
        keep = rows < N
        dinv = jnp.where(
            (deg > 0) & keep,
            lax.rsqrt(jnp.maximum(deg, 1e-12)), 0.0)
        w_wide = jnp.concatenate([w_ref[...]] * 4, axis=1)
        xw = jnp.dot(x_ref[...], w_wide,
                     preferred_element_type=jnp.float32)
        xww = jnp.where(keep, xw, 0.0) * dinv
        lane = lax.broadcasted_iota(jnp.int32, (1, 128), 1)
        x3 = xww.reshape(FBF, 4, 128)
        dv3 = jnp.broadcast_to(dinv, (FB, 128)).reshape(FBF, 4, 128)
        t1 = jnp.zeros((FBF, 128), jnp.float32)
        dw = jnp.zeros((FBF, 128), jnp.float32)
        for c in range(4):
            lm = ((lane >= 32 * c) & (lane < 32 * (c + 1))).astype(
                jnp.float32)
            t1 = t1 + x3[:, c, :] * lm
            dw = dw + dv3[:, c, :] * lm
        t1_ref[...] = t1
        dinv_ref[...] = dw

    fshape = jax.ShapeDtypeStruct((FN, 128), jnp.float32)
    return pl.pallas_call(
        body,
        grid=(N_PAD // FB,),
        in_specs=[
            pl.BlockSpec((FB, 128), lambda g: (g, 0)),
            pl.BlockSpec((128, HID), lambda g: (0, 0)),
            pl.BlockSpec((NC, FB, DEGW), lambda g: (0, g, 0)),
        ],
        out_specs=[
            pl.BlockSpec((FBF, 128), lambda g: (g, 0)),
            pl.BlockSpec((FBF, 128), lambda g: (g, 0)),
        ],
        out_shape=(fshape, fshape),
    )(x, w1, degp)


FB = 2048
FBF = FB // 4


def _tc_final(aggp_f, dinvw_f, w2, b2):
    def body(aggp_ref, dinv_ref, w2_ref, b2_ref, out_ref):
        z = (aggp_ref[0] + aggp_ref[1]) * dinv_ref[...]
        rep = jnp.broadcast_to(
            z.reshape(FBF, 1, 128), (FBF, 4, 128)).reshape(FB, 128)
        phase = lax.broadcasted_iota(jnp.int32, (FB, 1), 0) % 4
        yin = jnp.zeros((FB, HID), jnp.float32)
        for c in range(4):
            yin = yin + jnp.where(
                phase == c, rep[:, 32 * c:32 * (c + 1)], 0.0)
        y = jnp.dot(yin, w2_ref[...],
                    preferred_element_type=jnp.float32) + b2_ref[...]
        m = jnp.max(y, axis=1, keepdims=True)
        s = y - m
        lse = jnp.log(jnp.sum(jnp.exp(s), axis=1, keepdims=True))
        out_ref[...] = s - lse

    return pl.pallas_call(
        body,
        grid=(N_PAD // FB,),
        in_specs=[
            pl.BlockSpec((NC, FBF, 128), lambda g: (0, g, 0)),
            pl.BlockSpec((FBF, 128), lambda g: (g, 0)),
            pl.BlockSpec((HID, 128), lambda g: (0, 0)),
            pl.BlockSpec((128,), lambda g: (0,)),
        ],
        out_specs=pl.BlockSpec((FB, 128), lambda g: (g, 0)),
        out_shape=jax.ShapeDtypeStruct((N, 128), jnp.float32),
    )(aggp_f, dinvw_f, w2, b2)


def kernel(x, edge_index, W1, b1, W2, b2):
    e = edge_index.shape[1]
    nchunk = -(-e // (NW * K))
    nchunk = -(-nchunk // NBUF) * NBUF

    ei = edge_index.astype(jnp.int32)
    if e % K:
        pad = jnp.full((2, K - e % K), N, jnp.int32)
        ei = jnp.concatenate([ei, pad], axis=1)
        e = ei.shape[1]

    degp = _make_deg_kernel(nchunk, e)(ei)
    t1s_f, dinvw_f = _tc_xw_scale(x, W1, degp)
    agg1p = _make_agg1_kernel(nchunk, e)(t1s_f.reshape(N_PAD, HID), ei)
    agg2p = _make_agg2_kernel(nchunk, e)(
        agg1p, dinvw_f.reshape(N_PAD, HID), b1, ei)
    return _tc_final(agg2p.reshape(NC, FN, 128), dinvw_f, W2, b2)

# --- scband reference (transcript-rebuilt; emitter-appended) ---
"""Pipeline reference for scband-gcn-90778428768712 (READ-ONLY COPY).

The authoritative reference and input builder live on the scoring server;
editing this copy changes nothing except your own understanding.
"""

import jax, jax.numpy as jnp
import numpy as np

N = 10000
E = 320000
D_IN = 128
HID = 32
D_OUT = 128


def setup_inputs(seed: int = 0) -> dict:
    key = jax.random.key(seed)
    k1, k2, k3, k4 = jax.random.split(key, 4)
    x = jax.random.normal(k1, (N, D_IN), dtype=jnp.float32)
    edge_index = jax.random.randint(k2, (2, E), 0, N, dtype=jnp.int64)
    W1 = jax.random.normal(k3, (D_IN, HID), dtype=jnp.float32) * 0.05
    b1 = jnp.zeros((HID,), dtype=jnp.float32)
    W2 = jax.random.normal(k4, (HID, D_OUT), dtype=jnp.float32) * 0.05
    b2 = jnp.zeros((D_OUT,), dtype=jnp.float32)
    return {"x": x, "edge_index": edge_index, "W1": W1, "b1": b1, "W2": W2, "b2": b2}


def _gcn_conv(x, W, b, row, col, n_nodes):
    # GCNConv with add_self_loops=False:
    # out = D^{-1/2} A D^{-1/2} (X W) + b, degree computed on dst (col)
    xw = x @ W
    ones = jnp.ones((row.shape[0],), dtype=xw.dtype)
    deg = jnp.zeros((n_nodes,), dtype=xw.dtype).at[col].add(ones)
    deg_inv_sqrt = jnp.where(deg > 0, jax.lax.rsqrt(jnp.maximum(deg, 1e-12)), 0.0)
    norm = deg_inv_sqrt[row] * deg_inv_sqrt[col]
    msgs = jnp.take(xw, row, axis=0) * norm[:, None]
    out = jnp.zeros((n_nodes, xw.shape[1]), dtype=xw.dtype).at[col].add(msgs)
    return out + b


def reference(x, edge_index, W1, b1, W2, b2):
    row = edge_index[0]
    col = edge_index[1]
    h = _gcn_conv(x, W1, b1, row, col, N)
    h = jax.nn.relu(h)
    # dropout disabled (eval / disable_dropout=True)
    h = _gcn_conv(h, W2, b2, row, col, N)
    return jax.nn.log_softmax(h, axis=1)

if __name__ == "__main__":
    import jax
    _d = setup_inputs()
    print(jax.jit(kernel)(*tuple(_d.values())))

</pallas_src>

<mosaic_0001>
#map = affine_map<(d0, d1) -> (0, 0, 0)>
#map1 = affine_map<(d0, d1) -> (0, 0)>
#map2 = affine_map<(d0, d1) -> (0)>
module attributes {stable_mosaic.version = 14 : i64} {
  func.func @agg_kernel(%arg0: i32, %arg1: i32, %arg2: memref<2x10240x32xf32, #tpu.memory_space<hbm>>, %arg3: memref<10240x32xf32, #tpu.memory_space<hbm>>, %arg4: memref<32xf32, #tpu.memory_space<hbm>>, %arg5: memref<2x320000xi32, #tpu.memory_space<hbm>>, %arg6: memref<2x10240x32xf32, #tpu.memory_space<hbm>>, %arg7: memref<10240xi32, #tpu.memory_space<vmem>>, %arg8: memref<80x128xi32, #tpu.memory_space<vmem>>, %arg9: memref<128x32xf32, #tpu.memory_space<vmem>>, %arg10: memref<128x32xf32, #tpu.memory_space<vmem>>, %arg11: memref<128x32xf32, #tpu.memory_space<vmem>>, %arg12: memref<128x32xf32, #tpu.memory_space<vmem>>, %arg13: memref<128x32xf32, #tpu.memory_space<vmem>>, %arg14: memref<128x32xf32, #tpu.memory_space<vmem>>, %arg15: memref<128x32xf32, #tpu.memory_space<vmem>>, %arg16: memref<128x32xf32, #tpu.memory_space<vmem>>, %arg17: memref<128x32xf32, #tpu.memory_space<vmem>>, %arg18: memref<128x32xf32, #tpu.memory_space<vmem>>, %arg19: memref<640x32xf32, #tpu.memory_space<vmem>>, %arg20: memref<32xf32, #tpu.memory_space<vmem>>, %arg21: memref<10240x32xf32, #tpu.memory_space<vmem_shared>>, %arg22: memref<10240x32xf32, #tpu.memory_space<vmem_shared>>, %arg23: memref<!tpu.dma_semaphore, #tpu.memory_space<semaphore_mem>>, %arg24: memref<!tpu.dma_semaphore, #tpu.memory_space<semaphore_mem>>, %arg25: memref<!tpu.dma_semaphore, #tpu.memory_space<semaphore_mem>>, %arg26: memref<!tpu.dma_semaphore, #tpu.memory_space<semaphore_mem>>, %arg27: memref<!tpu.dma_semaphore, #tpu.memory_space<semaphore_mem>>, %arg28: memref<!tpu.dma_semaphore, #tpu.memory_space<semaphore_mem>>, %arg29: memref<!tpu.dma_semaphore, #tpu.memory_space<semaphore_mem>>, %arg30: memref<!tpu.dma_semaphore, #tpu.memory_space<semaphore_mem>>, %arg31: memref<!tpu.dma_semaphore, #tpu.memory_space<semaphore_mem>>, %arg32: memref<!tpu.dma_semaphore, #tpu.memory_space<semaphore_mem>>, %arg33: memref<!tpu.dma_semaphore, #tpu.memory_space<semaphore_mem>>, %arg34: memref<!tpu.dma_semaphore, #tpu.memory_space<semaphore_mem>>, %arg35: memref<!tpu.dma_semaphore, #tpu.memory_space<semaphore_mem>>, %arg36: memref<!tpu.dma_semaphore, #tpu.memory_space<semaphore_mem>>, %arg37: memref<!tpu.dma_semaphore, #tpu.memory_space<semaphore_mem>>, %arg38: memref<!tpu.dma_semaphore, #tpu.memory_space<semaphore_mem>>, %arg39: memref<!tpu.dma_semaphore, #tpu.memory_space<semaphore_mem>>, %arg40: memref<!tpu.dma_semaphore, #tpu.memory_space<semaphore_mem>>, %arg41: memref<!tpu.dma_semaphore, #tpu.memory_space<semaphore_mem>>, %arg42: memref<!tpu.dma_semaphore, #tpu.memory_space<semaphore_mem>>) attributes {dimension_semantics = [#tpu.dimension_semantics<core_parallel>, #tpu.dimension_semantics<subcore_parallel>], iteration_bounds = array<i64: 2, 16>, scalar_prefetch = 0 : i64, scratch_operands = 36 : i64, tpu.core_type = #tpu.core_type<sc_vector_subcore>, window_params = [{transform_indices = #map}, {transform_indices = #map1}, {transform_indices = #map2}, {transform_indices = #map1}, {transform_indices = #map}]} {
    %mul3A = arith.constant 2 : i32
    %mul3A_0 = arith.muli %arg1, %mul3A : i32
    %add3A = arith.addi %mul3A_0, %arg0 : i32
    %mul3A_1 = arith.constant 80 : i32
    %mul3A_2 = arith.muli %add3A, %mul3A_1 : i32
    %sub3A = arith.constant 2500 : i32
    %sub3A_3 = arith.subi %sub3A, %mul3A_2 : i32
    %jit3A = arith.constant 0 : i32
    %jit3A_4 = arith.constant 80 : i32
    %max3A = arith.maxsi %jit3A, %sub3A_3 : i32
    %min3A = arith.minsi %jit3A_4, %max3A : i32
    %mul3A_5 = arith.constant 80 : i32
    %mul3A_6 = arith.muli %add3A, %mul3A_5 : i32
    %mul3A_7 = arith.constant 128 : i32
    %mul3A_8 = arith.muli %mul3A_6, %mul3A_7 : i32
    %while3A = arith.constant 0 : i32
    %while3A_9 = arith.constant 0 : i32
    %while3A_10 = arith.subi %min3A, %while3A : i32
    %while3A_11 = arith.addi %while3A, %while3A_10 : i32
    %while3A_12 = arith.constant 1 : i32
    %while3A_13 = arith.divsi %while3A_10, %while3A_12 : i32
    %while3A_14 = arith.muli %while3A_13, %while3A_12 : i32
    %while3A_15 = arith.addi %while3A, %while3A_14 : i32
    %while3A_16 = arith.constant 1 : i32
    %while3A_17 = scf.for %while3A_568 = %while3A to %while3A_15 step %while3A_16 iter_args(%while3A_569 = %while3A_9) -> (i32)  : i32 {
      %mul3A_570 = arith.constant 128 : i32
      %mul3A_571 = arith.muli %while3A_568, %mul3A_570 : i32
      %add3A_572 = arith.addi %mul3A_8, %mul3A_571 : i32
      %mul3A_573 = arith.constant 128 : i32
      %mul3A_574 = arith.muli %while3A_568, %mul3A_573 : i32
      %dma_start3A_575 = arith.constant 0 : i32
      %dma_start3A_576 = tpu.memref_slice %arg7[%mul3A_574] : memref<10240xi32, #tpu.memory_space<vmem>> -> memref<128xi32, #tpu.memory_space<vmem>>
      %dma_start3A_577 = tpu.memref_slice %arg5[%dma_start3A_575, %add3A_572] : memref<2x320000xi32, #tpu.memory_space<hbm>> -> memref<1x128xi32, #tpu.memory_space<hbm>>
      %dma_start3A_578 = tpu.memref_squeeze %dma_start3A_577 : memref<1x128xi32, #tpu.memory_space<hbm>> -> memref<128xi32, #tpu.memory_space<hbm>>
      %dma_start3A_579 = tpu.memref_slice %arg7[%mul3A_574] : memref<10240xi32, #tpu.memory_space<vmem>> -> memref<128xi32, #tpu.memory_space<vmem>>
      %dma_start3A_580 = tpu.memref_slice %arg5[%dma_start3A_575, %add3A_572] : memref<2x320000xi32, #tpu.memory_space<hbm>> -> memref<1x128xi32, #tpu.memory_space<hbm>>
      %dma_start3A_581 = tpu.memref_squeeze %dma_start3A_580 : memref<1x128xi32, #tpu.memory_space<hbm>> -> memref<128xi32, #tpu.memory_space<hbm>>
      tpu.enqueue_dma source(%dma_start3A_581 : memref<128xi32, #tpu.memory_space<hbm>>) target(%dma_start3A_579 : memref<128xi32, #tpu.memory_space<vmem>>) target_semaphore(%arg30 : memref<!tpu.dma_semaphore, #tpu.memory_space<semaphore_mem>>)
      %while3A_582 = arith.constant 0 : i32
      scf.yield %while3A_582 : i32
    }
    %while3A_18 = arith.constant 1 : i32
    %while3A_19 = scf.for %while3A_568 = %while3A_15 to %while3A_11 step %while3A_18 iter_args(%while3A_569 = %while3A_17) -> (i32)  : i32 {
      %mul3A_570 = arith.constant 128 : i32
      %mul3A_571 = arith.muli %while3A_568, %mul3A_570 : i32
      %add3A_572 = arith.addi %mul3A_8, %mul3A_571 : i32
      %mul3A_573 = arith.constant 128 : i32
      %mul3A_574 = arith.muli %while3A_568, %mul3A_573 : i32
      %dma_start3A_575 = arith.constant 0 : i32
      %dma_start3A_576 = tpu.memref_slice %arg7[%mul3A_574] : memref<10240xi32, #tpu.memory_space<vmem>> -> memref<128xi32, #tpu.memory_space<vmem>>
      %dma_start3A_577 = tpu.memref_slice %arg5[%dma_start3A_575, %add3A_572] : memref<2x320000xi32, #tpu.memory_space<hbm>> -> memref<1x128xi32, #tpu.memory_space<hbm>>
      %dma_start3A_578 = tpu.memref_squeeze %dma_start3A_577 : memref<1x128xi32, #tpu.memory_space<hbm>> -> memref<128xi32, #tpu.memory_space<hbm>>
      %dma_start3A_579 = tpu.memref_slice %arg7[%mul3A_574] : memref<10240xi32, #tpu.memory_space<vmem>> -> memref<128xi32, #tpu.memory_space<vmem>>
      %dma_start3A_580 = tpu.memref_slice %arg5[%dma_start3A_575, %add3A_572] : memref<2x320000xi32, #tpu.memory_space<hbm>> -> memref<1x128xi32, #tpu.memory_space<hbm>>
      %dma_start3A_581 = tpu.memref_squeeze %dma_start3A_580 : memref<1x128xi32, #tpu.memory_space<hbm>> -> memref<128xi32, #tpu.memory_space<hbm>>
      tpu.enqueue_dma source(%dma_start3A_581 : memref<128xi32, #tpu.memory_space<hbm>>) target(%dma_start3A_579 : memref<128xi32, #tpu.memory_space<vmem>>) target_semaphore(%arg30 : memref<!tpu.dma_semaphore, #tpu.memory_space<semaphore_mem>>)
      %while3A_582 = arith.constant 0 : i32
      scf.yield %while3A_582 : i32
    }
    %broadcast_in_dim3A = arith.constant 10000 : i32
    %broadcast_in_dim3A_20 = vector.broadcast %broadcast_in_dim3A : i32 to vector<16xi32>
    %while3A_21 = arith.constant 80 : i32
    %while3A_22 = arith.constant 0 : i32
    %while3A_23 = arith.subi %while3A_21, %min3A : i32
    %while3A_24 = arith.addi %min3A, %while3A_23 : i32
    %while3A_25 = arith.constant 1 : i32
    %while3A_26 = arith.divsi %while3A_23, %while3A_25 : i32
    %while3A_27 = arith.muli %while3A_26, %while3A_25 : i32
    %while3A_28 = arith.addi %min3A, %while3A_27 : i32
    %while3A_29 = arith.constant 1 : i32
    %while3A_30 = scf.for %while3A_568 = %min3A to %while3A_28 step %while3A_29 iter_args(%while3A_569 = %while3A_22) -> (i32)  : i32 {
      %mul3A_570 = arith.constant 128 : i32
      %mul3A_571 = arith.muli %while3A_568, %mul3A_570 : i32
      %add3A_572 = arith.constant 0 : i32
      %add3A_573 = arith.addi %mul3A_571, %add3A_572 : i32
      %swap3A = arith.index_cast %add3A_573 : i32 to index
      %swap3A_574 = tpu.vector_load %arg7[%swap3A] {strides = array<i32>} : memref<10240xi32, #tpu.memory_space<vmem>>, vector<16xi32>,
      %swap3A_575 = vector.shape_cast %swap3A_574 : vector<16xi32> to vector<16xi32>
      %swap3A_576 = vector.shape_cast %broadcast_in_dim3A_20 : vector<16xi32> to vector<16xi32>
      tpu.vector_store %arg7[%swap3A], %swap3A_576 {strides = array<i32>} : memref<10240xi32, #tpu.memory_space<vmem>>, vector<16xi32>,
      %mul3A_577 = arith.constant 128 : i32
      %mul3A_578 = arith.muli %while3A_568, %mul3A_577 : i32
      %add3A_579 = arith.constant 16 : i32
      %add3A_580 = arith.addi %mul3A_578, %add3A_579 : i32
      %swap3A_581 = arith.index_cast %add3A_580 : i32 to index
      %swap3A_582 = tpu.vector_load %arg7[%swap3A_581] {strides = array<i32>} : memref<10240xi32, #tpu.memory_space<vmem>>, vector<16xi32>,
      %swap3A_583 = vector.shape_cast %swap3A_582 : vector<16xi32> to vector<16xi32>
      %swap3A_584 = vector.shape_cast %broadcast_in_dim3A_20 : vector<16xi32> to vector<16xi32>
      tpu.vector_store %arg7[%swap3A_581], %swap3A_584 {strides = array<i32>} : memref<10240xi32, #tpu.memory_space<vmem>>, vector<16xi32>,
      %mul3A_585 = arith.constant 128 : i32
      %mul3A_586 = arith.muli %while3A_568, %mul3A_585 : i32
      %add3A_587 = arith.constant 32 : i32
      %add3A_588 = arith.addi %mul3A_586, %add3A_587 : i32
      %swap3A_589 = arith.index_cast %add3A_588 : i32 to index
      %swap3A_590 = tpu.vector_load %arg7[%swap3A_589] {strides = array<i32>} : memref<10240xi32, #tpu.memory_space<vmem>>, vector<16xi32>,
      %swap3A_591 = vector.shape_cast %swap3A_590 : vector<16xi32> to vector<16xi32>
      %swap3A_592 = vector.shape_cast %broadcast_in_dim3A_20 : vector<16xi32> to vector<16xi32>
      tpu.vector_store %arg7[%swap3A_589], %swap3A_592 {strides = array<i32>} : memref<10240xi32, #tpu.memory_space<vmem>>, vector<16xi32>,
      %mul3A_593 = arith.constant 128 : i32
      %mul3A_594 = arith.muli %while3A_568, %mul3A_593 : i32
      %add3A_595 = arith.constant 48 : i32
      %add3A_596 = arith.addi %mul3A_594, %add3A_595 : i32
      %swap3A_597 = arith.index_cast %add3A_596 : i32 to index
      %swap3A_598 = tpu.vector_load %arg7[%swap3A_597] {strides = array<i32>} : memref<10240xi32, #tpu.memory_space<vmem>>, vector<16xi32>,
      %swap3A_599 = vector.shape_cast %swap3A_598 : vector<16xi32> to vector<16xi32>
      %swap3A_600 = vector.shape_cast %broadcast_in_dim3A_20 : vector<16xi32> to vector<16xi32>
      tpu.vector_store %arg7[%swap3A_597], %swap3A_600 {strides = array<i32>} : memref<10240xi32, #tpu.memory_space<vmem>>, vector<16xi32>,
      %mul3A_601 = arith.constant 128 : i32
      %mul3A_602 = arith.muli %while3A_568, %mul3A_601 : i32
      %add3A_603 = arith.constant 64 : i32
      %add3A_604 = arith.addi %mul3A_602, %add3A_603 : i32
      %swap3A_605 = arith.index_cast %add3A_604 : i32 to index
      %swap3A_606 = tpu.vector_load %arg7[%swap3A_605] {strides = array<i32>} : memref<10240xi32, #tpu.memory_space<vmem>>, vector<16xi32>,
      %swap3A_607 = vector.shape_cast %swap3A_606 : vector<16xi32> to vector<16xi32>
      %swap3A_608 = vector.shape_cast %broadcast_in_dim3A_20 : vector<16xi32> to vector<16xi32>
      tpu.vector_store %arg7[%swap3A_605], %swap3A_608 {strides = array<i32>} : memref<10240xi32, #tpu.memory_space<vmem>>, vector<16xi32>,
      %mul3A_609 = arith.constant 128 : i32
      %mul3A_610 = arith.muli %while3A_568, %mul3A_609 : i32
      %add3A_611 = arith.constant 80 : i32
      %add3A_612 = arith.addi %mul3A_610, %add3A_611 : i32
      %swap3A_613 = arith.index_cast %add3A_612 : i32 to index
      %swap3A_614 = tpu.vector_load %arg7[%swap3A_613] {strides = array<i32>} : memref<10240xi32, #tpu.memory_space<vmem>>, vector<16xi32>,
      %swap3A_615 = vector.shape_cast %swap3A_614 : vector<16xi32> to vector<16xi32>
      %swap3A_616 = vector.shape_cast %broadcast_in_dim3A_20 : vector<16xi32> to vector<16xi32>
      tpu.vector_store %arg7[%swap3A_613], %swap3A_616 {strides = array<i32>} : memref<10240xi32, #tpu.memory_space<vmem>>, vector<16xi32>,
      %mul3A_617 = arith.constant 128 : i32
      %mul3A_618 = arith.muli %while3A_568, %mul3A_617 : i32
      %add3A_619 = arith.constant 96 : i32
      %add3A_620 = arith.addi %mul3A_618, %add3A_619 : i32
      %swap3A_621 = arith.index_cast %add3A_620 : i32 to index
      %swap3A_622 = tpu.vector_load %arg7[%swap3A_621] {strides = array<i32>} : memref<10240xi32, #tpu.memory_space<vmem>>, vector<16xi32>,
      %swap3A_623 = vector.shape_cast %swap3A_622 : vector<16xi32> to vector<16xi32>
      %swap3A_624 = vector.shape_cast %broadcast_in_dim3A_20 : vector<16xi32> to vector<16xi32>
      tpu.vector_store %arg7[%swap3A_621], %swap3A_624 {strides = array<i32>} : memref<10240xi32, #tpu.memory_space<vmem>>, vector<16xi32>,
      %mul3A_625 = arith.constant 128 : i32
      %mul3A_626 = arith.muli %while3A_568, %mul3A_625 : i32
      %add3A_627 = arith.constant 112 : i32
      %add3A_628 = arith.addi %mul3A_626, %add3A_627 : i32
      %swap3A_629 = arith.index_cast %add3A_628 : i32 to index
      %swap3A_630 = tpu.vector_load %arg7[%swap3A_629] {strides = array<i32>} : memref<10240xi32, #tpu.memory_space<vmem>>, vector<16xi32>,
      %swap3A_631 = vector.shape_cast %swap3A_630 : vector<16xi32> to vector<16xi32>
      %swap3A_632 = vector.shape_cast %broadcast_in_dim3A_20 : vector<16xi32> to vector<16xi32>
      tpu.vector_store %arg7[%swap3A_629], %swap3A_632 {strides = array<i32>} : memref<10240xi32, #tpu.memory_space<vmem>>, vector<16xi32>,
      %while3A_633 = arith.constant 0 : i32
      scf.yield %while3A_633 : i32
    }
    %while3A_31 = arith.constant 1 : i32
    %while3A_32 = scf.for %while3A_568 = %while3A_28 to %while3A_24 step %while3A_31 iter_args(%while3A_569 = %while3A_30) -> (i32)  : i32 {
      %mul3A_570 = arith.constant 128 : i32
      %mul3A_571 = arith.muli %while3A_568, %mul3A_570 : i32
      %add3A_572 = arith.constant 0 : i32
      %add3A_573 = arith.addi %mul3A_571, %add3A_572 : i32
      %swap3A = arith.index_cast %add3A_573 : i32 to index
      %swap3A_574 = tpu.vector_load %arg7[%swap3A] {strides = array<i32>} : memref<10240xi32, #tpu.memory_space<vmem>>, vector<16xi32>,
      %swap3A_575 = vector.shape_cast %swap3A_574 : vector<16xi32> to vector<16xi32>
      %swap3A_576 = vector.shape_cast %broadcast_in_dim3A_20 : vector<16xi32> to vector<16xi32>
      tpu.vector_store %arg7[%swap3A], %swap3A_576 {strides = array<i32>} : memref<10240xi32, #tpu.memory_space<vmem>>, vector<16xi32>,
      %mul3A_577 = arith.constant 128 : i32
      %mul3A_578 = arith.muli %while3A_568, %mul3A_577 : i32
      %add3A_579 = arith.constant 16 : i32
      %add3A_580 = arith.addi %mul3A_578, %add3A_579 : i32
      %swap3A_581 = arith.index_cast %add3A_580 : i32 to index
      %swap3A_582 = tpu.vector_load %arg7[%swap3A_581] {strides = array<i32>} : memref<10240xi32, #tpu.memory_space<vmem>>, vector<16xi32>,
      %swap3A_583 = vector.shape_cast %swap3A_582 : vector<16xi32> to vector<16xi32>
      %swap3A_584 = vector.shape_cast %broadcast_in_dim3A_20 : vector<16xi32> to vector<16xi32>
      tpu.vector_store %arg7[%swap3A_581], %swap3A_584 {strides = array<i32>} : memref<10240xi32, #tpu.memory_space<vmem>>, vector<16xi32>,
      %mul3A_585 = arith.constant 128 : i32
      %mul3A_586 = arith.muli %while3A_568, %mul3A_585 : i32
      %add3A_587 = arith.constant 32 : i32
      %add3A_588 = arith.addi %mul3A_586, %add3A_587 : i32
      %swap3A_589 = arith.index_cast %add3A_588 : i32 to index
      %swap3A_590 = tpu.vector_load %arg7[%swap3A_589] {strides = array<i32>} : memref<10240xi32, #tpu.memory_space<vmem>>, vector<16xi32>,
      %swap3A_591 = vector.shape_cast %swap3A_590 : vector<16xi32> to vector<16xi32>
      %swap3A_592 = vector.shape_cast %broadcast_in_dim3A_20 : vector<16xi32> to vector<16xi32>
      tpu.vector_store %arg7[%swap3A_589], %swap3A_592 {strides = array<i32>} : memref<10240xi32, #tpu.memory_space<vmem>>, vector<16xi32>,
      %mul3A_593 = arith.constant 128 : i32
      %mul3A_594 = arith.muli %while3A_568, %mul3A_593 : i32
      %add3A_595 = arith.constant 48 : i32
      %add3A_596 = arith.addi %mul3A_594, %add3A_595 : i32
      %swap3A_597 = arith.index_cast %add3A_596 : i32 to index
      %swap3A_598 = tpu.vector_load %arg7[%swap3A_597] {strides = array<i32>} : memref<10240xi32, #tpu.memory_space<vmem>>, vector<16xi32>,
      %swap3A_599 = vector.shape_cast %swap3A_598 : vector<16xi32> to vector<16xi32>
      %swap3A_600 = vector.shape_cast %broadcast_in_dim3A_20 : vector<16xi32> to vector<16xi32>
      tpu.vector_store %arg7[%swap3A_597], %swap3A_600 {strides = array<i32>} : memref<10240xi32, #tpu.memory_space<vmem>>, vector<16xi32>,
      %mul3A_601 = arith.constant 128 : i32
      %mul3A_602 = arith.muli %while3A_568, %mul3A_601 : i32
      %add3A_603 = arith.constant 64 : i32
      %add3A_604 = arith.addi %mul3A_602, %add3A_603 : i32
      %swap3A_605 = arith.index_cast %add3A_604 : i32 to index
      %swap3A_606 = tpu.vector_load %arg7[%swap3A_605] {strides = array<i32>} : memref<10240xi32, #tpu.memory_space<vmem>>, vector<16xi32>,
      %swap3A_607 = vector.shape_cast %swap3A_606 : vector<16xi32> to vector<16xi32>
      %swap3A_608 = vector.shape_cast %broadcast_in_dim3A_20 : vector<16xi32> to vector<16xi32>
      tpu.vector_store %arg7[%swap3A_605], %swap3A_608 {strides = array<i32>} : memref<10240xi32, #tpu.memory_space<vmem>>, vector<16xi32>,
      %mul3A_609 = arith.constant 128 : i32
      %mul3A_610 = arith.muli %while3A_568, %mul3A_609 : i32
      %add3A_611 = arith.constant 80 : i32
      %add3A_612 = arith.addi %mul3A_610, %add3A_611 : i32
      %swap3A_613 = arith.index_cast %add3A_612 : i32 to index
      %swap3A_614 = tpu.vector_load %arg7[%swap3A_613] {strides = array<i32>} : memref<10240xi32, #tpu.memory_space<vmem>>, vector<16xi32>,
      %swap3A_615 = vector.shape_cast %swap3A_614 : vector<16xi32> to vector<16xi32>
      %swap3A_616 = vector.shape_cast %broadcast_in_dim3A_20 : vector<16xi32> to vector<16xi32>
      tpu.vector_store %arg7[%swap3A_613], %swap3A_616 {strides = array<i32>} : memref<10240xi32, #tpu.memory_space<vmem>>, vector<16xi32>,
      %mul3A_617 = arith.constant 128 : i32
      %mul3A_618 = arith.muli %while3A_568, %mul3A_617 : i32
      %add3A_619 = arith.constant 96 : i32
      %add3A_620 = arith.addi %mul3A_618, %add3A_619 : i32
      %swap3A_621 = arith.index_cast %add3A_620 : i32 to index
      %swap3A_622 = tpu.vector_load %arg7[%swap3A_621] {strides = array<i32>} : memref<10240xi32, #tpu.memory_space<vmem>>, vector<16xi32>,
      %swap3A_623 = vector.shape_cast %swap3A_622 : vector<16xi32> to vector<16xi32>
      %swap3A_624 = vector.shape_cast %broadcast_in_dim3A_20 : vector<16xi32> to vector<16xi32>
      tpu.vector_store %arg7[%swap3A_621], %swap3A_624 {strides = array<i32>} : memref<10240xi32, #tpu.memory_space<vmem>>, vector<16xi32>,
      %mul3A_625 = arith.constant 128 : i32
      %mul3A_626 = arith.muli %while3A_568, %mul3A_625 : i32
      %add3A_627 = arith.constant 112 : i32
      %add3A_628 = arith.addi %mul3A_626, %add3A_627 : i32
      %swap3A_629 = arith.index_cast %add3A_628 : i32 to index
      %swap3A_630 = tpu.vector_load %arg7[%swap3A_629] {strides = array<i32>} : memref<10240xi32, #tpu.memory_space<vmem>>, vector<16xi32>,
      %swap3A_631 = vector.shape_cast %swap3A_630 : vector<16xi32> to vector<16xi32>
      %swap3A_632 = vector.shape_cast %broadcast_in_dim3A_20 : vector<16xi32> to vector<16xi32>
      tpu.vector_store %arg7[%swap3A_629], %swap3A_632 {strides = array<i32>} : memref<10240xi32, #tpu.memory_space<vmem>>, vector<16xi32>,
      %while3A_633 = arith.constant 0 : i32
      scf.yield %while3A_633 : i32
    }
    %mul3A_33 = arith.constant 80 : i32
    %mul3A_34 = arith.muli %add3A, %mul3A_33 : i32
    %mul3A_35 = arith.constant 128 : i32
    %mul3A_36 = arith.muli %mul3A_34, %mul3A_35 : i32
    %while3A_37 = arith.constant 0 : i32
    %while3A_38 = arith.constant 0 : i32
    %while3A_39 = arith.subi %min3A, %while3A_37 : i32
    %while3A_40 = arith.addi %while3A_37, %while3A_39 : i32
    %while3A_41 = arith.constant 1 : i32
    %while3A_42 = arith.divsi %while3A_39, %while3A_41 : i32
    %while3A_43 = arith.muli %while3A_42, %while3A_41 : i32
    %while3A_44 = arith.addi %while3A_37, %while3A_43 : i32
    %while3A_45 = arith.constant 1 : i32
    %while3A_46 = scf.for %while3A_568 = %while3A_37 to %while3A_44 step %while3A_45 iter_args(%while3A_569 = %while3A_38) -> (i32)  : i32 {
      %mul3A_570 = arith.constant 128 : i32
      %mul3A_571 = arith.muli %while3A_568, %mul3A_570 : i32
      %add3A_572 = arith.addi %mul3A_36, %mul3A_571 : i32
      %dma_start3A_573 = arith.constant 1 : i32
      %dma_start3A_574 = arith.constant 0 : i32
      %dma_start3A_575 = tpu.memref_slice %arg8[%while3A_568, %dma_start3A_574] : memref<80x128xi32, #tpu.memory_space<vmem>> -> memref<1x128xi32, #tpu.memory_space<vmem>>
      %dma_start3A_576 = tpu.memref_squeeze %dma_start3A_575 : memref<1x128xi32, #tpu.memory_space<vmem>> -> memref<128xi32, #tpu.memory_space<vmem>>
      %dma_start3A_577 = tpu.memref_slice %arg5[%dma_start3A_573, %add3A_572] : memref<2x320000xi32, #tpu.memory_space<hbm>> -> memref<1x128xi32, #tpu.memory_space<hbm>>
      %dma_start3A_578 = tpu.memref_squeeze %dma_start3A_577 : memref<1x128xi32, #tpu.memory_space<hbm>> -> memref<128xi32, #tpu.memory_space<hbm>>
      %dma_start3A_579 = arith.constant 0 : i32
      %dma_start3A_580 = tpu.memref_slice %arg8[%while3A_568, %dma_start3A_579] : memref<80x128xi32, #tpu.memory_space<vmem>> -> memref<1x128xi32, #tpu.memory_space<vmem>>
      %dma_start3A_581 = tpu.memref_squeeze %dma_start3A_580 : memref<1x128xi32, #tpu.memory_space<vmem>> -> memref<128xi32, #tpu.memory_space<vmem>>
      %dma_start3A_582 = tpu.memref_slice %arg5[%dma_start3A_573, %add3A_572] : memref<2x320000xi32, #tpu.memory_space<hbm>> -> memref<1x128xi32, #tpu.memory_space<hbm>>
      %dma_start3A_583 = tpu.memref_squeeze %dma_start3A_582 : memref<1x128xi32, #tpu.memory_space<hbm>> -> memref<128xi32, #tpu.memory_space<hbm>>
      tpu.enqueue_dma source(%dma_start3A_583 : memref<128xi32, #tpu.memory_space<hbm>>) target(%dma_start3A_581 : memref<128xi32, #tpu.memory_space<vmem>>) target_semaphore(%arg26 : memref<!tpu.dma_semaphore, #tpu.memory_space<semaphore_mem>>)
      %while3A_584 = arith.constant 0 : i32
      scf.yield %while3A_584 : i32
    }
    %while3A_47 = arith.constant 1 : i32
    %while3A_48 = scf.for %while3A_568 = %while3A_44 to %while3A_40 step %while3A_47 iter_args(%while3A_569 = %while3A_46) -> (i32)  : i32 {
      %mul3A_570 = arith.constant 128 : i32
      %mul3A_571 = arith.muli %while3A_568, %mul3A_570 : i32
      %add3A_572 = arith.addi %mul3A_36, %mul3A_571 : i32
      %dma_start3A_573 = arith.constant 1 : i32
      %dma_start3A_574 = arith.constant 0 : i32
      %dma_start3A_575 = tpu.memref_slice %arg8[%while3A_568, %dma_start3A_574] : memref<80x128xi32, #tpu.memory_space<vmem>> -> memref<1x128xi32, #tpu.memory_space<vmem>>
      %dma_start3A_576 = tpu.memref_squeeze %dma_start3A_575 : memref<1x128xi32, #tpu.memory_space<vmem>> -> memref<128xi32, #tpu.memory_space<vmem>>
      %dma_start3A_577 = tpu.memref_slice %arg5[%dma_start3A_573, %add3A_572] : memref<2x320000xi32, #tpu.memory_space<hbm>> -> memref<1x128xi32, #tpu.memory_space<hbm>>
      %dma_start3A_578 = tpu.memref_squeeze %dma_start3A_577 : memref<1x128xi32, #tpu.memory_space<hbm>> -> memref<128xi32, #tpu.memory_space<hbm>>
      %dma_start3A_579 = arith.constant 0 : i32
      %dma_start3A_580 = tpu.memref_slice %arg8[%while3A_568, %dma_start3A_579] : memref<80x128xi32, #tpu.memory_space<vmem>> -> memref<1x128xi32, #tpu.memory_space<vmem>>
      %dma_start3A_581 = tpu.memref_squeeze %dma_start3A_580 : memref<1x128xi32, #tpu.memory_space<vmem>> -> memref<128xi32, #tpu.memory_space<vmem>>
      %dma_start3A_582 = tpu.memref_slice %arg5[%dma_start3A_573, %add3A_572] : memref<2x320000xi32, #tpu.memory_space<hbm>> -> memref<1x128xi32, #tpu.memory_space<hbm>>
      %dma_start3A_583 = tpu.memref_squeeze %dma_start3A_582 : memref<1x128xi32, #tpu.memory_space<hbm>> -> memref<128xi32, #tpu.memory_space<hbm>>
      tpu.enqueue_dma source(%dma_start3A_583 : memref<128xi32, #tpu.memory_space<hbm>>) target(%dma_start3A_581 : memref<128xi32, #tpu.memory_space<vmem>>) target_semaphore(%arg26 : memref<!tpu.dma_semaphore, #tpu.memory_space<semaphore_mem>>)
      %while3A_584 = arith.constant 0 : i32
      scf.yield %while3A_584 : i32
    }
    %broadcast_in_dim3A_49 = arith.constant 10000 : i32
    %broadcast_in_dim3A_50 = vector.broadcast %broadcast_in_dim3A_49 : i32 to vector<16xi32>
    %while3A_51 = arith.constant 80 : i32
    %while3A_52 = arith.constant 0 : i32
    %while3A_53 = arith.subi %while3A_51, %min3A : i32
    %while3A_54 = arith.addi %min3A, %while3A_53 : i32
    %while3A_55 = arith.constant 1 : i32
    %while3A_56 = arith.divsi %while3A_53, %while3A_55 : i32
    %while3A_57 = arith.muli %while3A_56, %while3A_55 : i32
    %while3A_58 = arith.addi %min3A, %while3A_57 : i32
    %while3A_59 = arith.constant 1 : i32
    %while3A_60 = scf.for %while3A_568 = %min3A to %while3A_58 step %while3A_59 iter_args(%while3A_569 = %while3A_52) -> (i32)  : i32 {
      %swap3A = arith.index_cast %while3A_568 : i32 to index
      %swap3A_570 = arith.constant 0 : index
      %swap3A_571 = tpu.vector_load %arg8[%swap3A, %swap3A_570] {strides = array<i32>} : memref<80x128xi32, #tpu.memory_space<vmem>>, vector<1x16xi32>,
      %swap3A_572 = vector.shape_cast %swap3A_571 : vector<1x16xi32> to vector<16xi32>
      %swap3A_573 = vector.shape_cast %broadcast_in_dim3A_50 : vector<16xi32> to vector<1x16xi32>
      tpu.vector_store %arg8[%swap3A, %swap3A_570], %swap3A_573 {strides = array<i32>} : memref<80x128xi32, #tpu.memory_space<vmem>>, vector<1x16xi32>,
      %swap3A_574 = arith.index_cast %while3A_568 : i32 to index
      %swap3A_575 = arith.constant 16 : index
      %swap3A_576 = tpu.vector_load %arg8[%swap3A_574, %swap3A_575] {strides = array<i32>} : memref<80x128xi32, #tpu.memory_space<vmem>>, vector<1x16xi32>,
      %swap3A_577 = vector.shape_cast %swap3A_576 : vector<1x16xi32> to vector<16xi32>
      %swap3A_578 = vector.shape_cast %broadcast_in_dim3A_50 : vector<16xi32> to vector<1x16xi32>
      tpu.vector_store %arg8[%swap3A_574, %swap3A_575], %swap3A_578 {strides = array<i32>} : memref<80x128xi32, #tpu.memory_space<vmem>>, vector<1x16xi32>,
      %swap3A_579 = arith.index_cast %while3A_568 : i32 to index
      %swap3A_580 = arith.constant 32 : index
      %swap3A_581 = tpu.vector_load %arg8[%swap3A_579, %swap3A_580] {strides = array<i32>} : memref<80x128xi32, #tpu.memory_space<vmem>>, vector<1x16xi32>,
      %swap3A_582 = vector.shape_cast %swap3A_581 : vector<1x16xi32> to vector<16xi32>
      %swap3A_583 = vector.shape_cast %broadcast_in_dim3A_50 : vector<16xi32> to vector<1x16xi32>
      tpu.vector_store %arg8[%swap3A_579, %swap3A_580], %swap3A_583 {strides = array<i32>} : memref<80x128xi32, #tpu.memory_space<vmem>>, vector<1x16xi32>,
      %swap3A_584 = arith.index_cast %while3A_568 : i32 to index
      %swap3A_585 = arith.constant 48 : index
      %swap3A_586 = tpu.vector_load %arg8[%swap3A_584, %swap3A_585] {strides = array<i32>} : memref<80x128xi32, #tpu.memory_space<vmem>>, vector<1x16xi32>,
      %swap3A_587 = vector.shape_cast %swap3A_586 : vector<1x16xi32> to vector<16xi32>
      %swap3A_588 = vector.shape_cast %broadcast_in_dim3A_50 : vector<16xi32> to vector<1x16xi32>
      tpu.vector_store %arg8[%swap3A_584, %swap3A_585], %swap3A_588 {strides = array<i32>} : memref<80x128xi32, #tpu.memory_space<vmem>>, vector<1x16xi32>,
      %swap3A_589 = arith.index_cast %while3A_568 : i32 to index
      %swap3A_590 = arith.constant 64 : index
      %swap3A_591 = tpu.vector_load %arg8[%swap3A_589, %swap3A_590] {strides = array<i32>} : memref<80x128xi32, #tpu.memory_space<vmem>>, vector<1x16xi32>,
      %swap3A_592 = vector.shape_cast %swap3A_591 : vector<1x16xi32> to vector<16xi32>
      %swap3A_593 = vector.shape_cast %broadcast_in_dim3A_50 : vector<16xi32> to vector<1x16xi32>
      tpu.vector_store %arg8[%swap3A_589, %swap3A_590], %swap3A_593 {strides = array<i32>} : memref<80x128xi32, #tpu.memory_space<vmem>>, vector<1x16xi32>,
      %swap3A_594 = arith.index_cast %while3A_568 : i32 to index
      %swap3A_595 = arith.constant 80 : index
      %swap3A_596 = tpu.vector_load %arg8[%swap3A_594, %swap3A_595] {strides = array<i32>} : memref<80x128xi32, #tpu.memory_space<vmem>>, vector<1x16xi32>,
      %swap3A_597 = vector.shape_cast %swap3A_596 : vector<1x16xi32> to vector<16xi32>
      %swap3A_598 = vector.shape_cast %broadcast_in_dim3A_50 : vector<16xi32> to vector<1x16xi32>
      tpu.vector_store %arg8[%swap3A_594, %swap3A_595], %swap3A_598 {strides = array<i32>} : memref<80x128xi32, #tpu.memory_space<vmem>>, vector<1x16xi32>,
      %swap3A_599 = arith.index_cast %while3A_568 : i32 to index
      %swap3A_600 = arith.constant 96 : index
      %swap3A_601 = tpu.vector_load %arg8[%swap3A_599, %swap3A_600] {strides = array<i32>} : memref<80x128xi32, #tpu.memory_space<vmem>>, vector<1x16xi32>,
      %swap3A_602 = vector.shape_cast %swap3A_601 : vector<1x16xi32> to vector<16xi32>
      %swap3A_603 = vector.shape_cast %broadcast_in_dim3A_50 : vector<16xi32> to vector<1x16xi32>
      tpu.vector_store %arg8[%swap3A_599, %swap3A_600], %swap3A_603 {strides = array<i32>} : memref<80x128xi32, #tpu.memory_space<vmem>>, vector<1x16xi32>,
      %swap3A_604 = arith.index_cast %while3A_568 : i32 to index
      %swap3A_605 = arith.constant 112 : index
      %swap3A_606 = tpu.vector_load %arg8[%swap3A_604, %swap3A_605] {strides = array<i32>} : memref<80x128xi32, #tpu.memory_space<vmem>>, vector<1x16xi32>,
      %swap3A_607 = vector.shape_cast %swap3A_606 : vector<1x16xi32> to vector<16xi32>
      %swap3A_608 = vector.shape_cast %broadcast_in_dim3A_50 : vector<16xi32> to vector<1x16xi32>
      tpu.vector_store %arg8[%swap3A_604, %swap3A_605], %swap3A_608 {strides = array<i32>} : memref<80x128xi32, #tpu.memory_space<vmem>>, vector<1x16xi32>,
      %while3A_609 = arith.constant 0 : i32
      scf.yield %while3A_609 : i32
    }
    %while3A_61 = arith.constant 1 : i32
    %while3A_62 = scf.for %while3A_568 = %while3A_58 to %while3A_54 step %while3A_61 iter_args(%while3A_569 = %while3A_60) -> (i32)  : i32 {
      %swap3A = arith.index_cast %while3A_568 : i32 to index
      %swap3A_570 = arith.constant 0 : index
      %swap3A_571 = tpu.vector_load %arg8[%swap3A, %swap3A_570] {strides = array<i32>} : memref<80x128xi32, #tpu.memory_space<vmem>>, vector<1x16xi32>,
      %swap3A_572 = vector.shape_cast %swap3A_571 : vector<1x16xi32> to vector<16xi32>
      %swap3A_573 = vector.shape_cast %broadcast_in_dim3A_50 : vector<16xi32> to vector<1x16xi32>
      tpu.vector_store %arg8[%swap3A, %swap3A_570], %swap3A_573 {strides = array<i32>} : memref<80x128xi32, #tpu.memory_space<vmem>>, vector<1x16xi32>,
      %swap3A_574 = arith.index_cast %while3A_568 : i32 to index
      %swap3A_575 = arith.constant 16 : index
      %swap3A_576 = tpu.vector_load %arg8[%swap3A_574, %swap3A_575] {strides = array<i32>} : memref<80x128xi32, #tpu.memory_space<vmem>>, vector<1x16xi32>,
      %swap3A_577 = vector.shape_cast %swap3A_576 : vector<1x16xi32> to vector<16xi32>
      %swap3A_578 = vector.shape_cast %broadcast_in_dim3A_50 : vector<16xi32> to vector<1x16xi32>
      tpu.vector_store %arg8[%swap3A_574, %swap3A_575], %swap3A_578 {strides = array<i32>} : memref<80x128xi32, #tpu.memory_space<vmem>>, vector<1x16xi32>,
      %swap3A_579 = arith.index_cast %while3A_568 : i32 to index
      %swap3A_580 = arith.constant 32 : index
      %swap3A_581 = tpu.vector_load %arg8[%swap3A_579, %swap3A_580] {strides = array<i32>} : memref<80x128xi32, #tpu.memory_space<vmem>>, vector<1x16xi32>,
      %swap3A_582 = vector.shape_cast %swap3A_581 : vector<1x16xi32> to vector<16xi32>
      %swap3A_583 = vector.shape_cast %broadcast_in_dim3A_50 : vector<16xi32> to vector<1x16xi32>
      tpu.vector_store %arg8[%swap3A_579, %swap3A_580], %swap3A_583 {strides = array<i32>} : memref<80x128xi32, #tpu.memory_space<vmem>>, vector<1x16xi32>,
      %swap3A_584 = arith.index_cast %while3A_568 : i32 to index
      %swap3A_585 = arith.constant 48 : index
      %swap3A_586 = tpu.vector_load %arg8[%swap3A_584, %swap3A_585] {strides = array<i32>} : memref<80x128xi32, #tpu.memory_space<vmem>>, vector<1x16xi32>,
      %swap3A_587 = vector.shape_cast %swap3A_586 : vector<1x16xi32> to vector<16xi32>
      %swap3A_588 = vector.shape_cast %broadcast_in_dim3A_50 : vector<16xi32> to vector<1x16xi32>
      tpu.vector_store %arg8[%swap3A_584, %swap3A_585], %swap3A_588 {strides = array<i32>} : memref<80x128xi32, #tpu.memory_space<vmem>>, vector<1x16xi32>,
      %swap3A_589 = arith.index_cast %while3A_568 : i32 to index
      %swap3A_590 = arith.constant 64 : index
      %swap3A_591 = tpu.vector_load %arg8[%swap3A_589, %swap3A_590] {strides = array<i32>} : memref<80x128xi32, #tpu.memory_space<vmem>>, vector<1x16xi32>,
      %swap3A_592 = vector.shape_cast %swap3A_591 : vector<1x16xi32> to vector<16xi32>
      %swap3A_593 = vector.shape_cast %broadcast_in_dim3A_50 : vector<16xi32> to vector<1x16xi32>
      tpu.vector_store %arg8[%swap3A_589, %swap3A_590], %swap3A_593 {strides = array<i32>} : memref<80x128xi32, #tpu.memory_space<vmem>>, vector<1x16xi32>,
      %swap3A_594 = arith.index_cast %while3A_568 : i32 to index
      %swap3A_595 = arith.constant 80 : index
      %swap3A_596 = tpu.vector_load %arg8[%swap3A_594, %swap3A_595] {strides = array<i32>} : memref<80x128xi32, #tpu.memory_space<vmem>>, vector<1x16xi32>,
      %swap3A_597 = vector.shape_cast %swap3A_596 : vector<1x16xi32> to vector<16xi32>
      %swap3A_598 = vector.shape_cast %broadcast_in_dim3A_50 : vector<16xi32> to vector<1x16xi32>
      tpu.vector_store %arg8[%swap3A_594, %swap3A_595], %swap3A_598 {strides = array<i32>} : memref<80x128xi32, #tpu.memory_space<vmem>>, vector<1x16xi32>,
      %swap3A_599 = arith.index_cast %while3A_568 : i32 to index
      %swap3A_600 = arith.constant 96 : index
      %swap3A_601 = tpu.vector_load %arg8[%swap3A_599, %swap3A_600] {strides = array<i32>} : memref<80x128xi32, #tpu.memory_space<vmem>>, vector<1x16xi32>,
      %swap3A_602 = vector.shape_cast %swap3A_601 : vector<1x16xi32> to vector<16xi32>
      %swap3A_603 = vector.shape_cast %broadcast_in_dim3A_50 : vector<16xi32> to vector<1x16xi32>
      tpu.vector_store %arg8[%swap3A_599, %swap3A_600], %swap3A_603 {strides = array<i32>} : memref<80x128xi32, #tpu.memory_space<vmem>>, vector<1x16xi32>,
      %swap3A_604 = arith.index_cast %while3A_568 : i32 to index
      %swap3A_605 = arith.constant 112 : index
      %swap3A_606 = tpu.vector_load %arg8[%swap3A_604, %swap3A_605] {strides = array<i32>} : memref<80x128xi32, #tpu.memory_space<vmem>>, vector<1x16xi32>,
      %swap3A_607 = vector.shape_cast %swap3A_606 : vector<1x16xi32> to vector<16xi32>
      %swap3A_608 = vector.shape_cast %broadcast_in_dim3A_50 : vector<16xi32> to vector<1x16xi32>
      tpu.vector_store %arg8[%swap3A_604, %swap3A_605], %swap3A_608 {strides = array<i32>} : memref<80x128xi32, #tpu.memory_space<vmem>>, vector<1x16xi32>,
      %while3A_609 = arith.constant 0 : i32
      scf.yield %while3A_609 : i32
    }
    "tpu.region"() ({
      %run_scoped3A = tpu.sem_alloc : memref<!tpu.dma_semaphore, #tpu.memory_space<semaphore_mem>>
      tpu.enqueue_dma source(%arg4 : memref<32xf32, #tpu.memory_space<hbm>>) target(%arg20 : memref<32xf32, #tpu.memory_space<vmem>>) target_semaphore(%run_scoped3A : memref<!tpu.dma_semaphore, #tpu.memory_space<semaphore_mem>>)
      tpu.wait_dma2 semaphore(%run_scoped3A : memref<!tpu.dma_semaphore, #tpu.memory_space<semaphore_mem>>) src(%arg4 : memref<32xf32, #tpu.memory_space<hbm>>) dst(%arg20 : memref<32xf32, #tpu.memory_space<vmem>>)
      tpu.yield
    }) : () -> ()
    %mul3A_63 = arith.constant 640 : i32
    %mul3A_64 = arith.muli %arg1, %mul3A_63 : i32
    %add3A_65 = arith.constant 0 : i32
    %add3A_66 = arith.addi %mul3A_64, %add3A_65 : i32
    %dma_start3A = arith.constant 0 : i32
    %dma_start3A_67 = arith.constant 0 : i32
    %dma_start3A_68 = tpu.memref_slice %arg2[%dma_start3A, %add3A_66, %dma_start3A_67] : memref<2x10240x32xf32, #tpu.memory_space<hbm>> -> memref<1x128x32xf32, #tpu.memory_space<hbm>>
    %dma_start3A_69 = tpu.memref_squeeze %dma_start3A_68 : memref<1x128x32xf32, #tpu.memory_space<hbm>> -> memref<128x32xf32, #tpu.memory_space<hbm>>
    %dma_start3A_70 = arith.constant 0 : i32
    %dma_start3A_71 = tpu.memref_slice %arg2[%dma_start3A, %add3A_66, %dma_start3A_70] : memref<2x10240x32xf32, #tpu.memory_space<hbm>> -> memref<1x128x32xf32, #tpu.memory_space<hbm>>
    %dma_start3A_72 = tpu.memref_squeeze %dma_start3A_71 : memref<1x128x32xf32, #tpu.memory_space<hbm>> -> memref<128x32xf32, #tpu.memory_space<hbm>>
    tpu.enqueue_dma source(%dma_start3A_72 : memref<128x32xf32, #tpu.memory_space<hbm>>) target(%arg9 : memref<128x32xf32, #tpu.memory_space<vmem>>) target_semaphore(%arg23 : memref<!tpu.dma_semaphore, #tpu.memory_space<semaphore_mem>>)
    %dma_start3A_73 = arith.constant 1 : i32
    %dma_start3A_74 = arith.constant 0 : i32
    %dma_start3A_75 = tpu.memref_slice %arg2[%dma_start3A_73, %add3A_66, %dma_start3A_74] : memref<2x10240x32xf32, #tpu.memory_space<hbm>> -> memref<1x128x32xf32, #tpu.memory_space<hbm>>
    %dma_start3A_76 = tpu.memref_squeeze %dma_start3A_75 : memref<1x128x32xf32, #tpu.memory_space<hbm>> -> memref<128x32xf32, #tpu.memory_space<hbm>>
    %dma_start3A_77 = arith.constant 0 : i32
    %dma_start3A_78 = tpu.memref_slice %arg2[%dma_start3A_73, %add3A_66, %dma_start3A_77] : memref<2x10240x32xf32, #tpu.memory_space<hbm>> -> memref<1x128x32xf32, #tpu.memory_space<hbm>>
    %dma_start3A_79 = tpu.memref_squeeze %dma_start3A_78 : memref<1x128x32xf32, #tpu.memory_space<hbm>> -> memref<128x32xf32, #tpu.memory_space<hbm>>
    tpu.enqueue_dma source(%dma_start3A_79 : memref<128x32xf32, #tpu.memory_space<hbm>>) target(%arg10 : memref<128x32xf32, #tpu.memory_space<vmem>>) target_semaphore(%arg24 : memref<!tpu.dma_semaphore, #tpu.memory_space<semaphore_mem>>)
    %dma_start3A_80 = arith.constant 0 : i32
    %dma_start3A_81 = tpu.memref_slice %arg3[%add3A_66, %dma_start3A_80] : memref<10240x32xf32, #tpu.memory_space<hbm>> -> memref<128x32xf32, #tpu.memory_space<hbm>>
    %dma_start3A_82 = arith.constant 0 : i32
    %dma_start3A_83 = tpu.memref_slice %arg3[%add3A_66, %dma_start3A_82] : memref<10240x32xf32, #tpu.memory_space<hbm>> -> memref<128x32xf32, #tpu.memory_space<hbm>>
    tpu.enqueue_dma source(%dma_start3A_83 : memref<128x32xf32, #tpu.memory_space<hbm>>) target(%arg11 : memref<128x32xf32, #tpu.memory_space<vmem>>) target_semaphore(%arg25 : memref<!tpu.dma_semaphore, #tpu.memory_space<semaphore_mem>>)
    %mul3A_84 = arith.constant 640 : i32
    %mul3A_85 = arith.muli %arg1, %mul3A_84 : i32
    %add3A_86 = arith.constant 128 : i32
    %add3A_87 = arith.addi %mul3A_85, %add3A_86 : i32
    %dma_start3A_88 = arith.constant 0 : i32
    %dma_start3A_89 = arith.constant 0 : i32
    %dma_start3A_90 = tpu.memref_slice %arg2[%dma_start3A_88, %add3A_87, %dma_start3A_89] : memref<2x10240x32xf32, #tpu.memory_space<hbm>> -> memref<1x128x32xf32, #tpu.memory_space<hbm>>
    %dma_start3A_91 = tpu.memref_squeeze %dma_start3A_90 : memref<1x128x32xf32, #tpu.memory_space<hbm>> -> memref<128x32xf32, #tpu.memory_space<hbm>>
    %dma_start3A_92 = arith.constant 0 : i32
    %dma_start3A_93 = tpu.memref_slice %arg2[%dma_start3A_88, %add3A_87, %dma_start3A_92] : memref<2x10240x32xf32, #tpu.memory_space<hbm>> -> memref<1x128x32xf32, #tpu.memory_space<hbm>>
    %dma_start3A_94 = tpu.memref_squeeze %dma_start3A_93 : memref<1x128x32xf32, #tpu.memory_space<hbm>> -> memref<128x32xf32, #tpu.memory_space<hbm>>
    tpu.enqueue_dma source(%dma_start3A_94 : memref<128x32xf32, #tpu.memory_space<hbm>>) target(%arg13 : memref<128x32xf32, #tpu.memory_space<vmem>>) target_semaphore(%arg27 : memref<!tpu.dma_semaphore, #tpu.memory_space<semaphore_mem>>)
    %dma_start3A_95 = arith.constant 1 : i32
    %dma_start3A_96 = arith.constant 0 : i32
    %dma_start3A_97 = tpu.memref_slice %arg2[%dma_start3A_95, %add3A_87, %dma_start3A_96] : memref<2x10240x32xf32, #tpu.memory_space<hbm>> -> memref<1x128x32xf32, #tpu.memory_space<hbm>>
    %dma_start3A_98 = tpu.memref_squeeze %dma_start3A_97 : memref<1x128x32xf32, #tpu.memory_space<hbm>> -> memref<128x32xf32, #tpu.memory_space<hbm>>
    %dma_start3A_99 = arith.constant 0 : i32
    %dma_start3A_100 = tpu.memref_slice %arg2[%dma_start3A_95, %add3A_87, %dma_start3A_99] : memref<2x10240x32xf32, #tpu.memory_space<hbm>> -> memref<1x128x32xf32, #tpu.memory_space<hbm>>
    %dma_start3A_101 = tpu.memref_squeeze %dma_start3A_100 : memref<1x128x32xf32, #tpu.memory_space<hbm>> -> memref<128x32xf32, #tpu.memory_space<hbm>>
    tpu.enqueue_dma source(%dma_start3A_101 : memref<128x32xf32, #tpu.memory_space<hbm>>) target(%arg14 : memref<128x32xf32, #tpu.memory_space<vmem>>) target_semaphore(%arg28 : memref<!tpu.dma_semaphore, #tpu.memory_space<semaphore_mem>>)
    %dma_start3A_102 = arith.constant 0 : i32
    %dma_start3A_103 = tpu.memref_slice %arg3[%add3A_87, %dma_start3A_102] : memref<10240x32xf32, #tpu.memory_space<hbm>> -> memref<128x32xf32, #tpu.memory_space<hbm>>
    %dma_start3A_104 = arith.constant 0 : i32
    %dma_start3A_105 = tpu.memref_slice %arg3[%add3A_87, %dma_start3A_104] : memref<10240x32xf32, #tpu.memory_space<hbm>> -> memref<128x32xf32, #tpu.memory_space<hbm>>
    tpu.enqueue_dma source(%dma_start3A_105 : memref<128x32xf32, #tpu.memory_space<hbm>>) target(%arg15 : memref<128x32xf32, #tpu.memory_space<vmem>>) target_semaphore(%arg29 : memref<!tpu.dma_semaphore, #tpu.memory_space<semaphore_mem>>)
    %broadcast_in_dim3A_106 = arith.constant 0.000000e+00 : f32
    %broadcast_in_dim3A_107 = vector.broadcast %broadcast_in_dim3A_106 : f32 to vector<16xf32>
    %scan3A = arith.constant 0 : i32
    %scan3A_108 = arith.constant 0 : i32
    %scan3A_109 = arith.constant 640 : i32
    %scan3A_110 = arith.addi %scan3A_108, %scan3A_109 : i32
    %scan3A_111 = arith.constant 1 : i32
    %scan3A_112 = scf.for %scan3A_568 = %scan3A_108 to %scan3A_110 step %scan3A_111 iter_args(%scan3A_569 = %scan3A) -> (i32)  : i32 {
      %swap3A = arith.index_cast %scan3A_568 : i32 to index
      %swap3A_570 = arith.constant 0 : index
      %swap3A_571 = tpu.vector_load %arg19[%swap3A, %swap3A_570] {strides = array<i32>} : memref<640x32xf32, #tpu.memory_space<vmem>>, vector<1x16xf32>,
      %swap3A_572 = vector.shape_cast %swap3A_571 : vector<1x16xf32> to vector<16xf32>
      %swap3A_573 = vector.shape_cast %broadcast_in_dim3A_107 : vector<16xf32> to vector<1x16xf32>
      tpu.vector_store %arg19[%swap3A, %swap3A_570], %swap3A_573 {strides = array<i32>} : memref<640x32xf32, #tpu.memory_space<vmem>>, vector<1x16xf32>,
      %swap3A_574 = arith.index_cast %scan3A_568 : i32 to index
      %swap3A_575 = arith.constant 16 : index
      %swap3A_576 = tpu.vector_load %arg19[%swap3A_574, %swap3A_575] {strides = array<i32>} : memref<640x32xf32, #tpu.memory_space<vmem>>, vector<1x16xf32>,
      %swap3A_577 = vector.shape_cast %swap3A_576 : vector<1x16xf32> to vector<16xf32>
      %swap3A_578 = vector.shape_cast %broadcast_in_dim3A_107 : vector<16xf32> to vector<1x16xf32>
      tpu.vector_store %arg19[%swap3A_574, %swap3A_575], %swap3A_578 {strides = array<i32>} : memref<640x32xf32, #tpu.memory_space<vmem>>, vector<1x16xf32>,
      %scan3A_579 = arith.constant 0 : i32
      scf.yield %scan3A_579 : i32
    }
    %scan3A_113 = arith.constant 640 : i32
    %mul3A_114 = arith.constant 640 : i32
    %mul3A_115 = arith.muli %arg1, %mul3A_114 : i32
    %add3A_116 = arith.constant 0 : i32
    %add3A_117 = arith.addi %mul3A_115, %add3A_116 : i32
    %mul3A_118 = arith.constant 640 : i32
    %mul3A_119 = arith.muli %arg1, %mul3A_118 : i32
    %add3A_120 = arith.constant 0 : i32
    %add3A_121 = arith.addi %mul3A_119, %add3A_120 : i32
    %dma_wait3A = arith.constant 0 : i32
    %dma_wait3A_122 = arith.constant 0 : i32
    %dma_wait3A_123 = tpu.memref_slice %arg2[%dma_wait3A, %add3A_121, %dma_wait3A_122] : memref<2x10240x32xf32, #tpu.memory_space<hbm>> -> memref<1x128x32xf32, #tpu.memory_space<hbm>>
    %dma_wait3A_124 = tpu.memref_squeeze %dma_wait3A_123 : memref<1x128x32xf32, #tpu.memory_space<hbm>> -> memref<128x32xf32, #tpu.memory_space<hbm>>
    %dma_wait3A_125 = arith.constant 0 : i32
    %dma_wait3A_126 = tpu.memref_slice %arg2[%dma_wait3A, %add3A_121, %dma_wait3A_125] : memref<2x10240x32xf32, #tpu.memory_space<hbm>> -> memref<1x128x32xf32, #tpu.memory_space<hbm>>
    %dma_wait3A_127 = tpu.memref_squeeze %dma_wait3A_126 : memref<1x128x32xf32, #tpu.memory_space<hbm>> -> memref<128x32xf32, #tpu.memory_space<hbm>>
    tpu.wait_dma2 semaphore(%arg23 : memref<!tpu.dma_semaphore, #tpu.memory_space<semaphore_mem>>) src(%dma_wait3A_127 : memref<128x32xf32, #tpu.memory_space<hbm>>) dst(%arg9 : memref<128x32xf32, #tpu.memory_space<vmem>>)
    %dma_wait3A_128 = arith.constant 1 : i32
    %dma_wait3A_129 = arith.constant 0 : i32
    %dma_wait3A_130 = tpu.memref_slice %arg2[%dma_wait3A_128, %add3A_121, %dma_wait3A_129] : memref<2x10240x32xf32, #tpu.memory_space<hbm>> -> memref<1x128x32xf32, #tpu.memory_space<hbm>>
    %dma_wait3A_131 = tpu.memref_squeeze %dma_wait3A_130 : memref<1x128x32xf32, #tpu.memory_space<hbm>> -> memref<128x32xf32, #tpu.memory_space<hbm>>
    %dma_wait3A_132 = arith.constant 0 : i32
    %dma_wait3A_133 = tpu.memref_slice %arg2[%dma_wait3A_128, %add3A_121, %dma_wait3A_132] : memref<2x10240x32xf32, #tpu.memory_space<hbm>> -> memref<1x128x32xf32, #tpu.memory_space<hbm>>
    %dma_wait3A_134 = tpu.memref_squeeze %dma_wait3A_133 : memref<1x128x32xf32, #tpu.memory_space<hbm>> -> memref<128x32xf32, #tpu.memory_space<hbm>>
    tpu.wait_dma2 semaphore(%arg24 : memref<!tpu.dma_semaphore, #tpu.memory_space<semaphore_mem>>) src(%dma_wait3A_134 : memref<128x32xf32, #tpu.memory_space<hbm>>) dst(%arg10 : memref<128x32xf32, #tpu.memory_space<vmem>>)
    %dma_wait3A_135 = arith.constant 0 : i32
    %dma_wait3A_136 = tpu.memref_slice %arg3[%add3A_121, %dma_wait3A_135] : memref<10240x32xf32, #tpu.memory_space<hbm>> -> memref<128x32xf32, #tpu.memory_space<hbm>>
    %dma_wait3A_137 = arith.constant 0 : i32
    %dma_wait3A_138 = tpu.memref_slice %arg3[%add3A_121, %dma_wait3A_137] : memref<10240x32xf32, #tpu.memory_space<hbm>> -> memref<128x32xf32, #tpu.memory_space<hbm>>
    tpu.wait_dma2 semaphore(%arg25 : memref<!tpu.dma_semaphore, #tpu.memory_space<semaphore_mem>>) src(%dma_wait3A_138 : memref<128x32xf32, #tpu.memory_space<hbm>>) dst(%arg11 : memref<128x32xf32, #tpu.memory_space<vmem>>)
    %scan3A_139 = arith.constant 0 : i32
    %scan3A_140 = arith.constant 0 : i32
    %scan3A_141 = arith.constant 128 : i32
    %scan3A_142 = arith.addi %scan3A_140, %scan3A_141 : i32
    %scan3A_143 = arith.constant 1 : i32
    %scan3A_144 = scf.for %scan3A_568 = %scan3A_140 to %scan3A_142 step %scan3A_143 iter_args(%scan3A_569 = %scan3A_139) -> (i32)  : i32 {
      %get3A = arith.index_cast %scan3A_568 : i32 to index
      %get3A_570 = arith.constant 0 : index
      %get3A_571 = tpu.vector_load %arg11[%get3A, %get3A_570] {strides = array<i32>} : memref<128x32xf32, #tpu.memory_space<vmem>>, vector<1x16xf32>,
      %get3A_572 = vector.shape_cast %get3A_571 : vector<1x16xf32> to vector<16xf32>
      %get3A_573 = arith.index_cast %scan3A_568 : i32 to index
      %get3A_574 = arith.constant 0 : index
      %get3A_575 = tpu.vector_load %arg9[%get3A_573, %get3A_574] {strides = array<i32>} : memref<128x32xf32, #tpu.memory_space<vmem>>, vector<1x16xf32>,
      %get3A_576 = vector.shape_cast %get3A_575 : vector<1x16xf32> to vector<16xf32>
      %get3A_577 = arith.index_cast %scan3A_568 : i32 to index
      %get3A_578 = arith.constant 0 : index
      %get3A_579 = tpu.vector_load %arg10[%get3A_577, %get3A_578] {strides = array<i32>} : memref<128x32xf32, #tpu.memory_space<vmem>>, vector<1x16xf32>,
      %get3A_580 = vector.shape_cast %get3A_579 : vector<1x16xf32> to vector<16xf32>
      %add3A_581 = arith.addf %get3A_576, %get3A_580 : vector<16xf32>
      %mul3A_582 = arith.mulf %add3A_581, %get3A_572 : vector<16xf32>
      %get3A_583 = arith.constant 0 : index
      %get3A_584 = tpu.vector_load %arg20[%get3A_583] {strides = array<i32>} : memref<32xf32, #tpu.memory_space<vmem>>, vector<16xf32>,
      %get3A_585 = vector.shape_cast %get3A_584 : vector<16xf32> to vector<16xf32>
      %add3A_586 = arith.addf %mul3A_582, %get3A_585 : vector<16xf32>
      %max3A_587 = arith.constant 0.000000e+00 : f32
      %max3A_588 = vector.broadcast %max3A_587 : f32 to vector<16xf32>
      %max3A_589 = arith.maximumf %add3A_586, %max3A_588 : vector<16xf32>
      %mul3A_590 = arith.mulf %max3A_589, %get3A_572 : vector<16xf32>
      %swap3A = arith.index_cast %scan3A_568 : i32 to index
      %swap3A_591 = arith.constant 0 : index
      %swap3A_592 = tpu.vector_load %arg12[%swap3A, %swap3A_591] {strides = array<i32>} : memref<128x32xf32, #tpu.memory_space<vmem>>, vector<1x16xf32>,
      %swap3A_593 = vector.shape_cast %swap3A_592 : vector<1x16xf32> to vector<16xf32>
      %swap3A_594 = vector.shape_cast %mul3A_590 : vector<16xf32> to vector<1x16xf32>
      tpu.vector_store %arg12[%swap3A, %swap3A_591], %swap3A_594 {strides = array<i32>} : memref<128x32xf32, #tpu.memory_space<vmem>>, vector<1x16xf32>,
      %get3A_595 = arith.index_cast %scan3A_568 : i32 to index
      %get3A_596 = arith.constant 16 : index
      %get3A_597 = tpu.vector_load %arg11[%get3A_595, %get3A_596] {strides = array<i32>} : memref<128x32xf32, #tpu.memory_space<vmem>>, vector<1x16xf32>,
      %get3A_598 = vector.shape_cast %get3A_597 : vector<1x16xf32> to vector<16xf32>
      %get3A_599 = arith.index_cast %scan3A_568 : i32 to index
      %get3A_600 = arith.constant 16 : index
      %get3A_601 = tpu.vector_load %arg9[%get3A_599, %get3A_600] {strides = array<i32>} : memref<128x32xf32, #tpu.memory_space<vmem>>, vector<1x16xf32>,
      %get3A_602 = vector.shape_cast %get3A_601 : vector<1x16xf32> to vector<16xf32>
      %get3A_603 = arith.index_cast %scan3A_568 : i32 to index
      %get3A_604 = arith.constant 16 : index
      %get3A_605 = tpu.vector_load %arg10[%get3A_603, %get3A_604] {strides = array<i32>} : memref<128x32xf32, #tpu.memory_space<vmem>>, vector<1x16xf32>,
      %get3A_606 = vector.shape_cast %get3A_605 : vector<1x16xf32> to vector<16xf32>
      %add3A_607 = arith.addf %get3A_602, %get3A_606 : vector<16xf32>
      %mul3A_608 = arith.mulf %add3A_607, %get3A_598 : vector<16xf32>
      %get3A_609 = arith.constant 16 : index
      %get3A_610 = tpu.vector_load %arg20[%get3A_609] {strides = array<i32>} : memref<32xf32, #tpu.memory_space<vmem>>, vector<16xf32>,
      %get3A_611 = vector.shape_cast %get3A_610 : vector<16xf32> to vector<16xf32>
      %add3A_612 = arith.addf %mul3A_608, %get3A_611 : vector<16xf32>
      %max3A_613 = arith.constant 0.000000e+00 : f32
      %max3A_614 = vector.broadcast %max3A_613 : f32 to vector<16xf32>
      %max3A_615 = arith.maximumf %add3A_612, %max3A_614 : vector<16xf32>
      %mul3A_616 = arith.mulf %max3A_615, %get3A_598 : vector<16xf32>
      %swap3A_617 = arith.index_cast %scan3A_568 : i32 to index
      %swap3A_618 = arith.constant 16 : index
      %swap3A_619 = tpu.vector_load %arg12[%swap3A_617, %swap3A_618] {strides = array<i32>} : memref<128x32xf32, #tpu.memory_space<vmem>>, vector<1x16xf32>,
      %swap3A_620 = vector.shape_cast %swap3A_619 : vector<1x16xf32> to vector<16xf32>
      %swap3A_621 = vector.shape_cast %mul3A_616 : vector<16xf32> to vector<1x16xf32>
      tpu.vector_store %arg12[%swap3A_617, %swap3A_618], %swap3A_621 {strides = array<i32>} : memref<128x32xf32, #tpu.memory_space<vmem>>, vector<1x16xf32>,
      %scan3A_622 = arith.constant 0 : i32
      scf.yield %scan3A_622 : i32
    }
    %scan3A_145 = arith.constant 128 : i32
    %dma_start3A_146 = arith.constant 0 : i32
    %dma_start3A_147 = tpu.memref_slice %arg22[%add3A_117, %dma_start3A_146] : memref<10240x32xf32, #tpu.memory_space<vmem_shared>> -> memref<128x32xf32, #tpu.memory_space<vmem_shared>>
    %dma_start3A_148 = arith.constant 0 : i32
    %dma_start3A_149 = tpu.memref_slice %arg22[%add3A_117, %dma_start3A_148] : memref<10240x32xf32, #tpu.memory_space<vmem_shared>> -> memref<128x32xf32, #tpu.memory_space<vmem_shared>>
    tpu.enqueue_dma source(%arg12 : memref<128x32xf32, #tpu.memory_space<vmem>>) target(%dma_start3A_149 : memref<128x32xf32, #tpu.memory_space<vmem_shared>>) target_semaphore(%arg33 : memref<!tpu.dma_semaphore, #tpu.memory_space<semaphore_mem>>)
    %mul3A_150 = arith.constant 640 : i32
    %mul3A_151 = arith.muli %arg1, %mul3A_150 : i32
    %add3A_152 = arith.constant 256 : i32
    %add3A_153 = arith.addi %mul3A_151, %add3A_152 : i32
    %dma_start3A_154 = arith.constant 0 : i32
    %dma_start3A_155 = arith.constant 0 : i32
    %dma_start3A_156 = tpu.memref_slice %arg2[%dma_start3A_154, %add3A_153, %dma_start3A_155] : memref<2x10240x32xf32, #tpu.memory_space<hbm>> -> memref<1x128x32xf32, #tpu.memory_space<hbm>>
    %dma_start3A_157 = tpu.memref_squeeze %dma_start3A_156 : memref<1x128x32xf32, #tpu.memory_space<hbm>> -> memref<128x32xf32, #tpu.memory_space<hbm>>
    %dma_start3A_158 = arith.constant 0 : i32
    %dma_start3A_159 = tpu.memref_slice %arg2[%dma_start3A_154, %add3A_153, %dma_start3A_158] : memref<2x10240x32xf32, #tpu.memory_space<hbm>> -> memref<1x128x32xf32, #tpu.memory_space<hbm>>
    %dma_start3A_160 = tpu.memref_squeeze %dma_start3A_159 : memref<1x128x32xf32, #tpu.memory_space<hbm>> -> memref<128x32xf32, #tpu.memory_space<hbm>>
    tpu.enqueue_dma source(%dma_start3A_160 : memref<128x32xf32, #tpu.memory_space<hbm>>) target(%arg9 : memref<128x32xf32, #tpu.memory_space<vmem>>) target_semaphore(%arg23 : memref<!tpu.dma_semaphore, #tpu.memory_space<semaphore_mem>>)
    %dma_start3A_161 = arith.constant 1 : i32
    %dma_start3A_162 = arith.constant 0 : i32
    %dma_start3A_163 = tpu.memref_slice %arg2[%dma_start3A_161, %add3A_153, %dma_start3A_162] : memref<2x10240x32xf32, #tpu.memory_space<hbm>> -> memref<1x128x32xf32, #tpu.memory_space<hbm>>
    %dma_start3A_164 = tpu.memref_squeeze %dma_start3A_163 : memref<1x128x32xf32, #tpu.memory_space<hbm>> -> memref<128x32xf32, #tpu.memory_space<hbm>>
    %dma_start3A_165 = arith.constant 0 : i32
    %dma_start3A_166 = tpu.memref_slice %arg2[%dma_start3A_161, %add3A_153, %dma_start3A_165] : memref<2x10240x32xf32, #tpu.memory_space<hbm>> -> memref<1x128x32xf32, #tpu.memory_space<hbm>>
    %dma_start3A_167 = tpu.memref_squeeze %dma_start3A_166 : memref<1x128x32xf32, #tpu.memory_space<hbm>> -> memref<128x32xf32, #tpu.memory_space<hbm>>
    tpu.enqueue_dma source(%dma_start3A_167 : memref<128x32xf32, #tpu.memory_space<hbm>>) target(%arg10 : memref<128x32xf32, #tpu.memory_space<vmem>>) target_semaphore(%arg24 : memref<!tpu.dma_semaphore, #tpu.memory_space<semaphore_mem>>)
    %dma_start3A_168 = arith.constant 0 : i32
    %dma_start3A_169 = tpu.memref_slice %arg3[%add3A_153, %dma_start3A_168] : memref<10240x32xf32, #tpu.memory_space<hbm>> -> memref<128x32xf32, #tpu.memory_space<hbm>>
    %dma_start3A_170 = arith.constant 0 : i32
    %dma_start3A_171 = tpu.memref_slice %arg3[%add3A_153, %dma_start3A_170] : memref<10240x32xf32, #tpu.memory_space<hbm>> -> memref<128x32xf32, #tpu.memory_space<hbm>>
    tpu.enqueue_dma source(%dma_start3A_171 : memref<128x32xf32, #tpu.memory_space<hbm>>) target(%arg11 : memref<128x32xf32, #tpu.memory_space<vmem>>) target_semaphore(%arg25 : memref<!tpu.dma_semaphore, #tpu.memory_space<semaphore_mem>>)
    %mul3A_172 = arith.constant 640 : i32
    %mul3A_173 = arith.muli %arg1, %mul3A_172 : i32
    %add3A_174 = arith.constant 128 : i32
    %add3A_175 = arith.addi %mul3A_173, %add3A_174 : i32
    %mul3A_176 = arith.constant 640 : i32
    %mul3A_177 = arith.muli %arg1, %mul3A_176 : i32
    %add3A_178 = arith.constant 128 : i32
    %add3A_179 = arith.addi %mul3A_177, %add3A_178 : i32
    %dma_wait3A_180 = arith.constant 0 : i32
    %dma_wait3A_181 = arith.constant 0 : i32
    %dma_wait3A_182 = tpu.memref_slice %arg2[%dma_wait3A_180, %add3A_179, %dma_wait3A_181] : memref<2x10240x32xf32, #tpu.memory_space<hbm>> -> memref<1x128x32xf32, #tpu.memory_space<hbm>>
    %dma_wait3A_183 = tpu.memref_squeeze %dma_wait3A_182 : memref<1x128x32xf32, #tpu.memory_space<hbm>> -> memref<128x32xf32, #tpu.memory_space<hbm>>
    %dma_wait3A_184 = arith.constant 0 : i32
    %dma_wait3A_185 = tpu.memref_slice %arg2[%dma_wait3A_180, %add3A_179, %dma_wait3A_184] : memref<2x10240x32xf32, #tpu.memory_space<hbm>> -> memref<1x128x32xf32, #tpu.memory_space<hbm>>
    %dma_wait3A_186 = tpu.memref_squeeze %dma_wait3A_185 : memref<1x128x32xf32, #tpu.memory_space<hbm>> -> memref<128x32xf32, #tpu.memory_space<hbm>>
    tpu.wait_dma2 semaphore(%arg27 : memref<!tpu.dma_semaphore, #tpu.memory_space<semaphore_mem>>) src(%dma_wait3A_186 : memref<128x32xf32, #tpu.memory_space<hbm>>) dst(%arg13 : memref<128x32xf32, #tpu.memory_space<vmem>>)
    %dma_wait3A_187 = arith.constant 1 : i32
    %dma_wait3A_188 = arith.constant 0 : i32
    %dma_wait3A_189 = tpu.memref_slice %arg2[%dma_wait3A_187, %add3A_179, %dma_wait3A_188] : memref<2x10240x32xf32, #tpu.memory_space<hbm>> -> memref<1x128x32xf32, #tpu.memory_space<hbm>>
    %dma_wait3A_190 = tpu.memref_squeeze %dma_wait3A_189 : memref<1x128x32xf32, #tpu.memory_space<hbm>> -> memref<128x32xf32, #tpu.memory_space<hbm>>
    %dma_wait3A_191 = arith.constant 0 : i32
    %dma_wait3A_192 = tpu.memref_slice %arg2[%dma_wait3A_187, %add3A_179, %dma_wait3A_191] : memref<2x10240x32xf32, #tpu.memory_space<hbm>> -> memref<1x128x32xf32, #tpu.memory_space<hbm>>
    %dma_wait3A_193 = tpu.memref_squeeze %dma_wait3A_192 : memref<1x128x32xf32, #tpu.memory_space<hbm>> -> memref<128x32xf32, #tpu.memory_space<hbm>>
    tpu.wait_dma2 semaphore(%arg28 : memref<!tpu.dma_semaphore, #tpu.memory_space<semaphore_mem>>) src(%dma_wait3A_193 : memref<128x32xf32, #tpu.memory_space<hbm>>) dst(%arg14 : memref<128x32xf32, #tpu.memory_space<vmem>>)
    %dma_wait3A_194 = arith.constant 0 : i32
    %dma_wait3A_195 = tpu.memref_slice %arg3[%add3A_179, %dma_wait3A_194] : memref<10240x32xf32, #tpu.memory_space<hbm>> -> memref<128x32xf32, #tpu.memory_space<hbm>>
    %dma_wait3A_196 = arith.constant 0 : i32
    %dma_wait3A_197 = tpu.memref_slice %arg3[%add3A_179, %dma_wait3A_196] : memref<10240x32xf32, #tpu.memory_space<hbm>> -> memref<128x32xf32, #tpu.memory_space<hbm>>
    tpu.wait_dma2 semaphore(%arg29 : memref<!tpu.dma_semaphore, #tpu.memory_space<semaphore_mem>>) src(%dma_wait3A_197 : memref<128x32xf32, #tpu.memory_space<hbm>>) dst(%arg15 : memref<128x32xf32, #tpu.memory_space<vmem>>)
    %scan3A_198 = arith.constant 0 : i32
    %scan3A_199 = arith.constant 0 : i32
    %scan3A_200 = arith.constant 128 : i32
    %scan3A_201 = arith.addi %scan3A_199, %scan3A_200 : i32
    %scan3A_202 = arith.constant 1 : i32
    %scan3A_203 = scf.for %scan3A_568 = %scan3A_199 to %scan3A_201 step %scan3A_202 iter_args(%scan3A_569 = %scan3A_198) -> (i32)  : i32 {
      %get3A = arith.index_cast %scan3A_568 : i32 to index
      %get3A_570 = arith.constant 0 : index
      %get3A_571 = tpu.vector_load %arg15[%get3A, %get3A_570] {strides = array<i32>} : memref<128x32xf32, #tpu.memory_space<vmem>>, vector<1x16xf32>,
      %get3A_572 = vector.shape_cast %get3A_571 : vector<1x16xf32> to vector<16xf32>
      %get3A_573 = arith.index_cast %scan3A_568 : i32 to index
      %get3A_574 = arith.constant 0 : index
      %get3A_575 = tpu.vector_load %arg13[%get3A_573, %get3A_574] {strides = array<i32>} : memref<128x32xf32, #tpu.memory_space<vmem>>, vector<1x16xf32>,
      %get3A_576 = vector.shape_cast %get3A_575 : vector<1x16xf32> to vector<16xf32>
      %get3A_577 = arith.index_cast %scan3A_568 : i32 to index
      %get3A_578 = arith.constant 0 : index
      %get3A_579 = tpu.vector_load %arg14[%get3A_577, %get3A_578] {strides = array<i32>} : memref<128x32xf32, #tpu.memory_space<vmem>>, vector<1x16xf32>,
      %get3A_580 = vector.shape_cast %get3A_579 : vector<1x16xf32> to vector<16xf32>
      %add3A_581 = arith.addf %get3A_576, %get3A_580 : vector<16xf32>
      %mul3A_582 = arith.mulf %add3A_581, %get3A_572 : vector<16xf32>
      %get3A_583 = arith.constant 0 : index
      %get3A_584 = tpu.vector_load %arg20[%get3A_583] {strides = array<i32>} : memref<32xf32, #tpu.memory_space<vmem>>, vector<16xf32>,
      %get3A_585 = vector.shape_cast %get3A_584 : vector<16xf32> to vector<16xf32>
      %add3A_586 = arith.addf %mul3A_582, %get3A_585 : vector<16xf32>
      %max3A_587 = arith.constant 0.000000e+00 : f32
      %max3A_588 = vector.broadcast %max3A_587 : f32 to vector<16xf32>
      %max3A_589 = arith.maximumf %add3A_586, %max3A_588 : vector<16xf32>
      %mul3A_590 = arith.mulf %max3A_589, %get3A_572 : vector<16xf32>
      %swap3A = arith.index_cast %scan3A_568 : i32 to index
      %swap3A_591 = arith.constant 0 : index
      %swap3A_592 = tpu.vector_load %arg16[%swap3A, %swap3A_591] {strides = array<i32>} : memref<128x32xf32, #tpu.memory_space<vmem>>, vector<1x16xf32>,
      %swap3A_593 = vector.shape_cast %swap3A_592 : vector<1x16xf32> to vector<16xf32>
      %swap3A_594 = vector.shape_cast %mul3A_590 : vector<16xf32> to vector<1x16xf32>
      tpu.vector_store %arg16[%swap3A, %swap3A_591], %swap3A_594 {strides = array<i32>} : memref<128x32xf32, #tpu.memory_space<vmem>>, vector<1x16xf32>,
      %get3A_595 = arith.index_cast %scan3A_568 : i32 to index
      %get3A_596 = arith.constant 16 : index
      %get3A_597 = tpu.vector_load %arg15[%get3A_595, %get3A_596] {strides = array<i32>} : memref<128x32xf32, #tpu.memory_space<vmem>>, vector<1x16xf32>,
      %get3A_598 = vector.shape_cast %get3A_597 : vector<1x16xf32> to vector<16xf32>
      %get3A_599 = arith.index_cast %scan3A_568 : i32 to index
      %get3A_600 = arith.constant 16 : index
      %get3A_601 = tpu.vector_load %arg13[%get3A_599, %get3A_600] {strides = array<i32>} : memref<128x32xf32, #tpu.memory_space<vmem>>, vector<1x16xf32>,
      %get3A_602 = vector.shape_cast %get3A_601 : vector<1x16xf32> to vector<16xf32>
      %get3A_603 = arith.index_cast %scan3A_568 : i32 to index
      %get3A_604 = arith.constant 16 : index
      %get3A_605 = tpu.vector_load %arg14[%get3A_603, %get3A_604] {strides = array<i32>} : memref<128x32xf32, #tpu.memory_space<vmem>>, vector<1x16xf32>,
      %get3A_606 = vector.shape_cast %get3A_605 : vector<1x16xf32> to vector<16xf32>
      %add3A_607 = arith.addf %get3A_602, %get3A_606 : vector<16xf32>
      %mul3A_608 = arith.mulf %add3A_607, %get3A_598 : vector<16xf32>
      %get3A_609 = arith.constant 16 : index
      %get3A_610 = tpu.vector_load %arg20[%get3A_609] {strides = array<i32>} : memref<32xf32, #tpu.memory_space<vmem>>, vector<16xf32>,
      %get3A_611 = vector.shape_cast %get3A_610 : vector<16xf32> to vector<16xf32>
      %add3A_612 = arith.addf %mul3A_608, %get3A_611 : vector<16xf32>
      %max3A_613 = arith.constant 0.000000e+00 : f32
      %max3A_614 = vector.broadcast %max3A_613 : f32 to vector<16xf32>
      %max3A_615 = arith.maximumf %add3A_612, %max3A_614 : vector<16xf32>
      %mul3A_616 = arith.mulf %max3A_615, %get3A_598 : vector<16xf32>
      %swap3A_617 = arith.index_cast %scan3A_568 : i32 to index
      %swap3A_618 = arith.constant 16 : index
      %swap3A_619 = tpu.vector_load %arg16[%swap3A_617, %swap3A_618] {strides = array<i32>} : memref<128x32xf32, #tpu.memory_space<vmem>>, vector<1x16xf32>,
      %swap3A_620 = vector.shape_cast %swap3A_619 : vector<1x16xf32> to vector<16xf32>
      %swap3A_621 = vector.shape_cast %mul3A_616 : vector<16xf32> to vector<1x16xf32>
      tpu.vector_store %arg16[%swap3A_617, %swap3A_618], %swap3A_621 {strides = array<i32>} : memref<128x32xf32, #tpu.memory_space<vmem>>, vector<1x16xf32>,
      %scan3A_622 = arith.constant 0 : i32
      scf.yield %scan3A_622 : i32
    }
    %scan3A_204 = arith.constant 128 : i32
    %dma_start3A_205 = arith.constant 0 : i32
    %dma_start3A_206 = tpu.memref_slice %arg22[%add3A_175, %dma_start3A_205] : memref<10240x32xf32, #tpu.memory_space<vmem_shared>> -> memref<128x32xf32, #tpu.memory_space<vmem_shared>>
    %dma_start3A_207 = arith.constant 0 : i32
    %dma_start3A_208 = tpu.memref_slice %arg22[%add3A_175, %dma_start3A_207] : memref<10240x32xf32, #tpu.memory_space<vmem_shared>> -> memref<128x32xf32, #tpu.memory_space<vmem_shared>>
    tpu.enqueue_dma source(%arg16 : memref<128x32xf32, #tpu.memory_space<vmem>>) target(%dma_start3A_208 : memref<128x32xf32, #tpu.memory_space<vmem_shared>>) target_semaphore(%arg34 : memref<!tpu.dma_semaphore, #tpu.memory_space<semaphore_mem>>)
    %mul3A_209 = arith.constant 640 : i32
    %mul3A_210 = arith.muli %arg1, %mul3A_209 : i32
    %add3A_211 = arith.constant 384 : i32
    %add3A_212 = arith.addi %mul3A_210, %add3A_211 : i32
    %dma_start3A_213 = arith.constant 0 : i32
    %dma_start3A_214 = arith.constant 0 : i32
    %dma_start3A_215 = tpu.memref_slice %arg2[%dma_start3A_213, %add3A_212, %dma_start3A_214] : memref<2x10240x32xf32, #tpu.memory_space<hbm>> -> memref<1x128x32xf32, #tpu.memory_space<hbm>>
    %dma_start3A_216 = tpu.memref_squeeze %dma_start3A_215 : memref<1x128x32xf32, #tpu.memory_space<hbm>> -> memref<128x32xf32, #tpu.memory_space<hbm>>
    %dma_start3A_217 = arith.constant 0 : i32
    %dma_start3A_218 = tpu.memref_slice %arg2[%dma_start3A_213, %add3A_212, %dma_start3A_217] : memref<2x10240x32xf32, #tpu.memory_space<hbm>> -> memref<1x128x32xf32, #tpu.memory_space<hbm>>
    %dma_start3A_219 = tpu.memref_squeeze %dma_start3A_218 : memref<1x128x32xf32, #tpu.memory_space<hbm>> -> memref<128x32xf32, #tpu.memory_space<hbm>>
    tpu.enqueue_dma source(%dma_start3A_219 : memref<128x32xf32, #tpu.memory_space<hbm>>) target(%arg13 : memref<128x32xf32, #tpu.memory_space<vmem>>) target_semaphore(%arg27 : memref<!tpu.dma_semaphore, #tpu.memory_space<semaphore_mem>>)
    %dma_start3A_220 = arith.constant 1 : i32
    %dma_start3A_221 = arith.constant 0 : i32
    %dma_start3A_222 = tpu.memref_slice %arg2[%dma_start3A_220, %add3A_212, %dma_start3A_221] : memref<2x10240x32xf32, #tpu.memory_space<hbm>> -> memref<1x128x32xf32, #tpu.memory_space<hbm>>
    %dma_start3A_223 = tpu.memref_squeeze %dma_start3A_222 : memref<1x128x32xf32, #tpu.memory_space<hbm>> -> memref<128x32xf32, #tpu.memory_space<hbm>>
    %dma_start3A_224 = arith.constant 0 : i32
    %dma_start3A_225 = tpu.memref_slice %arg2[%dma_start3A_220, %add3A_212, %dma_start3A_224] : memref<2x10240x32xf32, #tpu.memory_space<hbm>> -> memref<1x128x32xf32, #tpu.memory_space<hbm>>
    %dma_start3A_226 = tpu.memref_squeeze %dma_start3A_225 : memref<1x128x32xf32, #tpu.memory_space<hbm>> -> memref<128x32xf32, #tpu.memory_space<hbm>>
    tpu.enqueue_dma source(%dma_start3A_226 : memref<128x32xf32, #tpu.memory_space<hbm>>) target(%arg14 : memref<128x32xf32, #tpu.memory_space<vmem>>) target_semaphore(%arg28 : memref<!tpu.dma_semaphore, #tpu.memory_space<semaphore_mem>>)
    %dma_start3A_227 = arith.constant 0 : i32
    %dma_start3A_228 = tpu.memref_slice %arg3[%add3A_212, %dma_start3A_227] : memref<10240x32xf32, #tpu.memory_space<hbm>> -> memref<128x32xf32, #tpu.memory_space<hbm>>
    %dma_start3A_229 = arith.constant 0 : i32
    %dma_start3A_230 = tpu.memref_slice %arg3[%add3A_212, %dma_start3A_229] : memref<10240x32xf32, #tpu.memory_space<hbm>> -> memref<128x32xf32, #tpu.memory_space<hbm>>
    tpu.enqueue_dma source(%dma_start3A_230 : memref<128x32xf32, #tpu.memory_space<hbm>>) target(%arg15 : memref<128x32xf32, #tpu.memory_space<vmem>>) target_semaphore(%arg29 : memref<!tpu.dma_semaphore, #tpu.memory_space<semaphore_mem>>)
    %mul3A_231 = arith.constant 640 : i32
    %mul3A_232 = arith.muli %arg1, %mul3A_231 : i32
    %add3A_233 = arith.constant 256 : i32
    %add3A_234 = arith.addi %mul3A_232, %add3A_233 : i32
    %mul3A_235 = arith.constant 640 : i32
    %mul3A_236 = arith.muli %arg1, %mul3A_235 : i32
    %add3A_237 = arith.constant 256 : i32
    %add3A_238 = arith.addi %mul3A_236, %add3A_237 : i32
    %dma_wait3A_239 = arith.constant 0 : i32
    %dma_wait3A_240 = arith.constant 0 : i32
    %dma_wait3A_241 = tpu.memref_slice %arg2[%dma_wait3A_239, %add3A_238, %dma_wait3A_240] : memref<2x10240x32xf32, #tpu.memory_space<hbm>> -> memref<1x128x32xf32, #tpu.memory_space<hbm>>
    %dma_wait3A_242 = tpu.memref_squeeze %dma_wait3A_241 : memref<1x128x32xf32, #tpu.memory_space<hbm>> -> memref<128x32xf32, #tpu.memory_space<hbm>>
    %dma_wait3A_243 = arith.constant 0 : i32
    %dma_wait3A_244 = tpu.memref_slice %arg2[%dma_wait3A_239, %add3A_238, %dma_wait3A_243] : memref<2x10240x32xf32, #tpu.memory_space<hbm>> -> memref<1x128x32xf32, #tpu.memory_space<hbm>>
    %dma_wait3A_245 = tpu.memref_squeeze %dma_wait3A_244 : memref<1x128x32xf32, #tpu.memory_space<hbm>> -> memref<128x32xf32, #tpu.memory_space<hbm>>
    tpu.wait_dma2 semaphore(%arg23 : memref<!tpu.dma_semaphore, #tpu.memory_space<semaphore_mem>>) src(%dma_wait3A_245 : memref<128x32xf32, #tpu.memory_space<hbm>>) dst(%arg9 : memref<128x32xf32, #tpu.memory_space<vmem>>)
    %dma_wait3A_246 = arith.constant 1 : i32
    %dma_wait3A_247 = arith.constant 0 : i32
    %dma_wait3A_248 = tpu.memref_slice %arg2[%dma_wait3A_246, %add3A_238, %dma_wait3A_247] : memref<2x10240x32xf32, #tpu.memory_space<hbm>> -> memref<1x128x32xf32, #tpu.memory_space<hbm>>
    %dma_wait3A_249 = tpu.memref_squeeze %dma_wait3A_248 : memref<1x128x32xf32, #tpu.memory_space<hbm>> -> memref<128x32xf32, #tpu.memory_space<hbm>>
    %dma_wait3A_250 = arith.constant 0 : i32
    %dma_wait3A_251 = tpu.memref_slice %arg2[%dma_wait3A_246, %add3A_238, %dma_wait3A_250] : memref<2x10240x32xf32, #tpu.memory_space<hbm>> -> memref<1x128x32xf32, #tpu.memory_space<hbm>>
    %dma_wait3A_252 = tpu.memref_squeeze %dma_wait3A_251 : memref<1x128x32xf32, #tpu.memory_space<hbm>> -> memref<128x32xf32, #tpu.memory_space<hbm>>
    tpu.wait_dma2 semaphore(%arg24 : memref<!tpu.dma_semaphore, #tpu.memory_space<semaphore_mem>>) src(%dma_wait3A_252 : memref<128x32xf32, #tpu.memory_space<hbm>>) dst(%arg10 : memref<128x32xf32, #tpu.memory_space<vmem>>)
    %dma_wait3A_253 = arith.constant 0 : i32
    %dma_wait3A_254 = tpu.memref_slice %arg3[%add3A_238, %dma_wait3A_253] : memref<10240x32xf32, #tpu.memory_space<hbm>> -> memref<128x32xf32, #tpu.memory_space<hbm>>
    %dma_wait3A_255 = arith.constant 0 : i32
    %dma_wait3A_256 = tpu.memref_slice %arg3[%add3A_238, %dma_wait3A_255] : memref<10240x32xf32, #tpu.memory_space<hbm>> -> memref<128x32xf32, #tpu.memory_space<hbm>>
    tpu.wait_dma2 semaphore(%arg25 : memref<!tpu.dma_semaphore, #tpu.memory_space<semaphore_mem>>) src(%dma_wait3A_256 : memref<128x32xf32, #tpu.memory_space<hbm>>) dst(%arg11 : memref<128x32xf32, #tpu.memory_space<vmem>>)
    %dma_wait3A_257 = arith.constant 0 : i32
    %dma_wait3A_258 = arith.constant 0 : i32
    %dma_wait3A_259 = tpu.memref_slice %arg22[%dma_wait3A_257, %dma_wait3A_258] : memref<10240x32xf32, #tpu.memory_space<vmem_shared>> -> memref<128x32xf32, #tpu.memory_space<vmem_shared>>
    %dma_wait3A_260 = arith.constant 0 : i32
    %dma_wait3A_261 = arith.constant 0 : i32
    %dma_wait3A_262 = tpu.memref_slice %arg22[%dma_wait3A_260, %dma_wait3A_261] : memref<10240x32xf32, #tpu.memory_space<vmem_shared>> -> memref<128x32xf32, #tpu.memory_space<vmem_shared>>
    tpu.wait_dma2 semaphore(%arg33 : memref<!tpu.dma_semaphore, #tpu.memory_space<semaphore_mem>>) src(%arg12 : memref<128x32xf32, #tpu.memory_space<vmem>>) dst(%dma_wait3A_262 : memref<128x32xf32, #tpu.memory_space<vmem_shared>>)
    %scan3A_263 = arith.constant 0 : i32
    %scan3A_264 = arith.constant 0 : i32
    %scan3A_265 = arith.constant 128 : i32
    %scan3A_266 = arith.addi %scan3A_264, %scan3A_265 : i32
    %scan3A_267 = arith.constant 1 : i32
    %scan3A_268 = scf.for %scan3A_568 = %scan3A_264 to %scan3A_266 step %scan3A_267 iter_args(%scan3A_569 = %scan3A_263) -> (i32)  : i32 {
      %get3A = arith.index_cast %scan3A_568 : i32 to index
      %get3A_570 = arith.constant 0 : index
      %get3A_571 = tpu.vector_load %arg11[%get3A, %get3A_570] {strides = array<i32>} : memref<128x32xf32, #tpu.memory_space<vmem>>, vector<1x16xf32>,
      %get3A_572 = vector.shape_cast %get3A_571 : vector<1x16xf32> to vector<16xf32>
      %get3A_573 = arith.index_cast %scan3A_568 : i32 to index
      %get3A_574 = arith.constant 0 : index
      %get3A_575 = tpu.vector_load %arg9[%get3A_573, %get3A_574] {strides = array<i32>} : memref<128x32xf32, #tpu.memory_space<vmem>>, vector<1x16xf32>,
      %get3A_576 = vector.shape_cast %get3A_575 : vector<1x16xf32> to vector<16xf32>
      %get3A_577 = arith.index_cast %scan3A_568 : i32 to index
      %get3A_578 = arith.constant 0 : index
      %get3A_579 = tpu.vector_load %arg10[%get3A_577, %get3A_578] {strides = array<i32>} : memref<128x32xf32, #tpu.memory_space<vmem>>, vector<1x16xf32>,
      %get3A_580 = vector.shape_cast %get3A_579 : vector<1x16xf32> to vector<16xf32>
      %add3A_581 = arith.addf %get3A_576, %get3A_580 : vector<16xf32>
      %mul3A_582 = arith.mulf %add3A_581, %get3A_572 : vector<16xf32>
      %get3A_583 = arith.constant 0 : index
      %get3A_584 = tpu.vector_load %arg20[%get3A_583] {strides = array<i32>} : memref<32xf32, #tpu.memory_space<vmem>>, vector<16xf32>,
      %get3A_585 = vector.shape_cast %get3A_584 : vector<16xf32> to vector<16xf32>
      %add3A_586 = arith.addf %mul3A_582, %get3A_585 : vector<16xf32>
      %max3A_587 = arith.constant 0.000000e+00 : f32
      %max3A_588 = vector.broadcast %max3A_587 : f32 to vector<16xf32>
      %max3A_589 = arith.maximumf %add3A_586, %max3A_588 : vector<16xf32>
      %mul3A_590 = arith.mulf %max3A_589, %get3A_572 : vector<16xf32>
      %swap3A = arith.index_cast %scan3A_568 : i32 to index
      %swap3A_591 = arith.constant 0 : index
      %swap3A_592 = tpu.vector_load %arg12[%swap3A, %swap3A_591] {strides = array<i32>} : memref<128x32xf32, #tpu.memory_space<vmem>>, vector<1x16xf32>,
      %swap3A_593 = vector.shape_cast %swap3A_592 : vector<1x16xf32> to vector<16xf32>
      %swap3A_594 = vector.shape_cast %mul3A_590 : vector<16xf32> to vector<1x16xf32>
      tpu.vector_store %arg12[%swap3A, %swap3A_591], %swap3A_594 {strides = array<i32>} : memref<128x32xf32, #tpu.memory_space<vmem>>, vector<1x16xf32>,
      %get3A_595 = arith.index_cast %scan3A_568 : i32 to index
      %get3A_596 = arith.constant 16 : index
      %get3A_597 = tpu.vector_load %arg11[%get3A_595, %get3A_596] {strides = array<i32>} : memref<128x32xf32, #tpu.memory_space<vmem>>, vector<1x16xf32>,
      %get3A_598 = vector.shape_cast %get3A_597 : vector<1x16xf32> to vector<16xf32>
      %get3A_599 = arith.index_cast %scan3A_568 : i32 to index
      %get3A_600 = arith.constant 16 : index
      %get3A_601 = tpu.vector_load %arg9[%get3A_599, %get3A_600] {strides = array<i32>} : memref<128x32xf32, #tpu.memory_space<vmem>>, vector<1x16xf32>,
      %get3A_602 = vector.shape_cast %get3A_601 : vector<1x16xf32> to vector<16xf32>
      %get3A_603 = arith.index_cast %scan3A_568 : i32 to index
      %get3A_604 = arith.constant 16 : index
      %get3A_605 = tpu.vector_load %arg10[%get3A_603, %get3A_604] {strides = array<i32>} : memref<128x32xf32, #tpu.memory_space<vmem>>, vector<1x16xf32>,
      %get3A_606 = vector.shape_cast %get3A_605 : vector<1x16xf32> to vector<16xf32>
      %add3A_607 = arith.addf %get3A_602, %get3A_606 : vector<16xf32>
      %mul3A_608 = arith.mulf %add3A_607, %get3A_598 : vector<16xf32>
      %get3A_609 = arith.constant 16 : index
      %get3A_610 = tpu.vector_load %arg20[%get3A_609] {strides = array<i32>} : memref<32xf32, #tpu.memory_space<vmem>>, vector<16xf32>,
      %get3A_611 = vector.shape_cast %get3A_610 : vector<16xf32> to vector<16xf32>
      %add3A_612 = arith.addf %mul3A_608, %get3A_611 : vector<16xf32>
      %max3A_613 = arith.constant 0.000000e+00 : f32
      %max3A_614 = vector.broadcast %max3A_613 : f32 to vector<16xf32>
      %max3A_615 = arith.maximumf %add3A_612, %max3A_614 : vector<16xf32>
      %mul3A_616 = arith.mulf %max3A_615, %get3A_598 : vector<16xf32>
      %swap3A_617 = arith.index_cast %scan3A_568 : i32 to index
      %swap3A_618 = arith.constant 16 : index
      %swap3A_619 = tpu.vector_load %arg12[%swap3A_617, %swap3A_618] {strides = array<i32>} : memref<128x32xf32, #tpu.memory_space<vmem>>, vector<1x16xf32>,
      %swap3A_620 = vector.shape_cast %swap3A_619 : vector<1x16xf32> to vector<16xf32>
      %swap3A_621 = vector.shape_cast %mul3A_616 : vector<16xf32> to vector<1x16xf32>
      tpu.vector_store %arg12[%swap3A_617, %swap3A_618], %swap3A_621 {strides = array<i32>} : memref<128x32xf32, #tpu.memory_space<vmem>>, vector<1x16xf32>,
      %scan3A_622 = arith.constant 0 : i32
      scf.yield %scan3A_622 : i32
    }
    %scan3A_269 = arith.constant 128 : i32
    %dma_start3A_270 = arith.constant 0 : i32
    %dma_start3A_271 = tpu.memref_slice %arg22[%add3A_234, %dma_start3A_270] : memref<10240x32xf32, #tpu.memory_space<vmem_shared>> -> memref<128x32xf32, #tpu.memory_space<vmem_shared>>
    %dma_start3A_272 = arith.constant 0 : i32
    %dma_start3A_273 = tpu.memref_slice %arg22[%add3A_234, %dma_start3A_272] : memref<10240x32xf32, #tpu.memory_space<vmem_shared>> -> memref<128x32xf32, #tpu.memory_space<vmem_shared>>
    tpu.enqueue_dma source(%arg12 : memref<128x32xf32, #tpu.memory_space<vmem>>) target(%dma_start3A_273 : memref<128x32xf32, #tpu.memory_space<vmem_shared>>) target_semaphore(%arg33 : memref<!tpu.dma_semaphore, #tpu.memory_space<semaphore_mem>>)
    %mul3A_274 = arith.constant 640 : i32
    %mul3A_275 = arith.muli %arg1, %mul3A_274 : i32
    %add3A_276 = arith.constant 512 : i32
    %add3A_277 = arith.addi %mul3A_275, %add3A_276 : i32
    %dma_start3A_278 = arith.constant 0 : i32
    %dma_start3A_279 = arith.constant 0 : i32
    %dma_start3A_280 = tpu.memref_slice %arg2[%dma_start3A_278, %add3A_277, %dma_start3A_279] : memref<2x10240x32xf32, #tpu.memory_space<hbm>> -> memref<1x128x32xf32, #tpu.memory_space<hbm>>
    %dma_start3A_281 = tpu.memref_squeeze %dma_start3A_280 : memref<1x128x32xf32, #tpu.memory_space<hbm>> -> memref<128x32xf32, #tpu.memory_space<hbm>>
    %dma_start3A_282 = arith.constant 0 : i32
    %dma_start3A_283 = tpu.memref_slice %arg2[%dma_start3A_278, %add3A_277, %dma_start3A_282] : memref<2x10240x32xf32, #tpu.memory_space<hbm>> -> memref<1x128x32xf32, #tpu.memory_space<hbm>>
    %dma_start3A_284 = tpu.memref_squeeze %dma_start3A_283 : memref<1x128x32xf32, #tpu.memory_space<hbm>> -> memref<128x32xf32, #tpu.memory_space<hbm>>
    tpu.enqueue_dma source(%dma_start3A_284 : memref<128x32xf32, #tpu.memory_space<hbm>>) target(%arg9 : memref<128x32xf32, #tpu.memory_space<vmem>>) target_semaphore(%arg23 : memref<!tpu.dma_semaphore, #tpu.memory_space<semaphore_mem>>)
    %dma_start3A_285 = arith.constant 1 : i32
    %dma_start3A_286 = arith.constant 0 : i32
    %dma_start3A_287 = tpu.memref_slice %arg2[%dma_start3A_285, %add3A_277, %dma_start3A_286] : memref<2x10240x32xf32, #tpu.memory_space<hbm>> -> memref<1x128x32xf32, #tpu.memory_space<hbm>>
    %dma_start3A_288 = tpu.memref_squeeze %dma_start3A_287 : memref<1x128x32xf32, #tpu.memory_space<hbm>> -> memref<128x32xf32, #tpu.memory_space<hbm>>
    %dma_start3A_289 = arith.constant 0 : i32
    %dma_start3A_290 = tpu.memref_slice %arg2[%dma_start3A_285, %add3A_277, %dma_start3A_289] : memref<2x10240x32xf32, #tpu.memory_space<hbm>> -> memref<1x128x32xf32, #tpu.memory_space<hbm>>
    %dma_start3A_291 = tpu.memref_squeeze %dma_start3A_290 : memref<1x128x32xf32, #tpu.memory_space<hbm>> -> memref<128x32xf32, #tpu.memory_space<hbm>>
    tpu.enqueue_dma source(%dma_start3A_291 : memref<128x32xf32, #tpu.memory_space<hbm>>) target(%arg10 : memref<128x32xf32, #tpu.memory_space<vmem>>) target_semaphore(%arg24 : memref<!tpu.dma_semaphore, #tpu.memory_space<semaphore_mem>>)
    %dma_start3A_292 = arith.constant 0 : i32
    %dma_start3A_293 = tpu.memref_slice %arg3[%add3A_277, %dma_start3A_292] : memref<10240x32xf32, #tpu.memory_space<hbm>> -> memref<128x32xf32, #tpu.memory_space<hbm>>
    %dma_start3A_294 = arith.constant 0 : i32
    %dma_start3A_295 = tpu.memref_slice %arg3[%add3A_277, %dma_start3A_294] : memref<10240x32xf32, #tpu.memory_space<hbm>> -> memref<128x32xf32, #tpu.memory_space<hbm>>
    tpu.enqueue_dma source(%dma_start3A_295 : memref<128x32xf32, #tpu.memory_space<hbm>>) target(%arg11 : memref<128x32xf32, #tpu.memory_space<vmem>>) target_semaphore(%arg25 : memref<!tpu.dma_semaphore, #tpu.memory_space<semaphore_mem>>)
    %mul3A_296 = arith.constant 640 : i32
    %mul3A_297 = arith.muli %arg1, %mul3A_296 : i32
    %add3A_298 = arith.constant 384 : i32
    %add3A_299 = arith.addi %mul3A_297, %add3A_298 : i32
    %mul3A_300 = arith.constant 640 : i32
    %mul3A_301 = arith.muli %arg1, %mul3A_300 : i32
    %add3A_302 = arith.constant 384 : i32
    %add3A_303 = arith.addi %mul3A_301, %add3A_302 : i32
    %dma_wait3A_304 = arith.constant 0 : i32
    %dma_wait3A_305 = arith.constant 0 : i32
    %dma_wait3A_306 = tpu.memref_slice %arg2[%dma_wait3A_304, %add3A_303, %dma_wait3A_305] : memref<2x10240x32xf32, #tpu.memory_space<hbm>> -> memref<1x128x32xf32, #tpu.memory_space<hbm>>
    %dma_wait3A_307 = tpu.memref_squeeze %dma_wait3A_306 : memref<1x128x32xf32, #tpu.memory_space<hbm>> -> memref<128x32xf32, #tpu.memory_space<hbm>>
    %dma_wait3A_308 = arith.constant 0 : i32
    %dma_wait3A_309 = tpu.memref_slice %arg2[%dma_wait3A_304, %add3A_303, %dma_wait3A_308] : memref<2x10240x32xf32, #tpu.memory_space<hbm>> -> memref<1x128x32xf32, #tpu.memory_space<hbm>>
    %dma_wait3A_310 = tpu.memref_squeeze %dma_wait3A_309 : memref<1x128x32xf32, #tpu.memory_space<hbm>> -> memref<128x32xf32, #tpu.memory_space<hbm>>
    tpu.wait_dma2 semaphore(%arg27 : memref<!tpu.dma_semaphore, #tpu.memory_space<semaphore_mem>>) src(%dma_wait3A_310 : memref<128x32xf32, #tpu.memory_space<hbm>>) dst(%arg13 : memref<128x32xf32, #tpu.memory_space<vmem>>)
    %dma_wait3A_311 = arith.constant 1 : i32
    %dma_wait3A_312 = arith.constant 0 : i32
    %dma_wait3A_313 = tpu.memref_slice %arg2[%dma_wait3A_311, %add3A_303, %dma_wait3A_312] : memref<2x10240x32xf32, #tpu.memory_space<hbm>> -> memref<1x128x32xf32, #tpu.memory_space<hbm>>
    %dma_wait3A_314 = tpu.memref_squeeze %dma_wait3A_313 : memref<1x128x32xf32, #tpu.memory_space<hbm>> -> memref<128x32xf32, #tpu.memory_space<hbm>>
    %dma_wait3A_315 = arith.constant 0 : i32
    %dma_wait3A_316 = tpu.memref_slice %arg2[%dma_wait3A_311, %add3A_303, %dma_wait3A_315] : memref<2x10240x32xf32, #tpu.memory_space<hbm>> -> memref<1x128x32xf32, #tpu.memory_space<hbm>>
    %dma_wait3A_317 = tpu.memref_squeeze %dma_wait3A_316 : memref<1x128x32xf32, #tpu.memory_space<hbm>> -> memref<128x32xf32, #tpu.memory_space<hbm>>
    tpu.wait_dma2 semaphore(%arg28 : memref<!tpu.dma_semaphore, #tpu.memory_space<semaphore_mem>>) src(%dma_wait3A_317 : memref<128x32xf32, #tpu.memory_space<hbm>>) dst(%arg14 : memref<128x32xf32, #tpu.memory_space<vmem>>)
    %dma_wait3A_318 = arith.constant 0 : i32
    %dma_wait3A_319 = tpu.memref_slice %arg3[%add3A_303, %dma_wait3A_318] : memref<10240x32xf32, #tpu.memory_space<hbm>> -> memref<128x32xf32, #tpu.memory_space<hbm>>
    %dma_wait3A_320 = arith.constant 0 : i32
    %dma_wait3A_321 = tpu.memref_slice %arg3[%add3A_303, %dma_wait3A_320] : memref<10240x32xf32, #tpu.memory_space<hbm>> -> memref<128x32xf32, #tpu.memory_space<hbm>>
    tpu.wait_dma2 semaphore(%arg29 : memref<!tpu.dma_semaphore, #tpu.memory_space<semaphore_mem>>) src(%dma_wait3A_321 : memref<128x32xf32, #tpu.memory_space<hbm>>) dst(%arg15 : memref<128x32xf32, #tpu.memory_space<vmem>>)
    %dma_wait3A_322 = arith.constant 0 : i32
    %dma_wait3A_323 = arith.constant 0 : i32
    %dma_wait3A_324 = tpu.memref_slice %arg22[%dma_wait3A_322, %dma_wait3A_323] : memref<10240x32xf32, #tpu.memory_space<vmem_shared>> -> memref<128x32xf32, #tpu.memory_space<vmem_shared>>
    %dma_wait3A_325 = arith.constant 0 : i32
    %dma_wait3A_326 = arith.constant 0 : i32
    %dma_wait3A_327 = tpu.memref_slice %arg22[%dma_wait3A_325, %dma_wait3A_326] : memref<10240x32xf32, #tpu.memory_space<vmem_shared>> -> memref<128x32xf32, #tpu.memory_space<vmem_shared>>
    tpu.wait_dma2 semaphore(%arg34 : memref<!tpu.dma_semaphore, #tpu.memory_space<semaphore_mem>>) src(%arg16 : memref<128x32xf32, #tpu.memory_space<vmem>>) dst(%dma_wait3A_327 : memref<128x32xf32, #tpu.memory_space<vmem_shared>>)
    %scan3A_328 = arith.constant 0 : i32
    %scan3A_329 = arith.constant 0 : i32
    %scan3A_330 = arith.constant 128 : i32
    %scan3A_331 = arith.addi %scan3A_329, %scan3A_330 : i32
    %scan3A_332 = arith.constant 1 : i32
    %scan3A_333 = scf.for %scan3A_568 = %scan3A_329 to %scan3A_331 step %scan3A_332 iter_args(%scan3A_569 = %scan3A_328) -> (i32)  : i32 {
      %get3A = arith.index_cast %scan3A_568 : i32 to index
      %get3A_570 = arith.constant 0 : index
      %get3A_571 = tpu.vector_load %arg15[%get3A, %get3A_570] {strides = array<i32>} : memref<128x32xf32, #tpu.memory_space<vmem>>, vector<1x16xf32>,
      %get3A_572 = vector.shape_cast %get3A_571 : vector<1x16xf32> to vector<16xf32>
      %get3A_573 = arith.index_cast %scan3A_568 : i32 to index
      %get3A_574 = arith.constant 0 : index
      %get3A_575 = tpu.vector_load %arg13[%get3A_573, %get3A_574] {strides = array<i32>} : memref<128x32xf32, #tpu.memory_space<vmem>>, vector<1x16xf32>,
      %get3A_576 = vector.shape_cast %get3A_575 : vector<1x16xf32> to vector<16xf32>
      %get3A_577 = arith.index_cast %scan3A_568 : i32 to index
      %get3A_578 = arith.constant 0 : index
      %get3A_579 = tpu.vector_load %arg14[%get3A_577, %get3A_578] {strides = array<i32>} : memref<128x32xf32, #tpu.memory_space<vmem>>, vector<1x16xf32>,
      %get3A_580 = vector.shape_cast %get3A_579 : vector<1x16xf32> to vector<16xf32>
      %add3A_581 = arith.addf %get3A_576, %get3A_580 : vector<16xf32>
      %mul3A_582 = arith.mulf %add3A_581, %get3A_572 : vector<16xf32>
      %get3A_583 = arith.constant 0 : index
      %get3A_584 = tpu.vector_load %arg20[%get3A_583] {strides = array<i32>} : memref<32xf32, #tpu.memory_space<vmem>>, vector<16xf32>,
      %get3A_585 = vector.shape_cast %get3A_584 : vector<16xf32> to vector<16xf32>
      %add3A_586 = arith.addf %mul3A_582, %get3A_585 : vector<16xf32>
      %max3A_587 = arith.constant 0.000000e+00 : f32
      %max3A_588 = vector.broadcast %max3A_587 : f32 to vector<16xf32>
      %max3A_589 = arith.maximumf %add3A_586, %max3A_588 : vector<16xf32>
      %mul3A_590 = arith.mulf %max3A_589, %get3A_572 : vector<16xf32>
      %swap3A = arith.index_cast %scan3A_568 : i32 to index
      %swap3A_591 = arith.constant 0 : index
      %swap3A_592 = tpu.vector_load %arg16[%swap3A, %swap3A_591] {strides = array<i32>} : memref<128x32xf32, #tpu.memory_space<vmem>>, vector<1x16xf32>,
      %swap3A_593 = vector.shape_cast %swap3A_592 : vector<1x16xf32> to vector<16xf32>
      %swap3A_594 = vector.shape_cast %mul3A_590 : vector<16xf32> to vector<1x16xf32>
      tpu.vector_store %arg16[%swap3A, %swap3A_591], %swap3A_594 {strides = array<i32>} : memref<128x32xf32, #tpu.memory_space<vmem>>, vector<1x16xf32>,
      %get3A_595 = arith.index_cast %scan3A_568 : i32 to index
      %get3A_596 = arith.constant 16 : index
      %get3A_597 = tpu.vector_load %arg15[%get3A_595, %get3A_596] {strides = array<i32>} : memref<128x32xf32, #tpu.memory_space<vmem>>, vector<1x16xf32>,
      %get3A_598 = vector.shape_cast %get3A_597 : vector<1x16xf32> to vector<16xf32>
      %get3A_599 = arith.index_cast %scan3A_568 : i32 to index
      %get3A_600 = arith.constant 16 : index
      %get3A_601 = tpu.vector_load %arg13[%get3A_599, %get3A_600] {strides = array<i32>} : memref<128x32xf32, #tpu.memory_space<vmem>>, vector<1x16xf32>,
      %get3A_602 = vector.shape_cast %get3A_601 : vector<1x16xf32> to vector<16xf32>
      %get3A_603 = arith.index_cast %scan3A_568 : i32 to index
      %get3A_604 = arith.constant 16 : index
      %get3A_605 = tpu.vector_load %arg14[%get3A_603, %get3A_604] {strides = array<i32>} : memref<128x32xf32, #tpu.memory_space<vmem>>, vector<1x16xf32>,
      %get3A_606 = vector.shape_cast %get3A_605 : vector<1x16xf32> to vector<16xf32>
      %add3A_607 = arith.addf %get3A_602, %get3A_606 : vector<16xf32>
      %mul3A_608 = arith.mulf %add3A_607, %get3A_598 : vector<16xf32>
      %get3A_609 = arith.constant 16 : index
      %get3A_610 = tpu.vector_load %arg20[%get3A_609] {strides = array<i32>} : memref<32xf32, #tpu.memory_space<vmem>>, vector<16xf32>,
      %get3A_611 = vector.shape_cast %get3A_610 : vector<16xf32> to vector<16xf32>
      %add3A_612 = arith.addf %mul3A_608, %get3A_611 : vector<16xf32>
      %max3A_613 = arith.constant 0.000000e+00 : f32
      %max3A_614 = vector.broadcast %max3A_613 : f32 to vector<16xf32>
      %max3A_615 = arith.maximumf %add3A_612, %max3A_614 : vector<16xf32>
      %mul3A_616 = arith.mulf %max3A_615, %get3A_598 : vector<16xf32>
      %swap3A_617 = arith.index_cast %scan3A_568 : i32 to index
      %swap3A_618 = arith.constant 16 : index
      %swap3A_619 = tpu.vector_load %arg16[%swap3A_617, %swap3A_618] {strides = array<i32>} : memref<128x32xf32, #tpu.memory_space<vmem>>, vector<1x16xf32>,
      %swap3A_620 = vector.shape_cast %swap3A_619 : vector<1x16xf32> to vector<16xf32>
      %swap3A_621 = vector.shape_cast %mul3A_616 : vector<16xf32> to vector<1x16xf32>
      tpu.vector_store %arg16[%swap3A_617, %swap3A_618], %swap3A_621 {strides = array<i32>} : memref<128x32xf32, #tpu.memory_space<vmem>>, vector<1x16xf32>,
      %scan3A_622 = arith.constant 0 : i32
      scf.yield %scan3A_622 : i32
    }
    %scan3A_334 = arith.constant 128 : i32
    %dma_start3A_335 = arith.constant 0 : i32
    %dma_start3A_336 = tpu.memref_slice %arg22[%add3A_299, %dma_start3A_335] : memref<10240x32xf32, #tpu.memory_space<vmem_shared>> -> memref<128x32xf32, #tpu.memory_space<vmem_shared>>
    %dma_start3A_337 = arith.constant 0 : i32
    %dma_start3A_338 = tpu.memref_slice %arg22[%add3A_299, %dma_start3A_337] : memref<10240x32xf32, #tpu.memory_space<vmem_shared>> -> memref<128x32xf32, #tpu.memory_space<vmem_shared>>
    tpu.enqueue_dma source(%arg16 : memref<128x32xf32, #tpu.memory_space<vmem>>) target(%dma_start3A_338 : memref<128x32xf32, #tpu.memory_space<vmem_shared>>) target_semaphore(%arg34 : memref<!tpu.dma_semaphore, #tpu.memory_space<semaphore_mem>>)
    %mul3A_339 = arith.constant 640 : i32
    %mul3A_340 = arith.muli %arg1, %mul3A_339 : i32
    %add3A_341 = arith.constant 512 : i32
    %add3A_342 = arith.addi %mul3A_340, %add3A_341 : i32
    %mul3A_343 = arith.constant 640 : i32
    %mul3A_344 = arith.muli %arg1, %mul3A_343 : i32
    %add3A_345 = arith.constant 512 : i32
    %add3A_346 = arith.addi %mul3A_344, %add3A_345 : i32
    %dma_wait3A_347 = arith.constant 0 : i32
    %dma_wait3A_348 = arith.constant 0 : i32
    %dma_wait3A_349 = tpu.memref_slice %arg2[%dma_wait3A_347, %add3A_346, %dma_wait3A_348] : memref<2x10240x32xf32, #tpu.memory_space<hbm>> -> memref<1x128x32xf32, #tpu.memory_space<hbm>>
    %dma_wait3A_350 = tpu.memref_squeeze %dma_wait3A_349 : memref<1x128x32xf32, #tpu.memory_space<hbm>> -> memref<128x32xf32, #tpu.memory_space<hbm>>
    %dma_wait3A_351 = arith.constant 0 : i32
    %dma_wait3A_352 = tpu.memref_slice %arg2[%dma_wait3A_347, %add3A_346, %dma_wait3A_351] : memref<2x10240x32xf32, #tpu.memory_space<hbm>> -> memref<1x128x32xf32, #tpu.memory_space<hbm>>
    %dma_wait3A_353 = tpu.memref_squeeze %dma_wait3A_352 : memref<1x128x32xf32, #tpu.memory_space<hbm>> -> memref<128x32xf32, #tpu.memory_space<hbm>>
    tpu.wait_dma2 semaphore(%arg23 : memref<!tpu.dma_semaphore, #tpu.memory_space<semaphore_mem>>) src(%dma_wait3A_353 : memref<128x32xf32, #tpu.memory_space<hbm>>) dst(%arg9 : memref<128x32xf32, #tpu.memory_space<vmem>>)
    %dma_wait3A_354 = arith.constant 1 : i32
    %dma_wait3A_355 = arith.constant 0 : i32
    %dma_wait3A_356 = tpu.memref_slice %arg2[%dma_wait3A_354, %add3A_346, %dma_wait3A_355] : memref<2x10240x32xf32, #tpu.memory_space<hbm>> -> memref<1x128x32xf32, #tpu.memory_space<hbm>>
    %dma_wait3A_357 = tpu.memref_squeeze %dma_wait3A_356 : memref<1x128x32xf32, #tpu.memory_space<hbm>> -> memref<128x32xf32, #tpu.memory_space<hbm>>
    %dma_wait3A_358 = arith.constant 0 : i32
    %dma_wait3A_359 = tpu.memref_slice %arg2[%dma_wait3A_354, %add3A_346, %dma_wait3A_358] : memref<2x10240x32xf32, #tpu.memory_space<hbm>> -> memref<1x128x32xf32, #tpu.memory_space<hbm>>
    %dma_wait3A_360 = tpu.memref_squeeze %dma_wait3A_359 : memref<1x128x32xf32, #tpu.memory_space<hbm>> -> memref<128x32xf32, #tpu.memory_space<hbm>>
    tpu.wait_dma2 semaphore(%arg24 : memref<!tpu.dma_semaphore, #tpu.memory_space<semaphore_mem>>) src(%dma_wait3A_360 : memref<128x32xf32, #tpu.memory_space<hbm>>) dst(%arg10 : memref<128x32xf32, #tpu.memory_space<vmem>>)
    %dma_wait3A_361 = arith.constant 0 : i32
    %dma_wait3A_362 = tpu.memref_slice %arg3[%add3A_346, %dma_wait3A_361] : memref<10240x32xf32, #tpu.memory_space<hbm>> -> memref<128x32xf32, #tpu.memory_space<hbm>>
    %dma_wait3A_363 = arith.constant 0 : i32
    %dma_wait3A_364 = tpu.memref_slice %arg3[%add3A_346, %dma_wait3A_363] : memref<10240x32xf32, #tpu.memory_space<hbm>> -> memref<128x32xf32, #tpu.memory_space<hbm>>
    tpu.wait_dma2 semaphore(%arg25 : memref<!tpu.dma_semaphore, #tpu.memory_space<semaphore_mem>>) src(%dma_wait3A_364 : memref<128x32xf32, #tpu.memory_space<hbm>>) dst(%arg11 : memref<128x32xf32, #tpu.memory_space<vmem>>)
    %dma_wait3A_365 = arith.constant 0 : i32
    %dma_wait3A_366 = arith.constant 0 : i32
    %dma_wait3A_367 = tpu.memref_slice %arg22[%dma_wait3A_365, %dma_wait3A_366] : memref<10240x32xf32, #tpu.memory_space<vmem_shared>> -> memref<128x32xf32, #tpu.memory_space<vmem_shared>>
    %dma_wait3A_368 = arith.constant 0 : i32
    %dma_wait3A_369 = arith.constant 0 : i32
    %dma_wait3A_370 = tpu.memref_slice %arg22[%dma_wait3A_368, %dma_wait3A_369] : memref<10240x32xf32, #tpu.memory_space<vmem_shared>> -> memref<128x32xf32, #tpu.memory_space<vmem_shared>>
    tpu.wait_dma2 semaphore(%arg33 : memref<!tpu.dma_semaphore, #tpu.memory_space<semaphore_mem>>) src(%arg12 : memref<128x32xf32, #tpu.memory_space<vmem>>) dst(%dma_wait3A_370 : memref<128x32xf32, #tpu.memory_space<vmem_shared>>)
    %scan3A_371 = arith.constant 0 : i32
    %scan3A_372 = arith.constant 0 : i32
    %scan3A_373 = arith.constant 128 : i32
    %scan3A_374 = arith.addi %scan3A_372, %scan3A_373 : i32
    %scan3A_375 = arith.constant 1 : i32
    %scan3A_376 = scf.for %scan3A_568 = %scan3A_372 to %scan3A_374 step %scan3A_375 iter_args(%scan3A_569 = %scan3A_371) -> (i32)  : i32 {
      %get3A = arith.index_cast %scan3A_568 : i32 to index
      %get3A_570 = arith.constant 0 : index
      %get3A_571 = tpu.vector_load %arg11[%get3A, %get3A_570] {strides = array<i32>} : memref<128x32xf32, #tpu.memory_space<vmem>>, vector<1x16xf32>,
      %get3A_572 = vector.shape_cast %get3A_571 : vector<1x16xf32> to vector<16xf32>
      %get3A_573 = arith.index_cast %scan3A_568 : i32 to index
      %get3A_574 = arith.constant 0 : index
      %get3A_575 = tpu.vector_load %arg9[%get3A_573, %get3A_574] {strides = array<i32>} : memref<128x32xf32, #tpu.memory_space<vmem>>, vector<1x16xf32>,
      %get3A_576 = vector.shape_cast %get3A_575 : vector<1x16xf32> to vector<16xf32>
      %get3A_577 = arith.index_cast %scan3A_568 : i32 to index
      %get3A_578 = arith.constant 0 : index
      %get3A_579 = tpu.vector_load %arg10[%get3A_577, %get3A_578] {strides = array<i32>} : memref<128x32xf32, #tpu.memory_space<vmem>>, vector<1x16xf32>,
      %get3A_580 = vector.shape_cast %get3A_579 : vector<1x16xf32> to vector<16xf32>
      %add3A_581 = arith.addf %get3A_576, %get3A_580 : vector<16xf32>
      %mul3A_582 = arith.mulf %add3A_581, %get3A_572 : vector<16xf32>
      %get3A_583 = arith.constant 0 : index
      %get3A_584 = tpu.vector_load %arg20[%get3A_583] {strides = array<i32>} : memref<32xf32, #tpu.memory_space<vmem>>, vector<16xf32>,
      %get3A_585 = vector.shape_cast %get3A_584 : vector<16xf32> to vector<16xf32>
      %add3A_586 = arith.addf %mul3A_582, %get3A_585 : vector<16xf32>
      %max3A_587 = arith.constant 0.000000e+00 : f32
      %max3A_588 = vector.broadcast %max3A_587 : f32 to vector<16xf32>
      %max3A_589 = arith.maximumf %add3A_586, %max3A_588 : vector<16xf32>
      %mul3A_590 = arith.mulf %max3A_589, %get3A_572 : vector<16xf32>
      %swap3A = arith.index_cast %scan3A_568 : i32 to index
      %swap3A_591 = arith.constant 0 : index
      %swap3A_592 = tpu.vector_load %arg12[%swap3A, %swap3A_591] {strides = array<i32>} : memref<128x32xf32, #tpu.memory_space<vmem>>, vector<1x16xf32>,
      %swap3A_593 = vector.shape_cast %swap3A_592 : vector<1x16xf32> to vector<16xf32>
      %swap3A_594 = vector.shape_cast %mul3A_590 : vector<16xf32> to vector<1x16xf32>
      tpu.vector_store %arg12[%swap3A, %swap3A_591], %swap3A_594 {strides = array<i32>} : memref<128x32xf32, #tpu.memory_space<vmem>>, vector<1x16xf32>,
      %get3A_595 = arith.index_cast %scan3A_568 : i32 to index
      %get3A_596 = arith.constant 16 : index
      %get3A_597 = tpu.vector_load %arg11[%get3A_595, %get3A_596] {strides = array<i32>} : memref<128x32xf32, #tpu.memory_space<vmem>>, vector<1x16xf32>,
      %get3A_598 = vector.shape_cast %get3A_597 : vector<1x16xf32> to vector<16xf32>
      %get3A_599 = arith.index_cast %scan3A_568 : i32 to index
      %get3A_600 = arith.constant 16 : index
      %get3A_601 = tpu.vector_load %arg9[%get3A_599, %get3A_600] {strides = array<i32>} : memref<128x32xf32, #tpu.memory_space<vmem>>, vector<1x16xf32>,
      %get3A_602 = vector.shape_cast %get3A_601 : vector<1x16xf32> to vector<16xf32>
      %get3A_603 = arith.index_cast %scan3A_568 : i32 to index
      %get3A_604 = arith.constant 16 : index
      %get3A_605 = tpu.vector_load %arg10[%get3A_603, %get3A_604] {strides = array<i32>} : memref<128x32xf32, #tpu.memory_space<vmem>>, vector<1x16xf32>,
      %get3A_606 = vector.shape_cast %get3A_605 : vector<1x16xf32> to vector<16xf32>
      %add3A_607 = arith.addf %get3A_602, %get3A_606 : vector<16xf32>
      %mul3A_608 = arith.mulf %add3A_607, %get3A_598 : vector<16xf32>
      %get3A_609 = arith.constant 16 : index
      %get3A_610 = tpu.vector_load %arg20[%get3A_609] {strides = array<i32>} : memref<32xf32, #tpu.memory_space<vmem>>, vector<16xf32>,
      %get3A_611 = vector.shape_cast %get3A_610 : vector<16xf32> to vector<16xf32>
      %add3A_612 = arith.addf %mul3A_608, %get3A_611 : vector<16xf32>
      %max3A_613 = arith.constant 0.000000e+00 : f32
      %max3A_614 = vector.broadcast %max3A_613 : f32 to vector<16xf32>
      %max3A_615 = arith.maximumf %add3A_612, %max3A_614 : vector<16xf32>
      %mul3A_616 = arith.mulf %max3A_615, %get3A_598 : vector<16xf32>
      %swap3A_617 = arith.index_cast %scan3A_568 : i32 to index
      %swap3A_618 = arith.constant 16 : index
      %swap3A_619 = tpu.vector_load %arg12[%swap3A_617, %swap3A_618] {strides = array<i32>} : memref<128x32xf32, #tpu.memory_space<vmem>>, vector<1x16xf32>,
      %swap3A_620 = vector.shape_cast %swap3A_619 : vector<1x16xf32> to vector<16xf32>
      %swap3A_621 = vector.shape_cast %mul3A_616 : vector<16xf32> to vector<1x16xf32>
      tpu.vector_store %arg12[%swap3A_617, %swap3A_618], %swap3A_621 {strides = array<i32>} : memref<128x32xf32, #tpu.memory_space<vmem>>, vector<1x16xf32>,
      %scan3A_622 = arith.constant 0 : i32
      scf.yield %scan3A_622 : i32
    }
    %scan3A_377 = arith.constant 128 : i32
    %dma_start3A_378 = arith.constant 0 : i32
    %dma_start3A_379 = tpu.memref_slice %arg22[%add3A_342, %dma_start3A_378] : memref<10240x32xf32, #tpu.memory_space<vmem_shared>> -> memref<128x32xf32, #tpu.memory_space<vmem_shared>>
    %dma_start3A_380 = arith.constant 0 : i32
    %dma_start3A_381 = tpu.memref_slice %arg22[%add3A_342, %dma_start3A_380] : memref<10240x32xf32, #tpu.memory_space<vmem_shared>> -> memref<128x32xf32, #tpu.memory_space<vmem_shared>>
    tpu.enqueue_dma source(%arg12 : memref<128x32xf32, #tpu.memory_space<vmem>>) target(%dma_start3A_381 : memref<128x32xf32, #tpu.memory_space<vmem_shared>>) target_semaphore(%arg33 : memref<!tpu.dma_semaphore, #tpu.memory_space<semaphore_mem>>)
    %dma_wait3A_382 = arith.constant 0 : i32
    %dma_wait3A_383 = arith.constant 0 : i32
    %dma_wait3A_384 = tpu.memref_slice %arg22[%dma_wait3A_382, %dma_wait3A_383] : memref<10240x32xf32, #tpu.memory_space<vmem_shared>> -> memref<128x32xf32, #tpu.memory_space<vmem_shared>>
    %dma_wait3A_385 = arith.constant 0 : i32
    %dma_wait3A_386 = arith.constant 0 : i32
    %dma_wait3A_387 = tpu.memref_slice %arg22[%dma_wait3A_385, %dma_wait3A_386] : memref<10240x32xf32, #tpu.memory_space<vmem_shared>> -> memref<128x32xf32, #tpu.memory_space<vmem_shared>>
    tpu.wait_dma2 semaphore(%arg34 : memref<!tpu.dma_semaphore, #tpu.memory_space<semaphore_mem>>) src(%arg16 : memref<128x32xf32, #tpu.memory_space<vmem>>) dst(%dma_wait3A_387 : memref<128x32xf32, #tpu.memory_space<vmem_shared>>)
    %dma_wait3A_388 = arith.constant 0 : i32
    %dma_wait3A_389 = arith.constant 0 : i32
    %dma_wait3A_390 = tpu.memref_slice %arg22[%dma_wait3A_388, %dma_wait3A_389] : memref<10240x32xf32, #tpu.memory_space<vmem_shared>> -> memref<128x32xf32, #tpu.memory_space<vmem_shared>>
    %dma_wait3A_391 = arith.constant 0 : i32
    %dma_wait3A_392 = arith.constant 0 : i32
    %dma_wait3A_393 = tpu.memref_slice %arg22[%dma_wait3A_391, %dma_wait3A_392] : memref<10240x32xf32, #tpu.memory_space<vmem_shared>> -> memref<128x32xf32, #tpu.memory_space<vmem_shared>>
    tpu.wait_dma2 semaphore(%arg33 : memref<!tpu.dma_semaphore, #tpu.memory_space<semaphore_mem>>) src(%arg12 : memref<128x32xf32, #tpu.memory_space<vmem>>) dst(%dma_wait3A_393 : memref<128x32xf32, #tpu.memory_space<vmem_shared>>)
    %mul3A_394 = arith.constant 640 : i32
    %mul3A_395 = arith.muli %arg1, %mul3A_394 : i32
    "tpu.region"() ({
      %run_scoped3A = tpu.sem_alloc : memref<!tpu.dma_semaphore, #tpu.memory_space<semaphore_mem>>
      %dma_start3A_568 = arith.constant 0 : i32
      %dma_start3A_569 = tpu.memref_slice %arg21[%mul3A_395, %dma_start3A_568] : memref<10240x32xf32, #tpu.memory_space<vmem_shared>> -> memref<640x32xf32, #tpu.memory_space<vmem_shared>>
      %dma_start3A_570 = arith.constant 0 : i32
      %dma_start3A_571 = tpu.memref_slice %arg21[%mul3A_395, %dma_start3A_570] : memref<10240x32xf32, #tpu.memory_space<vmem_shared>> -> memref<640x32xf32, #tpu.memory_space<vmem_shared>>
      tpu.enqueue_dma source(%arg19 : memref<640x32xf32, #tpu.memory_space<vmem>>) target(%dma_start3A_571 : memref<640x32xf32, #tpu.memory_space<vmem_shared>>) target_semaphore(%run_scoped3A : memref<!tpu.dma_semaphore, #tpu.memory_space<semaphore_mem>>)
      %dma_wait3A_572 = arith.constant 0 : i32
      %dma_wait3A_573 = tpu.memref_slice %arg21[%mul3A_395, %dma_wait3A_572] : memref<10240x32xf32, #tpu.memory_space<vmem_shared>> -> memref<640x32xf32, #tpu.memory_space<vmem_shared>>
      %dma_wait3A_574 = arith.constant 0 : i32
      %dma_wait3A_575 = tpu.memref_slice %arg21[%mul3A_395, %dma_wait3A_574] : memref<10240x32xf32, #tpu.memory_space<vmem_shared>> -> memref<640x32xf32, #tpu.memory_space<vmem_shared>>
      tpu.wait_dma2 semaphore(%run_scoped3A : memref<!tpu.dma_semaphore, #tpu.memory_space<semaphore_mem>>) src(%arg19 : memref<640x32xf32, #tpu.memory_space<vmem>>) dst(%dma_wait3A_575 : memref<640x32xf32, #tpu.memory_space<vmem_shared>>)
      tpu.yield
    }) : () -> ()
    %while3A_396 = arith.constant 0 : i32
    %while3A_397 = arith.constant 0 : i32
    %while3A_398 = arith.subi %min3A, %while3A_396 : i32
    %while3A_399 = arith.addi %while3A_396, %while3A_398 : i32
    %while3A_400 = arith.constant 1 : i32
    %while3A_401 = arith.divsi %while3A_398, %while3A_400 : i32
    %while3A_402 = arith.muli %while3A_401, %while3A_400 : i32
    %while3A_403 = arith.addi %while3A_396, %while3A_402 : i32
    %while3A_404 = arith.constant 1 : i32
    %while3A_405 = scf.for %while3A_568 = %while3A_396 to %while3A_403 step %while3A_404 iter_args(%while3A_569 = %while3A_397) -> (i32)  : i32 {
      %dma_wait3A_570 = arith.constant 0 : i32
      %dma_wait3A_571 = arith.constant 0 : i32
      %dma_wait3A_572 = tpu.memref_slice %arg7[%dma_wait3A_571] : memref<10240xi32, #tpu.memory_space<vmem>> -> memref<128xi32, #tpu.memory_space<vmem>>
      %dma_wait3A_573 = arith.constant 0 : i32
      %dma_wait3A_574 = tpu.memref_slice %arg5[%dma_wait3A_570, %dma_wait3A_573] : memref<2x320000xi32, #tpu.memory_space<hbm>> -> memref<1x128xi32, #tpu.memory_space<hbm>>
      %dma_wait3A_575 = tpu.memref_squeeze %dma_wait3A_574 : memref<1x128xi32, #tpu.memory_space<hbm>> -> memref<128xi32, #tpu.memory_space<hbm>>
      %dma_wait3A_576 = arith.constant 0 : i32
      %dma_wait3A_577 = tpu.memref_slice %arg7[%dma_wait3A_576] : memref<10240xi32, #tpu.memory_space<vmem>> -> memref<128xi32, #tpu.memory_space<vmem>>
      %dma_wait3A_578 = arith.constant 0 : i32
      %dma_wait3A_579 = tpu.memref_slice %arg5[%dma_wait3A_570, %dma_wait3A_578] : memref<2x320000xi32, #tpu.memory_space<hbm>> -> memref<1x128xi32, #tpu.memory_space<hbm>>
      %dma_wait3A_580 = tpu.memref_squeeze %dma_wait3A_579 : memref<1x128xi32, #tpu.memory_space<hbm>> -> memref<128xi32, #tpu.memory_space<hbm>>
      tpu.wait_dma2 semaphore(%arg30 : memref<!tpu.dma_semaphore, #tpu.memory_space<semaphore_mem>>) src(%dma_wait3A_580 : memref<128xi32, #tpu.memory_space<hbm>>) dst(%dma_wait3A_577 : memref<128xi32, #tpu.memory_space<vmem>>)
      %while3A_581 = arith.constant 0 : i32
      scf.yield %while3A_581 : i32
    }
    %while3A_406 = arith.constant 1 : i32
    %while3A_407 = scf.for %while3A_568 = %while3A_403 to %while3A_399 step %while3A_406 iter_args(%while3A_569 = %while3A_405) -> (i32)  : i32 {
      %dma_wait3A_570 = arith.constant 0 : i32
      %dma_wait3A_571 = arith.constant 0 : i32
      %dma_wait3A_572 = tpu.memref_slice %arg7[%dma_wait3A_571] : memref<10240xi32, #tpu.memory_space<vmem>> -> memref<128xi32, #tpu.memory_space<vmem>>
      %dma_wait3A_573 = arith.constant 0 : i32
      %dma_wait3A_574 = tpu.memref_slice %arg5[%dma_wait3A_570, %dma_wait3A_573] : memref<2x320000xi32, #tpu.memory_space<hbm>> -> memref<1x128xi32, #tpu.memory_space<hbm>>
      %dma_wait3A_575 = tpu.memref_squeeze %dma_wait3A_574 : memref<1x128xi32, #tpu.memory_space<hbm>> -> memref<128xi32, #tpu.memory_space<hbm>>
      %dma_wait3A_576 = arith.constant 0 : i32
      %dma_wait3A_577 = tpu.memref_slice %arg7[%dma_wait3A_576] : memref<10240xi32, #tpu.memory_space<vmem>> -> memref<128xi32, #tpu.memory_space<vmem>>
      %dma_wait3A_578 = arith.constant 0 : i32
      %dma_wait3A_579 = tpu.memref_slice %arg5[%dma_wait3A_570, %dma_wait3A_578] : memref<2x320000xi32, #tpu.memory_space<hbm>> -> memref<1x128xi32, #tpu.memory_space<hbm>>
      %dma_wait3A_580 = tpu.memref_squeeze %dma_wait3A_579 : memref<1x128xi32, #tpu.memory_space<hbm>> -> memref<128xi32, #tpu.memory_space<hbm>>
      tpu.wait_dma2 semaphore(%arg30 : memref<!tpu.dma_semaphore, #tpu.memory_space<semaphore_mem>>) src(%dma_wait3A_580 : memref<128xi32, #tpu.memory_space<hbm>>) dst(%dma_wait3A_577 : memref<128xi32, #tpu.memory_space<vmem>>)
      %while3A_581 = arith.constant 0 : i32
      scf.yield %while3A_581 : i32
    }
    %while3A_408 = arith.constant 0 : i32
    %while3A_409 = arith.constant 0 : i32
    %while3A_410 = arith.constant 0 : i32
    %while3A_411 = arith.subi %min3A, %while3A_409 : i32
    %while3A_412 = arith.addi %while3A_409, %while3A_411 : i32
    %while3A_413 = arith.constant 1 : i32
    %while3A_414 = arith.divsi %while3A_411, %while3A_413 : i32
    %while3A_415 = arith.muli %while3A_414, %while3A_413 : i32
    %while3A_416 = arith.addi %while3A_409, %while3A_415 : i32
    %while3A_417 = arith.constant 1 : i32
    %while3A_418 = scf.for %while3A_568 = %while3A_409 to %while3A_416 step %while3A_417 iter_args(%while3A_569 = %while3A_410) -> (i32)  : i32 {
      %dma_wait3A_570 = arith.constant 0 : i32
      %dma_wait3A_571 = arith.constant 0 : i32
      %dma_wait3A_572 = tpu.memref_slice %arg8[%while3A_408, %dma_wait3A_571] : memref<80x128xi32, #tpu.memory_space<vmem>> -> memref<1x128xi32, #tpu.memory_space<vmem>>
      %dma_wait3A_573 = tpu.memref_squeeze %dma_wait3A_572 : memref<1x128xi32, #tpu.memory_space<vmem>> -> memref<128xi32, #tpu.memory_space<vmem>>
      %dma_wait3A_574 = arith.constant 0 : i32
      %dma_wait3A_575 = tpu.memref_slice %arg5[%dma_wait3A_570, %dma_wait3A_574] : memref<2x320000xi32, #tpu.memory_space<hbm>> -> memref<1x128xi32, #tpu.memory_space<hbm>>
      %dma_wait3A_576 = tpu.memref_squeeze %dma_wait3A_575 : memref<1x128xi32, #tpu.memory_space<hbm>> -> memref<128xi32, #tpu.memory_space<hbm>>
      %dma_wait3A_577 = arith.constant 0 : i32
      %dma_wait3A_578 = tpu.memref_slice %arg8[%while3A_408, %dma_wait3A_577] : memref<80x128xi32, #tpu.memory_space<vmem>> -> memref<1x128xi32, #tpu.memory_space<vmem>>
      %dma_wait3A_579 = tpu.memref_squeeze %dma_wait3A_578 : memref<1x128xi32, #tpu.memory_space<vmem>> -> memref<128xi32, #tpu.memory_space<vmem>>
      %dma_wait3A_580 = arith.constant 0 : i32
      %dma_wait3A_581 = tpu.memref_slice %arg5[%dma_wait3A_570, %dma_wait3A_580] : memref<2x320000xi32, #tpu.memory_space<hbm>> -> memref<1x128xi32, #tpu.memory_space<hbm>>
      %dma_wait3A_582 = tpu.memref_squeeze %dma_wait3A_581 : memref<1x128xi32, #tpu.memory_space<hbm>> -> memref<128xi32, #tpu.memory_space<hbm>>
      tpu.wait_dma2 semaphore(%arg26 : memref<!tpu.dma_semaphore, #tpu.memory_space<semaphore_mem>>) src(%dma_wait3A_582 : memref<128xi32, #tpu.memory_space<hbm>>) dst(%dma_wait3A_579 : memref<128xi32, #tpu.memory_space<vmem>>)
      %while3A_583 = arith.constant 0 : i32
      scf.yield %while3A_583 : i32
    }
    %while3A_419 = arith.constant 1 : i32
    %while3A_420 = scf.for %while3A_568 = %while3A_416 to %while3A_412 step %while3A_419 iter_args(%while3A_569 = %while3A_418) -> (i32)  : i32 {
      %dma_wait3A_570 = arith.constant 0 : i32
      %dma_wait3A_571 = arith.constant 0 : i32
      %dma_wait3A_572 = tpu.memref_slice %arg8[%while3A_408, %dma_wait3A_571] : memref<80x128xi32, #tpu.memory_space<vmem>> -> memref<1x128xi32, #tpu.memory_space<vmem>>
      %dma_wait3A_573 = tpu.memref_squeeze %dma_wait3A_572 : memref<1x128xi32, #tpu.memory_space<vmem>> -> memref<128xi32, #tpu.memory_space<vmem>>
      %dma_wait3A_574 = arith.constant 0 : i32
      %dma_wait3A_575 = tpu.memref_slice %arg5[%dma_wait3A_570, %dma_wait3A_574] : memref<2x320000xi32, #tpu.memory_space<hbm>> -> memref<1x128xi32, #tpu.memory_space<hbm>>
      %dma_wait3A_576 = tpu.memref_squeeze %dma_wait3A_575 : memref<1x128xi32, #tpu.memory_space<hbm>> -> memref<128xi32, #tpu.memory_space<hbm>>
      %dma_wait3A_577 = arith.constant 0 : i32
      %dma_wait3A_578 = tpu.memref_slice %arg8[%while3A_408, %dma_wait3A_577] : memref<80x128xi32, #tpu.memory_space<vmem>> -> memref<1x128xi32, #tpu.memory_space<vmem>>
      %dma_wait3A_579 = tpu.memref_squeeze %dma_wait3A_578 : memref<1x128xi32, #tpu.memory_space<vmem>> -> memref<128xi32, #tpu.memory_space<vmem>>
      %dma_wait3A_580 = arith.constant 0 : i32
      %dma_wait3A_581 = tpu.memref_slice %arg5[%dma_wait3A_570, %dma_wait3A_580] : memref<2x320000xi32, #tpu.memory_space<hbm>> -> memref<1x128xi32, #tpu.memory_space<hbm>>
      %dma_wait3A_582 = tpu.memref_squeeze %dma_wait3A_581 : memref<1x128xi32, #tpu.memory_space<hbm>> -> memref<128xi32, #tpu.memory_space<hbm>>
      tpu.wait_dma2 semaphore(%arg26 : memref<!tpu.dma_semaphore, #tpu.memory_space<semaphore_mem>>) src(%dma_wait3A_582 : memref<128xi32, #tpu.memory_space<hbm>>) dst(%dma_wait3A_579 : memref<128xi32, #tpu.memory_space<vmem>>)
      %while3A_583 = arith.constant 0 : i32
      scf.yield %while3A_583 : i32
    }
    %barrier3A = arith.constant 0 : index
    tpu.barrier barrier_id(%barrier3A)
    %dma_start3A_421 = arith.constant 0 : i32
    %dma_start3A_422 = arith.constant 0 : i32
    %dma_start3A_423 = arith.constant 0 : i32
    %dma_start3A_424 = tpu.memref_slice %arg19[%dma_start3A_422, %dma_start3A_423] : memref<640x32xf32, #tpu.memory_space<vmem>> -> memref<128x32xf32, #tpu.memory_space<vmem>>
    %dma_start3A_425 = arith.constant 0 : i32
    %dma_start3A_426 = tpu.memref_slice %arg8[%dma_start3A_421, %dma_start3A_425] : memref<80x128xi32, #tpu.memory_space<vmem>> -> memref<1x128xi32, #tpu.memory_space<vmem>>
    %dma_start3A_427 = tpu.memref_squeeze %dma_start3A_426 : memref<1x128xi32, #tpu.memory_space<vmem>> -> memref<128xi32, #tpu.memory_space<vmem>>
    %dma_start3A_428 = arith.constant 0 : i32
    %dma_start3A_429 = arith.constant 0 : i32
    %dma_start3A_430 = tpu.memref_slice %arg21[%dma_start3A_428, %dma_start3A_429] : memref<10240x32xf32, #tpu.memory_space<vmem_shared>> -> memref<10240x32xf32, #tpu.memory_space<vmem_shared>>
    tpu.enqueue_indirect_dma source(%dma_start3A_424 : memref<128x32xf32, #tpu.memory_space<vmem>>) target(%dma_start3A_430 : memref<10240x32xf32, #tpu.memory_space<vmem_shared>>) offsets(%dma_start3A_427 : memref<128xi32, #tpu.memory_space<vmem>>) semaphore(%arg38 : memref<!tpu.dma_semaphore, #tpu.memory_space<semaphore_mem>>) {add = true}
    %dma_start3A_431 = arith.constant 0 : i32
    %dma_start3A_432 = arith.constant 0 : i32
    %dma_start3A_433 = arith.constant 0 : i32
    %dma_start3A_434 = tpu.memref_slice %arg19[%dma_start3A_432, %dma_start3A_433] : memref<640x32xf32, #tpu.memory_space<vmem>> -> memref<128x32xf32, #tpu.memory_space<vmem>>
    %dma_start3A_435 = arith.constant 0 : i32
    %dma_start3A_436 = tpu.memref_slice %arg8[%dma_start3A_431, %dma_start3A_435] : memref<80x128xi32, #tpu.memory_space<vmem>> -> memref<1x128xi32, #tpu.memory_space<vmem>>
    %dma_start3A_437 = tpu.memref_squeeze %dma_start3A_436 : memref<1x128xi32, #tpu.memory_space<vmem>> -> memref<128xi32, #tpu.memory_space<vmem>>
    %dma_start3A_438 = arith.constant 0 : i32
    %dma_start3A_439 = arith.constant 0 : i32
    %dma_start3A_440 = tpu.memref_slice %arg21[%dma_start3A_438, %dma_start3A_439] : memref<10240x32xf32, #tpu.memory_space<vmem_shared>> -> memref<10240x32xf32, #tpu.memory_space<vmem_shared>>
    tpu.enqueue_indirect_dma source(%dma_start3A_434 : memref<128x32xf32, #tpu.memory_space<vmem>>) target(%dma_start3A_440 : memref<10240x32xf32, #tpu.memory_space<vmem_shared>>) offsets(%dma_start3A_437 : memref<128xi32, #tpu.memory_space<vmem>>) semaphore(%arg39 : memref<!tpu.dma_semaphore, #tpu.memory_space<semaphore_mem>>) {add = true}
    %dma_start3A_441 = arith.constant 0 : i32
    %dma_start3A_442 = arith.constant 0 : i32
    %dma_start3A_443 = arith.constant 0 : i32
    %dma_start3A_444 = tpu.memref_slice %arg19[%dma_start3A_442, %dma_start3A_443] : memref<640x32xf32, #tpu.memory_space<vmem>> -> memref<128x32xf32, #tpu.memory_space<vmem>>
    %dma_start3A_445 = arith.constant 0 : i32
    %dma_start3A_446 = tpu.memref_slice %arg8[%dma_start3A_441, %dma_start3A_445] : memref<80x128xi32, #tpu.memory_space<vmem>> -> memref<1x128xi32, #tpu.memory_space<vmem>>
    %dma_start3A_447 = tpu.memref_squeeze %dma_start3A_446 : memref<1x128xi32, #tpu.memory_space<vmem>> -> memref<128xi32, #tpu.memory_space<vmem>>
    %dma_start3A_448 = arith.constant 0 : i32
    %dma_start3A_449 = arith.constant 0 : i32
    %dma_start3A_450 = tpu.memref_slice %arg21[%dma_start3A_448, %dma_start3A_449] : memref<10240x32xf32, #tpu.memory_space<vmem_shared>> -> memref<10240x32xf32, #tpu.memory_space<vmem_shared>>
    tpu.enqueue_indirect_dma source(%dma_start3A_444 : memref<128x32xf32, #tpu.memory_space<vmem>>) target(%dma_start3A_450 : memref<10240x32xf32, #tpu.memory_space<vmem_shared>>) offsets(%dma_start3A_447 : memref<128xi32, #tpu.memory_space<vmem>>) semaphore(%arg40 : memref<!tpu.dma_semaphore, #tpu.memory_space<semaphore_mem>>) {add = true}
    %dma_start3A_451 = arith.constant 0 : i32
    %dma_start3A_452 = arith.constant 0 : i32
    %dma_start3A_453 = arith.constant 0 : i32
    %dma_start3A_454 = tpu.memref_slice %arg19[%dma_start3A_452, %dma_start3A_453] : memref<640x32xf32, #tpu.memory_space<vmem>> -> memref<128x32xf32, #tpu.memory_space<vmem>>
    %dma_start3A_455 = arith.constant 0 : i32
    %dma_start3A_456 = tpu.memref_slice %arg8[%dma_start3A_451, %dma_start3A_455] : memref<80x128xi32, #tpu.memory_space<vmem>> -> memref<1x128xi32, #tpu.memory_space<vmem>>
    %dma_start3A_457 = tpu.memref_squeeze %dma_start3A_456 : memref<1x128xi32, #tpu.memory_space<vmem>> -> memref<128xi32, #tpu.memory_space<vmem>>
    %dma_start3A_458 = arith.constant 0 : i32
    %dma_start3A_459 = arith.constant 0 : i32
    %dma_start3A_460 = tpu.memref_slice %arg21[%dma_start3A_458, %dma_start3A_459] : memref<10240x32xf32, #tpu.memory_space<vmem_shared>> -> memref<10240x32xf32, #tpu.memory_space<vmem_shared>>
    tpu.enqueue_indirect_dma source(%dma_start3A_454 : memref<128x32xf32, #tpu.memory_space<vmem>>) target(%dma_start3A_460 : memref<10240x32xf32, #tpu.memory_space<vmem_shared>>) offsets(%dma_start3A_457 : memref<128xi32, #tpu.memory_space<vmem>>) semaphore(%arg41 : memref<!tpu.dma_semaphore, #tpu.memory_space<semaphore_mem>>) {add = true}
    %dma_start3A_461 = arith.constant 0 : i32
    %dma_start3A_462 = arith.constant 0 : i32
    %dma_start3A_463 = arith.constant 0 : i32
    %dma_start3A_464 = tpu.memref_slice %arg19[%dma_start3A_462, %dma_start3A_463] : memref<640x32xf32, #tpu.memory_space<vmem>> -> memref<128x32xf32, #tpu.memory_space<vmem>>
    %dma_start3A_465 = arith.constant 0 : i32
    %dma_start3A_466 = tpu.memref_slice %arg8[%dma_start3A_461, %dma_start3A_465] : memref<80x128xi32, #tpu.memory_space<vmem>> -> memref<1x128xi32, #tpu.memory_space<vmem>>
    %dma_start3A_467 = tpu.memref_squeeze %dma_start3A_466 : memref<1x128xi32, #tpu.memory_space<vmem>> -> memref<128xi32, #tpu.memory_space<vmem>>
    %dma_start3A_468 = arith.constant 0 : i32
    %dma_start3A_469 = arith.constant 0 : i32
    %dma_start3A_470 = tpu.memref_slice %arg21[%dma_start3A_468, %dma_start3A_469] : memref<10240x32xf32, #tpu.memory_space<vmem_shared>> -> memref<10240x32xf32, #tpu.memory_space<vmem_shared>>
    tpu.enqueue_indirect_dma source(%dma_start3A_464 : memref<128x32xf32, #tpu.memory_space<vmem>>) target(%dma_start3A_470 : memref<10240x32xf32, #tpu.memory_space<vmem_shared>>) offsets(%dma_start3A_467 : memref<128xi32, #tpu.memory_space<vmem>>) semaphore(%arg42 : memref<!tpu.dma_semaphore, #tpu.memory_space<semaphore_mem>>) {add = true}
    %dma_start3A_471 = arith.constant 0 : i32
    %dma_start3A_472 = tpu.memref_slice %arg7[%dma_start3A_471] : memref<10240xi32, #tpu.memory_space<vmem>> -> memref<128xi32, #tpu.memory_space<vmem>>
    %dma_start3A_473 = arith.constant 0 : i32
    %dma_start3A_474 = arith.constant 0 : i32
    %dma_start3A_475 = tpu.memref_slice %arg22[%dma_start3A_473, %dma_start3A_474] : memref<10240x32xf32, #tpu.memory_space<vmem_shared>> -> memref<10240x32xf32, #tpu.memory_space<vmem_shared>>
    tpu.enqueue_indirect_dma source(%dma_start3A_475 : memref<10240x32xf32, #tpu.memory_space<vmem_shared>>) target(%arg9 : memref<128x32xf32, #tpu.memory_space<vmem>>) offsets(%dma_start3A_472 : memref<128xi32, #tpu.memory_space<vmem>>) semaphore(%arg23 : memref<!tpu.dma_semaphore, #tpu.memory_space<semaphore_mem>>)
    %dma_start3A_476 = arith.constant 128 : i32
    %dma_start3A_477 = tpu.memref_slice %arg7[%dma_start3A_476] : memref<10240xi32, #tpu.memory_space<vmem>> -> memref<128xi32, #tpu.memory_space<vmem>>
    %dma_start3A_478 = arith.constant 0 : i32
    %dma_start3A_479 = arith.constant 0 : i32
    %dma_start3A_480 = tpu.memref_slice %arg22[%dma_start3A_478, %dma_start3A_479] : memref<10240x32xf32, #tpu.memory_space<vmem_shared>> -> memref<10240x32xf32, #tpu.memory_space<vmem_shared>>
    tpu.enqueue_indirect_dma source(%dma_start3A_480 : memref<10240x32xf32, #tpu.memory_space<vmem_shared>>) target(%arg10 : memref<128x32xf32, #tpu.memory_space<vmem>>) offsets(%dma_start3A_477 : memref<128xi32, #tpu.memory_space<vmem>>) semaphore(%arg24 : memref<!tpu.dma_semaphore, #tpu.memory_space<semaphore_mem>>)
    %dma_start3A_481 = arith.constant 256 : i32
    %dma_start3A_482 = tpu.memref_slice %arg7[%dma_start3A_481] : memref<10240xi32, #tpu.memory_space<vmem>> -> memref<128xi32, #tpu.memory_space<vmem>>
    %dma_start3A_483 = arith.constant 0 : i32
    %dma_start3A_484 = arith.constant 0 : i32
    %dma_start3A_485 = tpu.memref_slice %arg22[%dma_start3A_483, %dma_start3A_484] : memref<10240x32xf32, #tpu.memory_space<vmem_shared>> -> memref<10240x32xf32, #tpu.memory_space<vmem_shared>>
    tpu.enqueue_indirect_dma source(%dma_start3A_485 : memref<10240x32xf32, #tpu.memory_space<vmem_shared>>) target(%arg11 : memref<128x32xf32, #tpu.memory_space<vmem>>) offsets(%dma_start3A_482 : memref<128xi32, #tpu.memory_space<vmem>>) semaphore(%arg25 : memref<!tpu.dma_semaphore, #tpu.memory_space<semaphore_mem>>)
    %dma_start3A_486 = arith.constant 384 : i32
    %dma_start3A_487 = tpu.memref_slice %arg7[%dma_start3A_486] : memref<10240xi32, #tpu.memory_space<vmem>> -> memref<128xi32, #tpu.memory_space<vmem>>
    %dma_start3A_488 = arith.constant 0 : i32
    %dma_start3A_489 = arith.constant 0 : i32
    %dma_start3A_490 = tpu.memref_slice %arg22[%dma_start3A_488, %dma_start3A_489] : memref<10240x32xf32, #tpu.memory_space<vmem_shared>> -> memref<10240x32xf32, #tpu.memory_space<vmem_shared>>
    tpu.enqueue_indirect_dma source(%dma_start3A_490 : memref<10240x32xf32, #tpu.memory_space<vmem_shared>>) target(%arg12 : memref<128x32xf32, #tpu.memory_space<vmem>>) offsets(%dma_start3A_487 : memref<128xi32, #tpu.memory_space<vmem>>) semaphore(%arg26 : memref<!tpu.dma_semaphore, #tpu.memory_space<semaphore_mem>>)
    %dma_start3A_491 = arith.constant 512 : i32
    %dma_start3A_492 = tpu.memref_slice %arg7[%dma_start3A_491] : memref<10240xi32, #tpu.memory_space<vmem>> -> memref<128xi32, #tpu.memory_space<vmem>>
    %dma_start3A_493 = arith.constant 0 : i32
    %dma_start3A_494 = arith.constant 0 : i32
    %dma_start3A_495 = tpu.memref_slice %arg22[%dma_start3A_493, %dma_start3A_494] : memref<10240x32xf32, #tpu.memory_space<vmem_shared>> -> memref<10240x32xf32, #tpu.memory_space<vmem_shared>>
    tpu.enqueue_indirect_dma source(%dma_start3A_495 : memref<10240x32xf32, #tpu.memory_space<vmem_shared>>) target(%arg13 : memref<128x32xf32, #tpu.memory_space<vmem>>) offsets(%dma_start3A_492 : memref<128xi32, #tpu.memory_space<vmem>>) semaphore(%arg27 : memref<!tpu.dma_semaphore, #tpu.memory_space<semaphore_mem>>)
    %scan3A_496 = arith.constant 0 : i32
    %scan3A_497 = arith.constant 0 : i32
    %scan3A_498 = arith.constant 8 : i32
    %scan3A_499 = arith.addi %scan3A_497, %scan3A_498 : i32
    %scan3A_500 = arith.constant 1 : i32
    %scan3A_501 = scf.for %scan3A_568 = %scan3A_497 to %scan3A_499 step %scan3A_500 iter_args(%scan3A_569 = %scan3A_496) -> (i32)  : i32 {
      %mul3A_570 = arith.constant 10 : i32
      %mul3A_571 = arith.muli %mul3A_570, %scan3A_568 : i32
      %add3A_572 = arith.constant 0 : i32
      %add3A_573 = arith.addi %mul3A_571, %add3A_572 : i32
      %mul3A_574 = arith.constant 128 : i32
      %mul3A_575 = arith.muli %add3A_573, %mul3A_574 : i32
      %dma_wait3A_576 = tpu.memref_slice %arg7[%mul3A_575] : memref<10240xi32, #tpu.memory_space<vmem>> -> memref<128xi32, #tpu.memory_space<vmem>>
      %dma_wait3A_577 = arith.constant 0 : i32
      %dma_wait3A_578 = arith.constant 0 : i32
      %dma_wait3A_579 = tpu.memref_slice %arg22[%dma_wait3A_577, %dma_wait3A_578] : memref<10240x32xf32, #tpu.memory_space<vmem_shared>> -> memref<10240x32xf32, #tpu.memory_space<vmem_shared>>
      tpu.wait_indirect_dma semaphore(%arg23 : memref<!tpu.dma_semaphore, #tpu.memory_space<semaphore_mem>>) src(%dma_wait3A_579 : memref<10240x32xf32, #tpu.memory_space<vmem_shared>>) dst(%arg9 : memref<128x32xf32, #tpu.memory_space<vmem>>)
      %dma_start3A_580 = arith.constant 0 : i32
      %dma_start3A_581 = tpu.memref_slice %arg8[%add3A_573, %dma_start3A_580] : memref<80x128xi32, #tpu.memory_space<vmem>> -> memref<1x128xi32, #tpu.memory_space<vmem>>
      %dma_start3A_582 = tpu.memref_squeeze %dma_start3A_581 : memref<1x128xi32, #tpu.memory_space<vmem>> -> memref<128xi32, #tpu.memory_space<vmem>>
      %dma_start3A_583 = arith.constant 0 : i32
      %dma_start3A_584 = arith.constant 0 : i32
      %dma_start3A_585 = tpu.memref_slice %arg21[%dma_start3A_583, %dma_start3A_584] : memref<10240x32xf32, #tpu.memory_space<vmem_shared>> -> memref<10240x32xf32, #tpu.memory_space<vmem_shared>>
      tpu.enqueue_indirect_dma source(%arg9 : memref<128x32xf32, #tpu.memory_space<vmem>>) target(%dma_start3A_585 : memref<10240x32xf32, #tpu.memory_space<vmem_shared>>) offsets(%dma_start3A_582 : memref<128xi32, #tpu.memory_space<vmem>>) semaphore(%arg33 : memref<!tpu.dma_semaphore, #tpu.memory_space<semaphore_mem>>) {add = true}
      %dma_wait3A_586 = arith.constant 0 : i32
      %dma_wait3A_587 = tpu.memref_slice %arg8[%add3A_573, %dma_wait3A_586] : memref<80x128xi32, #tpu.memory_space<vmem>> -> memref<1x128xi32, #tpu.memory_space<vmem>>
      %dma_wait3A_588 = tpu.memref_squeeze %dma_wait3A_587 : memref<1x128xi32, #tpu.memory_space<vmem>> -> memref<128xi32, #tpu.memory_space<vmem>>
      %dma_wait3A_589 = arith.constant 0 : i32
      %dma_wait3A_590 = arith.constant 0 : i32
      %dma_wait3A_591 = tpu.memref_slice %arg21[%dma_wait3A_589, %dma_wait3A_590] : memref<10240x32xf32, #tpu.memory_space<vmem_shared>> -> memref<10240x32xf32, #tpu.memory_space<vmem_shared>>
      tpu.wait_indirect_dma semaphore(%arg38 : memref<!tpu.dma_semaphore, #tpu.memory_space<semaphore_mem>>) src(%arg14 : memref<128x32xf32, #tpu.memory_space<vmem>>) dst(%dma_wait3A_591 : memref<10240x32xf32, #tpu.memory_space<vmem_shared>>)
      %add3A_592 = arith.constant 5 : i32
      %add3A_593 = arith.addi %add3A_573, %add3A_592 : i32
      %jit3A_594 = arith.constant 80 : i32
      %eq3A = arith.constant 0 : i32
      %eq3A_595 = arith.cmpi eq, %jit3A_594, %eq3A : i32
      %jit3A_596 = arith.constant 1 : i32
      %select_n3A = arith.select %eq3A_595, %jit3A_596, %jit3A_594 : i32
      %rem3A = arith.remsi %add3A_593, %select_n3A : i32
      %ne3A = arith.constant 0 : i32
      %ne3A_597 = arith.cmpi ne, %rem3A, %ne3A : i32
      %lt3A = arith.constant 0 : i32
      %lt3A_598 = arith.cmpi slt, %rem3A, %lt3A : i32
      %lt3A_599 = arith.constant 0 : i32
      %lt3A_600 = arith.cmpi slt, %select_n3A, %lt3A_599 : i32
      %ne3A_601 = arith.xori %lt3A_598, %lt3A_600 : i1
      %and3A = arith.andi %ne3A_601, %ne3A_597 : i1
      %add3A_602 = arith.addi %rem3A, %select_n3A : i32
      %select_n3A_603 = arith.select %and3A, %add3A_602, %rem3A : i32
      %mul3A_604 = arith.constant 128 : i32
      %mul3A_605 = arith.muli %select_n3A_603, %mul3A_604 : i32
      %dma_start3A_606 = tpu.memref_slice %arg7[%mul3A_605] : memref<10240xi32, #tpu.memory_space<vmem>> -> memref<128xi32, #tpu.memory_space<vmem>>
      %dma_start3A_607 = arith.constant 0 : i32
      %dma_start3A_608 = arith.constant 0 : i32
      %dma_start3A_609 = tpu.memref_slice %arg22[%dma_start3A_607, %dma_start3A_608] : memref<10240x32xf32, #tpu.memory_space<vmem_shared>> -> memref<10240x32xf32, #tpu.memory_space<vmem_shared>>
      tpu.enqueue_indirect_dma source(%dma_start3A_609 : memref<10240x32xf32, #tpu.memory_space<vmem_shared>>) target(%arg14 : memref<128x32xf32, #tpu.memory_space<vmem>>) offsets(%dma_start3A_606 : memref<128xi32, #tpu.memory_space<vmem>>) semaphore(%arg28 : memref<!tpu.dma_semaphore, #tpu.memory_space<semaphore_mem>>)
      %mul3A_610 = arith.constant 10 : i32
      %mul3A_611 = arith.muli %mul3A_610, %scan3A_568 : i32
      %add3A_612 = arith.constant 1 : i32
      %add3A_613 = arith.addi %mul3A_611, %add3A_612 : i32
      %mul3A_614 = arith.constant 128 : i32
      %mul3A_615 = arith.muli %add3A_613, %mul3A_614 : i32
      %dma_wait3A_616 = tpu.memref_slice %arg7[%mul3A_615] : memref<10240xi32, #tpu.memory_space<vmem>> -> memref<128xi32, #tpu.memory_space<vmem>>
      %dma_wait3A_617 = arith.constant 0 : i32
      %dma_wait3A_618 = arith.constant 0 : i32
      %dma_wait3A_619 = tpu.memref_slice %arg22[%dma_wait3A_617, %dma_wait3A_618] : memref<10240x32xf32, #tpu.memory_space<vmem_shared>> -> memref<10240x32xf32, #tpu.memory_space<vmem_shared>>
      tpu.wait_indirect_dma semaphore(%arg24 : memref<!tpu.dma_semaphore, #tpu.memory_space<semaphore_mem>>) src(%dma_wait3A_619 : memref<10240x32xf32, #tpu.memory_space<vmem_shared>>) dst(%arg10 : memref<128x32xf32, #tpu.memory_space<vmem>>)
      %dma_start3A_620 = arith.constant 0 : i32
      %dma_start3A_621 = tpu.memref_slice %arg8[%add3A_613, %dma_start3A_620] : memref<80x128xi32, #tpu.memory_space<vmem>> -> memref<1x128xi32, #tpu.memory_space<vmem>>
      %dma_start3A_622 = tpu.memref_squeeze %dma_start3A_621 : memref<1x128xi32, #tpu.memory_space<vmem>> -> memref<128xi32, #tpu.memory_space<vmem>>
      %dma_start3A_623 = arith.constant 0 : i32
      %dma_start3A_624 = arith.constant 0 : i32
      %dma_start3A_625 = tpu.memref_slice %arg21[%dma_start3A_623, %dma_start3A_624] : memref<10240x32xf32, #tpu.memory_space<vmem_shared>> -> memref<10240x32xf32, #tpu.memory_space<vmem_shared>>
      tpu.enqueue_indirect_dma source(%arg10 : memref<128x32xf32, #tpu.memory_space<vmem>>) target(%dma_start3A_625 : memref<10240x32xf32, #tpu.memory_space<vmem_shared>>) offsets(%dma_start3A_622 : memref<128xi32, #tpu.memory_space<vmem>>) semaphore(%arg34 : memref<!tpu.dma_semaphore, #tpu.memory_space<semaphore_mem>>) {add = true}
      %dma_wait3A_626 = arith.constant 0 : i32
      %dma_wait3A_627 = tpu.memref_slice %arg8[%add3A_613, %dma_wait3A_626] : memref<80x128xi32, #tpu.memory_space<vmem>> -> memref<1x128xi32, #tpu.memory_space<vmem>>
      %dma_wait3A_628 = tpu.memref_squeeze %dma_wait3A_627 : memref<1x128xi32, #tpu.memory_space<vmem>> -> memref<128xi32, #tpu.memory_space<vmem>>
      %dma_wait3A_629 = arith.constant 0 : i32
      %dma_wait3A_630 = arith.constant 0 : i32
      %dma_wait3A_631 = tpu.memref_slice %arg21[%dma_wait3A_629, %dma_wait3A_630] : memref<10240x32xf32, #tpu.memory_space<vmem_shared>> -> memref<10240x32xf32, #tpu.memory_space<vmem_shared>>
      tpu.wait_indirect_dma semaphore(%arg39 : memref<!tpu.dma_semaphore, #tpu.memory_space<semaphore_mem>>) src(%arg15 : memref<128x32xf32, #tpu.memory_space<vmem>>) dst(%dma_wait3A_631 : memref<10240x32xf32, #tpu.memory_space<vmem_shared>>)
      %add3A_632 = arith.constant 5 : i32
      %add3A_633 = arith.addi %add3A_613, %add3A_632 : i32
      %jit3A_634 = arith.constant 80 : i32
      %eq3A_635 = arith.constant 0 : i32
      %eq3A_636 = arith.cmpi eq, %jit3A_634, %eq3A_635 : i32
      %jit3A_637 = arith.constant 1 : i32
      %select_n3A_638 = arith.select %eq3A_636, %jit3A_637, %jit3A_634 : i32
      %rem3A_639 = arith.remsi %add3A_633, %select_n3A_638 : i32
      %ne3A_640 = arith.constant 0 : i32
      %ne3A_641 = arith.cmpi ne, %rem3A_639, %ne3A_640 : i32
      %lt3A_642 = arith.constant 0 : i32
      %lt3A_643 = arith.cmpi slt, %rem3A_639, %lt3A_642 : i32
      %lt3A_644 = arith.constant 0 : i32
      %lt3A_645 = arith.cmpi slt, %select_n3A_638, %lt3A_644 : i32
      %ne3A_646 = arith.xori %lt3A_643, %lt3A_645 : i1
      %and3A_647 = arith.andi %ne3A_646, %ne3A_641 : i1
      %add3A_648 = arith.addi %rem3A_639, %select_n3A_638 : i32
      %select_n3A_649 = arith.select %and3A_647, %add3A_648, %rem3A_639 : i32
      %mul3A_650 = arith.constant 128 : i32
      %mul3A_651 = arith.muli %select_n3A_649, %mul3A_650 : i32
      %dma_start3A_652 = tpu.memref_slice %arg7[%mul3A_651] : memref<10240xi32, #tpu.memory_space<vmem>> -> memref<128xi32, #tpu.memory_space<vmem>>
      %dma_start3A_653 = arith.constant 0 : i32
      %dma_start3A_654 = arith.constant 0 : i32
      %dma_start3A_655 = tpu.memref_slice %arg22[%dma_start3A_653, %dma_start3A_654] : memref<10240x32xf32, #tpu.memory_space<vmem_shared>> -> memref<10240x32xf32, #tpu.memory_space<vmem_shared>>
      tpu.enqueue_indirect_dma source(%dma_start3A_655 : memref<10240x32xf32, #tpu.memory_space<vmem_shared>>) target(%arg15 : memref<128x32xf32, #tpu.memory_space<vmem>>) offsets(%dma_start3A_652 : memref<128xi32, #tpu.memory_space<vmem>>) semaphore(%arg29 : memref<!tpu.dma_semaphore, #tpu.memory_space<semaphore_mem>>)
      %mul3A_656 = arith.constant 10 : i32
      %mul3A_657 = arith.muli %mul3A_656, %scan3A_568 : i32
      %add3A_658 = arith.constant 2 : i32
      %add3A_659 = arith.addi %mul3A_657, %add3A_658 : i32
      %mul3A_660 = arith.constant 128 : i32
      %mul3A_661 = arith.muli %add3A_659, %mul3A_660 : i32
      %dma_wait3A_662 = tpu.memref_slice %arg7[%mul3A_661] : memref<10240xi32, #tpu.memory_space<vmem>> -> memref<128xi32, #tpu.memory_space<vmem>>
      %dma_wait3A_663 = arith.constant 0 : i32
      %dma_wait3A_664 = arith.constant 0 : i32
      %dma_wait3A_665 = tpu.memref_slice %arg22[%dma_wait3A_663, %dma_wait3A_664] : memref<10240x32xf32, #tpu.memory_space<vmem_shared>> -> memref<10240x32xf32, #tpu.memory_space<vmem_shared>>
      tpu.wait_indirect_dma semaphore(%arg25 : memref<!tpu.dma_semaphore, #tpu.memory_space<semaphore_mem>>) src(%dma_wait3A_665 : memref<10240x32xf32, #tpu.memory_space<vmem_shared>>) dst(%arg11 : memref<128x32xf32, #tpu.memory_space<vmem>>)
      %dma_start3A_666 = arith.constant 0 : i32
      %dma_start3A_667 = tpu.memref_slice %arg8[%add3A_659, %dma_start3A_666] : memref<80x128xi32, #tpu.memory_space<vmem>> -> memref<1x128xi32, #tpu.memory_space<vmem>>
      %dma_start3A_668 = tpu.memref_squeeze %dma_start3A_667 : memref<1x128xi32, #tpu.memory_space<vmem>> -> memref<128xi32, #tpu.memory_space<vmem>>
      %dma_start3A_669 = arith.constant 0 : i32
      %dma_start3A_670 = arith.constant 0 : i32
      %dma_start3A_671 = tpu.memref_slice %arg21[%dma_start3A_669, %dma_start3A_670] : memref<10240x32xf32, #tpu.memory_space<vmem_shared>> -> memref<10240x32xf32, #tpu.memory_space<vmem_shared>>
      tpu.enqueue_indirect_dma source(%arg11 : memref<128x32xf32, #tpu.memory_space<vmem>>) target(%dma_start3A_671 : memref<10240x32xf32, #tpu.memory_space<vmem_shared>>) offsets(%dma_start3A_668 : memref<128xi32, #tpu.memory_space<vmem>>) semaphore(%arg35 : memref<!tpu.dma_semaphore, #tpu.memory_space<semaphore_mem>>) {add = true}
      %dma_wait3A_672 = arith.constant 0 : i32
      %dma_wait3A_673 = tpu.memref_slice %arg8[%add3A_659, %dma_wait3A_672] : memref<80x128xi32, #tpu.memory_space<vmem>> -> memref<1x128xi32, #tpu.memory_space<vmem>>
      %dma_wait3A_674 = tpu.memref_squeeze %dma_wait3A_673 : memref<1x128xi32, #tpu.memory_space<vmem>> -> memref<128xi32, #tpu.memory_space<vmem>>
      %dma_wait3A_675 = arith.constant 0 : i32
      %dma_wait3A_676 = arith.constant 0 : i32
      %dma_wait3A_677 = tpu.memref_slice %arg21[%dma_wait3A_675, %dma_wait3A_676] : memref<10240x32xf32, #tpu.memory_space<vmem_shared>> -> memref<10240x32xf32, #tpu.memory_space<vmem_shared>>
      tpu.wait_indirect_dma semaphore(%arg40 : memref<!tpu.dma_semaphore, #tpu.memory_space<semaphore_mem>>) src(%arg16 : memref<128x32xf32, #tpu.memory_space<vmem>>) dst(%dma_wait3A_677 : memref<10240x32xf32, #tpu.memory_space<vmem_shared>>)
      %add3A_678 = arith.constant 5 : i32
      %add3A_679 = arith.addi %add3A_659, %add3A_678 : i32
      %jit3A_680 = arith.constant 80 : i32
      %eq3A_681 = arith.constant 0 : i32
      %eq3A_682 = arith.cmpi eq, %jit3A_680, %eq3A_681 : i32
      %jit3A_683 = arith.constant 1 : i32
      %select_n3A_684 = arith.select %eq3A_682, %jit3A_683, %jit3A_680 : i32
      %rem3A_685 = arith.remsi %add3A_679, %select_n3A_684 : i32
      %ne3A_686 = arith.constant 0 : i32
      %ne3A_687 = arith.cmpi ne, %rem3A_685, %ne3A_686 : i32
      %lt3A_688 = arith.constant 0 : i32
      %lt3A_689 = arith.cmpi slt, %rem3A_685, %lt3A_688 : i32
      %lt3A_690 = arith.constant 0 : i32
      %lt3A_691 = arith.cmpi slt, %select_n3A_684, %lt3A_690 : i32
      %ne3A_692 = arith.xori %lt3A_689, %lt3A_691 : i1
      %and3A_693 = arith.andi %ne3A_692, %ne3A_687 : i1
      %add3A_694 = arith.addi %rem3A_685, %select_n3A_684 : i32
      %select_n3A_695 = arith.select %and3A_693, %add3A_694, %rem3A_685 : i32
      %mul3A_696 = arith.constant 128 : i32
      %mul3A_697 = arith.muli %select_n3A_695, %mul3A_696 : i32
      %dma_start3A_698 = tpu.memref_slice %arg7[%mul3A_697] : memref<10240xi32, #tpu.memory_space<vmem>> -> memref<128xi32, #tpu.memory_space<vmem>>
      %dma_start3A_699 = arith.constant 0 : i32
      %dma_start3A_700 = arith.constant 0 : i32
      %dma_start3A_701 = tpu.memref_slice %arg22[%dma_start3A_699, %dma_start3A_700] : memref<10240x32xf32, #tpu.memory_space<vmem_shared>> -> memref<10240x32xf32, #tpu.memory_space<vmem_shared>>
      tpu.enqueue_indirect_dma source(%dma_start3A_701 : memref<10240x32xf32, #tpu.memory_space<vmem_shared>>) target(%arg16 : memref<128x32xf32, #tpu.memory_space<vmem>>) offsets(%dma_start3A_698 : memref<128xi32, #tpu.memory_space<vmem>>) semaphore(%arg30 : memref<!tpu.dma_semaphore, #tpu.memory_space<semaphore_mem>>)
      %mul3A_702 = arith.constant 10 : i32
      %mul3A_703 = arith.muli %mul3A_702, %scan3A_568 : i32
      %add3A_704 = arith.constant 3 : i32
      %add3A_705 = arith.addi %mul3A_703, %add3A_704 : i32
      %mul3A_706 = arith.constant 128 : i32
      %mul3A_707 = arith.muli %add3A_705, %mul3A_706 : i32
      %dma_wait3A_708 = tpu.memref_slice %arg7[%mul3A_707] : memref<10240xi32, #tpu.memory_space<vmem>> -> memref<128xi32, #tpu.memory_space<vmem>>
      %dma_wait3A_709 = arith.constant 0 : i32
      %dma_wait3A_710 = arith.constant 0 : i32
      %dma_wait3A_711 = tpu.memref_slice %arg22[%dma_wait3A_709, %dma_wait3A_710] : memref<10240x32xf32, #tpu.memory_space<vmem_shared>> -> memref<10240x32xf32, #tpu.memory_space<vmem_shared>>
      tpu.wait_indirect_dma semaphore(%arg26 : memref<!tpu.dma_semaphore, #tpu.memory_space<semaphore_mem>>) src(%dma_wait3A_711 : memref<10240x32xf32, #tpu.memory_space<vmem_shared>>) dst(%arg12 : memref<128x32xf32, #tpu.memory_space<vmem>>)
      %dma_start3A_712 = arith.constant 0 : i32
      %dma_start3A_713 = tpu.memref_slice %arg8[%add3A_705, %dma_start3A_712] : memref<80x128xi32, #tpu.memory_space<vmem>> -> memref<1x128xi32, #tpu.memory_space<vmem>>
      %dma_start3A_714 = tpu.memref_squeeze %dma_start3A_713 : memref<1x128xi32, #tpu.memory_space<vmem>> -> memref<128xi32, #tpu.memory_space<vmem>>
      %dma_start3A_715 = arith.constant 0 : i32
      %dma_start3A_716 = arith.constant 0 : i32
      %dma_start3A_717 = tpu.memref_slice %arg21[%dma_start3A_715, %dma_start3A_716] : memref<10240x32xf32, #tpu.memory_space<vmem_shared>> -> memref<10240x32xf32, #tpu.memory_space<vmem_shared>>
      tpu.enqueue_indirect_dma source(%arg12 : memref<128x32xf32, #tpu.memory_space<vmem>>) target(%dma_start3A_717 : memref<10240x32xf32, #tpu.memory_space<vmem_shared>>) offsets(%dma_start3A_714 : memref<128xi32, #tpu.memory_space<vmem>>) semaphore(%arg36 : memref<!tpu.dma_semaphore, #tpu.memory_space<semaphore_mem>>) {add = true}
      %dma_wait3A_718 = arith.constant 0 : i32
      %dma_wait3A_719 = tpu.memref_slice %arg8[%add3A_705, %dma_wait3A_718] : memref<80x128xi32, #tpu.memory_space<vmem>> -> memref<1x128xi32, #tpu.memory_space<vmem>>
      %dma_wait3A_720 = tpu.memref_squeeze %dma_wait3A_719 : memref<1x128xi32, #tpu.memory_space<vmem>> -> memref<128xi32, #tpu.memory_space<vmem>>
      %dma_wait3A_721 = arith.constant 0 : i32
      %dma_wait3A_722 = arith.constant 0 : i32
      %dma_wait3A_723 = tpu.memref_slice %arg21[%dma_wait3A_721, %dma_wait3A_722] : memref<10240x32xf32, #tpu.memory_space<vmem_shared>> -> memref<10240x32xf32, #tpu.memory_space<vmem_shared>>
      tpu.wait_indirect_dma semaphore(%arg41 : memref<!tpu.dma_semaphore, #tpu.memory_space<semaphore_mem>>) src(%arg17 : memref<128x32xf32, #tpu.memory_space<vmem>>) dst(%dma_wait3A_723 : memref<10240x32xf32, #tpu.memory_space<vmem_shared>>)
      %add3A_724 = arith.constant 5 : i32
      %add3A_725 = arith.addi %add3A_705, %add3A_724 : i32
      %jit3A_726 = arith.constant 80 : i32
      %eq3A_727 = arith.constant 0 : i32
      %eq3A_728 = arith.cmpi eq, %jit3A_726, %eq3A_727 : i32
      %jit3A_729 = arith.constant 1 : i32
      %select_n3A_730 = arith.select %eq3A_728, %jit3A_729, %jit3A_726 : i32
      %rem3A_731 = arith.remsi %add3A_725, %select_n3A_730 : i32
      %ne3A_732 = arith.constant 0 : i32
      %ne3A_733 = arith.cmpi ne, %rem3A_731, %ne3A_732 : i32
      %lt3A_734 = arith.constant 0 : i32
      %lt3A_735 = arith.cmpi slt, %rem3A_731, %lt3A_734 : i32
      %lt3A_736 = arith.constant 0 : i32
      %lt3A_737 = arith.cmpi slt, %select_n3A_730, %lt3A_736 : i32
      %ne3A_738 = arith.xori %lt3A_735, %lt3A_737 : i1
      %and3A_739 = arith.andi %ne3A_738, %ne3A_733 : i1
      %add3A_740 = arith.addi %rem3A_731, %select_n3A_730 : i32
      %select_n3A_741 = arith.select %and3A_739, %add3A_740, %rem3A_731 : i32
      %mul3A_742 = arith.constant 128 : i32
      %mul3A_743 = arith.muli %select_n3A_741, %mul3A_742 : i32
      %dma_start3A_744 = tpu.memref_slice %arg7[%mul3A_743] : memref<10240xi32, #tpu.memory_space<vmem>> -> memref<128xi32, #tpu.memory_space<vmem>>
      %dma_start3A_745 = arith.constant 0 : i32
      %dma_start3A_746 = arith.constant 0 : i32
      %dma_start3A_747 = tpu.memref_slice %arg22[%dma_start3A_745, %dma_start3A_746] : memref<10240x32xf32, #tpu.memory_space<vmem_shared>> -> memref<10240x32xf32, #tpu.memory_space<vmem_shared>>
      tpu.enqueue_indirect_dma source(%dma_start3A_747 : memref<10240x32xf32, #tpu.memory_space<vmem_shared>>) target(%arg17 : memref<128x32xf32, #tpu.memory_space<vmem>>) offsets(%dma_start3A_744 : memref<128xi32, #tpu.memory_space<vmem>>) semaphore(%arg31 : memref<!tpu.dma_semaphore, #tpu.memory_space<semaphore_mem>>)
      %mul3A_748 = arith.constant 10 : i32
      %mul3A_749 = arith.muli %mul3A_748, %scan3A_568 : i32
      %add3A_750 = arith.constant 4 : i32
      %add3A_751 = arith.addi %mul3A_749, %add3A_750 : i32
      %mul3A_752 = arith.constant 128 : i32
      %mul3A_753 = arith.muli %add3A_751, %mul3A_752 : i32
      %dma_wait3A_754 = tpu.memref_slice %arg7[%mul3A_753] : memref<10240xi32, #tpu.memory_space<vmem>> -> memref<128xi32, #tpu.memory_space<vmem>>
      %dma_wait3A_755 = arith.constant 0 : i32
      %dma_wait3A_756 = arith.constant 0 : i32
      %dma_wait3A_757 = tpu.memref_slice %arg22[%dma_wait3A_755, %dma_wait3A_756] : memref<10240x32xf32, #tpu.memory_space<vmem_shared>> -> memref<10240x32xf32, #tpu.memory_space<vmem_shared>>
      tpu.wait_indirect_dma semaphore(%arg27 : memref<!tpu.dma_semaphore, #tpu.memory_space<semaphore_mem>>) src(%dma_wait3A_757 : memref<10240x32xf32, #tpu.memory_space<vmem_shared>>) dst(%arg13 : memref<128x32xf32, #tpu.memory_space<vmem>>)
      %dma_start3A_758 = arith.constant 0 : i32
      %dma_start3A_759 = tpu.memref_slice %arg8[%add3A_751, %dma_start3A_758] : memref<80x128xi32, #tpu.memory_space<vmem>> -> memref<1x128xi32, #tpu.memory_space<vmem>>
      %dma_start3A_760 = tpu.memref_squeeze %dma_start3A_759 : memref<1x128xi32, #tpu.memory_space<vmem>> -> memref<128xi32, #tpu.memory_space<vmem>>
      %dma_start3A_761 = arith.constant 0 : i32
      %dma_start3A_762 = arith.constant 0 : i32
      %dma_start3A_763 = tpu.memref_slice %arg21[%dma_start3A_761, %dma_start3A_762] : memref<10240x32xf32, #tpu.memory_space<vmem_shared>> -> memref<10240x32xf32, #tpu.memory_space<vmem_shared>>
      tpu.enqueue_indirect_dma source(%arg13 : memref<128x32xf32, #tpu.memory_space<vmem>>) target(%dma_start3A_763 : memref<10240x32xf32, #tpu.memory_space<vmem_shared>>) offsets(%dma_start3A_760 : memref<128xi32, #tpu.memory_space<vmem>>) semaphore(%arg37 : memref<!tpu.dma_semaphore, #tpu.memory_space<semaphore_mem>>) {add = true}
      %dma_wait3A_764 = arith.constant 0 : i32
      %dma_wait3A_765 = tpu.memref_slice %arg8[%add3A_751, %dma_wait3A_764] : memref<80x128xi32, #tpu.memory_space<vmem>> -> memref<1x128xi32, #tpu.memory_space<vmem>>
      %dma_wait3A_766 = tpu.memref_squeeze %dma_wait3A_765 : memref<1x128xi32, #tpu.memory_space<vmem>> -> memref<128xi32, #tpu.memory_space<vmem>>
      %dma_wait3A_767 = arith.constant 0 : i32
      %dma_wait3A_768 = arith.constant 0 : i32
      %dma_wait3A_769 = tpu.memref_slice %arg21[%dma_wait3A_767, %dma_wait3A_768] : memref<10240x32xf32, #tpu.memory_space<vmem_shared>> -> memref<10240x32xf32, #tpu.memory_space<vmem_shared>>
      tpu.wait_indirect_dma semaphore(%arg42 : memref<!tpu.dma_semaphore, #tpu.memory_space<semaphore_mem>>) src(%arg18 : memref<128x32xf32, #tpu.memory_space<vmem>>) dst(%dma_wait3A_769 : memref<10240x32xf32, #tpu.memory_space<vmem_shared>>)
      %add3A_770 = arith.constant 5 : i32
      %add3A_771 = arith.addi %add3A_751, %add3A_770 : i32
      %jit3A_772 = arith.constant 80 : i32
      %eq3A_773 = arith.constant 0 : i32
      %eq3A_774 = arith.cmpi eq, %jit3A_772, %eq3A_773 : i32
      %jit3A_775 = arith.constant 1 : i32
      %select_n3A_776 = arith.select %eq3A_774, %jit3A_775, %jit3A_772 : i32
      %rem3A_777 = arith.remsi %add3A_771, %select_n3A_776 : i32
      %ne3A_778 = arith.constant 0 : i32
      %ne3A_779 = arith.cmpi ne, %rem3A_777, %ne3A_778 : i32
      %lt3A_780 = arith.constant 0 : i32
      %lt3A_781 = arith.cmpi slt, %rem3A_777, %lt3A_780 : i32
      %lt3A_782 = arith.constant 0 : i32
      %lt3A_783 = arith.cmpi slt, %select_n3A_776, %lt3A_782 : i32
      %ne3A_784 = arith.xori %lt3A_781, %lt3A_783 : i1
      %and3A_785 = arith.andi %ne3A_784, %ne3A_779 : i1
      %add3A_786 = arith.addi %rem3A_777, %select_n3A_776 : i32
      %select_n3A_787 = arith.select %and3A_785, %add3A_786, %rem3A_777 : i32
      %mul3A_788 = arith.constant 128 : i32
      %mul3A_789 = arith.muli %select_n3A_787, %mul3A_788 : i32
      %dma_start3A_790 = tpu.memref_slice %arg7[%mul3A_789] : memref<10240xi32, #tpu.memory_space<vmem>> -> memref<128xi32, #tpu.memory_space<vmem>>
      %dma_start3A_791 = arith.constant 0 : i32
      %dma_start3A_792 = arith.constant 0 : i32
      %dma_start3A_793 = tpu.memref_slice %arg22[%dma_start3A_791, %dma_start3A_792] : memref<10240x32xf32, #tpu.memory_space<vmem_shared>> -> memref<10240x32xf32, #tpu.memory_space<vmem_shared>>
      tpu.enqueue_indirect_dma source(%dma_start3A_793 : memref<10240x32xf32, #tpu.memory_space<vmem_shared>>) target(%arg18 : memref<128x32xf32, #tpu.memory_space<vmem>>) offsets(%dma_start3A_790 : memref<128xi32, #tpu.memory_space<vmem>>) semaphore(%arg32 : memref<!tpu.dma_semaphore, #tpu.memory_space<semaphore_mem>>)
      %mul3A_794 = arith.constant 10 : i32
      %mul3A_795 = arith.muli %mul3A_794, %scan3A_568 : i32
      %add3A_796 = arith.constant 5 : i32
      %add3A_797 = arith.addi %mul3A_795, %add3A_796 : i32
      %mul3A_798 = arith.constant 128 : i32
      %mul3A_799 = arith.muli %add3A_797, %mul3A_798 : i32
      %dma_wait3A_800 = tpu.memref_slice %arg7[%mul3A_799] : memref<10240xi32, #tpu.memory_space<vmem>> -> memref<128xi32, #tpu.memory_space<vmem>>
      %dma_wait3A_801 = arith.constant 0 : i32
      %dma_wait3A_802 = arith.constant 0 : i32
      %dma_wait3A_803 = tpu.memref_slice %arg22[%dma_wait3A_801, %dma_wait3A_802] : memref<10240x32xf32, #tpu.memory_space<vmem_shared>> -> memref<10240x32xf32, #tpu.memory_space<vmem_shared>>
      tpu.wait_indirect_dma semaphore(%arg28 : memref<!tpu.dma_semaphore, #tpu.memory_space<semaphore_mem>>) src(%dma_wait3A_803 : memref<10240x32xf32, #tpu.memory_space<vmem_shared>>) dst(%arg14 : memref<128x32xf32, #tpu.memory_space<vmem>>)
      %dma_start3A_804 = arith.constant 0 : i32
      %dma_start3A_805 = tpu.memref_slice %arg8[%add3A_797, %dma_start3A_804] : memref<80x128xi32, #tpu.memory_space<vmem>> -> memref<1x128xi32, #tpu.memory_space<vmem>>
      %dma_start3A_806 = tpu.memref_squeeze %dma_start3A_805 : memref<1x128xi32, #tpu.memory_space<vmem>> -> memref<128xi32, #tpu.memory_space<vmem>>
      %dma_start3A_807 = arith.constant 0 : i32
      %dma_start3A_808 = arith.constant 0 : i32
      %dma_start3A_809 = tpu.memref_slice %arg21[%dma_start3A_807, %dma_start3A_808] : memref<10240x32xf32, #tpu.memory_space<vmem_shared>> -> memref<10240x32xf32, #tpu.memory_space<vmem_shared>>
      tpu.enqueue_indirect_dma source(%arg14 : memref<128x32xf32, #tpu.memory_space<vmem>>) target(%dma_start3A_809 : memref<10240x32xf32, #tpu.memory_space<vmem_shared>>) offsets(%dma_start3A_806 : memref<128xi32, #tpu.memory_space<vmem>>) semaphore(%arg38 : memref<!tpu.dma_semaphore, #tpu.memory_space<semaphore_mem>>) {add = true}
      %dma_wait3A_810 = arith.constant 0 : i32
      %dma_wait3A_811 = tpu.memref_slice %arg8[%add3A_797, %dma_wait3A_810] : memref<80x128xi32, #tpu.memory_space<vmem>> -> memref<1x128xi32, #tpu.memory_space<vmem>>
      %dma_wait3A_812 = tpu.memref_squeeze %dma_wait3A_811 : memref<1x128xi32, #tpu.memory_space<vmem>> -> memref<128xi32, #tpu.memory_space<vmem>>
      %dma_wait3A_813 = arith.constant 0 : i32
      %dma_wait3A_814 = arith.constant 0 : i32
      %dma_wait3A_815 = tpu.memref_slice %arg21[%dma_wait3A_813, %dma_wait3A_814] : memref<10240x32xf32, #tpu.memory_space<vmem_shared>> -> memref<10240x32xf32, #tpu.memory_space<vmem_shared>>
      tpu.wait_indirect_dma semaphore(%arg33 : memref<!tpu.dma_semaphore, #tpu.memory_space<semaphore_mem>>) src(%arg9 : memref<128x32xf32, #tpu.memory_space<vmem>>) dst(%dma_wait3A_815 : memref<10240x32xf32, #tpu.memory_space<vmem_shared>>)
      %add3A_816 = arith.constant 5 : i32
      %add3A_817 = arith.addi %add3A_797, %add3A_816 : i32
      %jit3A_818 = arith.constant 80 : i32
      %eq3A_819 = arith.constant 0 : i32
      %eq3A_820 = arith.cmpi eq, %jit3A_818, %eq3A_819 : i32
      %jit3A_821 = arith.constant 1 : i32
      %select_n3A_822 = arith.select %eq3A_820, %jit3A_821, %jit3A_818 : i32
      %rem3A_823 = arith.remsi %add3A_817, %select_n3A_822 : i32
      %ne3A_824 = arith.constant 0 : i32
      %ne3A_825 = arith.cmpi ne, %rem3A_823, %ne3A_824 : i32
      %lt3A_826 = arith.constant 0 : i32
      %lt3A_827 = arith.cmpi slt, %rem3A_823, %lt3A_826 : i32
      %lt3A_828 = arith.constant 0 : i32
      %lt3A_829 = arith.cmpi slt, %select_n3A_822, %lt3A_828 : i32
      %ne3A_830 = arith.xori %lt3A_827, %lt3A_829 : i1
      %and3A_831 = arith.andi %ne3A_830, %ne3A_825 : i1
      %add3A_832 = arith.addi %rem3A_823, %select_n3A_822 : i32
      %select_n3A_833 = arith.select %and3A_831, %add3A_832, %rem3A_823 : i32
      %mul3A_834 = arith.constant 128 : i32
      %mul3A_835 = arith.muli %select_n3A_833, %mul3A_834 : i32
      %dma_start3A_836 = tpu.memref_slice %arg7[%mul3A_835] : memref<10240xi32, #tpu.memory_space<vmem>> -> memref<128xi32, #tpu.memory_space<vmem>>
      %dma_start3A_837 = arith.constant 0 : i32
      %dma_start3A_838 = arith.constant 0 : i32
      %dma_start3A_839 = tpu.memref_slice %arg22[%dma_start3A_837, %dma_start3A_838] : memref<10240x32xf32, #tpu.memory_space<vmem_shared>> -> memref<10240x32xf32, #tpu.memory_space<vmem_shared>>
      tpu.enqueue_indirect_dma source(%dma_start3A_839 : memref<10240x32xf32, #tpu.memory_space<vmem_shared>>) target(%arg9 : memref<128x32xf32, #tpu.memory_space<vmem>>) offsets(%dma_start3A_836 : memref<128xi32, #tpu.memory_space<vmem>>) semaphore(%arg23 : memref<!tpu.dma_semaphore, #tpu.memory_space<semaphore_mem>>)
      %mul3A_840 = arith.constant 10 : i32
      %mul3A_841 = arith.muli %mul3A_840, %scan3A_568 : i32
      %add3A_842 = arith.constant 6 : i32
      %add3A_843 = arith.addi %mul3A_841, %add3A_842 : i32
      %mul3A_844 = arith.constant 128 : i32
      %mul3A_845 = arith.muli %add3A_843, %mul3A_844 : i32
      %dma_wait3A_846 = tpu.memref_slice %arg7[%mul3A_845] : memref<10240xi32, #tpu.memory_space<vmem>> -> memref<128xi32, #tpu.memory_space<vmem>>
      %dma_wait3A_847 = arith.constant 0 : i32
      %dma_wait3A_848 = arith.constant 0 : i32
      %dma_wait3A_849 = tpu.memref_slice %arg22[%dma_wait3A_847, %dma_wait3A_848] : memref<10240x32xf32, #tpu.memory_space<vmem_shared>> -> memref<10240x32xf32, #tpu.memory_space<vmem_shared>>
      tpu.wait_indirect_dma semaphore(%arg29 : memref<!tpu.dma_semaphore, #tpu.memory_space<semaphore_mem>>) src(%dma_wait3A_849 : memref<10240x32xf32, #tpu.memory_space<vmem_shared>>) dst(%arg15 : memref<128x32xf32, #tpu.memory_space<vmem>>)
      %dma_start3A_850 = arith.constant 0 : i32
      %dma_start3A_851 = tpu.memref_slice %arg8[%add3A_843, %dma_start3A_850] : memref<80x128xi32, #tpu.memory_space<vmem>> -> memref<1x128xi32, #tpu.memory_space<vmem>>
      %dma_start3A_852 = tpu.memref_squeeze %dma_start3A_851 : memref<1x128xi32, #tpu.memory_space<vmem>> -> memref<128xi32, #tpu.memory_space<vmem>>
      %dma_start3A_853 = arith.constant 0 : i32
      %dma_start3A_854 = arith.constant 0 : i32
      %dma_start3A_855 = tpu.memref_slice %arg21[%dma_start3A_853, %dma_start3A_854] : memref<10240x32xf32, #tpu.memory_space<vmem_shared>> -> memref<10240x32xf32, #tpu.memory_space<vmem_shared>>
      tpu.enqueue_indirect_dma source(%arg15 : memref<128x32xf32, #tpu.memory_space<vmem>>) target(%dma_start3A_855 : memref<10240x32xf32, #tpu.memory_space<vmem_shared>>) offsets(%dma_start3A_852 : memref<128xi32, #tpu.memory_space<vmem>>) semaphore(%arg39 : memref<!tpu.dma_semaphore, #tpu.memory_space<semaphore_mem>>) {add = true}
      %dma_wait3A_856 = arith.constant 0 : i32
      %dma_wait3A_857 = tpu.memref_slice %arg8[%add3A_843, %dma_wait3A_856] : memref<80x128xi32, #tpu.memory_space<vmem>> -> memref<1x128xi32, #tpu.memory_space<vmem>>
      %dma_wait3A_858 = tpu.memref_squeeze %dma_wait3A_857 : memref<1x128xi32, #tpu.memory_space<vmem>> -> memref<128xi32, #tpu.memory_space<vmem>>
      %dma_wait3A_859 = arith.constant 0 : i32
      %dma_wait3A_860 = arith.constant 0 : i32
      %dma_wait3A_861 = tpu.memref_slice %arg21[%dma_wait3A_859, %dma_wait3A_860] : memref<10240x32xf32, #tpu.memory_space<vmem_shared>> -> memref<10240x32xf32, #tpu.memory_space<vmem_shared>>
      tpu.wait_indirect_dma semaphore(%arg34 : memref<!tpu.dma_semaphore, #tpu.memory_space<semaphore_mem>>) src(%arg10 : memref<128x32xf32, #tpu.memory_space<vmem>>) dst(%dma_wait3A_861 : memref<10240x32xf32, #tpu.memory_space<vmem_shared>>)
      %add3A_862 = arith.constant 5 : i32
      %add3A_863 = arith.addi %add3A_843, %add3A_862 : i32
      %jit3A_864 = arith.constant 80 : i32
      %eq3A_865 = arith.constant 0 : i32
      %eq3A_866 = arith.cmpi eq, %jit3A_864, %eq3A_865 : i32
      %jit3A_867 = arith.constant 1 : i32
      %select_n3A_868 = arith.select %eq3A_866, %jit3A_867, %jit3A_864 : i32
      %rem3A_869 = arith.remsi %add3A_863, %select_n3A_868 : i32
      %ne3A_870 = arith.constant 0 : i32
      %ne3A_871 = arith.cmpi ne, %rem3A_869, %ne3A_870 : i32
      %lt3A_872 = arith.constant 0 : i32
      %lt3A_873 = arith.cmpi slt, %rem3A_869, %lt3A_872 : i32
      %lt3A_874 = arith.constant 0 : i32
      %lt3A_875 = arith.cmpi slt, %select_n3A_868, %lt3A_874 : i32
      %ne3A_876 = arith.xori %lt3A_873, %lt3A_875 : i1
      %and3A_877 = arith.andi %ne3A_876, %ne3A_871 : i1
      %add3A_878 = arith.addi %rem3A_869, %select_n3A_868 : i32
      %select_n3A_879 = arith.select %and3A_877, %add3A_878, %rem3A_869 : i32
      %mul3A_880 = arith.constant 128 : i32
      %mul3A_881 = arith.muli %select_n3A_879, %mul3A_880 : i32
      %dma_start3A_882 = tpu.memref_slice %arg7[%mul3A_881] : memref<10240xi32, #tpu.memory_space<vmem>> -> memref<128xi32, #tpu.memory_space<vmem>>
      %dma_start3A_883 = arith.constant 0 : i32
      %dma_start3A_884 = arith.constant 0 : i32
      %dma_start3A_885 = tpu.memref_slice %arg22[%dma_start3A_883, %dma_start3A_884] : memref<10240x32xf32, #tpu.memory_space<vmem_shared>> -> memref<10240x32xf32, #tpu.memory_space<vmem_shared>>
      tpu.enqueue_indirect_dma source(%dma_start3A_885 : memref<10240x32xf32, #tpu.memory_space<vmem_shared>>) target(%arg10 : memref<128x32xf32, #tpu.memory_space<vmem>>) offsets(%dma_start3A_882 : memref<128xi32, #tpu.memory_space<vmem>>) semaphore(%arg24 : memref<!tpu.dma_semaphore, #tpu.memory_space<semaphore_mem>>)
      %mul3A_886 = arith.constant 10 : i32
      %mul3A_887 = arith.muli %mul3A_886, %scan3A_568 : i32
      %add3A_888 = arith.constant 7 : i32
      %add3A_889 = arith.addi %mul3A_887, %add3A_888 : i32
      %mul3A_890 = arith.constant 128 : i32
      %mul3A_891 = arith.muli %add3A_889, %mul3A_890 : i32
      %dma_wait3A_892 = tpu.memref_slice %arg7[%mul3A_891] : memref<10240xi32, #tpu.memory_space<vmem>> -> memref<128xi32, #tpu.memory_space<vmem>>
      %dma_wait3A_893 = arith.constant 0 : i32
      %dma_wait3A_894 = arith.constant 0 : i32
      %dma_wait3A_895 = tpu.memref_slice %arg22[%dma_wait3A_893, %dma_wait3A_894] : memref<10240x32xf32, #tpu.memory_space<vmem_shared>> -> memref<10240x32xf32, #tpu.memory_space<vmem_shared>>
      tpu.wait_indirect_dma semaphore(%arg30 : memref<!tpu.dma_semaphore, #tpu.memory_space<semaphore_mem>>) src(%dma_wait3A_895 : memref<10240x32xf32, #tpu.memory_space<vmem_shared>>) dst(%arg16 : memref<128x32xf32, #tpu.memory_space<vmem>>)
      %dma_start3A_896 = arith.constant 0 : i32
      %dma_start3A_897 = tpu.memref_slice %arg8[%add3A_889, %dma_start3A_896] : memref<80x128xi32, #tpu.memory_space<vmem>> -> memref<1x128xi32, #tpu.memory_space<vmem>>
      %dma_start3A_898 = tpu.memref_squeeze %dma_start3A_897 : memref<1x128xi32, #tpu.memory_space<vmem>> -> memref<128xi32, #tpu.memory_space<vmem>>
      %dma_start3A_899 = arith.constant 0 : i32
      %dma_start3A_900 = arith.constant 0 : i32
      %dma_start3A_901 = tpu.memref_slice %arg21[%dma_start3A_899, %dma_start3A_900] : memref<10240x32xf32, #tpu.memory_space<vmem_shared>> -> memref<10240x32xf32, #tpu.memory_space<vmem_shared>>
      tpu.enqueue_indirect_dma source(%arg16 : memref<128x32xf32, #tpu.memory_space<vmem>>) target(%dma_start3A_901 : memref<10240x32xf32, #tpu.memory_space<vmem_shared>>) offsets(%dma_start3A_898 : memref<128xi32, #tpu.memory_space<vmem>>) semaphore(%arg40 : memref<!tpu.dma_semaphore, #tpu.memory_space<semaphore_mem>>) {add = true}
      %dma_wait3A_902 = arith.constant 0 : i32
      %dma_wait3A_903 = tpu.memref_slice %arg8[%add3A_889, %dma_wait3A_902] : memref<80x128xi32, #tpu.memory_space<vmem>> -> memref<1x128xi32, #tpu.memory_space<vmem>>
      %dma_wait3A_904 = tpu.memref_squeeze %dma_wait3A_903 : memref<1x128xi32, #tpu.memory_space<vmem>> -> memref<128xi32, #tpu.memory_space<vmem>>
      %dma_wait3A_905 = arith.constant 0 : i32
      %dma_wait3A_906 = arith.constant 0 : i32
      %dma_wait3A_907 = tpu.memref_slice %arg21[%dma_wait3A_905, %dma_wait3A_906] : memref<10240x32xf32, #tpu.memory_space<vmem_shared>> -> memref<10240x32xf32, #tpu.memory_space<vmem_shared>>
      tpu.wait_indirect_dma semaphore(%arg35 : memref<!tpu.dma_semaphore, #tpu.memory_space<semaphore_mem>>) src(%arg11 : memref<128x32xf32, #tpu.memory_space<vmem>>) dst(%dma_wait3A_907 : memref<10240x32xf32, #tpu.memory_space<vmem_shared>>)
      %add3A_908 = arith.constant 5 : i32
      %add3A_909 = arith.addi %add3A_889, %add3A_908 : i32
      %jit3A_910 = arith.constant 80 : i32
      %eq3A_911 = arith.constant 0 : i32
      %eq3A_912 = arith.cmpi eq, %jit3A_910, %eq3A_911 : i32
      %jit3A_913 = arith.constant 1 : i32
      %select_n3A_914 = arith.select %eq3A_912, %jit3A_913, %jit3A_910 : i32
      %rem3A_915 = arith.remsi %add3A_909, %select_n3A_914 : i32
      %ne3A_916 = arith.constant 0 : i32
      %ne3A_917 = arith.cmpi ne, %rem3A_915, %ne3A_916 : i32
      %lt3A_918 = arith.constant 0 : i32
      %lt3A_919 = arith.cmpi slt, %rem3A_915, %lt3A_918 : i32
      %lt3A_920 = arith.constant 0 : i32
      %lt3A_921 = arith.cmpi slt, %select_n3A_914, %lt3A_920 : i32
      %ne3A_922 = arith.xori %lt3A_919, %lt3A_921 : i1
      %and3A_923 = arith.andi %ne3A_922, %ne3A_917 : i1
      %add3A_924 = arith.addi %rem3A_915, %select_n3A_914 : i32
      %select_n3A_925 = arith.select %and3A_923, %add3A_924, %rem3A_915 : i32
      %mul3A_926 = arith.constant 128 : i32
      %mul3A_927 = arith.muli %select_n3A_925, %mul3A_926 : i32
      %dma_start3A_928 = tpu.memref_slice %arg7[%mul3A_927] : memref<10240xi32, #tpu.memory_space<vmem>> -> memref<128xi32, #tpu.memory_space<vmem>>
      %dma_start3A_929 = arith.constant 0 : i32
      %dma_start3A_930 = arith.constant 0 : i32
      %dma_start3A_931 = tpu.memref_slice %arg22[%dma_start3A_929, %dma_start3A_930] : memref<10240x32xf32, #tpu.memory_space<vmem_shared>> -> memref<10240x32xf32, #tpu.memory_space<vmem_shared>>
      tpu.enqueue_indirect_dma source(%dma_start3A_931 : memref<10240x32xf32, #tpu.memory_space<vmem_shared>>) target(%arg11 : memref<128x32xf32, #tpu.memory_space<vmem>>) offsets(%dma_start3A_928 : memref<128xi32, #tpu.memory_space<vmem>>) semaphore(%arg25 : memref<!tpu.dma_semaphore, #tpu.memory_space<semaphore_mem>>)
      %mul3A_932 = arith.constant 10 : i32
      %mul3A_933 = arith.muli %mul3A_932, %scan3A_568 : i32
      %add3A_934 = arith.constant 8 : i32
      %add3A_935 = arith.addi %mul3A_933, %add3A_934 : i32
      %mul3A_936 = arith.constant 128 : i32
      %mul3A_937 = arith.muli %add3A_935, %mul3A_936 : i32
      %dma_wait3A_938 = tpu.memref_slice %arg7[%mul3A_937] : memref<10240xi32, #tpu.memory_space<vmem>> -> memref<128xi32, #tpu.memory_space<vmem>>
      %dma_wait3A_939 = arith.constant 0 : i32
      %dma_wait3A_940 = arith.constant 0 : i32
      %dma_wait3A_941 = tpu.memref_slice %arg22[%dma_wait3A_939, %dma_wait3A_940] : memref<10240x32xf32, #tpu.memory_space<vmem_shared>> -> memref<10240x32xf32, #tpu.memory_space<vmem_shared>>
      tpu.wait_indirect_dma semaphore(%arg31 : memref<!tpu.dma_semaphore, #tpu.memory_space<semaphore_mem>>) src(%dma_wait3A_941 : memref<10240x32xf32, #tpu.memory_space<vmem_shared>>) dst(%arg17 : memref<128x32xf32, #tpu.memory_space<vmem>>)
      %dma_start3A_942 = arith.constant 0 : i32
      %dma_start3A_943 = tpu.memref_slice %arg8[%add3A_935, %dma_start3A_942] : memref<80x128xi32, #tpu.memory_space<vmem>> -> memref<1x128xi32, #tpu.memory_space<vmem>>
      %dma_start3A_944 = tpu.memref_squeeze %dma_start3A_943 : memref<1x128xi32, #tpu.memory_space<vmem>> -> memref<128xi32, #tpu.memory_space<vmem>>
      %dma_start3A_945 = arith.constant 0 : i32
      %dma_start3A_946 = arith.constant 0 : i32
      %dma_start3A_947 = tpu.memref_slice %arg21[%dma_start3A_945, %dma_start3A_946] : memref<10240x32xf32, #tpu.memory_space<vmem_shared>> -> memref<10240x32xf32, #tpu.memory_space<vmem_shared>>
      tpu.enqueue_indirect_dma source(%arg17 : memref<128x32xf32, #tpu.memory_space<vmem>>) target(%dma_start3A_947 : memref<10240x32xf32, #tpu.memory_space<vmem_shared>>) offsets(%dma_start3A_944 : memref<128xi32, #tpu.memory_space<vmem>>) semaphore(%arg41 : memref<!tpu.dma_semaphore, #tpu.memory_space<semaphore_mem>>) {add = true}
      %dma_wait3A_948 = arith.constant 0 : i32
      %dma_wait3A_949 = tpu.memref_slice %arg8[%add3A_935, %dma_wait3A_948] : memref<80x128xi32, #tpu.memory_space<vmem>> -> memref<1x128xi32, #tpu.memory_space<vmem>>
      %dma_wait3A_950 = tpu.memref_squeeze %dma_wait3A_949 : memref<1x128xi32, #tpu.memory_space<vmem>> -> memref<128xi32, #tpu.memory_space<vmem>>
      %dma_wait3A_951 = arith.constant 0 : i32
      %dma_wait3A_952 = arith.constant 0 : i32
      %dma_wait3A_953 = tpu.memref_slice %arg21[%dma_wait3A_951, %dma_wait3A_952] : memref<10240x32xf32, #tpu.memory_space<vmem_shared>> -> memref<10240x32xf32, #tpu.memory_space<vmem_shared>>
      tpu.wait_indirect_dma semaphore(%arg36 : memref<!tpu.dma_semaphore, #tpu.memory_space<semaphore_mem>>) src(%arg12 : memref<128x32xf32, #tpu.memory_space<vmem>>) dst(%dma_wait3A_953 : memref<10240x32xf32, #tpu.memory_space<vmem_shared>>)
      %add3A_954 = arith.constant 5 : i32
      %add3A_955 = arith.addi %add3A_935, %add3A_954 : i32
      %jit3A_956 = arith.constant 80 : i32
      %eq3A_957 = arith.constant 0 : i32
      %eq3A_958 = arith.cmpi eq, %jit3A_956, %eq3A_957 : i32
      %jit3A_959 = arith.constant 1 : i32
      %select_n3A_960 = arith.select %eq3A_958, %jit3A_959, %jit3A_956 : i32
      %rem3A_961 = arith.remsi %add3A_955, %select_n3A_960 : i32
      %ne3A_962 = arith.constant 0 : i32
      %ne3A_963 = arith.cmpi ne, %rem3A_961, %ne3A_962 : i32
      %lt3A_964 = arith.constant 0 : i32
      %lt3A_965 = arith.cmpi slt, %rem3A_961, %lt3A_964 : i32
      %lt3A_966 = arith.constant 0 : i32
      %lt3A_967 = arith.cmpi slt, %select_n3A_960, %lt3A_966 : i32
      %ne3A_968 = arith.xori %lt3A_965, %lt3A_967 : i1
      %and3A_969 = arith.andi %ne3A_968, %ne3A_963 : i1
      %add3A_970 = arith.addi %rem3A_961, %select_n3A_960 : i32
      %select_n3A_971 = arith.select %and3A_969, %add3A_970, %rem3A_961 : i32
      %mul3A_972 = arith.constant 128 : i32
      %mul3A_973 = arith.muli %select_n3A_971, %mul3A_972 : i32
      %dma_start3A_974 = tpu.memref_slice %arg7[%mul3A_973] : memref<10240xi32, #tpu.memory_space<vmem>> -> memref<128xi32, #tpu.memory_space<vmem>>
      %dma_start3A_975 = arith.constant 0 : i32
      %dma_start3A_976 = arith.constant 0 : i32
      %dma_start3A_977 = tpu.memref_slice %arg22[%dma_start3A_975, %dma_start3A_976] : memref<10240x32xf32, #tpu.memory_space<vmem_shared>> -> memref<10240x32xf32, #tpu.memory_space<vmem_shared>>
      tpu.enqueue_indirect_dma source(%dma_start3A_977 : memref<10240x32xf32, #tpu.memory_space<vmem_shared>>) target(%arg12 : memref<128x32xf32, #tpu.memory_space<vmem>>) offsets(%dma_start3A_974 : memref<128xi32, #tpu.memory_space<vmem>>) semaphore(%arg26 : memref<!tpu.dma_semaphore, #tpu.memory_space<semaphore_mem>>)
      %mul3A_978 = arith.constant 10 : i32
      %mul3A_979 = arith.muli %mul3A_978, %scan3A_568 : i32
      %add3A_980 = arith.constant 9 : i32
      %add3A_981 = arith.addi %mul3A_979, %add3A_980 : i32
      %mul3A_982 = arith.constant 128 : i32
      %mul3A_983 = arith.muli %add3A_981, %mul3A_982 : i32
      %dma_wait3A_984 = tpu.memref_slice %arg7[%mul3A_983] : memref<10240xi32, #tpu.memory_space<vmem>> -> memref<128xi32, #tpu.memory_space<vmem>>
      %dma_wait3A_985 = arith.constant 0 : i32
      %dma_wait3A_986 = arith.constant 0 : i32
      %dma_wait3A_987 = tpu.memref_slice %arg22[%dma_wait3A_985, %dma_wait3A_986] : memref<10240x32xf32, #tpu.memory_space<vmem_shared>> -> memref<10240x32xf32, #tpu.memory_space<vmem_shared>>
      tpu.wait_indirect_dma semaphore(%arg32 : memref<!tpu.dma_semaphore, #tpu.memory_space<semaphore_mem>>) src(%dma_wait3A_987 : memref<10240x32xf32, #tpu.memory_space<vmem_shared>>) dst(%arg18 : memref<128x32xf32, #tpu.memory_space<vmem>>)
      %dma_start3A_988 = arith.constant 0 : i32
      %dma_start3A_989 = tpu.memref_slice %arg8[%add3A_981, %dma_start3A_988] : memref<80x128xi32, #tpu.memory_space<vmem>> -> memref<1x128xi32, #tpu.memory_space<vmem>>
      %dma_start3A_990 = tpu.memref_squeeze %dma_start3A_989 : memref<1x128xi32, #tpu.memory_space<vmem>> -> memref<128xi32, #tpu.memory_space<vmem>>
      %dma_start3A_991 = arith.constant 0 : i32
      %dma_start3A_992 = arith.constant 0 : i32
      %dma_start3A_993 = tpu.memref_slice %arg21[%dma_start3A_991, %dma_start3A_992] : memref<10240x32xf32, #tpu.memory_space<vmem_shared>> -> memref<10240x32xf32, #tpu.memory_space<vmem_shared>>
      tpu.enqueue_indirect_dma source(%arg18 : memref<128x32xf32, #tpu.memory_space<vmem>>) target(%dma_start3A_993 : memref<10240x32xf32, #tpu.memory_space<vmem_shared>>) offsets(%dma_start3A_990 : memref<128xi32, #tpu.memory_space<vmem>>) semaphore(%arg42 : memref<!tpu.dma_semaphore, #tpu.memory_space<semaphore_mem>>) {add = true}
      %dma_wait3A_994 = arith.constant 0 : i32
      %dma_wait3A_995 = tpu.memref_slice %arg8[%add3A_981, %dma_wait3A_994] : memref<80x128xi32, #tpu.memory_space<vmem>> -> memref<1x128xi32, #tpu.memory_space<vmem>>
      %dma_wait3A_996 = tpu.memref_squeeze %dma_wait3A_995 : memref<1x128xi32, #tpu.memory_space<vmem>> -> memref<128xi32, #tpu.memory_space<vmem>>
      %dma_wait3A_997 = arith.constant 0 : i32
      %dma_wait3A_998 = arith.constant 0 : i32
      %dma_wait3A_999 = tpu.memref_slice %arg21[%dma_wait3A_997, %dma_wait3A_998] : memref<10240x32xf32, #tpu.memory_space<vmem_shared>> -> memref<10240x32xf32, #tpu.memory_space<vmem_shared>>
      tpu.wait_indirect_dma semaphore(%arg37 : memref<!tpu.dma_semaphore, #tpu.memory_space<semaphore_mem>>) src(%arg13 : memref<128x32xf32, #tpu.memory_space<vmem>>) dst(%dma_wait3A_999 : memref<10240x32xf32, #tpu.memory_space<vmem_shared>>)
      %add3A_1000 = arith.constant 5 : i32
      %add3A_1001 = arith.addi %add3A_981, %add3A_1000 : i32
      %jit3A_1002 = arith.constant 80 : i32
      %eq3A_1003 = arith.constant 0 : i32
      %eq3A_1004 = arith.cmpi eq, %jit3A_1002, %eq3A_1003 : i32
      %jit3A_1005 = arith.constant 1 : i32
      %select_n3A_1006 = arith.select %eq3A_1004, %jit3A_1005, %jit3A_1002 : i32
      %rem3A_1007 = arith.remsi %add3A_1001, %select_n3A_1006 : i32
      %ne3A_1008 = arith.constant 0 : i32
      %ne3A_1009 = arith.cmpi ne, %rem3A_1007, %ne3A_1008 : i32
      %lt3A_1010 = arith.constant 0 : i32
      %lt3A_1011 = arith.cmpi slt, %rem3A_1007, %lt3A_1010 : i32
      %lt3A_1012 = arith.constant 0 : i32
      %lt3A_1013 = arith.cmpi slt, %select_n3A_1006, %lt3A_1012 : i32
      %ne3A_1014 = arith.xori %lt3A_1011, %lt3A_1013 : i1
      %and3A_1015 = arith.andi %ne3A_1014, %ne3A_1009 : i1
      %add3A_1016 = arith.addi %rem3A_1007, %select_n3A_1006 : i32
      %select_n3A_1017 = arith.select %and3A_1015, %add3A_1016, %rem3A_1007 : i32
      %mul3A_1018 = arith.constant 128 : i32
      %mul3A_1019 = arith.muli %select_n3A_1017, %mul3A_1018 : i32
      %dma_start3A_1020 = tpu.memref_slice %arg7[%mul3A_1019] : memref<10240xi32, #tpu.memory_space<vmem>> -> memref<128xi32, #tpu.memory_space<vmem>>
      %dma_start3A_1021 = arith.constant 0 : i32
      %dma_start3A_1022 = arith.constant 0 : i32
      %dma_start3A_1023 = tpu.memref_slice %arg22[%dma_start3A_1021, %dma_start3A_1022] : memref<10240x32xf32, #tpu.memory_space<vmem_shared>> -> memref<10240x32xf32, #tpu.memory_space<vmem_shared>>
      tpu.enqueue_indirect_dma source(%dma_start3A_1023 : memref<10240x32xf32, #tpu.memory_space<vmem_shared>>) target(%arg13 : memref<128x32xf32, #tpu.memory_space<vmem>>) offsets(%dma_start3A_1020 : memref<128xi32, #tpu.memory_space<vmem>>) semaphore(%arg27 : memref<!tpu.dma_semaphore, #tpu.memory_space<semaphore_mem>>)
      %scan3A_1024 = arith.constant 0 : i32
      scf.yield %scan3A_1024 : i32
    }
    %scan3A_502 = arith.constant 8 : i32
    %dma_wait3A_503 = arith.constant 0 : i32
    %dma_wait3A_504 = arith.constant 0 : i32
    %dma_wait3A_505 = tpu.memref_slice %arg8[%dma_wait3A_503, %dma_wait3A_504] : memref<80x128xi32, #tpu.memory_space<vmem>> -> memref<1x128xi32, #tpu.memory_space<vmem>>
    %dma_wait3A_506 = tpu.memref_squeeze %dma_wait3A_505 : memref<1x128xi32, #tpu.memory_space<vmem>> -> memref<128xi32, #tpu.memory_space<vmem>>
    %dma_wait3A_507 = arith.constant 0 : i32
    %dma_wait3A_508 = arith.constant 0 : i32
    %dma_wait3A_509 = tpu.memref_slice %arg21[%dma_wait3A_507, %dma_wait3A_508] : memref<10240x32xf32, #tpu.memory_space<vmem_shared>> -> memref<10240x32xf32, #tpu.memory_space<vmem_shared>>
    tpu.wait_indirect_dma semaphore(%arg38 : memref<!tpu.dma_semaphore, #tpu.memory_space<semaphore_mem>>) src(%arg14 : memref<128x32xf32, #tpu.memory_space<vmem>>) dst(%dma_wait3A_509 : memref<10240x32xf32, #tpu.memory_space<vmem_shared>>)
    %dma_wait3A_510 = arith.constant 0 : i32
    %dma_wait3A_511 = tpu.memref_slice %arg7[%dma_wait3A_510] : memref<10240xi32, #tpu.memory_space<vmem>> -> memref<128xi32, #tpu.memory_space<vmem>>
    %dma_wait3A_512 = arith.constant 0 : i32
    %dma_wait3A_513 = arith.constant 0 : i32
    %dma_wait3A_514 = tpu.memref_slice %arg22[%dma_wait3A_512, %dma_wait3A_513] : memref<10240x32xf32, #tpu.memory_space<vmem_shared>> -> memref<10240x32xf32, #tpu.memory_space<vmem_shared>>
    tpu.wait_indirect_dma semaphore(%arg23 : memref<!tpu.dma_semaphore, #tpu.memory_space<semaphore_mem>>) src(%dma_wait3A_514 : memref<10240x32xf32, #tpu.memory_space<vmem_shared>>) dst(%arg9 : memref<128x32xf32, #tpu.memory_space<vmem>>)
    %dma_wait3A_515 = arith.constant 0 : i32
    %dma_wait3A_516 = arith.constant 0 : i32
    %dma_wait3A_517 = tpu.memref_slice %arg8[%dma_wait3A_515, %dma_wait3A_516] : memref<80x128xi32, #tpu.memory_space<vmem>> -> memref<1x128xi32, #tpu.memory_space<vmem>>
    %dma_wait3A_518 = tpu.memref_squeeze %dma_wait3A_517 : memref<1x128xi32, #tpu.memory_space<vmem>> -> memref<128xi32, #tpu.memory_space<vmem>>
    %dma_wait3A_519 = arith.constant 0 : i32
    %dma_wait3A_520 = arith.constant 0 : i32
    %dma_wait3A_521 = tpu.memref_slice %arg21[%dma_wait3A_519, %dma_wait3A_520] : memref<10240x32xf32, #tpu.memory_space<vmem_shared>> -> memref<10240x32xf32, #tpu.memory_space<vmem_shared>>
    tpu.wait_indirect_dma semaphore(%arg39 : memref<!tpu.dma_semaphore, #tpu.memory_space<semaphore_mem>>) src(%arg15 : memref<128x32xf32, #tpu.memory_space<vmem>>) dst(%dma_wait3A_521 : memref<10240x32xf32, #tpu.memory_space<vmem_shared>>)
    %dma_wait3A_522 = arith.constant 128 : i32
    %dma_wait3A_523 = tpu.memref_slice %arg7[%dma_wait3A_522] : memref<10240xi32, #tpu.memory_space<vmem>> -> memref<128xi32, #tpu.memory_space<vmem>>
    %dma_wait3A_524 = arith.constant 0 : i32
    %dma_wait3A_525 = arith.constant 0 : i32
    %dma_wait3A_526 = tpu.memref_slice %arg22[%dma_wait3A_524, %dma_wait3A_525] : memref<10240x32xf32, #tpu.memory_space<vmem_shared>> -> memref<10240x32xf32, #tpu.memory_space<vmem_shared>>
    tpu.wait_indirect_dma semaphore(%arg24 : memref<!tpu.dma_semaphore, #tpu.memory_space<semaphore_mem>>) src(%dma_wait3A_526 : memref<10240x32xf32, #tpu.memory_space<vmem_shared>>) dst(%arg10 : memref<128x32xf32, #tpu.memory_space<vmem>>)
    %dma_wait3A_527 = arith.constant 0 : i32
    %dma_wait3A_528 = arith.constant 0 : i32
    %dma_wait3A_529 = tpu.memref_slice %arg8[%dma_wait3A_527, %dma_wait3A_528] : memref<80x128xi32, #tpu.memory_space<vmem>> -> memref<1x128xi32, #tpu.memory_space<vmem>>
    %dma_wait3A_530 = tpu.memref_squeeze %dma_wait3A_529 : memref<1x128xi32, #tpu.memory_space<vmem>> -> memref<128xi32, #tpu.memory_space<vmem>>
    %dma_wait3A_531 = arith.constant 0 : i32
    %dma_wait3A_532 = arith.constant 0 : i32
    %dma_wait3A_533 = tpu.memref_slice %arg21[%dma_wait3A_531, %dma_wait3A_532] : memref<10240x32xf32, #tpu.memory_space<vmem_shared>> -> memref<10240x32xf32, #tpu.memory_space<vmem_shared>>
    tpu.wait_indirect_dma semaphore(%arg40 : memref<!tpu.dma_semaphore, #tpu.memory_space<semaphore_mem>>) src(%arg16 : memref<128x32xf32, #tpu.memory_space<vmem>>) dst(%dma_wait3A_533 : memref<10240x32xf32, #tpu.memory_space<vmem_shared>>)
    %dma_wait3A_534 = arith.constant 256 : i32
    %dma_wait3A_535 = tpu.memref_slice %arg7[%dma_wait3A_534] : memref<10240xi32, #tpu.memory_space<vmem>> -> memref<128xi32, #tpu.memory_space<vmem>>
    %dma_wait3A_536 = arith.constant 0 : i32
    %dma_wait3A_537 = arith.constant 0 : i32
    %dma_wait3A_538 = tpu.memref_slice %arg22[%dma_wait3A_536, %dma_wait3A_537] : memref<10240x32xf32, #tpu.memory_space<vmem_shared>> -> memref<10240x32xf32, #tpu.memory_space<vmem_shared>>
    tpu.wait_indirect_dma semaphore(%arg25 : memref<!tpu.dma_semaphore, #tpu.memory_space<semaphore_mem>>) src(%dma_wait3A_538 : memref<10240x32xf32, #tpu.memory_space<vmem_shared>>) dst(%arg11 : memref<128x32xf32, #tpu.memory_space<vmem>>)
    %dma_wait3A_539 = arith.constant 0 : i32
    %dma_wait3A_540 = arith.constant 0 : i32
    %dma_wait3A_541 = tpu.memref_slice %arg8[%dma_wait3A_539, %dma_wait3A_540] : memref<80x128xi32, #tpu.memory_space<vmem>> -> memref<1x128xi32, #tpu.memory_space<vmem>>
    %dma_wait3A_542 = tpu.memref_squeeze %dma_wait3A_541 : memref<1x128xi32, #tpu.memory_space<vmem>> -> memref<128xi32, #tpu.memory_space<vmem>>
    %dma_wait3A_543 = arith.constant 0 : i32
    %dma_wait3A_544 = arith.constant 0 : i32
    %dma_wait3A_545 = tpu.memref_slice %arg21[%dma_wait3A_543, %dma_wait3A_544] : memref<10240x32xf32, #tpu.memory_space<vmem_shared>> -> memref<10240x32xf32, #tpu.memory_space<vmem_shared>>
    tpu.wait_indirect_dma semaphore(%arg41 : memref<!tpu.dma_semaphore, #tpu.memory_space<semaphore_mem>>) src(%arg17 : memref<128x32xf32, #tpu.memory_space<vmem>>) dst(%dma_wait3A_545 : memref<10240x32xf32, #tpu.memory_space<vmem_shared>>)
    %dma_wait3A_546 = arith.constant 384 : i32
    %dma_wait3A_547 = tpu.memref_slice %arg7[%dma_wait3A_546] : memref<10240xi32, #tpu.memory_space<vmem>> -> memref<128xi32, #tpu.memory_space<vmem>>
    %dma_wait3A_548 = arith.constant 0 : i32
    %dma_wait3A_549 = arith.constant 0 : i32
    %dma_wait3A_550 = tpu.memref_slice %arg22[%dma_wait3A_548, %dma_wait3A_549] : memref<10240x32xf32, #tpu.memory_space<vmem_shared>> -> memref<10240x32xf32, #tpu.memory_space<vmem_shared>>
    tpu.wait_indirect_dma semaphore(%arg26 : memref<!tpu.dma_semaphore, #tpu.memory_space<semaphore_mem>>) src(%dma_wait3A_550 : memref<10240x32xf32, #tpu.memory_space<vmem_shared>>) dst(%arg12 : memref<128x32xf32, #tpu.memory_space<vmem>>)
    %dma_wait3A_551 = arith.constant 0 : i32
    %dma_wait3A_552 = arith.constant 0 : i32
    %dma_wait3A_553 = tpu.memref_slice %arg8[%dma_wait3A_551, %dma_wait3A_552] : memref<80x128xi32, #tpu.memory_space<vmem>> -> memref<1x128xi32, #tpu.memory_space<vmem>>
    %dma_wait3A_554 = tpu.memref_squeeze %dma_wait3A_553 : memref<1x128xi32, #tpu.memory_space<vmem>> -> memref<128xi32, #tpu.memory_space<vmem>>
    %dma_wait3A_555 = arith.constant 0 : i32
    %dma_wait3A_556 = arith.constant 0 : i32
    %dma_wait3A_557 = tpu.memref_slice %arg21[%dma_wait3A_555, %dma_wait3A_556] : memref<10240x32xf32, #tpu.memory_space<vmem_shared>> -> memref<10240x32xf32, #tpu.memory_space<vmem_shared>>
    tpu.wait_indirect_dma semaphore(%arg42 : memref<!tpu.dma_semaphore, #tpu.memory_space<semaphore_mem>>) src(%arg18 : memref<128x32xf32, #tpu.memory_space<vmem>>) dst(%dma_wait3A_557 : memref<10240x32xf32, #tpu.memory_space<vmem_shared>>)
    %dma_wait3A_558 = arith.constant 512 : i32
    %dma_wait3A_559 = tpu.memref_slice %arg7[%dma_wait3A_558] : memref<10240xi32, #tpu.memory_space<vmem>> -> memref<128xi32, #tpu.memory_space<vmem>>
    %dma_wait3A_560 = arith.constant 0 : i32
    %dma_wait3A_561 = arith.constant 0 : i32
    %dma_wait3A_562 = tpu.memref_slice %arg22[%dma_wait3A_560, %dma_wait3A_561] : memref<10240x32xf32, #tpu.memory_space<vmem_shared>> -> memref<10240x32xf32, #tpu.memory_space<vmem_shared>>
    tpu.wait_indirect_dma semaphore(%arg27 : memref<!tpu.dma_semaphore, #tpu.memory_space<semaphore_mem>>) src(%dma_wait3A_562 : memref<10240x32xf32, #tpu.memory_space<vmem_shared>>) dst(%arg13 : memref<128x32xf32, #tpu.memory_space<vmem>>)
    %barrier3A_563 = arith.constant 0 : index
    tpu.barrier barrier_id(%barrier3A_563)
    %mul3A_564 = arith.constant 640 : i32
    %mul3A_565 = arith.muli %arg1, %mul3A_564 : i32
    %mul3A_566 = arith.constant 640 : i32
    %mul3A_567 = arith.muli %arg1, %mul3A_566 : i32
    "tpu.region"() ({
      %run_scoped3A = tpu.sem_alloc : memref<!tpu.dma_semaphore, #tpu.memory_space<semaphore_mem>>
      %dma_start3A_568 = arith.constant 0 : i32
      %dma_start3A_569 = tpu.memref_slice %arg6[%arg0, %mul3A_567, %dma_start3A_568] : memref<2x10240x32xf32, #tpu.memory_space<hbm>> -> memref<1x640x32xf32, #tpu.memory_space<hbm>>
      %dma_start3A_570 = tpu.memref_squeeze %dma_start3A_569 : memref<1x640x32xf32, #tpu.memory_space<hbm>> -> memref<640x32xf32, #tpu.memory_space<hbm>>
      %dma_start3A_571 = arith.constant 0 : i32
      %dma_start3A_572 = tpu.memref_slice %arg21[%mul3A_565, %dma_start3A_571] : memref<10240x32xf32, #tpu.memory_space<vmem_shared>> -> memref<640x32xf32, #tpu.memory_space<vmem_shared>>
      tpu.enqueue_dma source(%dma_start3A_572 : memref<640x32xf32, #tpu.memory_space<vmem_shared>>) target(%dma_start3A_570 : memref<640x32xf32, #tpu.memory_space<hbm>>) target_semaphore(%run_scoped3A : memref<!tpu.dma_semaphore, #tpu.memory_space<semaphore_mem>>)
      %dma_wait3A_573 = arith.constant 0 : i32
      %dma_wait3A_574 = tpu.memref_slice %arg6[%arg0, %mul3A_567, %dma_wait3A_573] : memref<2x10240x32xf32, #tpu.memory_space<hbm>> -> memref<1x640x32xf32, #tpu.memory_space<hbm>>
      %dma_wait3A_575 = tpu.memref_squeeze %dma_wait3A_574 : memref<1x640x32xf32, #tpu.memory_space<hbm>> -> memref<640x32xf32, #tpu.memory_space<hbm>>
      %dma_wait3A_576 = arith.constant 0 : i32
      %dma_wait3A_577 = tpu.memref_slice %arg21[%mul3A_565, %dma_wait3A_576] : memref<10240x32xf32, #tpu.memory_space<vmem_shared>> -> memref<640x32xf32, #tpu.memory_space<vmem_shared>>
      tpu.wait_dma2 semaphore(%run_scoped3A : memref<!tpu.dma_semaphore, #tpu.memory_space<semaphore_mem>>) src(%dma_wait3A_577 : memref<640x32xf32, #tpu.memory_space<vmem_shared>>) dst(%dma_wait3A_575 : memref<640x32xf32, #tpu.memory_space<hbm>>)
      tpu.yield
    }) : () -> ()
    return
  }
}

#map = affine_map<(d0, d1) -> (0, 0)>
#map1 = affine_map<(d0, d1) -> (0, 0, 0)>
module attributes {stable_mosaic.version = 14 : i64} {
  func.func @agg_kernel(%arg0: i32, %arg1: i32, %arg2: memref<10240x32xf32, #tpu.memory_space<hbm>>, %arg3: memref<2x320000xi32, #tpu.memory_space<hbm>>, %arg4: memref<2x10240x32xf32, #tpu.memory_space<hbm>>, %arg5: memref<10240xi32, #tpu.memory_space<vmem>>, %arg6: memref<80x128xi32, #tpu.memory_space<vmem>>, %arg7: memref<128x32xf32, #tpu.memory_space<vmem>>, %arg8: memref<128x32xf32, #tpu.memory_space<vmem>>, %arg9: memref<128x32xf32, #tpu.memory_space<vmem>>, %arg10: memref<128x32xf32, #tpu.memory_space<vmem>>, %arg11: memref<128x32xf32, #tpu.memory_space<vmem>>, %arg12: memref<128x32xf32, #tpu.memory_space<vmem>>, %arg13: memref<128x32xf32, #tpu.memory_space<vmem>>, %arg14: memref<128x32xf32, #tpu.memory_space<vmem>>, %arg15: memref<128x32xf32, #tpu.memory_space<vmem>>, %arg16: memref<128x32xf32, #tpu.memory_space<vmem>>, %arg17: memref<640x32xf32, #tpu.memory_space<vmem>>, %arg18: memref<10240x32xf32, #tpu.memory_space<vmem_shared>>, %arg19: memref<10240x32xf32, #tpu.memory_space<vmem_shared>>, %arg20: memref<!tpu.dma_semaphore, #tpu.memory_space<semaphore_mem>>, %arg21: memref<!tpu.dma_semaphore, #tpu.memory_space<semaphore_mem>>, %arg22: memref<!tpu.dma_semaphore, #tpu.memory_space<semaphore_mem>>, %arg23: memref<!tpu.dma_semaphore, #tpu.memory_space<semaphore_mem>>, %arg24: memref<!tpu.dma_semaphore, #tpu.memory_space<semaphore_mem>>, %arg25: memref<!tpu.dma_semaphore, #tpu.memory_space<semaphore_mem>>, %arg26: memref<!tpu.dma_semaphore, #tpu.memory_space<semaphore_mem>>, %arg27: memref<!tpu.dma_semaphore, #tpu.memory_space<semaphore_mem>>, %arg28: memref<!tpu.dma_semaphore, #tpu.memory_space<semaphore_mem>>, %arg29: memref<!tpu.dma_semaphore, #tpu.memory_space<semaphore_mem>>, %arg30: memref<!tpu.dma_semaphore, #tpu.memory_space<semaphore_mem>>, %arg31: memref<!tpu.dma_semaphore, #tpu.memory_space<semaphore_mem>>, %arg32: memref<!tpu.dma_semaphore, #tpu.memory_space<semaphore_mem>>, %arg33: memref<!tpu.dma_semaphore, #tpu.memory_space<semaphore_mem>>, %arg34: memref<!tpu.dma_semaphore, #tpu.memory_space<semaphore_mem>>, %arg35: memref<!tpu.dma_semaphore, #tpu.memory_space<semaphore_mem>>, %arg36: memref<!tpu.dma_semaphore, #tpu.memory_space<semaphore_mem>>, %arg37: memref<!tpu.dma_semaphore, #tpu.memory_space<semaphore_mem>>, %arg38: memref<!tpu.dma_semaphore, #tpu.memory_space<semaphore_mem>>, %arg39: memref<!tpu.dma_semaphore, #tpu.memory_space<semaphore_mem>>) attributes {dimension_semantics = [#tpu.dimension_semantics<core_parallel>, #tpu.dimension_semantics<subcore_parallel>], iteration_bounds = array<i64: 2, 16>, scalar_prefetch = 0 : i64, scratch_operands = 35 : i64, tpu.core_type = #tpu.core_type<sc_vector_subcore>, window_params = [{transform_indices = #map}, {transform_indices = #map}, {transform_indices = #map1}]} {
    %mul3A = arith.constant 2 : i32
    %mul3A_0 = arith.muli %arg1, %mul3A : i32
    %add3A = arith.addi %mul3A_0, %arg0 : i32
    %mul3A_1 = arith.constant 80 : i32
    %mul3A_2 = arith.muli %add3A, %mul3A_1 : i32
    %sub3A = arith.constant 2500 : i32
    %sub3A_3 = arith.subi %sub3A, %mul3A_2 : i32
    %jit3A = arith.constant 0 : i32
    %jit3A_4 = arith.constant 80 : i32
    %max3A = arith.maxsi %jit3A, %sub3A_3 : i32
    %min3A = arith.minsi %jit3A_4, %max3A : i32
    %mul3A_5 = arith.constant 80 : i32
    %mul3A_6 = arith.muli %add3A, %mul3A_5 : i32
    %mul3A_7 = arith.constant 128 : i32
    %mul3A_8 = arith.muli %mul3A_6, %mul3A_7 : i32
    %while3A = arith.constant 0 : i32
    %while3A_9 = arith.constant 0 : i32
    %while3A_10 = arith.subi %min3A, %while3A : i32
    %while3A_11 = arith.addi %while3A, %while3A_10 : i32
    %while3A_12 = arith.constant 1 : i32
    %while3A_13 = arith.divsi %while3A_10, %while3A_12 : i32
    %while3A_14 = arith.muli %while3A_13, %while3A_12 : i32
    %while3A_15 = arith.addi %while3A, %while3A_14 : i32
    %while3A_16 = arith.constant 1 : i32
    %while3A_17 = scf.for %while3A_247 = %while3A to %while3A_15 step %while3A_16 iter_args(%while3A_248 = %while3A_9) -> (i32)  : i32 {
      %mul3A_249 = arith.constant 128 : i32
      %mul3A_250 = arith.muli %while3A_247, %mul3A_249 : i32
      %add3A_251 = arith.addi %mul3A_8, %mul3A_250 : i32
      %mul3A_252 = arith.constant 128 : i32
      %mul3A_253 = arith.muli %while3A_247, %mul3A_252 : i32
      %dma_start3A_254 = arith.constant 0 : i32
      %dma_start3A_255 = tpu.memref_slice %arg5[%mul3A_253] : memref<10240xi32, #tpu.memory_space<vmem>> -> memref<128xi32, #tpu.memory_space<vmem>>
      %dma_start3A_256 = tpu.memref_slice %arg3[%dma_start3A_254, %add3A_251] : memref<2x320000xi32, #tpu.memory_space<hbm>> -> memref<1x128xi32, #tpu.memory_space<hbm>>
      %dma_start3A_257 = tpu.memref_squeeze %dma_start3A_256 : memref<1x128xi32, #tpu.memory_space<hbm>> -> memref<128xi32, #tpu.memory_space<hbm>>
      %dma_start3A_258 = tpu.memref_slice %arg5[%mul3A_253] : memref<10240xi32, #tpu.memory_space<vmem>> -> memref<128xi32, #tpu.memory_space<vmem>>
      %dma_start3A_259 = tpu.memref_slice %arg3[%dma_start3A_254, %add3A_251] : memref<2x320000xi32, #tpu.memory_space<hbm>> -> memref<1x128xi32, #tpu.memory_space<hbm>>
      %dma_start3A_260 = tpu.memref_squeeze %dma_start3A_259 : memref<1x128xi32, #tpu.memory_space<hbm>> -> memref<128xi32, #tpu.memory_space<hbm>>
      tpu.enqueue_dma source(%dma_start3A_260 : memref<128xi32, #tpu.memory_space<hbm>>) target(%dma_start3A_258 : memref<128xi32, #tpu.memory_space<vmem>>) target_semaphore(%arg20 : memref<!tpu.dma_semaphore, #tpu.memory_space<semaphore_mem>>)
      %while3A_261 = arith.constant 0 : i32
      scf.yield %while3A_261 : i32
    }
    %while3A_18 = arith.constant 1 : i32
    %while3A_19 = scf.for %while3A_247 = %while3A_15 to %while3A_11 step %while3A_18 iter_args(%while3A_248 = %while3A_17) -> (i32)  : i32 {
      %mul3A_249 = arith.constant 128 : i32
      %mul3A_250 = arith.muli %while3A_247, %mul3A_249 : i32
      %add3A_251 = arith.addi %mul3A_8, %mul3A_250 : i32
      %mul3A_252 = arith.constant 128 : i32
      %mul3A_253 = arith.muli %while3A_247, %mul3A_252 : i32
      %dma_start3A_254 = arith.constant 0 : i32
      %dma_start3A_255 = tpu.memref_slice %arg5[%mul3A_253] : memref<10240xi32, #tpu.memory_space<vmem>> -> memref<128xi32, #tpu.memory_space<vmem>>
      %dma_start3A_256 = tpu.memref_slice %arg3[%dma_start3A_254, %add3A_251] : memref<2x320000xi32, #tpu.memory_space<hbm>> -> memref<1x128xi32, #tpu.memory_space<hbm>>
      %dma_start3A_257 = tpu.memref_squeeze %dma_start3A_256 : memref<1x128xi32, #tpu.memory_space<hbm>> -> memref<128xi32, #tpu.memory_space<hbm>>
      %dma_start3A_258 = tpu.memref_slice %arg5[%mul3A_253] : memref<10240xi32, #tpu.memory_space<vmem>> -> memref<128xi32, #tpu.memory_space<vmem>>
      %dma_start3A_259 = tpu.memref_slice %arg3[%dma_start3A_254, %add3A_251] : memref<2x320000xi32, #tpu.memory_space<hbm>> -> memref<1x128xi32, #tpu.memory_space<hbm>>
      %dma_start3A_260 = tpu.memref_squeeze %dma_start3A_259 : memref<1x128xi32, #tpu.memory_space<hbm>> -> memref<128xi32, #tpu.memory_space<hbm>>
      tpu.enqueue_dma source(%dma_start3A_260 : memref<128xi32, #tpu.memory_space<hbm>>) target(%dma_start3A_258 : memref<128xi32, #tpu.memory_space<vmem>>) target_semaphore(%arg20 : memref<!tpu.dma_semaphore, #tpu.memory_space<semaphore_mem>>)
      %while3A_261 = arith.constant 0 : i32
      scf.yield %while3A_261 : i32
    }
    %broadcast_in_dim3A = arith.constant 10000 : i32
    %broadcast_in_dim3A_20 = vector.broadcast %broadcast_in_dim3A : i32 to vector<16xi32>
    %while3A_21 = arith.constant 80 : i32
    %while3A_22 = arith.constant 0 : i32
    %while3A_23 = arith.subi %while3A_21, %min3A : i32
    %while3A_24 = arith.addi %min3A, %while3A_23 : i32
    %while3A_25 = arith.constant 1 : i32
    %while3A_26 = arith.divsi %while3A_23, %while3A_25 : i32
    %while3A_27 = arith.muli %while3A_26, %while3A_25 : i32
    %while3A_28 = arith.addi %min3A, %while3A_27 : i32
    %while3A_29 = arith.constant 1 : i32
    %while3A_30 = scf.for %while3A_247 = %min3A to %while3A_28 step %while3A_29 iter_args(%while3A_248 = %while3A_22) -> (i32)  : i32 {
      %mul3A_249 = arith.constant 128 : i32
      %mul3A_250 = arith.muli %while3A_247, %mul3A_249 : i32
      %add3A_251 = arith.constant 0 : i32
      %add3A_252 = arith.addi %mul3A_250, %add3A_251 : i32
      %swap3A = arith.index_cast %add3A_252 : i32 to index
      %swap3A_253 = tpu.vector_load %arg5[%swap3A] {strides = array<i32>} : memref<10240xi32, #tpu.memory_space<vmem>>, vector<16xi32>,
      %swap3A_254 = vector.shape_cast %swap3A_253 : vector<16xi32> to vector<16xi32>
      %swap3A_255 = vector.shape_cast %broadcast_in_dim3A_20 : vector<16xi32> to vector<16xi32>
      tpu.vector_store %arg5[%swap3A], %swap3A_255 {strides = array<i32>} : memref<10240xi32, #tpu.memory_space<vmem>>, vector<16xi32>,
      %mul3A_256 = arith.constant 128 : i32
      %mul3A_257 = arith.muli %while3A_247, %mul3A_256 : i32
      %add3A_258 = arith.constant 16 : i32
      %add3A_259 = arith.addi %mul3A_257, %add3A_258 : i32
      %swap3A_260 = arith.index_cast %add3A_259 : i32 to index
      %swap3A_261 = tpu.vector_load %arg5[%swap3A_260] {strides = array<i32>} : memref<10240xi32, #tpu.memory_space<vmem>>, vector<16xi32>,
      %swap3A_262 = vector.shape_cast %swap3A_261 : vector<16xi32> to vector<16xi32>
      %swap3A_263 = vector.shape_cast %broadcast_in_dim3A_20 : vector<16xi32> to vector<16xi32>
      tpu.vector_store %arg5[%swap3A_260], %swap3A_263 {strides = array<i32>} : memref<10240xi32, #tpu.memory_space<vmem>>, vector<16xi32>,
      %mul3A_264 = arith.constant 128 : i32
      %mul3A_265 = arith.muli %while3A_247, %mul3A_264 : i32
      %add3A_266 = arith.constant 32 : i32
      %add3A_267 = arith.addi %mul3A_265, %add3A_266 : i32
      %swap3A_268 = arith.index_cast %add3A_267 : i32 to index
      %swap3A_269 = tpu.vector_load %arg5[%swap3A_268] {strides = array<i32>} : memref<10240xi32, #tpu.memory_space<vmem>>, vector<16xi32>,
      %swap3A_270 = vector.shape_cast %swap3A_269 : vector<16xi32> to vector<16xi32>
      %swap3A_271 = vector.shape_cast %broadcast_in_dim3A_20 : vector<16xi32> to vector<16xi32>
      tpu.vector_store %arg5[%swap3A_268], %swap3A_271 {strides = array<i32>} : memref<10240xi32, #tpu.memory_space<vmem>>, vector<16xi32>,
      %mul3A_272 = arith.constant 128 : i32
      %mul3A_273 = arith.muli %while3A_247, %mul3A_272 : i32
      %add3A_274 = arith.constant 48 : i32
      %add3A_275 = arith.addi %mul3A_273, %add3A_274 : i32
      %swap3A_276 = arith.index_cast %add3A_275 : i32 to index
      %swap3A_277 = tpu.vector_load %arg5[%swap3A_276] {strides = array<i32>} : memref<10240xi32, #tpu.memory_space<vmem>>, vector<16xi32>,
      %swap3A_278 = vector.shape_cast %swap3A_277 : vector<16xi32> to vector<16xi32>
      %swap3A_279 = vector.shape_cast %broadcast_in_dim3A_20 : vector<16xi32> to vector<16xi32>
      tpu.vector_store %arg5[%swap3A_276], %swap3A_279 {strides = array<i32>} : memref<10240xi32, #tpu.memory_space<vmem>>, vector<16xi32>,
      %mul3A_280 = arith.constant 128 : i32
      %mul3A_281 = arith.muli %while3A_247, %mul3A_280 : i32
      %add3A_282 = arith.constant 64 : i32
      %add3A_283 = arith.addi %mul3A_281, %add3A_282 : i32
      %swap3A_284 = arith.index_cast %add3A_283 : i32 to index
      %swap3A_285 = tpu.vector_load %arg5[%swap3A_284] {strides = array<i32>} : memref<10240xi32, #tpu.memory_space<vmem>>, vector<16xi32>,
      %swap3A_286 = vector.shape_cast %swap3A_285 : vector<16xi32> to vector<16xi32>
      %swap3A_287 = vector.shape_cast %broadcast_in_dim3A_20 : vector<16xi32> to vector<16xi32>
      tpu.vector_store %arg5[%swap3A_284], %swap3A_287 {strides = array<i32>} : memref<10240xi32, #tpu.memory_space<vmem>>, vector<16xi32>,
      %mul3A_288 = arith.constant 128 : i32
      %mul3A_289 = arith.muli %while3A_247, %mul3A_288 : i32
      %add3A_290 = arith.constant 80 : i32
      %add3A_291 = arith.addi %mul3A_289, %add3A_290 : i32
      %swap3A_292 = arith.index_cast %add3A_291 : i32 to index
      %swap3A_293 = tpu.vector_load %arg5[%swap3A_292] {strides = array<i32>} : memref<10240xi32, #tpu.memory_space<vmem>>, vector<16xi32>,
      %swap3A_294 = vector.shape_cast %swap3A_293 : vector<16xi32> to vector<16xi32>
      %swap3A_295 = vector.shape_cast %broadcast_in_dim3A_20 : vector<16xi32> to vector<16xi32>
      tpu.vector_store %arg5[%swap3A_292], %swap3A_295 {strides = array<i32>} : memref<10240xi32, #tpu.memory_space<vmem>>, vector<16xi32>,
      %mul3A_296 = arith.constant 128 : i32
      %mul3A_297 = arith.muli %while3A_247, %mul3A_296 : i32
      %add3A_298 = arith.constant 96 : i32
      %add3A_299 = arith.addi %mul3A_297, %add3A_298 : i32
      %swap3A_300 = arith.index_cast %add3A_299 : i32 to index
      %swap3A_301 = tpu.vector_load %arg5[%swap3A_300] {strides = array<i32>} : memref<10240xi32, #tpu.memory_space<vmem>>, vector<16xi32>,
      %swap3A_302 = vector.shape_cast %swap3A_301 : vector<16xi32> to vector<16xi32>
      %swap3A_303 = vector.shape_cast %broadcast_in_dim3A_20 : vector<16xi32> to vector<16xi32>
      tpu.vector_store %arg5[%swap3A_300], %swap3A_303 {strides = array<i32>} : memref<10240xi32, #tpu.memory_space<vmem>>, vector<16xi32>,
      %mul3A_304 = arith.constant 128 : i32
      %mul3A_305 = arith.muli %while3A_247, %mul3A_304 : i32
      %add3A_306 = arith.constant 112 : i32
      %add3A_307 = arith.addi %mul3A_305, %add3A_306 : i32
      %swap3A_308 = arith.index_cast %add3A_307 : i32 to index
      %swap3A_309 = tpu.vector_load %arg5[%swap3A_308] {strides = array<i32>} : memref<10240xi32, #tpu.memory_space<vmem>>, vector<16xi32>,
      %swap3A_310 = vector.shape_cast %swap3A_309 : vector<16xi32> to vector<16xi32>
      %swap3A_311 = vector.shape_cast %broadcast_in_dim3A_20 : vector<16xi32> to vector<16xi32>
      tpu.vector_store %arg5[%swap3A_308], %swap3A_311 {strides = array<i32>} : memref<10240xi32, #tpu.memory_space<vmem>>, vector<16xi32>,
      %while3A_312 = arith.constant 0 : i32
      scf.yield %while3A_312 : i32
    }
    %while3A_31 = arith.constant 1 : i32
    %while3A_32 = scf.for %while3A_247 = %while3A_28 to %while3A_24 step %while3A_31 iter_args(%while3A_248 = %while3A_30) -> (i32)  : i32 {
      %mul3A_249 = arith.constant 128 : i32
      %mul3A_250 = arith.muli %while3A_247, %mul3A_249 : i32
      %add3A_251 = arith.constant 0 : i32
      %add3A_252 = arith.addi %mul3A_250, %add3A_251 : i32
      %swap3A = arith.index_cast %add3A_252 : i32 to index
      %swap3A_253 = tpu.vector_load %arg5[%swap3A] {strides = array<i32>} : memref<10240xi32, #tpu.memory_space<vmem>>, vector<16xi32>,
      %swap3A_254 = vector.shape_cast %swap3A_253 : vector<16xi32> to vector<16xi32>
      %swap3A_255 = vector.shape_cast %broadcast_in_dim3A_20 : vector<16xi32> to vector<16xi32>
      tpu.vector_store %arg5[%swap3A], %swap3A_255 {strides = array<i32>} : memref<10240xi32, #tpu.memory_space<vmem>>, vector<16xi32>,
      %mul3A_256 = arith.constant 128 : i32
      %mul3A_257 = arith.muli %while3A_247, %mul3A_256 : i32
      %add3A_258 = arith.constant 16 : i32
      %add3A_259 = arith.addi %mul3A_257, %add3A_258 : i32
      %swap3A_260 = arith.index_cast %add3A_259 : i32 to index
      %swap3A_261 = tpu.vector_load %arg5[%swap3A_260] {strides = array<i32>} : memref<10240xi32, #tpu.memory_space<vmem>>, vector<16xi32>,
      %swap3A_262 = vector.shape_cast %swap3A_261 : vector<16xi32> to vector<16xi32>
      %swap3A_263 = vector.shape_cast %broadcast_in_dim3A_20 : vector<16xi32> to vector<16xi32>
      tpu.vector_store %arg5[%swap3A_260], %swap3A_263 {strides = array<i32>} : memref<10240xi32, #tpu.memory_space<vmem>>, vector<16xi32>,
      %mul3A_264 = arith.constant 128 : i32
      %mul3A_265 = arith.muli %while3A_247, %mul3A_264 : i32
      %add3A_266 = arith.constant 32 : i32
      %add3A_267 = arith.addi %mul3A_265, %add3A_266 : i32
      %swap3A_268 = arith.index_cast %add3A_267 : i32 to index
      %swap3A_269 = tpu.vector_load %arg5[%swap3A_268] {strides = array<i32>} : memref<10240xi32, #tpu.memory_space<vmem>>, vector<16xi32>,
      %swap3A_270 = vector.shape_cast %swap3A_269 : vector<16xi32> to vector<16xi32>
      %swap3A_271 = vector.shape_cast %broadcast_in_dim3A_20 : vector<16xi32> to vector<16xi32>
      tpu.vector_store %arg5[%swap3A_268], %swap3A_271 {strides = array<i32>} : memref<10240xi32, #tpu.memory_space<vmem>>, vector<16xi32>,
      %mul3A_272 = arith.constant 128 : i32
      %mul3A_273 = arith.muli %while3A_247, %mul3A_272 : i32
      %add3A_274 = arith.constant 48 : i32
      %add3A_275 = arith.addi %mul3A_273, %add3A_274 : i32
      %swap3A_276 = arith.index_cast %add3A_275 : i32 to index
      %swap3A_277 = tpu.vector_load %arg5[%swap3A_276] {strides = array<i32>} : memref<10240xi32, #tpu.memory_space<vmem>>, vector<16xi32>,
      %swap3A_278 = vector.shape_cast %swap3A_277 : vector<16xi32> to vector<16xi32>
      %swap3A_279 = vector.shape_cast %broadcast_in_dim3A_20 : vector<16xi32> to vector<16xi32>
      tpu.vector_store %arg5[%swap3A_276], %swap3A_279 {strides = array<i32>} : memref<10240xi32, #tpu.memory_space<vmem>>, vector<16xi32>,
      %mul3A_280 = arith.constant 128 : i32
      %mul3A_281 = arith.muli %while3A_247, %mul3A_280 : i32
      %add3A_282 = arith.constant 64 : i32
      %add3A_283 = arith.addi %mul3A_281, %add3A_282 : i32
      %swap3A_284 = arith.index_cast %add3A_283 : i32 to index
      %swap3A_285 = tpu.vector_load %arg5[%swap3A_284] {strides = array<i32>} : memref<10240xi32, #tpu.memory_space<vmem>>, vector<16xi32>,
      %swap3A_286 = vector.shape_cast %swap3A_285 : vector<16xi32> to vector<16xi32>
      %swap3A_287 = vector.shape_cast %broadcast_in_dim3A_20 : vector<16xi32> to vector<16xi32>
      tpu.vector_store %arg5[%swap3A_284], %swap3A_287 {strides = array<i32>} : memref<10240xi32, #tpu.memory_space<vmem>>, vector<16xi32>,
      %mul3A_288 = arith.constant 128 : i32
      %mul3A_289 = arith.muli %while3A_247, %mul3A_288 : i32
      %add3A_290 = arith.constant 80 : i32
      %add3A_291 = arith.addi %mul3A_289, %add3A_290 : i32
      %swap3A_292 = arith.index_cast %add3A_291 : i32 to index
      %swap3A_293 = tpu.vector_load %arg5[%swap3A_292] {strides = array<i32>} : memref<10240xi32, #tpu.memory_space<vmem>>, vector<16xi32>,
      %swap3A_294 = vector.shape_cast %swap3A_293 : vector<16xi32> to vector<16xi32>
      %swap3A_295 = vector.shape_cast %broadcast_in_dim3A_20 : vector<16xi32> to vector<16xi32>
      tpu.vector_store %arg5[%swap3A_292], %swap3A_295 {strides = array<i32>} : memref<10240xi32, #tpu.memory_space<vmem>>, vector<16xi32>,
      %mul3A_296 = arith.constant 128 : i32
      %mul3A_297 = arith.muli %while3A_247, %mul3A_296 : i32
      %add3A_298 = arith.constant 96 : i32
      %add3A_299 = arith.addi %mul3A_297, %add3A_298 : i32
      %swap3A_300 = arith.index_cast %add3A_299 : i32 to index
      %swap3A_301 = tpu.vector_load %arg5[%swap3A_300] {strides = array<i32>} : memref<10240xi32, #tpu.memory_space<vmem>>, vector<16xi32>,
      %swap3A_302 = vector.shape_cast %swap3A_301 : vector<16xi32> to vector<16xi32>
      %swap3A_303 = vector.shape_cast %broadcast_in_dim3A_20 : vector<16xi32> to vector<16xi32>
      tpu.vector_store %arg5[%swap3A_300], %swap3A_303 {strides = array<i32>} : memref<10240xi32, #tpu.memory_space<vmem>>, vector<16xi32>,
      %mul3A_304 = arith.constant 128 : i32
      %mul3A_305 = arith.muli %while3A_247, %mul3A_304 : i32
      %add3A_306 = arith.constant 112 : i32
      %add3A_307 = arith.addi %mul3A_305, %add3A_306 : i32
      %swap3A_308 = arith.index_cast %add3A_307 : i32 to index
      %swap3A_309 = tpu.vector_load %arg5[%swap3A_308] {strides = array<i32>} : memref<10240xi32, #tpu.memory_space<vmem>>, vector<16xi32>,
      %swap3A_310 = vector.shape_cast %swap3A_309 : vector<16xi32> to vector<16xi32>
      %swap3A_311 = vector.shape_cast %broadcast_in_dim3A_20 : vector<16xi32> to vector<16xi32>
      tpu.vector_store %arg5[%swap3A_308], %swap3A_311 {strides = array<i32>} : memref<10240xi32, #tpu.memory_space<vmem>>, vector<16xi32>,
      %while3A_312 = arith.constant 0 : i32
      scf.yield %while3A_312 : i32
    }
    %mul3A_33 = arith.constant 80 : i32
    %mul3A_34 = arith.muli %add3A, %mul3A_33 : i32
    %mul3A_35 = arith.constant 128 : i32
    %mul3A_36 = arith.muli %mul3A_34, %mul3A_35 : i32
    %while3A_37 = arith.constant 0 : i32
    %while3A_38 = arith.constant 0 : i32
    %while3A_39 = arith.subi %min3A, %while3A_37 : i32
    %while3A_40 = arith.addi %while3A_37, %while3A_39 : i32
    %while3A_41 = arith.constant 1 : i32
    %while3A_42 = arith.divsi %while3A_39, %while3A_41 : i32
    %while3A_43 = arith.muli %while3A_42, %while3A_41 : i32
    %while3A_44 = arith.addi %while3A_37, %while3A_43 : i32
    %while3A_45 = arith.constant 1 : i32
    %while3A_46 = scf.for %while3A_247 = %while3A_37 to %while3A_44 step %while3A_45 iter_args(%while3A_248 = %while3A_38) -> (i32)  : i32 {
      %mul3A_249 = arith.constant 128 : i32
      %mul3A_250 = arith.muli %while3A_247, %mul3A_249 : i32
      %add3A_251 = arith.addi %mul3A_36, %mul3A_250 : i32
      %dma_start3A_252 = arith.constant 1 : i32
      %dma_start3A_253 = arith.constant 0 : i32
      %dma_start3A_254 = tpu.memref_slice %arg6[%while3A_247, %dma_start3A_253] : memref<80x128xi32, #tpu.memory_space<vmem>> -> memref<1x128xi32, #tpu.memory_space<vmem>>
      %dma_start3A_255 = tpu.memref_squeeze %dma_start3A_254 : memref<1x128xi32, #tpu.memory_space<vmem>> -> memref<128xi32, #tpu.memory_space<vmem>>
      %dma_start3A_256 = tpu.memref_slice %arg3[%dma_start3A_252, %add3A_251] : memref<2x320000xi32, #tpu.memory_space<hbm>> -> memref<1x128xi32, #tpu.memory_space<hbm>>
      %dma_start3A_257 = tpu.memref_squeeze %dma_start3A_256 : memref<1x128xi32, #tpu.memory_space<hbm>> -> memref<128xi32, #tpu.memory_space<hbm>>
      %dma_start3A_258 = arith.constant 0 : i32
      %dma_start3A_259 = tpu.memref_slice %arg6[%while3A_247, %dma_start3A_258] : memref<80x128xi32, #tpu.memory_space<vmem>> -> memref<1x128xi32, #tpu.memory_space<vmem>>
      %dma_start3A_260 = tpu.memref_squeeze %dma_start3A_259 : memref<1x128xi32, #tpu.memory_space<vmem>> -> memref<128xi32, #tpu.memory_space<vmem>>
      %dma_start3A_261 = tpu.memref_slice %arg3[%dma_start3A_252, %add3A_251] : memref<2x320000xi32, #tpu.memory_space<hbm>> -> memref<1x128xi32, #tpu.memory_space<hbm>>
      %dma_start3A_262 = tpu.memref_squeeze %dma_start3A_261 : memref<1x128xi32, #tpu.memory_space<hbm>> -> memref<128xi32, #tpu.memory_space<hbm>>
      tpu.enqueue_dma source(%dma_start3A_262 : memref<128xi32, #tpu.memory_space<hbm>>) target(%dma_start3A_260 : memref<128xi32, #tpu.memory_space<vmem>>) target_semaphore(%arg21 : memref<!tpu.dma_semaphore, #tpu.memory_space<semaphore_mem>>)
      %while3A_263 = arith.constant 0 : i32
      scf.yield %while3A_263 : i32
    }
    %while3A_47 = arith.constant 1 : i32
    %while3A_48 = scf.for %while3A_247 = %while3A_44 to %while3A_40 step %while3A_47 iter_args(%while3A_248 = %while3A_46) -> (i32)  : i32 {
      %mul3A_249 = arith.constant 128 : i32
      %mul3A_250 = arith.muli %while3A_247, %mul3A_249 : i32
      %add3A_251 = arith.addi %mul3A_36, %mul3A_250 : i32
      %dma_start3A_252 = arith.constant 1 : i32
      %dma_start3A_253 = arith.constant 0 : i32
      %dma_start3A_254 = tpu.memref_slice %arg6[%while3A_247, %dma_start3A_253] : memref<80x128xi32, #tpu.memory_space<vmem>> -> memref<1x128xi32, #tpu.memory_space<vmem>>
      %dma_start3A_255 = tpu.memref_squeeze %dma_start3A_254 : memref<1x128xi32, #tpu.memory_space<vmem>> -> memref<128xi32, #tpu.memory_space<vmem>>
      %dma_start3A_256 = tpu.memref_slice %arg3[%dma_start3A_252, %add3A_251] : memref<2x320000xi32, #tpu.memory_space<hbm>> -> memref<1x128xi32, #tpu.memory_space<hbm>>
      %dma_start3A_257 = tpu.memref_squeeze %dma_start3A_256 : memref<1x128xi32, #tpu.memory_space<hbm>> -> memref<128xi32, #tpu.memory_space<hbm>>
      %dma_start3A_258 = arith.constant 0 : i32
      %dma_start3A_259 = tpu.memref_slice %arg6[%while3A_247, %dma_start3A_258] : memref<80x128xi32, #tpu.memory_space<vmem>> -> memref<1x128xi32, #tpu.memory_space<vmem>>
      %dma_start3A_260 = tpu.memref_squeeze %dma_start3A_259 : memref<1x128xi32, #tpu.memory_space<vmem>> -> memref<128xi32, #tpu.memory_space<vmem>>
      %dma_start3A_261 = tpu.memref_slice %arg3[%dma_start3A_252, %add3A_251] : memref<2x320000xi32, #tpu.memory_space<hbm>> -> memref<1x128xi32, #tpu.memory_space<hbm>>
      %dma_start3A_262 = tpu.memref_squeeze %dma_start3A_261 : memref<1x128xi32, #tpu.memory_space<hbm>> -> memref<128xi32, #tpu.memory_space<hbm>>
      tpu.enqueue_dma source(%dma_start3A_262 : memref<128xi32, #tpu.memory_space<hbm>>) target(%dma_start3A_260 : memref<128xi32, #tpu.memory_space<vmem>>) target_semaphore(%arg21 : memref<!tpu.dma_semaphore, #tpu.memory_space<semaphore_mem>>)
      %while3A_263 = arith.constant 0 : i32
      scf.yield %while3A_263 : i32
    }
    %broadcast_in_dim3A_49 = arith.constant 10000 : i32
    %broadcast_in_dim3A_50 = vector.broadcast %broadcast_in_dim3A_49 : i32 to vector<16xi32>
    %while3A_51 = arith.constant 80 : i32
    %while3A_52 = arith.constant 0 : i32
    %while3A_53 = arith.subi %while3A_51, %min3A : i32
    %while3A_54 = arith.addi %min3A, %while3A_53 : i32
    %while3A_55 = arith.constant 1 : i32
    %while3A_56 = arith.divsi %while3A_53, %while3A_55 : i32
    %while3A_57 = arith.muli %while3A_56, %while3A_55 : i32
    %while3A_58 = arith.addi %min3A, %while3A_57 : i32
    %while3A_59 = arith.constant 1 : i32
    %while3A_60 = scf.for %while3A_247 = %min3A to %while3A_58 step %while3A_59 iter_args(%while3A_248 = %while3A_52) -> (i32)  : i32 {
      %swap3A = arith.index_cast %while3A_247 : i32 to index
      %swap3A_249 = arith.constant 0 : index
      %swap3A_250 = tpu.vector_load %arg6[%swap3A, %swap3A_249] {strides = array<i32>} : memref<80x128xi32, #tpu.memory_space<vmem>>, vector<1x16xi32>,
      %swap3A_251 = vector.shape_cast %swap3A_250 : vector<1x16xi32> to vector<16xi32>
      %swap3A_252 = vector.shape_cast %broadcast_in_dim3A_50 : vector<16xi32> to vector<1x16xi32>
      tpu.vector_store %arg6[%swap3A, %swap3A_249], %swap3A_252 {strides = array<i32>} : memref<80x128xi32, #tpu.memory_space<vmem>>, vector<1x16xi32>,
      %swap3A_253 = arith.index_cast %while3A_247 : i32 to index
      %swap3A_254 = arith.constant 16 : index
      %swap3A_255 = tpu.vector_load %arg6[%swap3A_253, %swap3A_254] {strides = array<i32>} : memref<80x128xi32, #tpu.memory_space<vmem>>, vector<1x16xi32>,
      %swap3A_256 = vector.shape_cast %swap3A_255 : vector<1x16xi32> to vector<16xi32>
      %swap3A_257 = vector.shape_cast %broadcast_in_dim3A_50 : vector<16xi32> to vector<1x16xi32>
      tpu.vector_store %arg6[%swap3A_253, %swap3A_254], %swap3A_257 {strides = array<i32>} : memref<80x128xi32, #tpu.memory_space<vmem>>, vector<1x16xi32>,
      %swap3A_258 = arith.index_cast %while3A_247 : i32 to index
      %swap3A_259 = arith.constant 32 : index
      %swap3A_260 = tpu.vector_load %arg6[%swap3A_258, %swap3A_259] {strides = array<i32>} : memref<80x128xi32, #tpu.memory_space<vmem>>, vector<1x16xi32>,
      %swap3A_261 = vector.shape_cast %swap3A_260 : vector<1x16xi32> to vector<16xi32>
      %swap3A_262 = vector.shape_cast %broadcast_in_dim3A_50 : vector<16xi32> to vector<1x16xi32>
      tpu.vector_store %arg6[%swap3A_258, %swap3A_259], %swap3A_262 {strides = array<i32>} : memref<80x128xi32, #tpu.memory_space<vmem>>, vector<1x16xi32>,
      %swap3A_263 = arith.index_cast %while3A_247 : i32 to index
      %swap3A_264 = arith.constant 48 : index
      %swap3A_265 = tpu.vector_load %arg6[%swap3A_263, %swap3A_264] {strides = array<i32>} : memref<80x128xi32, #tpu.memory_space<vmem>>, vector<1x16xi32>,
      %swap3A_266 = vector.shape_cast %swap3A_265 : vector<1x16xi32> to vector<16xi32>
      %swap3A_267 = vector.shape_cast %broadcast_in_dim3A_50 : vector<16xi32> to vector<1x16xi32>
      tpu.vector_store %arg6[%swap3A_263, %swap3A_264], %swap3A_267 {strides = array<i32>} : memref<80x128xi32, #tpu.memory_space<vmem>>, vector<1x16xi32>,
      %swap3A_268 = arith.index_cast %while3A_247 : i32 to index
      %swap3A_269 = arith.constant 64 : index
      %swap3A_270 = tpu.vector_load %arg6[%swap3A_268, %swap3A_269] {strides = array<i32>} : memref<80x128xi32, #tpu.memory_space<vmem>>, vector<1x16xi32>,
      %swap3A_271 = vector.shape_cast %swap3A_270 : vector<1x16xi32> to vector<16xi32>
      %swap3A_272 = vector.shape_cast %broadcast_in_dim3A_50 : vector<16xi32> to vector<1x16xi32>
      tpu.vector_store %arg6[%swap3A_268, %swap3A_269], %swap3A_272 {strides = array<i32>} : memref<80x128xi32, #tpu.memory_space<vmem>>, vector<1x16xi32>,
      %swap3A_273 = arith.index_cast %while3A_247 : i32 to index
      %swap3A_274 = arith.constant 80 : index
      %swap3A_275 = tpu.vector_load %arg6[%swap3A_273, %swap3A_274] {strides = array<i32>} : memref<80x128xi32, #tpu.memory_space<vmem>>, vector<1x16xi32>,
      %swap3A_276 = vector.shape_cast %swap3A_275 : vector<1x16xi32> to vector<16xi32>
      %swap3A_277 = vector.shape_cast %broadcast_in_dim3A_50 : vector<16xi32> to vector<1x16xi32>
      tpu.vector_store %arg6[%swap3A_273, %swap3A_274], %swap3A_277 {strides = array<i32>} : memref<80x128xi32, #tpu.memory_space<vmem>>, vector<1x16xi32>,
      %swap3A_278 = arith.index_cast %while3A_247 : i32 to index
      %swap3A_279 = arith.constant 96 : index
      %swap3A_280 = tpu.vector_load %arg6[%swap3A_278, %swap3A_279] {strides = array<i32>} : memref<80x128xi32, #tpu.memory_space<vmem>>, vector<1x16xi32>,
      %swap3A_281 = vector.shape_cast %swap3A_280 : vector<1x16xi32> to vector<16xi32>
      %swap3A_282 = vector.shape_cast %broadcast_in_dim3A_50 : vector<16xi32> to vector<1x16xi32>
      tpu.vector_store %arg6[%swap3A_278, %swap3A_279], %swap3A_282 {strides = array<i32>} : memref<80x128xi32, #tpu.memory_space<vmem>>, vector<1x16xi32>,
      %swap3A_283 = arith.index_cast %while3A_247 : i32 to index
      %swap3A_284 = arith.constant 112 : index
      %swap3A_285 = tpu.vector_load %arg6[%swap3A_283, %swap3A_284] {strides = array<i32>} : memref<80x128xi32, #tpu.memory_space<vmem>>, vector<1x16xi32>,
      %swap3A_286 = vector.shape_cast %swap3A_285 : vector<1x16xi32> to vector<16xi32>
      %swap3A_287 = vector.shape_cast %broadcast_in_dim3A_50 : vector<16xi32> to vector<1x16xi32>
      tpu.vector_store %arg6[%swap3A_283, %swap3A_284], %swap3A_287 {strides = array<i32>} : memref<80x128xi32, #tpu.memory_space<vmem>>, vector<1x16xi32>,
      %while3A_288 = arith.constant 0 : i32
      scf.yield %while3A_288 : i32
    }
    %while3A_61 = arith.constant 1 : i32
    %while3A_62 = scf.for %while3A_247 = %while3A_58 to %while3A_54 step %while3A_61 iter_args(%while3A_248 = %while3A_60) -> (i32)  : i32 {
      %swap3A = arith.index_cast %while3A_247 : i32 to index
      %swap3A_249 = arith.constant 0 : index
      %swap3A_250 = tpu.vector_load %arg6[%swap3A, %swap3A_249] {strides = array<i32>} : memref<80x128xi32, #tpu.memory_space<vmem>>, vector<1x16xi32>,
      %swap3A_251 = vector.shape_cast %swap3A_250 : vector<1x16xi32> to vector<16xi32>
      %swap3A_252 = vector.shape_cast %broadcast_in_dim3A_50 : vector<16xi32> to vector<1x16xi32>
      tpu.vector_store %arg6[%swap3A, %swap3A_249], %swap3A_252 {strides = array<i32>} : memref<80x128xi32, #tpu.memory_space<vmem>>, vector<1x16xi32>,
      %swap3A_253 = arith.index_cast %while3A_247 : i32 to index
      %swap3A_254 = arith.constant 16 : index
      %swap3A_255 = tpu.vector_load %arg6[%swap3A_253, %swap3A_254] {strides = array<i32>} : memref<80x128xi32, #tpu.memory_space<vmem>>, vector<1x16xi32>,
      %swap3A_256 = vector.shape_cast %swap3A_255 : vector<1x16xi32> to vector<16xi32>
      %swap3A_257 = vector.shape_cast %broadcast_in_dim3A_50 : vector<16xi32> to vector<1x16xi32>
      tpu.vector_store %arg6[%swap3A_253, %swap3A_254], %swap3A_257 {strides = array<i32>} : memref<80x128xi32, #tpu.memory_space<vmem>>, vector<1x16xi32>,
      %swap3A_258 = arith.index_cast %while3A_247 : i32 to index
      %swap3A_259 = arith.constant 32 : index
      %swap3A_260 = tpu.vector_load %arg6[%swap3A_258, %swap3A_259] {strides = array<i32>} : memref<80x128xi32, #tpu.memory_space<vmem>>, vector<1x16xi32>,
      %swap3A_261 = vector.shape_cast %swap3A_260 : vector<1x16xi32> to vector<16xi32>
      %swap3A_262 = vector.shape_cast %broadcast_in_dim3A_50 : vector<16xi32> to vector<1x16xi32>
      tpu.vector_store %arg6[%swap3A_258, %swap3A_259], %swap3A_262 {strides = array<i32>} : memref<80x128xi32, #tpu.memory_space<vmem>>, vector<1x16xi32>,
      %swap3A_263 = arith.index_cast %while3A_247 : i32 to index
      %swap3A_264 = arith.constant 48 : index
      %swap3A_265 = tpu.vector_load %arg6[%swap3A_263, %swap3A_264] {strides = array<i32>} : memref<80x128xi32, #tpu.memory_space<vmem>>, vector<1x16xi32>,
      %swap3A_266 = vector.shape_cast %swap3A_265 : vector<1x16xi32> to vector<16xi32>
      %swap3A_267 = vector.shape_cast %broadcast_in_dim3A_50 : vector<16xi32> to vector<1x16xi32>
      tpu.vector_store %arg6[%swap3A_263, %swap3A_264], %swap3A_267 {strides = array<i32>} : memref<80x128xi32, #tpu.memory_space<vmem>>, vector<1x16xi32>,
      %swap3A_268 = arith.index_cast %while3A_247 : i32 to index
      %swap3A_269 = arith.constant 64 : index
      %swap3A_270 = tpu.vector_load %arg6[%swap3A_268, %swap3A_269] {strides = array<i32>} : memref<80x128xi32, #tpu.memory_space<vmem>>, vector<1x16xi32>,
      %swap3A_271 = vector.shape_cast %swap3A_270 : vector<1x16xi32> to vector<16xi32>
      %swap3A_272 = vector.shape_cast %broadcast_in_dim3A_50 : vector<16xi32> to vector<1x16xi32>
      tpu.vector_store %arg6[%swap3A_268, %swap3A_269], %swap3A_272 {strides = array<i32>} : memref<80x128xi32, #tpu.memory_space<vmem>>, vector<1x16xi32>,
      %swap3A_273 = arith.index_cast %while3A_247 : i32 to index
      %swap3A_274 = arith.constant 80 : index
      %swap3A_275 = tpu.vector_load %arg6[%swap3A_273, %swap3A_274] {strides = array<i32>} : memref<80x128xi32, #tpu.memory_space<vmem>>, vector<1x16xi32>,
      %swap3A_276 = vector.shape_cast %swap3A_275 : vector<1x16xi32> to vector<16xi32>
      %swap3A_277 = vector.shape_cast %broadcast_in_dim3A_50 : vector<16xi32> to vector<1x16xi32>
      tpu.vector_store %arg6[%swap3A_273, %swap3A_274], %swap3A_277 {strides = array<i32>} : memref<80x128xi32, #tpu.memory_space<vmem>>, vector<1x16xi32>,
      %swap3A_278 = arith.index_cast %while3A_247 : i32 to index
      %swap3A_279 = arith.constant 96 : index
      %swap3A_280 = tpu.vector_load %arg6[%swap3A_278, %swap3A_279] {strides = array<i32>} : memref<80x128xi32, #tpu.memory_space<vmem>>, vector<1x16xi32>,
      %swap3A_281 = vector.shape_cast %swap3A_280 : vector<1x16xi32> to vector<16xi32>
      %swap3A_282 = vector.shape_cast %broadcast_in_dim3A_50 : vector<16xi32> to vector<1x16xi32>
      tpu.vector_store %arg6[%swap3A_278, %swap3A_279], %swap3A_282 {strides = array<i32>} : memref<80x128xi32, #tpu.memory_space<vmem>>, vector<1x16xi32>,
      %swap3A_283 = arith.index_cast %while3A_247 : i32 to index
      %swap3A_284 = arith.constant 112 : index
      %swap3A_285 = tpu.vector_load %arg6[%swap3A_283, %swap3A_284] {strides = array<i32>} : memref<80x128xi32, #tpu.memory_space<vmem>>, vector<1x16xi32>,
      %swap3A_286 = vector.shape_cast %swap3A_285 : vector<1x16xi32> to vector<16xi32>
      %swap3A_287 = vector.shape_cast %broadcast_in_dim3A_50 : vector<16xi32> to vector<1x16xi32>
      tpu.vector_store %arg6[%swap3A_283, %swap3A_284], %swap3A_287 {strides = array<i32>} : memref<80x128xi32, #tpu.memory_space<vmem>>, vector<1x16xi32>,
      %while3A_288 = arith.constant 0 : i32
      scf.yield %while3A_288 : i32
    }
    %mul3A_63 = arith.constant 640 : i32
    %mul3A_64 = arith.muli %arg1, %mul3A_63 : i32
    %mul3A_65 = arith.constant 640 : i32
    %mul3A_66 = arith.muli %arg1, %mul3A_65 : i32
    "tpu.region"() ({
      %run_scoped3A = tpu.sem_alloc : memref<!tpu.dma_semaphore, #tpu.memory_space<semaphore_mem>>
      %dma_start3A_247 = arith.constant 0 : i32
      %dma_start3A_248 = tpu.memref_slice %arg19[%mul3A_66, %dma_start3A_247] : memref<10240x32xf32, #tpu.memory_space<vmem_shared>> -> memref<640x32xf32, #tpu.memory_space<vmem_shared>>
      %dma_start3A_249 = arith.constant 0 : i32
      %dma_start3A_250 = tpu.memref_slice %arg2[%mul3A_64, %dma_start3A_249] : memref<10240x32xf32, #tpu.memory_space<hbm>> -> memref<640x32xf32, #tpu.memory_space<hbm>>
      tpu.enqueue_dma source(%dma_start3A_250 : memref<640x32xf32, #tpu.memory_space<hbm>>) target(%dma_start3A_248 : memref<640x32xf32, #tpu.memory_space<vmem_shared>>) target_semaphore(%run_scoped3A : memref<!tpu.dma_semaphore, #tpu.memory_space<semaphore_mem>>)
      %dma_wait3A_251 = arith.constant 0 : i32
      %dma_wait3A_252 = tpu.memref_slice %arg19[%mul3A_66, %dma_wait3A_251] : memref<10240x32xf32, #tpu.memory_space<vmem_shared>> -> memref<640x32xf32, #tpu.memory_space<vmem_shared>>
      %dma_wait3A_253 = arith.constant 0 : i32
      %dma_wait3A_254 = tpu.memref_slice %arg2[%mul3A_64, %dma_wait3A_253] : memref<10240x32xf32, #tpu.memory_space<hbm>> -> memref<640x32xf32, #tpu.memory_space<hbm>>
      tpu.wait_dma2 semaphore(%run_scoped3A : memref<!tpu.dma_semaphore, #tpu.memory_space<semaphore_mem>>) src(%dma_wait3A_254 : memref<640x32xf32, #tpu.memory_space<hbm>>) dst(%dma_wait3A_252 : memref<640x32xf32, #tpu.memory_space<vmem_shared>>)
      tpu.yield
    }) : () -> ()
    %broadcast_in_dim3A_67 = arith.constant 0.000000e+00 : f32
    %broadcast_in_dim3A_68 = vector.broadcast %broadcast_in_dim3A_67 : f32 to vector<16xf32>
    %scan3A = arith.constant 0 : i32
    %scan3A_69 = arith.constant 0 : i32
    %scan3A_70 = arith.constant 640 : i32
    %scan3A_71 = arith.addi %scan3A_69, %scan3A_70 : i32
    %scan3A_72 = arith.constant 1 : i32
    %scan3A_73 = scf.for %scan3A_247 = %scan3A_69 to %scan3A_71 step %scan3A_72 iter_args(%scan3A_248 = %scan3A) -> (i32)  : i32 {
      %swap3A = arith.index_cast %scan3A_247 : i32 to index
      %swap3A_249 = arith.constant 0 : index
      %swap3A_250 = tpu.vector_load %arg17[%swap3A, %swap3A_249] {strides = array<i32>} : memref<640x32xf32, #tpu.memory_space<vmem>>, vector<1x16xf32>,
      %swap3A_251 = vector.shape_cast %swap3A_250 : vector<1x16xf32> to vector<16xf32>
      %swap3A_252 = vector.shape_cast %broadcast_in_dim3A_68 : vector<16xf32> to vector<1x16xf32>
      tpu.vector_store %arg17[%swap3A, %swap3A_249], %swap3A_252 {strides = array<i32>} : memref<640x32xf32, #tpu.memory_space<vmem>>, vector<1x16xf32>,
      %swap3A_253 = arith.index_cast %scan3A_247 : i32 to index
      %swap3A_254 = arith.constant 16 : index
      %swap3A_255 = tpu.vector_load %arg17[%swap3A_253, %swap3A_254] {strides = array<i32>} : memref<640x32xf32, #tpu.memory_space<vmem>>, vector<1x16xf32>,
      %swap3A_256 = vector.shape_cast %swap3A_255 : vector<1x16xf32> to vector<16xf32>
      %swap3A_257 = vector.shape_cast %broadcast_in_dim3A_68 : vector<16xf32> to vector<1x16xf32>
      tpu.vector_store %arg17[%swap3A_253, %swap3A_254], %swap3A_257 {strides = array<i32>} : memref<640x32xf32, #tpu.memory_space<vmem>>, vector<1x16xf32>,
      %scan3A_258 = arith.constant 0 : i32
      scf.yield %scan3A_258 : i32
    }
    %scan3A_74 = arith.constant 640 : i32
    %mul3A_75 = arith.constant 640 : i32
    %mul3A_76 = arith.muli %arg1, %mul3A_75 : i32
    "tpu.region"() ({
      %run_scoped3A = tpu.sem_alloc : memref<!tpu.dma_semaphore, #tpu.memory_space<semaphore_mem>>
      %dma_start3A_247 = arith.constant 0 : i32
      %dma_start3A_248 = tpu.memref_slice %arg18[%mul3A_76, %dma_start3A_247] : memref<10240x32xf32, #tpu.memory_space<vmem_shared>> -> memref<640x32xf32, #tpu.memory_space<vmem_shared>>
      %dma_start3A_249 = arith.constant 0 : i32
      %dma_start3A_250 = tpu.memref_slice %arg18[%mul3A_76, %dma_start3A_249] : memref<10240x32xf32, #tpu.memory_space<vmem_shared>> -> memref<640x32xf32, #tpu.memory_space<vmem_shared>>
      tpu.enqueue_dma source(%arg17 : memref<640x32xf32, #tpu.memory_space<vmem>>) target(%dma_start3A_250 : memref<640x32xf32, #tpu.memory_space<vmem_shared>>) target_semaphore(%run_scoped3A : memref<!tpu.dma_semaphore, #tpu.memory_space<semaphore_mem>>)
      %dma_wait3A_251 = arith.constant 0 : i32
      %dma_wait3A_252 = tpu.memref_slice %arg18[%mul3A_76, %dma_wait3A_251] : memref<10240x32xf32, #tpu.memory_space<vmem_shared>> -> memref<640x32xf32, #tpu.memory_space<vmem_shared>>
      %dma_wait3A_253 = arith.constant 0 : i32
      %dma_wait3A_254 = tpu.memref_slice %arg18[%mul3A_76, %dma_wait3A_253] : memref<10240x32xf32, #tpu.memory_space<vmem_shared>> -> memref<640x32xf32, #tpu.memory_space<vmem_shared>>
      tpu.wait_dma2 semaphore(%run_scoped3A : memref<!tpu.dma_semaphore, #tpu.memory_space<semaphore_mem>>) src(%arg17 : memref<640x32xf32, #tpu.memory_space<vmem>>) dst(%dma_wait3A_254 : memref<640x32xf32, #tpu.memory_space<vmem_shared>>)
      tpu.yield
    }) : () -> ()
    %while3A_77 = arith.constant 0 : i32
    %while3A_78 = arith.constant 0 : i32
    %while3A_79 = arith.subi %min3A, %while3A_77 : i32
    %while3A_80 = arith.addi %while3A_77, %while3A_79 : i32
    %while3A_81 = arith.constant 1 : i32
    %while3A_82 = arith.divsi %while3A_79, %while3A_81 : i32
    %while3A_83 = arith.muli %while3A_82, %while3A_81 : i32
    %while3A_84 = arith.addi %while3A_77, %while3A_83 : i32
    %while3A_85 = arith.constant 1 : i32
    %while3A_86 = scf.for %while3A_247 = %while3A_77 to %while3A_84 step %while3A_85 iter_args(%while3A_248 = %while3A_78) -> (i32)  : i32 {
      %dma_wait3A_249 = arith.constant 0 : i32
      %dma_wait3A_250 = arith.constant 0 : i32
      %dma_wait3A_251 = tpu.memref_slice %arg5[%dma_wait3A_250] : memref<10240xi32, #tpu.memory_space<vmem>> -> memref<128xi32, #tpu.memory_space<vmem>>
      %dma_wait3A_252 = arith.constant 0 : i32
      %dma_wait3A_253 = tpu.memref_slice %arg3[%dma_wait3A_249, %dma_wait3A_252] : memref<2x320000xi32, #tpu.memory_space<hbm>> -> memref<1x128xi32, #tpu.memory_space<hbm>>
      %dma_wait3A_254 = tpu.memref_squeeze %dma_wait3A_253 : memref<1x128xi32, #tpu.memory_space<hbm>> -> memref<128xi32, #tpu.memory_space<hbm>>
      %dma_wait3A_255 = arith.constant 0 : i32
      %dma_wait3A_256 = tpu.memref_slice %arg5[%dma_wait3A_255] : memref<10240xi32, #tpu.memory_space<vmem>> -> memref<128xi32, #tpu.memory_space<vmem>>
      %dma_wait3A_257 = arith.constant 0 : i32
      %dma_wait3A_258 = tpu.memref_slice %arg3[%dma_wait3A_249, %dma_wait3A_257] : memref<2x320000xi32, #tpu.memory_space<hbm>> -> memref<1x128xi32, #tpu.memory_space<hbm>>
      %dma_wait3A_259 = tpu.memref_squeeze %dma_wait3A_258 : memref<1x128xi32, #tpu.memory_space<hbm>> -> memref<128xi32, #tpu.memory_space<hbm>>
      tpu.wait_dma2 semaphore(%arg20 : memref<!tpu.dma_semaphore, #tpu.memory_space<semaphore_mem>>) src(%dma_wait3A_259 : memref<128xi32, #tpu.memory_space<hbm>>) dst(%dma_wait3A_256 : memref<128xi32, #tpu.memory_space<vmem>>)
      %while3A_260 = arith.constant 0 : i32
      scf.yield %while3A_260 : i32
    }
    %while3A_87 = arith.constant 1 : i32
    %while3A_88 = scf.for %while3A_247 = %while3A_84 to %while3A_80 step %while3A_87 iter_args(%while3A_248 = %while3A_86) -> (i32)  : i32 {
      %dma_wait3A_249 = arith.constant 0 : i32
      %dma_wait3A_250 = arith.constant 0 : i32
      %dma_wait3A_251 = tpu.memref_slice %arg5[%dma_wait3A_250] : memref<10240xi32, #tpu.memory_space<vmem>> -> memref<128xi32, #tpu.memory_space<vmem>>
      %dma_wait3A_252 = arith.constant 0 : i32
      %dma_wait3A_253 = tpu.memref_slice %arg3[%dma_wait3A_249, %dma_wait3A_252] : memref<2x320000xi32, #tpu.memory_space<hbm>> -> memref<1x128xi32, #tpu.memory_space<hbm>>
      %dma_wait3A_254 = tpu.memref_squeeze %dma_wait3A_253 : memref<1x128xi32, #tpu.memory_space<hbm>> -> memref<128xi32, #tpu.memory_space<hbm>>
      %dma_wait3A_255 = arith.constant 0 : i32
      %dma_wait3A_256 = tpu.memref_slice %arg5[%dma_wait3A_255] : memref<10240xi32, #tpu.memory_space<vmem>> -> memref<128xi32, #tpu.memory_space<vmem>>
      %dma_wait3A_257 = arith.constant 0 : i32
      %dma_wait3A_258 = tpu.memref_slice %arg3[%dma_wait3A_249, %dma_wait3A_257] : memref<2x320000xi32, #tpu.memory_space<hbm>> -> memref<1x128xi32, #tpu.memory_space<hbm>>
      %dma_wait3A_259 = tpu.memref_squeeze %dma_wait3A_258 : memref<1x128xi32, #tpu.memory_space<hbm>> -> memref<128xi32, #tpu.memory_space<hbm>>
      tpu.wait_dma2 semaphore(%arg20 : memref<!tpu.dma_semaphore, #tpu.memory_space<semaphore_mem>>) src(%dma_wait3A_259 : memref<128xi32, #tpu.memory_space<hbm>>) dst(%dma_wait3A_256 : memref<128xi32, #tpu.memory_space<vmem>>)
      %while3A_260 = arith.constant 0 : i32
      scf.yield %while3A_260 : i32
    }
    %while3A_89 = arith.constant 0 : i32
    %while3A_90 = arith.constant 0 : i32
    %while3A_91 = arith.constant 0 : i32
    %while3A_92 = arith.subi %min3A, %while3A_90 : i32
    %while3A_93 = arith.addi %while3A_90, %while3A_92 : i32
    %while3A_94 = arith.constant 1 : i32
    %while3A_95 = arith.divsi %while3A_92, %while3A_94 : i32
    %while3A_96 = arith.muli %while3A_95, %while3A_94 : i32
    %while3A_97 = arith.addi %while3A_90, %while3A_96 : i32
    %while3A_98 = arith.constant 1 : i32
    %while3A_99 = scf.for %while3A_247 = %while3A_90 to %while3A_97 step %while3A_98 iter_args(%while3A_248 = %while3A_91) -> (i32)  : i32 {
      %dma_wait3A_249 = arith.constant 0 : i32
      %dma_wait3A_250 = arith.constant 0 : i32
      %dma_wait3A_251 = tpu.memref_slice %arg6[%while3A_89, %dma_wait3A_250] : memref<80x128xi32, #tpu.memory_space<vmem>> -> memref<1x128xi32, #tpu.memory_space<vmem>>
      %dma_wait3A_252 = tpu.memref_squeeze %dma_wait3A_251 : memref<1x128xi32, #tpu.memory_space<vmem>> -> memref<128xi32, #tpu.memory_space<vmem>>
      %dma_wait3A_253 = arith.constant 0 : i32
      %dma_wait3A_254 = tpu.memref_slice %arg3[%dma_wait3A_249, %dma_wait3A_253] : memref<2x320000xi32, #tpu.memory_space<hbm>> -> memref<1x128xi32, #tpu.memory_space<hbm>>
      %dma_wait3A_255 = tpu.memref_squeeze %dma_wait3A_254 : memref<1x128xi32, #tpu.memory_space<hbm>> -> memref<128xi32, #tpu.memory_space<hbm>>
      %dma_wait3A_256 = arith.constant 0 : i32
      %dma_wait3A_257 = tpu.memref_slice %arg6[%while3A_89, %dma_wait3A_256] : memref<80x128xi32, #tpu.memory_space<vmem>> -> memref<1x128xi32, #tpu.memory_space<vmem>>
      %dma_wait3A_258 = tpu.memref_squeeze %dma_wait3A_257 : memref<1x128xi32, #tpu.memory_space<vmem>> -> memref<128xi32, #tpu.memory_space<vmem>>
      %dma_wait3A_259 = arith.constant 0 : i32
      %dma_wait3A_260 = tpu.memref_slice %arg3[%dma_wait3A_249, %dma_wait3A_259] : memref<2x320000xi32, #tpu.memory_space<hbm>> -> memref<1x128xi32, #tpu.memory_space<hbm>>
      %dma_wait3A_261 = tpu.memref_squeeze %dma_wait3A_260 : memref<1x128xi32, #tpu.memory_space<hbm>> -> memref<128xi32, #tpu.memory_space<hbm>>
      tpu.wait_dma2 semaphore(%arg21 : memref<!tpu.dma_semaphore, #tpu.memory_space<semaphore_mem>>) src(%dma_wait3A_261 : memref<128xi32, #tpu.memory_space<hbm>>) dst(%dma_wait3A_258 : memref<128xi32, #tpu.memory_space<vmem>>)
      %while3A_262 = arith.constant 0 : i32
      scf.yield %while3A_262 : i32
    }
    %while3A_100 = arith.constant 1 : i32
    %while3A_101 = scf.for %while3A_247 = %while3A_97 to %while3A_93 step %while3A_100 iter_args(%while3A_248 = %while3A_99) -> (i32)  : i32 {
      %dma_wait3A_249 = arith.constant 0 : i32
      %dma_wait3A_250 = arith.constant 0 : i32
      %dma_wait3A_251 = tpu.memref_slice %arg6[%while3A_89, %dma_wait3A_250] : memref<80x128xi32, #tpu.memory_space<vmem>> -> memref<1x128xi32, #tpu.memory_space<vmem>>
      %dma_wait3A_252 = tpu.memref_squeeze %dma_wait3A_251 : memref<1x128xi32, #tpu.memory_space<vmem>> -> memref<128xi32, #tpu.memory_space<vmem>>
      %dma_wait3A_253 = arith.constant 0 : i32
      %dma_wait3A_254 = tpu.memref_slice %arg3[%dma_wait3A_249, %dma_wait3A_253] : memref<2x320000xi32, #tpu.memory_space<hbm>> -> memref<1x128xi32, #tpu.memory_space<hbm>>
      %dma_wait3A_255 = tpu.memref_squeeze %dma_wait3A_254 : memref<1x128xi32, #tpu.memory_space<hbm>> -> memref<128xi32, #tpu.memory_space<hbm>>
      %dma_wait3A_256 = arith.constant 0 : i32
      %dma_wait3A_257 = tpu.memref_slice %arg6[%while3A_89, %dma_wait3A_256] : memref<80x128xi32, #tpu.memory_space<vmem>> -> memref<1x128xi32, #tpu.memory_space<vmem>>
      %dma_wait3A_258 = tpu.memref_squeeze %dma_wait3A_257 : memref<1x128xi32, #tpu.memory_space<vmem>> -> memref<128xi32, #tpu.memory_space<vmem>>
      %dma_wait3A_259 = arith.constant 0 : i32
      %dma_wait3A_260 = tpu.memref_slice %arg3[%dma_wait3A_249, %dma_wait3A_259] : memref<2x320000xi32, #tpu.memory_space<hbm>> -> memref<1x128xi32, #tpu.memory_space<hbm>>
      %dma_wait3A_261 = tpu.memref_squeeze %dma_wait3A_260 : memref<1x128xi32, #tpu.memory_space<hbm>> -> memref<128xi32, #tpu.memory_space<hbm>>
      tpu.wait_dma2 semaphore(%arg21 : memref<!tpu.dma_semaphore, #tpu.memory_space<semaphore_mem>>) src(%dma_wait3A_261 : memref<128xi32, #tpu.memory_space<hbm>>) dst(%dma_wait3A_258 : memref<128xi32, #tpu.memory_space<vmem>>)
      %while3A_262 = arith.constant 0 : i32
      scf.yield %while3A_262 : i32
    }
    %barrier3A = arith.constant 0 : index
    tpu.barrier barrier_id(%barrier3A)
    %dma_start3A = arith.constant 0 : i32
    %dma_start3A_102 = arith.constant 0 : i32
    %dma_start3A_103 = arith.constant 0 : i32
    %dma_start3A_104 = tpu.memref_slice %arg17[%dma_start3A_102, %dma_start3A_103] : memref<640x32xf32, #tpu.memory_space<vmem>> -> memref<128x32xf32, #tpu.memory_space<vmem>>
    %dma_start3A_105 = arith.constant 0 : i32
    %dma_start3A_106 = tpu.memref_slice %arg6[%dma_start3A, %dma_start3A_105] : memref<80x128xi32, #tpu.memory_space<vmem>> -> memref<1x128xi32, #tpu.memory_space<vmem>>
    %dma_start3A_107 = tpu.memref_squeeze %dma_start3A_106 : memref<1x128xi32, #tpu.memory_space<vmem>> -> memref<128xi32, #tpu.memory_space<vmem>>
    %dma_start3A_108 = arith.constant 0 : i32
    %dma_start3A_109 = arith.constant 0 : i32
    %dma_start3A_110 = tpu.memref_slice %arg18[%dma_start3A_108, %dma_start3A_109] : memref<10240x32xf32, #tpu.memory_space<vmem_shared>> -> memref<10240x32xf32, #tpu.memory_space<vmem_shared>>
    tpu.enqueue_indirect_dma source(%dma_start3A_104 : memref<128x32xf32, #tpu.memory_space<vmem>>) target(%dma_start3A_110 : memref<10240x32xf32, #tpu.memory_space<vmem_shared>>) offsets(%dma_start3A_107 : memref<128xi32, #tpu.memory_space<vmem>>) semaphore(%arg35 : memref<!tpu.dma_semaphore, #tpu.memory_space<semaphore_mem>>) {add = true}
    %dma_start3A_111 = arith.constant 0 : i32
    %dma_start3A_112 = arith.constant 0 : i32
    %dma_start3A_113 = arith.constant 0 : i32
    %dma_start3A_114 = tpu.memref_slice %arg17[%dma_start3A_112, %dma_start3A_113] : memref<640x32xf32, #tpu.memory_space<vmem>> -> memref<128x32xf32, #tpu.memory_space<vmem>>
    %dma_start3A_115 = arith.constant 0 : i32
    %dma_start3A_116 = tpu.memref_slice %arg6[%dma_start3A_111, %dma_start3A_115] : memref<80x128xi32, #tpu.memory_space<vmem>> -> memref<1x128xi32, #tpu.memory_space<vmem>>
    %dma_start3A_117 = tpu.memref_squeeze %dma_start3A_116 : memref<1x128xi32, #tpu.memory_space<vmem>> -> memref<128xi32, #tpu.memory_space<vmem>>
    %dma_start3A_118 = arith.constant 0 : i32
    %dma_start3A_119 = arith.constant 0 : i32
    %dma_start3A_120 = tpu.memref_slice %arg18[%dma_start3A_118, %dma_start3A_119] : memref<10240x32xf32, #tpu.memory_space<vmem_shared>> -> memref<10240x32xf32, #tpu.memory_space<vmem_shared>>
    tpu.enqueue_indirect_dma source(%dma_start3A_114 : memref<128x32xf32, #tpu.memory_space<vmem>>) target(%dma_start3A_120 : memref<10240x32xf32, #tpu.memory_space<vmem_shared>>) offsets(%dma_start3A_117 : memref<128xi32, #tpu.memory_space<vmem>>) semaphore(%arg36 : memref<!tpu.dma_semaphore, #tpu.memory_space<semaphore_mem>>) {add = true}
    %dma_start3A_121 = arith.constant 0 : i32
    %dma_start3A_122 = arith.constant 0 : i32
    %dma_start3A_123 = arith.constant 0 : i32
    %dma_start3A_124 = tpu.memref_slice %arg17[%dma_start3A_122, %dma_start3A_123] : memref<640x32xf32, #tpu.memory_space<vmem>> -> memref<128x32xf32, #tpu.memory_space<vmem>>
    %dma_start3A_125 = arith.constant 0 : i32
    %dma_start3A_126 = tpu.memref_slice %arg6[%dma_start3A_121, %dma_start3A_125] : memref<80x128xi32, #tpu.memory_space<vmem>> -> memref<1x128xi32, #tpu.memory_space<vmem>>
    %dma_start3A_127 = tpu.memref_squeeze %dma_start3A_126 : memref<1x128xi32, #tpu.memory_space<vmem>> -> memref<128xi32, #tpu.memory_space<vmem>>
    %dma_start3A_128 = arith.constant 0 : i32
    %dma_start3A_129 = arith.constant 0 : i32
    %dma_start3A_130 = tpu.memref_slice %arg18[%dma_start3A_128, %dma_start3A_129] : memref<10240x32xf32, #tpu.memory_space<vmem_shared>> -> memref<10240x32xf32, #tpu.memory_space<vmem_shared>>
    tpu.enqueue_indirect_dma source(%dma_start3A_124 : memref<128x32xf32, #tpu.memory_space<vmem>>) target(%dma_start3A_130 : memref<10240x32xf32, #tpu.memory_space<vmem_shared>>) offsets(%dma_start3A_127 : memref<128xi32, #tpu.memory_space<vmem>>) semaphore(%arg37 : memref<!tpu.dma_semaphore, #tpu.memory_space<semaphore_mem>>) {add = true}
    %dma_start3A_131 = arith.constant 0 : i32
    %dma_start3A_132 = arith.constant 0 : i32
    %dma_start3A_133 = arith.constant 0 : i32
    %dma_start3A_134 = tpu.memref_slice %arg17[%dma_start3A_132, %dma_start3A_133] : memref<640x32xf32, #tpu.memory_space<vmem>> -> memref<128x32xf32, #tpu.memory_space<vmem>>
    %dma_start3A_135 = arith.constant 0 : i32
    %dma_start3A_136 = tpu.memref_slice %arg6[%dma_start3A_131, %dma_start3A_135] : memref<80x128xi32, #tpu.memory_space<vmem>> -> memref<1x128xi32, #tpu.memory_space<vmem>>
    %dma_start3A_137 = tpu.memref_squeeze %dma_start3A_136 : memref<1x128xi32, #tpu.memory_space<vmem>> -> memref<128xi32, #tpu.memory_space<vmem>>
    %dma_start3A_138 = arith.constant 0 : i32
    %dma_start3A_139 = arith.constant 0 : i32
    %dma_start3A_140 = tpu.memref_slice %arg18[%dma_start3A_138, %dma_start3A_139] : memref<10240x32xf32, #tpu.memory_space<vmem_shared>> -> memref<10240x32xf32, #tpu.memory_space<vmem_shared>>
    tpu.enqueue_indirect_dma source(%dma_start3A_134 : memref<128x32xf32, #tpu.memory_space<vmem>>) target(%dma_start3A_140 : memref<10240x32xf32, #tpu.memory_space<vmem_shared>>) offsets(%dma_start3A_137 : memref<128xi32, #tpu.memory_space<vmem>>) semaphore(%arg38 : memref<!tpu.dma_semaphore, #tpu.memory_space<semaphore_mem>>) {add = true}
    %dma_start3A_141 = arith.constant 0 : i32
    %dma_start3A_142 = arith.constant 0 : i32
    %dma_start3A_143 = arith.constant 0 : i32
    %dma_start3A_144 = tpu.memref_slice %arg17[%dma_start3A_142, %dma_start3A_143] : memref<640x32xf32, #tpu.memory_space<vmem>> -> memref<128x32xf32, #tpu.memory_space<vmem>>
    %dma_start3A_145 = arith.constant 0 : i32
    %dma_start3A_146 = tpu.memref_slice %arg6[%dma_start3A_141, %dma_start3A_145] : memref<80x128xi32, #tpu.memory_space<vmem>> -> memref<1x128xi32, #tpu.memory_space<vmem>>
    %dma_start3A_147 = tpu.memref_squeeze %dma_start3A_146 : memref<1x128xi32, #tpu.memory_space<vmem>> -> memref<128xi32, #tpu.memory_space<vmem>>
    %dma_start3A_148 = arith.constant 0 : i32
    %dma_start3A_149 = arith.constant 0 : i32
    %dma_start3A_150 = tpu.memref_slice %arg18[%dma_start3A_148, %dma_start3A_149] : memref<10240x32xf32, #tpu.memory_space<vmem_shared>> -> memref<10240x32xf32, #tpu.memory_space<vmem_shared>>
    tpu.enqueue_indirect_dma source(%dma_start3A_144 : memref<128x32xf32, #tpu.memory_space<vmem>>) target(%dma_start3A_150 : memref<10240x32xf32, #tpu.memory_space<vmem_shared>>) offsets(%dma_start3A_147 : memref<128xi32, #tpu.memory_space<vmem>>) semaphore(%arg39 : memref<!tpu.dma_semaphore, #tpu.memory_space<semaphore_mem>>) {add = true}
    %dma_start3A_151 = arith.constant 0 : i32
    %dma_start3A_152 = tpu.memref_slice %arg5[%dma_start3A_151] : memref<10240xi32, #tpu.memory_space<vmem>> -> memref<128xi32, #tpu.memory_space<vmem>>
    %dma_start3A_153 = arith.constant 0 : i32
    %dma_start3A_154 = arith.constant 0 : i32
    %dma_start3A_155 = tpu.memref_slice %arg19[%dma_start3A_153, %dma_start3A_154] : memref<10240x32xf32, #tpu.memory_space<vmem_shared>> -> memref<10240x32xf32, #tpu.memory_space<vmem_shared>>
    tpu.enqueue_indirect_dma source(%dma_start3A_155 : memref<10240x32xf32, #tpu.memory_space<vmem_shared>>) target(%arg7 : memref<128x32xf32, #tpu.memory_space<vmem>>) offsets(%dma_start3A_152 : memref<128xi32, #tpu.memory_space<vmem>>) semaphore(%arg20 : memref<!tpu.dma_semaphore, #tpu.memory_space<semaphore_mem>>)
    %dma_start3A_156 = arith.constant 128 : i32
    %dma_start3A_157 = tpu.memref_slice %arg5[%dma_start3A_156] : memref<10240xi32, #tpu.memory_space<vmem>> -> memref<128xi32, #tpu.memory_space<vmem>>
    %dma_start3A_158 = arith.constant 0 : i32
    %dma_start3A_159 = arith.constant 0 : i32
    %dma_start3A_160 = tpu.memref_slice %arg19[%dma_start3A_158, %dma_start3A_159] : memref<10240x32xf32, #tpu.memory_space<vmem_shared>> -> memref<10240x32xf32, #tpu.memory_space<vmem_shared>>
    tpu.enqueue_indirect_dma source(%dma_start3A_160 : memref<10240x32xf32, #tpu.memory_space<vmem_shared>>) target(%arg8 : memref<128x32xf32, #tpu.memory_space<vmem>>) offsets(%dma_start3A_157 : memref<128xi32, #tpu.memory_space<vmem>>) semaphore(%arg21 : memref<!tpu.dma_semaphore, #tpu.memory_space<semaphore_mem>>)
    %dma_start3A_161 = arith.constant 256 : i32
    %dma_start3A_162 = tpu.memref_slice %arg5[%dma_start3A_161] : memref<10240xi32, #tpu.memory_space<vmem>> -> memref<128xi32, #tpu.memory_space<vmem>>
    %dma_start3A_163 = arith.constant 0 : i32
    %dma_start3A_164 = arith.constant 0 : i32
    %dma_start3A_165 = tpu.memref_slice %arg19[%dma_start3A_163, %dma_start3A_164] : memref<10240x32xf32, #tpu.memory_space<vmem_shared>> -> memref<10240x32xf32, #tpu.memory_space<vmem_shared>>
    tpu.enqueue_indirect_dma source(%dma_start3A_165 : memref<10240x32xf32, #tpu.memory_space<vmem_shared>>) target(%arg9 : memref<128x32xf32, #tpu.memory_space<vmem>>) offsets(%dma_start3A_162 : memref<128xi32, #tpu.memory_space<vmem>>) semaphore(%arg22 : memref<!tpu.dma_semaphore, #tpu.memory_space<semaphore_mem>>)
    %dma_start3A_166 = arith.constant 384 : i32
    %dma_start3A_167 = tpu.memref_slice %arg5[%dma_start3A_166] : memref<10240xi32, #tpu.memory_space<vmem>> -> memref<128xi32, #tpu.memory_space<vmem>>
    %dma_start3A_168 = arith.constant 0 : i32
    %dma_start3A_169 = arith.constant 0 : i32
    %dma_start3A_170 = tpu.memref_slice %arg19[%dma_start3A_168, %dma_start3A_169] : memref<10240x32xf32, #tpu.memory_space<vmem_shared>> -> memref<10240x32xf32, #tpu.memory_space<vmem_shared>>
    tpu.enqueue_indirect_dma source(%dma_start3A_170 : memref<10240x32xf32, #tpu.memory_space<vmem_shared>>) target(%arg10 : memref<128x32xf32, #tpu.memory_space<vmem>>) offsets(%dma_start3A_167 : memref<128xi32, #tpu.memory_space<vmem>>) semaphore(%arg23 : memref<!tpu.dma_semaphore, #tpu.memory_space<semaphore_mem>>)
    %dma_start3A_171 = arith.constant 512 : i32
    %dma_start3A_172 = tpu.memref_slice %arg5[%dma_start3A_171] : memref<10240xi32, #tpu.memory_space<vmem>> -> memref<128xi32, #tpu.memory_space<vmem>>
    %dma_start3A_173 = arith.constant 0 : i32
    %dma_start3A_174 = arith.constant 0 : i32
    %dma_start3A_175 = tpu.memref_slice %arg19[%dma_start3A_173, %dma_start3A_174] : memref<10240x32xf32, #tpu.memory_space<vmem_shared>> -> memref<10240x32xf32, #tpu.memory_space<vmem_shared>>
    tpu.enqueue_indirect_dma source(%dma_start3A_175 : memref<10240x32xf32, #tpu.memory_space<vmem_shared>>) target(%arg11 : memref<128x32xf32, #tpu.memory_space<vmem>>) offsets(%dma_start3A_172 : memref<128xi32, #tpu.memory_space<vmem>>) semaphore(%arg24 : memref<!tpu.dma_semaphore, #tpu.memory_space<semaphore_mem>>)
    %scan3A_176 = arith.constant 0 : i32
    %scan3A_177 = arith.constant 0 : i32
    %scan3A_178 = arith.constant 8 : i32
    %scan3A_179 = arith.addi %scan3A_177, %scan3A_178 : i32
    %scan3A_180 = arith.constant 1 : i32
    %scan3A_181 = scf.for %scan3A_247 = %scan3A_177 to %scan3A_179 step %scan3A_180 iter_args(%scan3A_248 = %scan3A_176) -> (i32)  : i32 {
      %mul3A_249 = arith.constant 10 : i32
      %mul3A_250 = arith.muli %mul3A_249, %scan3A_247 : i32
      %add3A_251 = arith.constant 0 : i32
      %add3A_252 = arith.addi %mul3A_250, %add3A_251 : i32
      %mul3A_253 = arith.constant 128 : i32
      %mul3A_254 = arith.muli %add3A_252, %mul3A_253 : i32
      %dma_wait3A_255 = tpu.memref_slice %arg5[%mul3A_254] : memref<10240xi32, #tpu.memory_space<vmem>> -> memref<128xi32, #tpu.memory_space<vmem>>
      %dma_wait3A_256 = arith.constant 0 : i32
      %dma_wait3A_257 = arith.constant 0 : i32
      %dma_wait3A_258 = tpu.memref_slice %arg19[%dma_wait3A_256, %dma_wait3A_257] : memref<10240x32xf32, #tpu.memory_space<vmem_shared>> -> memref<10240x32xf32, #tpu.memory_space<vmem_shared>>
      tpu.wait_indirect_dma semaphore(%arg20 : memref<!tpu.dma_semaphore, #tpu.memory_space<semaphore_mem>>) src(%dma_wait3A_258 : memref<10240x32xf32, #tpu.memory_space<vmem_shared>>) dst(%arg7 : memref<128x32xf32, #tpu.memory_space<vmem>>)
      %dma_start3A_259 = arith.constant 0 : i32
      %dma_start3A_260 = tpu.memref_slice %arg6[%add3A_252, %dma_start3A_259] : memref<80x128xi32, #tpu.memory_space<vmem>> -> memref<1x128xi32, #tpu.memory_space<vmem>>
      %dma_start3A_261 = tpu.memref_squeeze %dma_start3A_260 : memref<1x128xi32, #tpu.memory_space<vmem>> -> memref<128xi32, #tpu.memory_space<vmem>>
      %dma_start3A_262 = arith.constant 0 : i32
      %dma_start3A_263 = arith.constant 0 : i32
      %dma_start3A_264 = tpu.memref_slice %arg18[%dma_start3A_262, %dma_start3A_263] : memref<10240x32xf32, #tpu.memory_space<vmem_shared>> -> memref<10240x32xf32, #tpu.memory_space<vmem_shared>>
      tpu.enqueue_indirect_dma source(%arg7 : memref<128x32xf32, #tpu.memory_space<vmem>>) target(%dma_start3A_264 : memref<10240x32xf32, #tpu.memory_space<vmem_shared>>) offsets(%dma_start3A_261 : memref<128xi32, #tpu.memory_space<vmem>>) semaphore(%arg30 : memref<!tpu.dma_semaphore, #tpu.memory_space<semaphore_mem>>) {add = true}
      %dma_wait3A_265 = arith.constant 0 : i32
      %dma_wait3A_266 = tpu.memref_slice %arg6[%add3A_252, %dma_wait3A_265] : memref<80x128xi32, #tpu.memory_space<vmem>> -> memref<1x128xi32, #tpu.memory_space<vmem>>
      %dma_wait3A_267 = tpu.memref_squeeze %dma_wait3A_266 : memref<1x128xi32, #tpu.memory_space<vmem>> -> memref<128xi32, #tpu.memory_space<vmem>>
      %dma_wait3A_268 = arith.constant 0 : i32
      %dma_wait3A_269 = arith.constant 0 : i32
      %dma_wait3A_270 = tpu.memref_slice %arg18[%dma_wait3A_268, %dma_wait3A_269] : memref<10240x32xf32, #tpu.memory_space<vmem_shared>> -> memref<10240x32xf32, #tpu.memory_space<vmem_shared>>
      tpu.wait_indirect_dma semaphore(%arg35 : memref<!tpu.dma_semaphore, #tpu.memory_space<semaphore_mem>>) src(%arg12 : memref<128x32xf32, #tpu.memory_space<vmem>>) dst(%dma_wait3A_270 : memref<10240x32xf32, #tpu.memory_space<vmem_shared>>)
      %add3A_271 = arith.constant 5 : i32
      %add3A_272 = arith.addi %add3A_252, %add3A_271 : i32
      %jit3A_273 = arith.constant 80 : i32
      %eq3A = arith.constant 0 : i32
      %eq3A_274 = arith.cmpi eq, %jit3A_273, %eq3A : i32
      %jit3A_275 = arith.constant 1 : i32
      %select_n3A = arith.select %eq3A_274, %jit3A_275, %jit3A_273 : i32
      %rem3A = arith.remsi %add3A_272, %select_n3A : i32
      %ne3A = arith.constant 0 : i32
      %ne3A_276 = arith.cmpi ne, %rem3A, %ne3A : i32
      %lt3A = arith.constant 0 : i32
      %lt3A_277 = arith.cmpi slt, %rem3A, %lt3A : i32
      %lt3A_278 = arith.constant 0 : i32
      %lt3A_279 = arith.cmpi slt, %select_n3A, %lt3A_278 : i32
      %ne3A_280 = arith.xori %lt3A_277, %lt3A_279 : i1
      %and3A = arith.andi %ne3A_280, %ne3A_276 : i1
      %add3A_281 = arith.addi %rem3A, %select_n3A : i32
      %select_n3A_282 = arith.select %and3A, %add3A_281, %rem3A : i32
      %mul3A_283 = arith.constant 128 : i32
      %mul3A_284 = arith.muli %select_n3A_282, %mul3A_283 : i32
      %dma_start3A_285 = tpu.memref_slice %arg5[%mul3A_284] : memref<10240xi32, #tpu.memory_space<vmem>> -> memref<128xi32, #tpu.memory_space<vmem>>
      %dma_start3A_286 = arith.constant 0 : i32
      %dma_start3A_287 = arith.constant 0 : i32
      %dma_start3A_288 = tpu.memref_slice %arg19[%dma_start3A_286, %dma_start3A_287] : memref<10240x32xf32, #tpu.memory_space<vmem_shared>> -> memref<10240x32xf32, #tpu.memory_space<vmem_shared>>
      tpu.enqueue_indirect_dma source(%dma_start3A_288 : memref<10240x32xf32, #tpu.memory_space<vmem_shared>>) target(%arg12 : memref<128x32xf32, #tpu.memory_space<vmem>>) offsets(%dma_start3A_285 : memref<128xi32, #tpu.memory_space<vmem>>) semaphore(%arg25 : memref<!tpu.dma_semaphore, #tpu.memory_space<semaphore_mem>>)
      %mul3A_289 = arith.constant 10 : i32
      %mul3A_290 = arith.muli %mul3A_289, %scan3A_247 : i32
      %add3A_291 = arith.constant 1 : i32
      %add3A_292 = arith.addi %mul3A_290, %add3A_291 : i32
      %mul3A_293 = arith.constant 128 : i32
      %mul3A_294 = arith.muli %add3A_292, %mul3A_293 : i32
      %dma_wait3A_295 = tpu.memref_slice %arg5[%mul3A_294] : memref<10240xi32, #tpu.memory_space<vmem>> -> memref<128xi32, #tpu.memory_space<vmem>>
      %dma_wait3A_296 = arith.constant 0 : i32
      %dma_wait3A_297 = arith.constant 0 : i32
      %dma_wait3A_298 = tpu.memref_slice %arg19[%dma_wait3A_296, %dma_wait3A_297] : memref<10240x32xf32, #tpu.memory_space<vmem_shared>> -> memref<10240x32xf32, #tpu.memory_space<vmem_shared>>
      tpu.wait_indirect_dma semaphore(%arg21 : memref<!tpu.dma_semaphore, #tpu.memory_space<semaphore_mem>>) src(%dma_wait3A_298 : memref<10240x32xf32, #tpu.memory_space<vmem_shared>>) dst(%arg8 : memref<128x32xf32, #tpu.memory_space<vmem>>)
      %dma_start3A_299 = arith.constant 0 : i32
      %dma_start3A_300 = tpu.memref_slice %arg6[%add3A_292, %dma_start3A_299] : memref<80x128xi32, #tpu.memory_space<vmem>> -> memref<1x128xi32, #tpu.memory_space<vmem>>
      %dma_start3A_301 = tpu.memref_squeeze %dma_start3A_300 : memref<1x128xi32, #tpu.memory_space<vmem>> -> memref<128xi32, #tpu.memory_space<vmem>>
      %dma_start3A_302 = arith.constant 0 : i32
      %dma_start3A_303 = arith.constant 0 : i32
      %dma_start3A_304 = tpu.memref_slice %arg18[%dma_start3A_302, %dma_start3A_303] : memref<10240x32xf32, #tpu.memory_space<vmem_shared>> -> memref<10240x32xf32, #tpu.memory_space<vmem_shared>>
      tpu.enqueue_indirect_dma source(%arg8 : memref<128x32xf32, #tpu.memory_space<vmem>>) target(%dma_start3A_304 : memref<10240x32xf32, #tpu.memory_space<vmem_shared>>) offsets(%dma_start3A_301 : memref<128xi32, #tpu.memory_space<vmem>>) semaphore(%arg31 : memref<!tpu.dma_semaphore, #tpu.memory_space<semaphore_mem>>) {add = true}
      %dma_wait3A_305 = arith.constant 0 : i32
      %dma_wait3A_306 = tpu.memref_slice %arg6[%add3A_292, %dma_wait3A_305] : memref<80x128xi32, #tpu.memory_space<vmem>> -> memref<1x128xi32, #tpu.memory_space<vmem>>
      %dma_wait3A_307 = tpu.memref_squeeze %dma_wait3A_306 : memref<1x128xi32, #tpu.memory_space<vmem>> -> memref<128xi32, #tpu.memory_space<vmem>>
      %dma_wait3A_308 = arith.constant 0 : i32
      %dma_wait3A_309 = arith.constant 0 : i32
      %dma_wait3A_310 = tpu.memref_slice %arg18[%dma_wait3A_308, %dma_wait3A_309] : memref<10240x32xf32, #tpu.memory_space<vmem_shared>> -> memref<10240x32xf32, #tpu.memory_space<vmem_shared>>
      tpu.wait_indirect_dma semaphore(%arg36 : memref<!tpu.dma_semaphore, #tpu.memory_space<semaphore_mem>>) src(%arg13 : memref<128x32xf32, #tpu.memory_space<vmem>>) dst(%dma_wait3A_310 : memref<10240x32xf32, #tpu.memory_space<vmem_shared>>)
      %add3A_311 = arith.constant 5 : i32
      %add3A_312 = arith.addi %add3A_292, %add3A_311 : i32
      %jit3A_313 = arith.constant 80 : i32
      %eq3A_314 = arith.constant 0 : i32
      %eq3A_315 = arith.cmpi eq, %jit3A_313, %eq3A_314 : i32
      %jit3A_316 = arith.constant 1 : i32
      %select_n3A_317 = arith.select %eq3A_315, %jit3A_316, %jit3A_313 : i32
      %rem3A_318 = arith.remsi %add3A_312, %select_n3A_317 : i32
      %ne3A_319 = arith.constant 0 : i32
      %ne3A_320 = arith.cmpi ne, %rem3A_318, %ne3A_319 : i32
      %lt3A_321 = arith.constant 0 : i32
      %lt3A_322 = arith.cmpi slt, %rem3A_318, %lt3A_321 : i32
      %lt3A_323 = arith.constant 0 : i32
      %lt3A_324 = arith.cmpi slt, %select_n3A_317, %lt3A_323 : i32
      %ne3A_325 = arith.xori %lt3A_322, %lt3A_324 : i1
      %and3A_326 = arith.andi %ne3A_325, %ne3A_320 : i1
      %add3A_327 = arith.addi %rem3A_318, %select_n3A_317 : i32
      %select_n3A_328 = arith.select %and3A_326, %add3A_327, %rem3A_318 : i32
      %mul3A_329 = arith.constant 128 : i32
      %mul3A_330 = arith.muli %select_n3A_328, %mul3A_329 : i32
      %dma_start3A_331 = tpu.memref_slice %arg5[%mul3A_330] : memref<10240xi32, #tpu.memory_space<vmem>> -> memref<128xi32, #tpu.memory_space<vmem>>
      %dma_start3A_332 = arith.constant 0 : i32
      %dma_start3A_333 = arith.constant 0 : i32
      %dma_start3A_334 = tpu.memref_slice %arg19[%dma_start3A_332, %dma_start3A_333] : memref<10240x32xf32, #tpu.memory_space<vmem_shared>> -> memref<10240x32xf32, #tpu.memory_space<vmem_shared>>
      tpu.enqueue_indirect_dma source(%dma_start3A_334 : memref<10240x32xf32, #tpu.memory_space<vmem_shared>>) target(%arg13 : memref<128x32xf32, #tpu.memory_space<vmem>>) offsets(%dma_start3A_331 : memref<128xi32, #tpu.memory_space<vmem>>) semaphore(%arg26 : memref<!tpu.dma_semaphore, #tpu.memory_space<semaphore_mem>>)
      %mul3A_335 = arith.constant 10 : i32
      %mul3A_336 = arith.muli %mul3A_335, %scan3A_247 : i32
      %add3A_337 = arith.constant 2 : i32
      %add3A_338 = arith.addi %mul3A_336, %add3A_337 : i32
      %mul3A_339 = arith.constant 128 : i32
      %mul3A_340 = arith.muli %add3A_338, %mul3A_339 : i32
      %dma_wait3A_341 = tpu.memref_slice %arg5[%mul3A_340] : memref<10240xi32, #tpu.memory_space<vmem>> -> memref<128xi32, #tpu.memory_space<vmem>>
      %dma_wait3A_342 = arith.constant 0 : i32
      %dma_wait3A_343 = arith.constant 0 : i32
      %dma_wait3A_344 = tpu.memref_slice %arg19[%dma_wait3A_342, %dma_wait3A_343] : memref<10240x32xf32, #tpu.memory_space<vmem_shared>> -> memref<10240x32xf32, #tpu.memory_space<vmem_shared>>
      tpu.wait_indirect_dma semaphore(%arg22 : memref<!tpu.dma_semaphore, #tpu.memory_space<semaphore_mem>>) src(%dma_wait3A_344 : memref<10240x32xf32, #tpu.memory_space<vmem_shared>>) dst(%arg9 : memref<128x32xf32, #tpu.memory_space<vmem>>)
      %dma_start3A_345 = arith.constant 0 : i32
      %dma_start3A_346 = tpu.memref_slice %arg6[%add3A_338, %dma_start3A_345] : memref<80x128xi32, #tpu.memory_space<vmem>> -> memref<1x128xi32, #tpu.memory_space<vmem>>
      %dma_start3A_347 = tpu.memref_squeeze %dma_start3A_346 : memref<1x128xi32, #tpu.memory_space<vmem>> -> memref<128xi32, #tpu.memory_space<vmem>>
      %dma_start3A_348 = arith.constant 0 : i32
      %dma_start3A_349 = arith.constant 0 : i32
      %dma_start3A_350 = tpu.memref_slice %arg18[%dma_start3A_348, %dma_start3A_349] : memref<10240x32xf32, #tpu.memory_space<vmem_shared>> -> memref<10240x32xf32, #tpu.memory_space<vmem_shared>>
      tpu.enqueue_indirect_dma source(%arg9 : memref<128x32xf32, #tpu.memory_space<vmem>>) target(%dma_start3A_350 : memref<10240x32xf32, #tpu.memory_space<vmem_shared>>) offsets(%dma_start3A_347 : memref<128xi32, #tpu.memory_space<vmem>>) semaphore(%arg32 : memref<!tpu.dma_semaphore, #tpu.memory_space<semaphore_mem>>) {add = true}
      %dma_wait3A_351 = arith.constant 0 : i32
      %dma_wait3A_352 = tpu.memref_slice %arg6[%add3A_338, %dma_wait3A_351] : memref<80x128xi32, #tpu.memory_space<vmem>> -> memref<1x128xi32, #tpu.memory_space<vmem>>
      %dma_wait3A_353 = tpu.memref_squeeze %dma_wait3A_352 : memref<1x128xi32, #tpu.memory_space<vmem>> -> memref<128xi32, #tpu.memory_space<vmem>>
      %dma_wait3A_354 = arith.constant 0 : i32
      %dma_wait3A_355 = arith.constant 0 : i32
      %dma_wait3A_356 = tpu.memref_slice %arg18[%dma_wait3A_354, %dma_wait3A_355] : memref<10240x32xf32, #tpu.memory_space<vmem_shared>> -> memref<10240x32xf32, #tpu.memory_space<vmem_shared>>
      tpu.wait_indirect_dma semaphore(%arg37 : memref<!tpu.dma_semaphore, #tpu.memory_space<semaphore_mem>>) src(%arg14 : memref<128x32xf32, #tpu.memory_space<vmem>>) dst(%dma_wait3A_356 : memref<10240x32xf32, #tpu.memory_space<vmem_shared>>)
      %add3A_357 = arith.constant 5 : i32
      %add3A_358 = arith.addi %add3A_338, %add3A_357 : i32
      %jit3A_359 = arith.constant 80 : i32
      %eq3A_360 = arith.constant 0 : i32
      %eq3A_361 = arith.cmpi eq, %jit3A_359, %eq3A_360 : i32
      %jit3A_362 = arith.constant 1 : i32
      %select_n3A_363 = arith.select %eq3A_361, %jit3A_362, %jit3A_359 : i32
      %rem3A_364 = arith.remsi %add3A_358, %select_n3A_363 : i32
      %ne3A_365 = arith.constant 0 : i32
      %ne3A_366 = arith.cmpi ne, %rem3A_364, %ne3A_365 : i32
      %lt3A_367 = arith.constant 0 : i32
      %lt3A_368 = arith.cmpi slt, %rem3A_364, %lt3A_367 : i32
      %lt3A_369 = arith.constant 0 : i32
      %lt3A_370 = arith.cmpi slt, %select_n3A_363, %lt3A_369 : i32
      %ne3A_371 = arith.xori %lt3A_368, %lt3A_370 : i1
      %and3A_372 = arith.andi %ne3A_371, %ne3A_366 : i1
      %add3A_373 = arith.addi %rem3A_364, %select_n3A_363 : i32
      %select_n3A_374 = arith.select %and3A_372, %add3A_373, %rem3A_364 : i32
      %mul3A_375 = arith.constant 128 : i32
      %mul3A_376 = arith.muli %select_n3A_374, %mul3A_375 : i32
      %dma_start3A_377 = tpu.memref_slice %arg5[%mul3A_376] : memref<10240xi32, #tpu.memory_space<vmem>> -> memref<128xi32, #tpu.memory_space<vmem>>
      %dma_start3A_378 = arith.constant 0 : i32
      %dma_start3A_379 = arith.constant 0 : i32
      %dma_start3A_380 = tpu.memref_slice %arg19[%dma_start3A_378, %dma_start3A_379] : memref<10240x32xf32, #tpu.memory_space<vmem_shared>> -> memref<10240x32xf32, #tpu.memory_space<vmem_shared>>
      tpu.enqueue_indirect_dma source(%dma_start3A_380 : memref<10240x32xf32, #tpu.memory_space<vmem_shared>>) target(%arg14 : memref<128x32xf32, #tpu.memory_space<vmem>>) offsets(%dma_start3A_377 : memref<128xi32, #tpu.memory_space<vmem>>) semaphore(%arg27 : memref<!tpu.dma_semaphore, #tpu.memory_space<semaphore_mem>>)
      %mul3A_381 = arith.constant 10 : i32
      %mul3A_382 = arith.muli %mul3A_381, %scan3A_247 : i32
      %add3A_383 = arith.constant 3 : i32
      %add3A_384 = arith.addi %mul3A_382, %add3A_383 : i32
      %mul3A_385 = arith.constant 128 : i32
      %mul3A_386 = arith.muli %add3A_384, %mul3A_385 : i32
      %dma_wait3A_387 = tpu.memref_slice %arg5[%mul3A_386] : memref<10240xi32, #tpu.memory_space<vmem>> -> memref<128xi32, #tpu.memory_space<vmem>>
      %dma_wait3A_388 = arith.constant 0 : i32
      %dma_wait3A_389 = arith.constant 0 : i32
      %dma_wait3A_390 = tpu.memref_slice %arg19[%dma_wait3A_388, %dma_wait3A_389] : memref<10240x32xf32, #tpu.memory_space<vmem_shared>> -> memref<10240x32xf32, #tpu.memory_space<vmem_shared>>
      tpu.wait_indirect_dma semaphore(%arg23 : memref<!tpu.dma_semaphore, #tpu.memory_space<semaphore_mem>>) src(%dma_wait3A_390 : memref<10240x32xf32, #tpu.memory_space<vmem_shared>>) dst(%arg10 : memref<128x32xf32, #tpu.memory_space<vmem>>)
      %dma_start3A_391 = arith.constant 0 : i32
      %dma_start3A_392 = tpu.memref_slice %arg6[%add3A_384, %dma_start3A_391] : memref<80x128xi32, #tpu.memory_space<vmem>> -> memref<1x128xi32, #tpu.memory_space<vmem>>
      %dma_start3A_393 = tpu.memref_squeeze %dma_start3A_392 : memref<1x128xi32, #tpu.memory_space<vmem>> -> memref<128xi32, #tpu.memory_space<vmem>>
      %dma_start3A_394 = arith.constant 0 : i32
      %dma_start3A_395 = arith.constant 0 : i32
      %dma_start3A_396 = tpu.memref_slice %arg18[%dma_start3A_394, %dma_start3A_395] : memref<10240x32xf32, #tpu.memory_space<vmem_shared>> -> memref<10240x32xf32, #tpu.memory_space<vmem_shared>>
      tpu.enqueue_indirect_dma source(%arg10 : memref<128x32xf32, #tpu.memory_space<vmem>>) target(%dma_start3A_396 : memref<10240x32xf32, #tpu.memory_space<vmem_shared>>) offsets(%dma_start3A_393 : memref<128xi32, #tpu.memory_space<vmem>>) semaphore(%arg33 : memref<!tpu.dma_semaphore, #tpu.memory_space<semaphore_mem>>) {add = true}
      %dma_wait3A_397 = arith.constant 0 : i32
      %dma_wait3A_398 = tpu.memref_slice %arg6[%add3A_384, %dma_wait3A_397] : memref<80x128xi32, #tpu.memory_space<vmem>> -> memref<1x128xi32, #tpu.memory_space<vmem>>
      %dma_wait3A_399 = tpu.memref_squeeze %dma_wait3A_398 : memref<1x128xi32, #tpu.memory_space<vmem>> -> memref<128xi32, #tpu.memory_space<vmem>>
      %dma_wait3A_400 = arith.constant 0 : i32
      %dma_wait3A_401 = arith.constant 0 : i32
      %dma_wait3A_402 = tpu.memref_slice %arg18[%dma_wait3A_400, %dma_wait3A_401] : memref<10240x32xf32, #tpu.memory_space<vmem_shared>> -> memref<10240x32xf32, #tpu.memory_space<vmem_shared>>
      tpu.wait_indirect_dma semaphore(%arg38 : memref<!tpu.dma_semaphore, #tpu.memory_space<semaphore_mem>>) src(%arg15 : memref<128x32xf32, #tpu.memory_space<vmem>>) dst(%dma_wait3A_402 : memref<10240x32xf32, #tpu.memory_space<vmem_shared>>)
      %add3A_403 = arith.constant 5 : i32
      %add3A_404 = arith.addi %add3A_384, %add3A_403 : i32
      %jit3A_405 = arith.constant 80 : i32
      %eq3A_406 = arith.constant 0 : i32
      %eq3A_407 = arith.cmpi eq, %jit3A_405, %eq3A_406 : i32
      %jit3A_408 = arith.constant 1 : i32
      %select_n3A_409 = arith.select %eq3A_407, %jit3A_408, %jit3A_405 : i32
      %rem3A_410 = arith.remsi %add3A_404, %select_n3A_409 : i32
      %ne3A_411 = arith.constant 0 : i32
      %ne3A_412 = arith.cmpi ne, %rem3A_410, %ne3A_411 : i32
      %lt3A_413 = arith.constant 0 : i32
      %lt3A_414 = arith.cmpi slt, %rem3A_410, %lt3A_413 : i32
      %lt3A_415 = arith.constant 0 : i32
      %lt3A_416 = arith.cmpi slt, %select_n3A_409, %lt3A_415 : i32
      %ne3A_417 = arith.xori %lt3A_414, %lt3A_416 : i1
      %and3A_418 = arith.andi %ne3A_417, %ne3A_412 : i1
      %add3A_419 = arith.addi %rem3A_410, %select_n3A_409 : i32
      %select_n3A_420 = arith.select %and3A_418, %add3A_419, %rem3A_410 : i32
      %mul3A_421 = arith.constant 128 : i32
      %mul3A_422 = arith.muli %select_n3A_420, %mul3A_421 : i32
      %dma_start3A_423 = tpu.memref_slice %arg5[%mul3A_422] : memref<10240xi32, #tpu.memory_space<vmem>> -> memref<128xi32, #tpu.memory_space<vmem>>
      %dma_start3A_424 = arith.constant 0 : i32
      %dma_start3A_425 = arith.constant 0 : i32
      %dma_start3A_426 = tpu.memref_slice %arg19[%dma_start3A_424, %dma_start3A_425] : memref<10240x32xf32, #tpu.memory_space<vmem_shared>> -> memref<10240x32xf32, #tpu.memory_space<vmem_shared>>
      tpu.enqueue_indirect_dma source(%dma_start3A_426 : memref<10240x32xf32, #tpu.memory_space<vmem_shared>>) target(%arg15 : memref<128x32xf32, #tpu.memory_space<vmem>>) offsets(%dma_start3A_423 : memref<128xi32, #tpu.memory_space<vmem>>) semaphore(%arg28 : memref<!tpu.dma_semaphore, #tpu.memory_space<semaphore_mem>>)
      %mul3A_427 = arith.constant 10 : i32
      %mul3A_428 = arith.muli %mul3A_427, %scan3A_247 : i32
      %add3A_429 = arith.constant 4 : i32
      %add3A_430 = arith.addi %mul3A_428, %add3A_429 : i32
      %mul3A_431 = arith.constant 128 : i32
      %mul3A_432 = arith.muli %add3A_430, %mul3A_431 : i32
      %dma_wait3A_433 = tpu.memref_slice %arg5[%mul3A_432] : memref<10240xi32, #tpu.memory_space<vmem>> -> memref<128xi32, #tpu.memory_space<vmem>>
      %dma_wait3A_434 = arith.constant 0 : i32
      %dma_wait3A_435 = arith.constant 0 : i32
      %dma_wait3A_436 = tpu.memref_slice %arg19[%dma_wait3A_434, %dma_wait3A_435] : memref<10240x32xf32, #tpu.memory_space<vmem_shared>> -> memref<10240x32xf32, #tpu.memory_space<vmem_shared>>
      tpu.wait_indirect_dma semaphore(%arg24 : memref<!tpu.dma_semaphore, #tpu.memory_space<semaphore_mem>>) src(%dma_wait3A_436 : memref<10240x32xf32, #tpu.memory_space<vmem_shared>>) dst(%arg11 : memref<128x32xf32, #tpu.memory_space<vmem>>)
      %dma_start3A_437 = arith.constant 0 : i32
      %dma_start3A_438 = tpu.memref_slice %arg6[%add3A_430, %dma_start3A_437] : memref<80x128xi32, #tpu.memory_space<vmem>> -> memref<1x128xi32, #tpu.memory_space<vmem>>
      %dma_start3A_439 = tpu.memref_squeeze %dma_start3A_438 : memref<1x128xi32, #tpu.memory_space<vmem>> -> memref<128xi32, #tpu.memory_space<vmem>>
      %dma_start3A_440 = arith.constant 0 : i32
      %dma_start3A_441 = arith.constant 0 : i32
      %dma_start3A_442 = tpu.memref_slice %arg18[%dma_start3A_440, %dma_start3A_441] : memref<10240x32xf32, #tpu.memory_space<vmem_shared>> -> memref<10240x32xf32, #tpu.memory_space<vmem_shared>>
      tpu.enqueue_indirect_dma source(%arg11 : memref<128x32xf32, #tpu.memory_space<vmem>>) target(%dma_start3A_442 : memref<10240x32xf32, #tpu.memory_space<vmem_shared>>) offsets(%dma_start3A_439 : memref<128xi32, #tpu.memory_space<vmem>>) semaphore(%arg34 : memref<!tpu.dma_semaphore, #tpu.memory_space<semaphore_mem>>) {add = true}
      %dma_wait3A_443 = arith.constant 0 : i32
      %dma_wait3A_444 = tpu.memref_slice %arg6[%add3A_430, %dma_wait3A_443] : memref<80x128xi32, #tpu.memory_space<vmem>> -> memref<1x128xi32, #tpu.memory_space<vmem>>
      %dma_wait3A_445 = tpu.memref_squeeze %dma_wait3A_444 : memref<1x128xi32, #tpu.memory_space<vmem>> -> memref<128xi32, #tpu.memory_space<vmem>>
      %dma_wait3A_446 = arith.constant 0 : i32
      %dma_wait3A_447 = arith.constant 0 : i32
      %dma_wait3A_448 = tpu.memref_slice %arg18[%dma_wait3A_446, %dma_wait3A_447] : memref<10240x32xf32, #tpu.memory_space<vmem_shared>> -> memref<10240x32xf32, #tpu.memory_space<vmem_shared>>
      tpu.wait_indirect_dma semaphore(%arg39 : memref<!tpu.dma_semaphore, #tpu.memory_space<semaphore_mem>>) src(%arg16 : memref<128x32xf32, #tpu.memory_space<vmem>>) dst(%dma_wait3A_448 : memref<10240x32xf32, #tpu.memory_space<vmem_shared>>)
      %add3A_449 = arith.constant 5 : i32
      %add3A_450 = arith.addi %add3A_430, %add3A_449 : i32
      %jit3A_451 = arith.constant 80 : i32
      %eq3A_452 = arith.constant 0 : i32
      %eq3A_453 = arith.cmpi eq, %jit3A_451, %eq3A_452 : i32
      %jit3A_454 = arith.constant 1 : i32
      %select_n3A_455 = arith.select %eq3A_453, %jit3A_454, %jit3A_451 : i32
      %rem3A_456 = arith.remsi %add3A_450, %select_n3A_455 : i32
      %ne3A_457 = arith.constant 0 : i32
      %ne3A_458 = arith.cmpi ne, %rem3A_456, %ne3A_457 : i32
      %lt3A_459 = arith.constant 0 : i32
      %lt3A_460 = arith.cmpi slt, %rem3A_456, %lt3A_459 : i32
      %lt3A_461 = arith.constant 0 : i32
      %lt3A_462 = arith.cmpi slt, %select_n3A_455, %lt3A_461 : i32
      %ne3A_463 = arith.xori %lt3A_460, %lt3A_462 : i1
      %and3A_464 = arith.andi %ne3A_463, %ne3A_458 : i1
      %add3A_465 = arith.addi %rem3A_456, %select_n3A_455 : i32
      %select_n3A_466 = arith.select %and3A_464, %add3A_465, %rem3A_456 : i32
      %mul3A_467 = arith.constant 128 : i32
      %mul3A_468 = arith.muli %select_n3A_466, %mul3A_467 : i32
      %dma_start3A_469 = tpu.memref_slice %arg5[%mul3A_468] : memref<10240xi32, #tpu.memory_space<vmem>> -> memref<128xi32, #tpu.memory_space<vmem>>
      %dma_start3A_470 = arith.constant 0 : i32
      %dma_start3A_471 = arith.constant 0 : i32
      %dma_start3A_472 = tpu.memref_slice %arg19[%dma_start3A_470, %dma_start3A_471] : memref<10240x32xf32, #tpu.memory_space<vmem_shared>> -> memref<10240x32xf32, #tpu.memory_space<vmem_shared>>
      tpu.enqueue_indirect_dma source(%dma_start3A_472 : memref<10240x32xf32, #tpu.memory_space<vmem_shared>>) target(%arg16 : memref<128x32xf32, #tpu.memory_space<vmem>>) offsets(%dma_start3A_469 : memref<128xi32, #tpu.memory_space<vmem>>) semaphore(%arg29 : memref<!tpu.dma_semaphore, #tpu.memory_space<semaphore_mem>>)
      %mul3A_473 = arith.constant 10 : i32
      %mul3A_474 = arith.muli %mul3A_473, %scan3A_247 : i32
      %add3A_475 = arith.constant 5 : i32
      %add3A_476 = arith.addi %mul3A_474, %add3A_475 : i32
      %mul3A_477 = arith.constant 128 : i32
      %mul3A_478 = arith.muli %add3A_476, %mul3A_477 : i32
      %dma_wait3A_479 = tpu.memref_slice %arg5[%mul3A_478] : memref<10240xi32, #tpu.memory_space<vmem>> -> memref<128xi32, #tpu.memory_space<vmem>>
      %dma_wait3A_480 = arith.constant 0 : i32
      %dma_wait3A_481 = arith.constant 0 : i32
      %dma_wait3A_482 = tpu.memref_slice %arg19[%dma_wait3A_480, %dma_wait3A_481] : memref<10240x32xf32, #tpu.memory_space<vmem_shared>> -> memref<10240x32xf32, #tpu.memory_space<vmem_shared>>
      tpu.wait_indirect_dma semaphore(%arg25 : memref<!tpu.dma_semaphore, #tpu.memory_space<semaphore_mem>>) src(%dma_wait3A_482 : memref<10240x32xf32, #tpu.memory_space<vmem_shared>>) dst(%arg12 : memref<128x32xf32, #tpu.memory_space<vmem>>)
      %dma_start3A_483 = arith.constant 0 : i32
      %dma_start3A_484 = tpu.memref_slice %arg6[%add3A_476, %dma_start3A_483] : memref<80x128xi32, #tpu.memory_space<vmem>> -> memref<1x128xi32, #tpu.memory_space<vmem>>
      %dma_start3A_485 = tpu.memref_squeeze %dma_start3A_484 : memref<1x128xi32, #tpu.memory_space<vmem>> -> memref<128xi32, #tpu.memory_space<vmem>>
      %dma_start3A_486 = arith.constant 0 : i32
      %dma_start3A_487 = arith.constant 0 : i32
      %dma_start3A_488 = tpu.memref_slice %arg18[%dma_start3A_486, %dma_start3A_487] : memref<10240x32xf32, #tpu.memory_space<vmem_shared>> -> memref<10240x32xf32, #tpu.memory_space<vmem_shared>>
      tpu.enqueue_indirect_dma source(%arg12 : memref<128x32xf32, #tpu.memory_space<vmem>>) target(%dma_start3A_488 : memref<10240x32xf32, #tpu.memory_space<vmem_shared>>) offsets(%dma_start3A_485 : memref<128xi32, #tpu.memory_space<vmem>>) semaphore(%arg35 : memref<!tpu.dma_semaphore, #tpu.memory_space<semaphore_mem>>) {add = true}
      %dma_wait3A_489 = arith.constant 0 : i32
      %dma_wait3A_490 = tpu.memref_slice %arg6[%add3A_476, %dma_wait3A_489] : memref<80x128xi32, #tpu.memory_space<vmem>> -> memref<1x128xi32, #tpu.memory_space<vmem>>
      %dma_wait3A_491 = tpu.memref_squeeze %dma_wait3A_490 : memref<1x128xi32, #tpu.memory_space<vmem>> -> memref<128xi32, #tpu.memory_space<vmem>>
      %dma_wait3A_492 = arith.constant 0 : i32
      %dma_wait3A_493 = arith.constant 0 : i32
      %dma_wait3A_494 = tpu.memref_slice %arg18[%dma_wait3A_492, %dma_wait3A_493] : memref<10240x32xf32, #tpu.memory_space<vmem_shared>> -> memref<10240x32xf32, #tpu.memory_space<vmem_shared>>
      tpu.wait_indirect_dma semaphore(%arg30 : memref<!tpu.dma_semaphore, #tpu.memory_space<semaphore_mem>>) src(%arg7 : memref<128x32xf32, #tpu.memory_space<vmem>>) dst(%dma_wait3A_494 : memref<10240x32xf32, #tpu.memory_space<vmem_shared>>)
      %add3A_495 = arith.constant 5 : i32
      %add3A_496 = arith.addi %add3A_476, %add3A_495 : i32
      %jit3A_497 = arith.constant 80 : i32
      %eq3A_498 = arith.constant 0 : i32
      %eq3A_499 = arith.cmpi eq, %jit3A_497, %eq3A_498 : i32
      %jit3A_500 = arith.constant 1 : i32
      %select_n3A_501 = arith.select %eq3A_499, %jit3A_500, %jit3A_497 : i32
      %rem3A_502 = arith.remsi %add3A_496, %select_n3A_501 : i32
      %ne3A_503 = arith.constant 0 : i32
      %ne3A_504 = arith.cmpi ne, %rem3A_502, %ne3A_503 : i32
      %lt3A_505 = arith.constant 0 : i32
      %lt3A_506 = arith.cmpi slt, %rem3A_502, %lt3A_505 : i32
      %lt3A_507 = arith.constant 0 : i32
      %lt3A_508 = arith.cmpi slt, %select_n3A_501, %lt3A_507 : i32
      %ne3A_509 = arith.xori %lt3A_506, %lt3A_508 : i1
      %and3A_510 = arith.andi %ne3A_509, %ne3A_504 : i1
      %add3A_511 = arith.addi %rem3A_502, %select_n3A_501 : i32
      %select_n3A_512 = arith.select %and3A_510, %add3A_511, %rem3A_502 : i32
      %mul3A_513 = arith.constant 128 : i32
      %mul3A_514 = arith.muli %select_n3A_512, %mul3A_513 : i32
      %dma_start3A_515 = tpu.memref_slice %arg5[%mul3A_514] : memref<10240xi32, #tpu.memory_space<vmem>> -> memref<128xi32, #tpu.memory_space<vmem>>
      %dma_start3A_516 = arith.constant 0 : i32
      %dma_start3A_517 = arith.constant 0 : i32
      %dma_start3A_518 = tpu.memref_slice %arg19[%dma_start3A_516, %dma_start3A_517] : memref<10240x32xf32, #tpu.memory_space<vmem_shared>> -> memref<10240x32xf32, #tpu.memory_space<vmem_shared>>
      tpu.enqueue_indirect_dma source(%dma_start3A_518 : memref<10240x32xf32, #tpu.memory_space<vmem_shared>>) target(%arg7 : memref<128x32xf32, #tpu.memory_space<vmem>>) offsets(%dma_start3A_515 : memref<128xi32, #tpu.memory_space<vmem>>) semaphore(%arg20 : memref<!tpu.dma_semaphore, #tpu.memory_space<semaphore_mem>>)
      %mul3A_519 = arith.constant 10 : i32
      %mul3A_520 = arith.muli %mul3A_519, %scan3A_247 : i32
      %add3A_521 = arith.constant 6 : i32
      %add3A_522 = arith.addi %mul3A_520, %add3A_521 : i32
      %mul3A_523 = arith.constant 128 : i32
      %mul3A_524 = arith.muli %add3A_522, %mul3A_523 : i32
      %dma_wait3A_525 = tpu.memref_slice %arg5[%mul3A_524] : memref<10240xi32, #tpu.memory_space<vmem>> -> memref<128xi32, #tpu.memory_space<vmem>>
      %dma_wait3A_526 = arith.constant 0 : i32
      %dma_wait3A_527 = arith.constant 0 : i32
      %dma_wait3A_528 = tpu.memref_slice %arg19[%dma_wait3A_526, %dma_wait3A_527] : memref<10240x32xf32, #tpu.memory_space<vmem_shared>> -> memref<10240x32xf32, #tpu.memory_space<vmem_shared>>
      tpu.wait_indirect_dma semaphore(%arg26 : memref<!tpu.dma_semaphore, #tpu.memory_space<semaphore_mem>>) src(%dma_wait3A_528 : memref<10240x32xf32, #tpu.memory_space<vmem_shared>>) dst(%arg13 : memref<128x32xf32, #tpu.memory_space<vmem>>)
      %dma_start3A_529 = arith.constant 0 : i32
      %dma_start3A_530 = tpu.memref_slice %arg6[%add3A_522, %dma_start3A_529] : memref<80x128xi32, #tpu.memory_space<vmem>> -> memref<1x128xi32, #tpu.memory_space<vmem>>
      %dma_start3A_531 = tpu.memref_squeeze %dma_start3A_530 : memref<1x128xi32, #tpu.memory_space<vmem>> -> memref<128xi32, #tpu.memory_space<vmem>>
      %dma_start3A_532 = arith.constant 0 : i32
      %dma_start3A_533 = arith.constant 0 : i32
      %dma_start3A_534 = tpu.memref_slice %arg18[%dma_start3A_532, %dma_start3A_533] : memref<10240x32xf32, #tpu.memory_space<vmem_shared>> -> memref<10240x32xf32, #tpu.memory_space<vmem_shared>>
      tpu.enqueue_indirect_dma source(%arg13 : memref<128x32xf32, #tpu.memory_space<vmem>>) target(%dma_start3A_534 : memref<10240x32xf32, #tpu.memory_space<vmem_shared>>) offsets(%dma_start3A_531 : memref<128xi32, #tpu.memory_space<vmem>>) semaphore(%arg36 : memref<!tpu.dma_semaphore, #tpu.memory_space<semaphore_mem>>) {add = true}
      %dma_wait3A_535 = arith.constant 0 : i32
      %dma_wait3A_536 = tpu.memref_slice %arg6[%add3A_522, %dma_wait3A_535] : memref<80x128xi32, #tpu.memory_space<vmem>> -> memref<1x128xi32, #tpu.memory_space<vmem>>
      %dma_wait3A_537 = tpu.memref_squeeze %dma_wait3A_536 : memref<1x128xi32, #tpu.memory_space<vmem>> -> memref<128xi32, #tpu.memory_space<vmem>>
      %dma_wait3A_538 = arith.constant 0 : i32
      %dma_wait3A_539 = arith.constant 0 : i32
      %dma_wait3A_540 = tpu.memref_slice %arg18[%dma_wait3A_538, %dma_wait3A_539] : memref<10240x32xf32, #tpu.memory_space<vmem_shared>> -> memref<10240x32xf32, #tpu.memory_space<vmem_shared>>
      tpu.wait_indirect_dma semaphore(%arg31 : memref<!tpu.dma_semaphore, #tpu.memory_space<semaphore_mem>>) src(%arg8 : memref<128x32xf32, #tpu.memory_space<vmem>>) dst(%dma_wait3A_540 : memref<10240x32xf32, #tpu.memory_space<vmem_shared>>)
      %add3A_541 = arith.constant 5 : i32
      %add3A_542 = arith.addi %add3A_522, %add3A_541 : i32
      %jit3A_543 = arith.constant 80 : i32
      %eq3A_544 = arith.constant 0 : i32
      %eq3A_545 = arith.cmpi eq, %jit3A_543, %eq3A_544 : i32
      %jit3A_546 = arith.constant 1 : i32
      %select_n3A_547 = arith.select %eq3A_545, %jit3A_546, %jit3A_543 : i32
      %rem3A_548 = arith.remsi %add3A_542, %select_n3A_547 : i32
      %ne3A_549 = arith.constant 0 : i32
      %ne3A_550 = arith.cmpi ne, %rem3A_548, %ne3A_549 : i32
      %lt3A_551 = arith.constant 0 : i32
      %lt3A_552 = arith.cmpi slt, %rem3A_548, %lt3A_551 : i32
      %lt3A_553 = arith.constant 0 : i32
      %lt3A_554 = arith.cmpi slt, %select_n3A_547, %lt3A_553 : i32
      %ne3A_555 = arith.xori %lt3A_552, %lt3A_554 : i1
      %and3A_556 = arith.andi %ne3A_555, %ne3A_550 : i1
      %add3A_557 = arith.addi %rem3A_548, %select_n3A_547 : i32
      %select_n3A_558 = arith.select %and3A_556, %add3A_557, %rem3A_548 : i32
      %mul3A_559 = arith.constant 128 : i32
      %mul3A_560 = arith.muli %select_n3A_558, %mul3A_559 : i32
      %dma_start3A_561 = tpu.memref_slice %arg5[%mul3A_560] : memref<10240xi32, #tpu.memory_space<vmem>> -> memref<128xi32, #tpu.memory_space<vmem>>
      %dma_start3A_562 = arith.constant 0 : i32
      %dma_start3A_563 = arith.constant 0 : i32
      %dma_start3A_564 = tpu.memref_slice %arg19[%dma_start3A_562, %dma_start3A_563] : memref<10240x32xf32, #tpu.memory_space<vmem_shared>> -> memref<10240x32xf32, #tpu.memory_space<vmem_shared>>
      tpu.enqueue_indirect_dma source(%dma_start3A_564 : memref<10240x32xf32, #tpu.memory_space<vmem_shared>>) target(%arg8 : memref<128x32xf32, #tpu.memory_space<vmem>>) offsets(%dma_start3A_561 : memref<128xi32, #tpu.memory_space<vmem>>) semaphore(%arg21 : memref<!tpu.dma_semaphore, #tpu.memory_space<semaphore_mem>>)
      %mul3A_565 = arith.constant 10 : i32
      %mul3A_566 = arith.muli %mul3A_565, %scan3A_247 : i32
      %add3A_567 = arith.constant 7 : i32
      %add3A_568 = arith.addi %mul3A_566, %add3A_567 : i32
      %mul3A_569 = arith.constant 128 : i32
      %mul3A_570 = arith.muli %add3A_568, %mul3A_569 : i32
      %dma_wait3A_571 = tpu.memref_slice %arg5[%mul3A_570] : memref<10240xi32, #tpu.memory_space<vmem>> -> memref<128xi32, #tpu.memory_space<vmem>>
      %dma_wait3A_572 = arith.constant 0 : i32
      %dma_wait3A_573 = arith.constant 0 : i32
      %dma_wait3A_574 = tpu.memref_slice %arg19[%dma_wait3A_572, %dma_wait3A_573] : memref<10240x32xf32, #tpu.memory_space<vmem_shared>> -> memref<10240x32xf32, #tpu.memory_space<vmem_shared>>
      tpu.wait_indirect_dma semaphore(%arg27 : memref<!tpu.dma_semaphore, #tpu.memory_space<semaphore_mem>>) src(%dma_wait3A_574 : memref<10240x32xf32, #tpu.memory_space<vmem_shared>>) dst(%arg14 : memref<128x32xf32, #tpu.memory_space<vmem>>)
      %dma_start3A_575 = arith.constant 0 : i32
      %dma_start3A_576 = tpu.memref_slice %arg6[%add3A_568, %dma_start3A_575] : memref<80x128xi32, #tpu.memory_space<vmem>> -> memref<1x128xi32, #tpu.memory_space<vmem>>
      %dma_start3A_577 = tpu.memref_squeeze %dma_start3A_576 : memref<1x128xi32, #tpu.memory_space<vmem>> -> memref<128xi32, #tpu.memory_space<vmem>>
      %dma_start3A_578 = arith.constant 0 : i32
      %dma_start3A_579 = arith.constant 0 : i32
      %dma_start3A_580 = tpu.memref_slice %arg18[%dma_start3A_578, %dma_start3A_579] : memref<10240x32xf32, #tpu.memory_space<vmem_shared>> -> memref<10240x32xf32, #tpu.memory_space<vmem_shared>>
      tpu.enqueue_indirect_dma source(%arg14 : memref<128x32xf32, #tpu.memory_space<vmem>>) target(%dma_start3A_580 : memref<10240x32xf32, #tpu.memory_space<vmem_shared>>) offsets(%dma_start3A_577 : memref<128xi32, #tpu.memory_space<vmem>>) semaphore(%arg37 : memref<!tpu.dma_semaphore, #tpu.memory_space<semaphore_mem>>) {add = true}
      %dma_wait3A_581 = arith.constant 0 : i32
      %dma_wait3A_582 = tpu.memref_slice %arg6[%add3A_568, %dma_wait3A_581] : memref<80x128xi32, #tpu.memory_space<vmem>> -> memref<1x128xi32, #tpu.memory_space<vmem>>
      %dma_wait3A_583 = tpu.memref_squeeze %dma_wait3A_582 : memref<1x128xi32, #tpu.memory_space<vmem>> -> memref<128xi32, #tpu.memory_space<vmem>>
      %dma_wait3A_584 = arith.constant 0 : i32
      %dma_wait3A_585 = arith.constant 0 : i32
      %dma_wait3A_586 = tpu.memref_slice %arg18[%dma_wait3A_584, %dma_wait3A_585] : memref<10240x32xf32, #tpu.memory_space<vmem_shared>> -> memref<10240x32xf32, #tpu.memory_space<vmem_shared>>
      tpu.wait_indirect_dma semaphore(%arg32 : memref<!tpu.dma_semaphore, #tpu.memory_space<semaphore_mem>>) src(%arg9 : memref<128x32xf32, #tpu.memory_space<vmem>>) dst(%dma_wait3A_586 : memref<10240x32xf32, #tpu.memory_space<vmem_shared>>)
      %add3A_587 = arith.constant 5 : i32
      %add3A_588 = arith.addi %add3A_568, %add3A_587 : i32
      %jit3A_589 = arith.constant 80 : i32
      %eq3A_590 = arith.constant 0 : i32
      %eq3A_591 = arith.cmpi eq, %jit3A_589, %eq3A_590 : i32
      %jit3A_592 = arith.constant 1 : i32
      %select_n3A_593 = arith.select %eq3A_591, %jit3A_592, %jit3A_589 : i32
      %rem3A_594 = arith.remsi %add3A_588, %select_n3A_593 : i32
      %ne3A_595 = arith.constant 0 : i32
      %ne3A_596 = arith.cmpi ne, %rem3A_594, %ne3A_595 : i32
      %lt3A_597 = arith.constant 0 : i32
      %lt3A_598 = arith.cmpi slt, %rem3A_594, %lt3A_597 : i32
      %lt3A_599 = arith.constant 0 : i32
      %lt3A_600 = arith.cmpi slt, %select_n3A_593, %lt3A_599 : i32
      %ne3A_601 = arith.xori %lt3A_598, %lt3A_600 : i1
      %and3A_602 = arith.andi %ne3A_601, %ne3A_596 : i1
      %add3A_603 = arith.addi %rem3A_594, %select_n3A_593 : i32
      %select_n3A_604 = arith.select %and3A_602, %add3A_603, %rem3A_594 : i32
      %mul3A_605 = arith.constant 128 : i32
      %mul3A_606 = arith.muli %select_n3A_604, %mul3A_605 : i32
      %dma_start3A_607 = tpu.memref_slice %arg5[%mul3A_606] : memref<10240xi32, #tpu.memory_space<vmem>> -> memref<128xi32, #tpu.memory_space<vmem>>
      %dma_start3A_608 = arith.constant 0 : i32
      %dma_start3A_609 = arith.constant 0 : i32
      %dma_start3A_610 = tpu.memref_slice %arg19[%dma_start3A_608, %dma_start3A_609] : memref<10240x32xf32, #tpu.memory_space<vmem_shared>> -> memref<10240x32xf32, #tpu.memory_space<vmem_shared>>
      tpu.enqueue_indirect_dma source(%dma_start3A_610 : memref<10240x32xf32, #tpu.memory_space<vmem_shared>>) target(%arg9 : memref<128x32xf32, #tpu.memory_space<vmem>>) offsets(%dma_start3A_607 : memref<128xi32, #tpu.memory_space<vmem>>) semaphore(%arg22 : memref<!tpu.dma_semaphore, #tpu.memory_space<semaphore_mem>>)
      %mul3A_611 = arith.constant 10 : i32
      %mul3A_612 = arith.muli %mul3A_611, %scan3A_247 : i32
      %add3A_613 = arith.constant 8 : i32
      %add3A_614 = arith.addi %mul3A_612, %add3A_613 : i32
      %mul3A_615 = arith.constant 128 : i32
      %mul3A_616 = arith.muli %add3A_614, %mul3A_615 : i32
      %dma_wait3A_617 = tpu.memref_slice %arg5[%mul3A_616] : memref<10240xi32, #tpu.memory_space<vmem>> -> memref<128xi32, #tpu.memory_space<vmem>>
      %dma_wait3A_618 = arith.constant 0 : i32
      %dma_wait3A_619 = arith.constant 0 : i32
      %dma_wait3A_620 = tpu.memref_slice %arg19[%dma_wait3A_618, %dma_wait3A_619] : memref<10240x32xf32, #tpu.memory_space<vmem_shared>> -> memref<10240x32xf32, #tpu.memory_space<vmem_shared>>
      tpu.wait_indirect_dma semaphore(%arg28 : memref<!tpu.dma_semaphore, #tpu.memory_space<semaphore_mem>>) src(%dma_wait3A_620 : memref<10240x32xf32, #tpu.memory_space<vmem_shared>>) dst(%arg15 : memref<128x32xf32, #tpu.memory_space<vmem>>)
      %dma_start3A_621 = arith.constant 0 : i32
      %dma_start3A_622 = tpu.memref_slice %arg6[%add3A_614, %dma_start3A_621] : memref<80x128xi32, #tpu.memory_space<vmem>> -> memref<1x128xi32, #tpu.memory_space<vmem>>
      %dma_start3A_623 = tpu.memref_squeeze %dma_start3A_622 : memref<1x128xi32, #tpu.memory_space<vmem>> -> memref<128xi32, #tpu.memory_space<vmem>>
      %dma_start3A_624 = arith.constant 0 : i32
      %dma_start3A_625 = arith.constant 0 : i32
      %dma_start3A_626 = tpu.memref_slice %arg18[%dma_start3A_624, %dma_start3A_625] : memref<10240x32xf32, #tpu.memory_space<vmem_shared>> -> memref<10240x32xf32, #tpu.memory_space<vmem_shared>>
      tpu.enqueue_indirect_dma source(%arg15 : memref<128x32xf32, #tpu.memory_space<vmem>>) target(%dma_start3A_626 : memref<10240x32xf32, #tpu.memory_space<vmem_shared>>) offsets(%dma_start3A_623 : memref<128xi32, #tpu.memory_space<vmem>>) semaphore(%arg38 : memref<!tpu.dma_semaphore, #tpu.memory_space<semaphore_mem>>) {add = true}
      %dma_wait3A_627 = arith.constant 0 : i32
      %dma_wait3A_628 = tpu.memref_slice %arg6[%add3A_614, %dma_wait3A_627] : memref<80x128xi32, #tpu.memory_space<vmem>> -> memref<1x128xi32, #tpu.memory_space<vmem>>
      %dma_wait3A_629 = tpu.memref_squeeze %dma_wait3A_628 : memref<1x128xi32, #tpu.memory_space<vmem>> -> memref<128xi32, #tpu.memory_space<vmem>>
      %dma_wait3A_630 = arith.constant 0 : i32
      %dma_wait3A_631 = arith.constant 0 : i32
      %dma_wait3A_632 = tpu.memref_slice %arg18[%dma_wait3A_630, %dma_wait3A_631] : memref<10240x32xf32, #tpu.memory_space<vmem_shared>> -> memref<10240x32xf32, #tpu.memory_space<vmem_shared>>
      tpu.wait_indirect_dma semaphore(%arg33 : memref<!tpu.dma_semaphore, #tpu.memory_space<semaphore_mem>>) src(%arg10 : memref<128x32xf32, #tpu.memory_space<vmem>>) dst(%dma_wait3A_632 : memref<10240x32xf32, #tpu.memory_space<vmem_shared>>)
      %add3A_633 = arith.constant 5 : i32
      %add3A_634 = arith.addi %add3A_614, %add3A_633 : i32
      %jit3A_635 = arith.constant 80 : i32
      %eq3A_636 = arith.constant 0 : i32
      %eq3A_637 = arith.cmpi eq, %jit3A_635, %eq3A_636 : i32
      %jit3A_638 = arith.constant 1 : i32
      %select_n3A_639 = arith.select %eq3A_637, %jit3A_638, %jit3A_635 : i32
      %rem3A_640 = arith.remsi %add3A_634, %select_n3A_639 : i32
      %ne3A_641 = arith.constant 0 : i32
      %ne3A_642 = arith.cmpi ne, %rem3A_640, %ne3A_641 : i32
      %lt3A_643 = arith.constant 0 : i32
      %lt3A_644 = arith.cmpi slt, %rem3A_640, %lt3A_643 : i32
      %lt3A_645 = arith.constant 0 : i32
      %lt3A_646 = arith.cmpi slt, %select_n3A_639, %lt3A_645 : i32
      %ne3A_647 = arith.xori %lt3A_644, %lt3A_646 : i1
      %and3A_648 = arith.andi %ne3A_647, %ne3A_642 : i1
      %add3A_649 = arith.addi %rem3A_640, %select_n3A_639 : i32
      %select_n3A_650 = arith.select %and3A_648, %add3A_649, %rem3A_640 : i32
      %mul3A_651 = arith.constant 128 : i32
      %mul3A_652 = arith.muli %select_n3A_650, %mul3A_651 : i32
      %dma_start3A_653 = tpu.memref_slice %arg5[%mul3A_652] : memref<10240xi32, #tpu.memory_space<vmem>> -> memref<128xi32, #tpu.memory_space<vmem>>
      %dma_start3A_654 = arith.constant 0 : i32
      %dma_start3A_655 = arith.constant 0 : i32
      %dma_start3A_656 = tpu.memref_slice %arg19[%dma_start3A_654, %dma_start3A_655] : memref<10240x32xf32, #tpu.memory_space<vmem_shared>> -> memref<10240x32xf32, #tpu.memory_space<vmem_shared>>
      tpu.enqueue_indirect_dma source(%dma_start3A_656 : memref<10240x32xf32, #tpu.memory_space<vmem_shared>>) target(%arg10 : memref<128x32xf32, #tpu.memory_space<vmem>>) offsets(%dma_start3A_653 : memref<128xi32, #tpu.memory_space<vmem>>) semaphore(%arg23 : memref<!tpu.dma_semaphore, #tpu.memory_space<semaphore_mem>>)
      %mul3A_657 = arith.constant 10 : i32
      %mul3A_658 = arith.muli %mul3A_657, %scan3A_247 : i32
      %add3A_659 = arith.constant 9 : i32
      %add3A_660 = arith.addi %mul3A_658, %add3A_659 : i32
      %mul3A_661 = arith.constant 128 : i32
      %mul3A_662 = arith.muli %add3A_660, %mul3A_661 : i32
      %dma_wait3A_663 = tpu.memref_slice %arg5[%mul3A_662] : memref<10240xi32, #tpu.memory_space<vmem>> -> memref<128xi32, #tpu.memory_space<vmem>>
      %dma_wait3A_664 = arith.constant 0 : i32
      %dma_wait3A_665 = arith.constant 0 : i32
      %dma_wait3A_666 = tpu.memref_slice %arg19[%dma_wait3A_664, %dma_wait3A_665] : memref<10240x32xf32, #tpu.memory_space<vmem_shared>> -> memref<10240x32xf32, #tpu.memory_space<vmem_shared>>
      tpu.wait_indirect_dma semaphore(%arg29 : memref<!tpu.dma_semaphore, #tpu.memory_space<semaphore_mem>>) src(%dma_wait3A_666 : memref<10240x32xf32, #tpu.memory_space<vmem_shared>>) dst(%arg16 : memref<128x32xf32, #tpu.memory_space<vmem>>)
      %dma_start3A_667 = arith.constant 0 : i32
      %dma_start3A_668 = tpu.memref_slice %arg6[%add3A_660, %dma_start3A_667] : memref<80x128xi32, #tpu.memory_space<vmem>> -> memref<1x128xi32, #tpu.memory_space<vmem>>
      %dma_start3A_669 = tpu.memref_squeeze %dma_start3A_668 : memref<1x128xi32, #tpu.memory_space<vmem>> -> memref<128xi32, #tpu.memory_space<vmem>>
      %dma_start3A_670 = arith.constant 0 : i32
      %dma_start3A_671 = arith.constant 0 : i32
      %dma_start3A_672 = tpu.memref_slice %arg18[%dma_start3A_670, %dma_start3A_671] : memref<10240x32xf32, #tpu.memory_space<vmem_shared>> -> memref<10240x32xf32, #tpu.memory_space<vmem_shared>>
      tpu.enqueue_indirect_dma source(%arg16 : memref<128x32xf32, #tpu.memory_space<vmem>>) target(%dma_start3A_672 : memref<10240x32xf32, #tpu.memory_space<vmem_shared>>) offsets(%dma_start3A_669 : memref<128xi32, #tpu.memory_space<vmem>>) semaphore(%arg39 : memref<!tpu.dma_semaphore, #tpu.memory_space<semaphore_mem>>) {add = true}
      %dma_wait3A_673 = arith.constant 0 : i32
      %dma_wait3A_674 = tpu.memref_slice %arg6[%add3A_660, %dma_wait3A_673] : memref<80x128xi32, #tpu.memory_space<vmem>> -> memref<1x128xi32, #tpu.memory_space<vmem>>
      %dma_wait3A_675 = tpu.memref_squeeze %dma_wait3A_674 : memref<1x128xi32, #tpu.memory_space<vmem>> -> memref<128xi32, #tpu.memory_space<vmem>>
      %dma_wait3A_676 = arith.constant 0 : i32
      %dma_wait3A_677 = arith.constant 0 : i32
      %dma_wait3A_678 = tpu.memref_slice %arg18[%dma_wait3A_676, %dma_wait3A_677] : memref<10240x32xf32, #tpu.memory_space<vmem_shared>> -> memref<10240x32xf32, #tpu.memory_space<vmem_shared>>
      tpu.wait_indirect_dma semaphore(%arg34 : memref<!tpu.dma_semaphore, #tpu.memory_space<semaphore_mem>>) src(%arg11 : memref<128x32xf32, #tpu.memory_space<vmem>>) dst(%dma_wait3A_678 : memref<10240x32xf32, #tpu.memory_space<vmem_shared>>)
      %add3A_679 = arith.constant 5 : i32
      %add3A_680 = arith.addi %add3A_660, %add3A_679 : i32
      %jit3A_681 = arith.constant 80 : i32
      %eq3A_682 = arith.constant 0 : i32
      %eq3A_683 = arith.cmpi eq, %jit3A_681, %eq3A_682 : i32
      %jit3A_684 = arith.constant 1 : i32
      %select_n3A_685 = arith.select %eq3A_683, %jit3A_684, %jit3A_681 : i32
      %rem3A_686 = arith.remsi %add3A_680, %select_n3A_685 : i32
      %ne3A_687 = arith.constant 0 : i32
      %ne3A_688 = arith.cmpi ne, %rem3A_686, %ne3A_687 : i32
      %lt3A_689 = arith.constant 0 : i32
      %lt3A_690 = arith.cmpi slt, %rem3A_686, %lt3A_689 : i32
      %lt3A_691 = arith.constant 0 : i32
      %lt3A_692 = arith.cmpi slt, %select_n3A_685, %lt3A_691 : i32
      %ne3A_693 = arith.xori %lt3A_690, %lt3A_692 : i1
      %and3A_694 = arith.andi %ne3A_693, %ne3A_688 : i1
      %add3A_695 = arith.addi %rem3A_686, %select_n3A_685 : i32
      %select_n3A_696 = arith.select %and3A_694, %add3A_695, %rem3A_686 : i32
      %mul3A_697 = arith.constant 128 : i32
      %mul3A_698 = arith.muli %select_n3A_696, %mul3A_697 : i32
      %dma_start3A_699 = tpu.memref_slice %arg5[%mul3A_698] : memref<10240xi32, #tpu.memory_space<vmem>> -> memref<128xi32, #tpu.memory_space<vmem>>
      %dma_start3A_700 = arith.constant 0 : i32
      %dma_start3A_701 = arith.constant 0 : i32
      %dma_start3A_702 = tpu.memref_slice %arg19[%dma_start3A_700, %dma_start3A_701] : memref<10240x32xf32, #tpu.memory_space<vmem_shared>> -> memref<10240x32xf32, #tpu.memory_space<vmem_shared>>
      tpu.enqueue_indirect_dma source(%dma_start3A_702 : memref<10240x32xf32, #tpu.memory_space<vmem_shared>>) target(%arg11 : memref<128x32xf32, #tpu.memory_space<vmem>>) offsets(%dma_start3A_699 : memref<128xi32, #tpu.memory_space<vmem>>) semaphore(%arg24 : memref<!tpu.dma_semaphore, #tpu.memory_space<semaphore_mem>>)
      %scan3A_703 = arith.constant 0 : i32
      scf.yield %scan3A_703 : i32
    }
    %scan3A_182 = arith.constant 8 : i32
    %dma_wait3A = arith.constant 0 : i32
    %dma_wait3A_183 = arith.constant 0 : i32
    %dma_wait3A_184 = tpu.memref_slice %arg6[%dma_wait3A, %dma_wait3A_183] : memref<80x128xi32, #tpu.memory_space<vmem>> -> memref<1x128xi32, #tpu.memory_space<vmem>>
    %dma_wait3A_185 = tpu.memref_squeeze %dma_wait3A_184 : memref<1x128xi32, #tpu.memory_space<vmem>> -> memref<128xi32, #tpu.memory_space<vmem>>
    %dma_wait3A_186 = arith.constant 0 : i32
    %dma_wait3A_187 = arith.constant 0 : i32
    %dma_wait3A_188 = tpu.memref_slice %arg18[%dma_wait3A_186, %dma_wait3A_187] : memref<10240x32xf32, #tpu.memory_space<vmem_shared>> -> memref<10240x32xf32, #tpu.memory_space<vmem_shared>>
    tpu.wait_indirect_dma semaphore(%arg35 : memref<!tpu.dma_semaphore, #tpu.memory_space<semaphore_mem>>) src(%arg12 : memref<128x32xf32, #tpu.memory_space<vmem>>) dst(%dma_wait3A_188 : memref<10240x32xf32, #tpu.memory_space<vmem_shared>>)
    %dma_wait3A_189 = arith.constant 0 : i32
    %dma_wait3A_190 = tpu.memref_slice %arg5[%dma_wait3A_189] : memref<10240xi32, #tpu.memory_space<vmem>> -> memref<128xi32, #tpu.memory_space<vmem>>
    %dma_wait3A_191 = arith.constant 0 : i32
    %dma_wait3A_192 = arith.constant 0 : i32
    %dma_wait3A_193 = tpu.memref_slice %arg19[%dma_wait3A_191, %dma_wait3A_192] : memref<10240x32xf32, #tpu.memory_space<vmem_shared>> -> memref<10240x32xf32, #tpu.memory_space<vmem_shared>>
    tpu.wait_indirect_dma semaphore(%arg20 : memref<!tpu.dma_semaphore, #tpu.memory_space<semaphore_mem>>) src(%dma_wait3A_193 : memref<10240x32xf32, #tpu.memory_space<vmem_shared>>) dst(%arg7 : memref<128x32xf32, #tpu.memory_space<vmem>>)
    %dma_wait3A_194 = arith.constant 0 : i32
    %dma_wait3A_195 = arith.constant 0 : i32
    %dma_wait3A_196 = tpu.memref_slice %arg6[%dma_wait3A_194, %dma_wait3A_195] : memref<80x128xi32, #tpu.memory_space<vmem>> -> memref<1x128xi32, #tpu.memory_space<vmem>>
    %dma_wait3A_197 = tpu.memref_squeeze %dma_wait3A_196 : memref<1x128xi32, #tpu.memory_space<vmem>> -> memref<128xi32, #tpu.memory_space<vmem>>
    %dma_wait3A_198 = arith.constant 0 : i32
    %dma_wait3A_199 = arith.constant 0 : i32
    %dma_wait3A_200 = tpu.memref_slice %arg18[%dma_wait3A_198, %dma_wait3A_199] : memref<10240x32xf32, #tpu.memory_space<vmem_shared>> -> memref<10240x32xf32, #tpu.memory_space<vmem_shared>>
    tpu.wait_indirect_dma semaphore(%arg36 : memref<!tpu.dma_semaphore, #tpu.memory_space<semaphore_mem>>) src(%arg13 : memref<128x32xf32, #tpu.memory_space<vmem>>) dst(%dma_wait3A_200 : memref<10240x32xf32, #tpu.memory_space<vmem_shared>>)
    %dma_wait3A_201 = arith.constant 128 : i32
    %dma_wait3A_202 = tpu.memref_slice %arg5[%dma_wait3A_201] : memref<10240xi32, #tpu.memory_space<vmem>> -> memref<128xi32, #tpu.memory_space<vmem>>
    %dma_wait3A_203 = arith.constant 0 : i32
    %dma_wait3A_204 = arith.constant 0 : i32
    %dma_wait3A_205 = tpu.memref_slice %arg19[%dma_wait3A_203, %dma_wait3A_204] : memref<10240x32xf32, #tpu.memory_space<vmem_shared>> -> memref<10240x32xf32, #tpu.memory_space<vmem_shared>>
    tpu.wait_indirect_dma semaphore(%arg21 : memref<!tpu.dma_semaphore, #tpu.memory_space<semaphore_mem>>) src(%dma_wait3A_205 : memref<10240x32xf32, #tpu.memory_space<vmem_shared>>) dst(%arg8 : memref<128x32xf32, #tpu.memory_space<vmem>>)
    %dma_wait3A_206 = arith.constant 0 : i32
    %dma_wait3A_207 = arith.constant 0 : i32
    %dma_wait3A_208 = tpu.memref_slice %arg6[%dma_wait3A_206, %dma_wait3A_207] : memref<80x128xi32, #tpu.memory_space<vmem>> -> memref<1x128xi32, #tpu.memory_space<vmem>>
    %dma_wait3A_209 = tpu.memref_squeeze %dma_wait3A_208 : memref<1x128xi32, #tpu.memory_space<vmem>> -> memref<128xi32, #tpu.memory_space<vmem>>
    %dma_wait3A_210 = arith.constant 0 : i32
    %dma_wait3A_211 = arith.constant 0 : i32
    %dma_wait3A_212 = tpu.memref_slice %arg18[%dma_wait3A_210, %dma_wait3A_211] : memref<10240x32xf32, #tpu.memory_space<vmem_shared>> -> memref<10240x32xf32, #tpu.memory_space<vmem_shared>>
    tpu.wait_indirect_dma semaphore(%arg37 : memref<!tpu.dma_semaphore, #tpu.memory_space<semaphore_mem>>) src(%arg14 : memref<128x32xf32, #tpu.memory_space<vmem>>) dst(%dma_wait3A_212 : memref<10240x32xf32, #tpu.memory_space<vmem_shared>>)
    %dma_wait3A_213 = arith.constant 256 : i32
    %dma_wait3A_214 = tpu.memref_slice %arg5[%dma_wait3A_213] : memref<10240xi32, #tpu.memory_space<vmem>> -> memref<128xi32, #tpu.memory_space<vmem>>
    %dma_wait3A_215 = arith.constant 0 : i32
    %dma_wait3A_216 = arith.constant 0 : i32
    %dma_wait3A_217 = tpu.memref_slice %arg19[%dma_wait3A_215, %dma_wait3A_216] : memref<10240x32xf32, #tpu.memory_space<vmem_shared>> -> memref<10240x32xf32, #tpu.memory_space<vmem_shared>>
    tpu.wait_indirect_dma semaphore(%arg22 : memref<!tpu.dma_semaphore, #tpu.memory_space<semaphore_mem>>) src(%dma_wait3A_217 : memref<10240x32xf32, #tpu.memory_space<vmem_shared>>) dst(%arg9 : memref<128x32xf32, #tpu.memory_space<vmem>>)
    %dma_wait3A_218 = arith.constant 0 : i32
    %dma_wait3A_219 = arith.constant 0 : i32
    %dma_wait3A_220 = tpu.memref_slice %arg6[%dma_wait3A_218, %dma_wait3A_219] : memref<80x128xi32, #tpu.memory_space<vmem>> -> memref<1x128xi32, #tpu.memory_space<vmem>>
    %dma_wait3A_221 = tpu.memref_squeeze %dma_wait3A_220 : memref<1x128xi32, #tpu.memory_space<vmem>> -> memref<128xi32, #tpu.memory_space<vmem>>
    %dma_wait3A_222 = arith.constant 0 : i32
    %dma_wait3A_223 = arith.constant 0 : i32
    %dma_wait3A_224 = tpu.memref_slice %arg18[%dma_wait3A_222, %dma_wait3A_223] : memref<10240x32xf32, #tpu.memory_space<vmem_shared>> -> memref<10240x32xf32, #tpu.memory_space<vmem_shared>>
    tpu.wait_indirect_dma semaphore(%arg38 : memref<!tpu.dma_semaphore, #tpu.memory_space<semaphore_mem>>) src(%arg15 : memref<128x32xf32, #tpu.memory_space<vmem>>) dst(%dma_wait3A_224 : memref<10240x32xf32, #tpu.memory_space<vmem_shared>>)
    %dma_wait3A_225 = arith.constant 384 : i32
    %dma_wait3A_226 = tpu.memref_slice %arg5[%dma_wait3A_225] : memref<10240xi32, #tpu.memory_space<vmem>> -> memref<128xi32, #tpu.memory_space<vmem>>
    %dma_wait3A_227 = arith.constant 0 : i32
    %dma_wait3A_228 = arith.constant 0 : i32
    %dma_wait3A_229 = tpu.memref_slice %arg19[%dma_wait3A_227, %dma_wait3A_228] : memref<10240x32xf32, #tpu.memory_space<vmem_shared>> -> memref<10240x32xf32, #tpu.memory_space<vmem_shared>>
    tpu.wait_indirect_dma semaphore(%arg23 : memref<!tpu.dma_semaphore, #tpu.memory_space<semaphore_mem>>) src(%dma_wait3A_229 : memref<10240x32xf32, #tpu.memory_space<vmem_shared>>) dst(%arg10 : memref<128x32xf32, #tpu.memory_space<vmem>>)
    %dma_wait3A_230 = arith.constant 0 : i32
    %dma_wait3A_231 = arith.constant 0 : i32
    %dma_wait3A_232 = tpu.memref_slice %arg6[%dma_wait3A_230, %dma_wait3A_231] : memref<80x128xi32, #tpu.memory_space<vmem>> -> memref<1x128xi32, #tpu.memory_space<vmem>>
    %dma_wait3A_233 = tpu.memref_squeeze %dma_wait3A_232 : memref<1x128xi32, #tpu.memory_space<vmem>> -> memref<128xi32, #tpu.memory_space<vmem>>
    %dma_wait3A_234 = arith.constant 0 : i32
    %dma_wait3A_235 = arith.constant 0 : i32
    %dma_wait3A_236 = tpu.memref_slice %arg18[%dma_wait3A_234, %dma_wait3A_235] : memref<10240x32xf32, #tpu.memory_space<vmem_shared>> -> memref<10240x32xf32, #tpu.memory_space<vmem_shared>>
    tpu.wait_indirect_dma semaphore(%arg39 : memref<!tpu.dma_semaphore, #tpu.memory_space<semaphore_mem>>) src(%arg16 : memref<128x32xf32, #tpu.memory_space<vmem>>) dst(%dma_wait3A_236 : memref<10240x32xf32, #tpu.memory_space<vmem_shared>>)
    %dma_wait3A_237 = arith.constant 512 : i32
    %dma_wait3A_238 = tpu.memref_slice %arg5[%dma_wait3A_237] : memref<10240xi32, #tpu.memory_space<vmem>> -> memref<128xi32, #tpu.memory_space<vmem>>
    %dma_wait3A_239 = arith.constant 0 : i32
    %dma_wait3A_240 = arith.constant 0 : i32
    %dma_wait3A_241 = tpu.memref_slice %arg19[%dma_wait3A_239, %dma_wait3A_240] : memref<10240x32xf32, #tpu.memory_space<vmem_shared>> -> memref<10240x32xf32, #tpu.memory_space<vmem_shared>>
    tpu.wait_indirect_dma semaphore(%arg24 : memref<!tpu.dma_semaphore, #tpu.memory_space<semaphore_mem>>) src(%dma_wait3A_241 : memref<10240x32xf32, #tpu.memory_space<vmem_shared>>) dst(%arg11 : memref<128x32xf32, #tpu.memory_space<vmem>>)
    %barrier3A_242 = arith.constant 0 : index
    tpu.barrier barrier_id(%barrier3A_242)
    %mul3A_243 = arith.constant 640 : i32
    %mul3A_244 = arith.muli %arg1, %mul3A_243 : i32
    %mul3A_245 = arith.constant 640 : i32
    %mul3A_246 = arith.muli %arg1, %mul3A_245 : i32
    "tpu.region"() ({
      %run_scoped3A = tpu.sem_alloc : memref<!tpu.dma_semaphore, #tpu.memory_space<semaphore_mem>>
      %dma_start3A_247 = arith.constant 0 : i32
      %dma_start3A_248 = tpu.memref_slice %arg4[%arg0, %mul3A_246, %dma_start3A_247] : memref<2x10240x32xf32, #tpu.memory_space<hbm>> -> memref<1x640x32xf32, #tpu.memory_space<hbm>>
      %dma_start3A_249 = tpu.memref_squeeze %dma_start3A_248 : memref<1x640x32xf32, #tpu.memory_space<hbm>> -> memref<640x32xf32, #tpu.memory_space<hbm>>
      %dma_start3A_250 = arith.constant 0 : i32
      %dma_start3A_251 = tpu.memref_slice %arg18[%mul3A_244, %dma_start3A_250] : memref<10240x32xf32, #tpu.memory_space<vmem_shared>> -> memref<640x32xf32, #tpu.memory_space<vmem_shared>>
      tpu.enqueue_dma source(%dma_start3A_251 : memref<640x32xf32, #tpu.memory_space<vmem_shared>>) target(%dma_start3A_249 : memref<640x32xf32, #tpu.memory_space<hbm>>) target_semaphore(%run_scoped3A : memref<!tpu.dma_semaphore, #tpu.memory_space<semaphore_mem>>)
      %dma_wait3A_252 = arith.constant 0 : i32
      %dma_wait3A_253 = tpu.memref_slice %arg4[%arg0, %mul3A_246, %dma_wait3A_252] : memref<2x10240x32xf32, #tpu.memory_space<hbm>> -> memref<1x640x32xf32, #tpu.memory_space<hbm>>
      %dma_wait3A_254 = tpu.memref_squeeze %dma_wait3A_253 : memref<1x640x32xf32, #tpu.memory_space<hbm>> -> memref<640x32xf32, #tpu.memory_space<hbm>>
      %dma_wait3A_255 = arith.constant 0 : i32
      %dma_wait3A_256 = tpu.memref_slice %arg18[%mul3A_244, %dma_wait3A_255] : memref<10240x32xf32, #tpu.memory_space<vmem_shared>> -> memref<640x32xf32, #tpu.memory_space<vmem_shared>>
      tpu.wait_dma2 semaphore(%run_scoped3A : memref<!tpu.dma_semaphore, #tpu.memory_space<semaphore_mem>>) src(%dma_wait3A_256 : memref<640x32xf32, #tpu.memory_space<vmem_shared>>) dst(%dma_wait3A_254 : memref<640x32xf32, #tpu.memory_space<hbm>>)
      tpu.yield
    }) : () -> ()
    return
  }
}

#map = affine_map<(d0, d1) -> (0, 0)>
#map1 = affine_map<(d0, d1) -> (0, 0, 0)>
module attributes {stable_mosaic.version = 14 : i64} {
  func.func @deg_kernel(%arg0: i32, %arg1: i32, %arg2: memref<2x320000xi32, #tpu.memory_space<hbm>>, %arg3: memref<2x10240x16xf32, #tpu.memory_space<hbm>>, %arg4: memref<80x128xi32, #tpu.memory_space<vmem>>, %arg5: memref<128x16xf32, #tpu.memory_space<vmem>>, %arg6: memref<640x16xf32, #tpu.memory_space<vmem>>, %arg7: memref<10240x16xf32, #tpu.memory_space<vmem_shared>>, %arg8: memref<!tpu.dma_semaphore, #tpu.memory_space<semaphore_mem>>) attributes {dimension_semantics = [#tpu.dimension_semantics<core_parallel>, #tpu.dimension_semantics<subcore_parallel>], iteration_bounds = array<i64: 2, 16>, scalar_prefetch = 0 : i64, scratch_operands = 5 : i64, tpu.core_type = #tpu.core_type<sc_vector_subcore>, window_params = [{transform_indices = #map}, {transform_indices = #map1}]} {
    %mul3A = arith.constant 2 : i32
    %mul3A_0 = arith.muli %arg1, %mul3A : i32
    %add3A = arith.addi %mul3A_0, %arg0 : i32
    %mul3A_1 = arith.constant 80 : i32
    %mul3A_2 = arith.muli %add3A, %mul3A_1 : i32
    %sub3A = arith.constant 2500 : i32
    %sub3A_3 = arith.subi %sub3A, %mul3A_2 : i32
    %jit3A = arith.constant 0 : i32
    %jit3A_4 = arith.constant 80 : i32
    %max3A = arith.maxsi %jit3A, %sub3A_3 : i32
    %min3A = arith.minsi %jit3A_4, %max3A : i32
    %mul3A_5 = arith.constant 80 : i32
    %mul3A_6 = arith.muli %add3A, %mul3A_5 : i32
    %mul3A_7 = arith.constant 128 : i32
    %mul3A_8 = arith.muli %mul3A_6, %mul3A_7 : i32
    %while3A = arith.constant 0 : i32
    %while3A_9 = arith.constant 0 : i32
    %while3A_10 = arith.subi %min3A, %while3A : i32
    %while3A_11 = arith.addi %while3A, %while3A_10 : i32
    %while3A_12 = arith.constant 1 : i32
    %while3A_13 = arith.divsi %while3A_10, %while3A_12 : i32
    %while3A_14 = arith.muli %while3A_13, %while3A_12 : i32
    %while3A_15 = arith.addi %while3A, %while3A_14 : i32
    %while3A_16 = arith.constant 1 : i32
    %while3A_17 = scf.for %while3A_187 = %while3A to %while3A_15 step %while3A_16 iter_args(%while3A_188 = %while3A_9) -> (i32)  : i32 {
      %mul3A_189 = arith.constant 128 : i32
      %mul3A_190 = arith.muli %while3A_187, %mul3A_189 : i32
      %add3A_191 = arith.addi %mul3A_8, %mul3A_190 : i32
      %dma_start3A_192 = arith.constant 1 : i32
      %dma_start3A_193 = arith.constant 0 : i32
      %dma_start3A_194 = tpu.memref_slice %arg4[%while3A_187, %dma_start3A_193] : memref<80x128xi32, #tpu.memory_space<vmem>> -> memref<1x128xi32, #tpu.memory_space<vmem>>
      %dma_start3A_195 = tpu.memref_squeeze %dma_start3A_194 : memref<1x128xi32, #tpu.memory_space<vmem>> -> memref<128xi32, #tpu.memory_space<vmem>>
      %dma_start3A_196 = tpu.memref_slice %arg2[%dma_start3A_192, %add3A_191] : memref<2x320000xi32, #tpu.memory_space<hbm>> -> memref<1x128xi32, #tpu.memory_space<hbm>>
      %dma_start3A_197 = tpu.memref_squeeze %dma_start3A_196 : memref<1x128xi32, #tpu.memory_space<hbm>> -> memref<128xi32, #tpu.memory_space<hbm>>
      %dma_start3A_198 = arith.constant 0 : i32
      %dma_start3A_199 = tpu.memref_slice %arg4[%while3A_187, %dma_start3A_198] : memref<80x128xi32, #tpu.memory_space<vmem>> -> memref<1x128xi32, #tpu.memory_space<vmem>>
      %dma_start3A_200 = tpu.memref_squeeze %dma_start3A_199 : memref<1x128xi32, #tpu.memory_space<vmem>> -> memref<128xi32, #tpu.memory_space<vmem>>
      %dma_start3A_201 = tpu.memref_slice %arg2[%dma_start3A_192, %add3A_191] : memref<2x320000xi32, #tpu.memory_space<hbm>> -> memref<1x128xi32, #tpu.memory_space<hbm>>
      %dma_start3A_202 = tpu.memref_squeeze %dma_start3A_201 : memref<1x128xi32, #tpu.memory_space<hbm>> -> memref<128xi32, #tpu.memory_space<hbm>>
      tpu.enqueue_dma source(%dma_start3A_202 : memref<128xi32, #tpu.memory_space<hbm>>) target(%dma_start3A_200 : memref<128xi32, #tpu.memory_space<vmem>>) target_semaphore(%arg8 : memref<!tpu.dma_semaphore, #tpu.memory_space<semaphore_mem>>)
      %while3A_203 = arith.constant 0 : i32
      scf.yield %while3A_203 : i32
    }
    %while3A_18 = arith.constant 1 : i32
    %while3A_19 = scf.for %while3A_187 = %while3A_15 to %while3A_11 step %while3A_18 iter_args(%while3A_188 = %while3A_17) -> (i32)  : i32 {
      %mul3A_189 = arith.constant 128 : i32
      %mul3A_190 = arith.muli %while3A_187, %mul3A_189 : i32
      %add3A_191 = arith.addi %mul3A_8, %mul3A_190 : i32
      %dma_start3A_192 = arith.constant 1 : i32
      %dma_start3A_193 = arith.constant 0 : i32
      %dma_start3A_194 = tpu.memref_slice %arg4[%while3A_187, %dma_start3A_193] : memref<80x128xi32, #tpu.memory_space<vmem>> -> memref<1x128xi32, #tpu.memory_space<vmem>>
      %dma_start3A_195 = tpu.memref_squeeze %dma_start3A_194 : memref<1x128xi32, #tpu.memory_space<vmem>> -> memref<128xi32, #tpu.memory_space<vmem>>
      %dma_start3A_196 = tpu.memref_slice %arg2[%dma_start3A_192, %add3A_191] : memref<2x320000xi32, #tpu.memory_space<hbm>> -> memref<1x128xi32, #tpu.memory_space<hbm>>
      %dma_start3A_197 = tpu.memref_squeeze %dma_start3A_196 : memref<1x128xi32, #tpu.memory_space<hbm>> -> memref<128xi32, #tpu.memory_space<hbm>>
      %dma_start3A_198 = arith.constant 0 : i32
      %dma_start3A_199 = tpu.memref_slice %arg4[%while3A_187, %dma_start3A_198] : memref<80x128xi32, #tpu.memory_space<vmem>> -> memref<1x128xi32, #tpu.memory_space<vmem>>
      %dma_start3A_200 = tpu.memref_squeeze %dma_start3A_199 : memref<1x128xi32, #tpu.memory_space<vmem>> -> memref<128xi32, #tpu.memory_space<vmem>>
      %dma_start3A_201 = tpu.memref_slice %arg2[%dma_start3A_192, %add3A_191] : memref<2x320000xi32, #tpu.memory_space<hbm>> -> memref<1x128xi32, #tpu.memory_space<hbm>>
      %dma_start3A_202 = tpu.memref_squeeze %dma_start3A_201 : memref<1x128xi32, #tpu.memory_space<hbm>> -> memref<128xi32, #tpu.memory_space<hbm>>
      tpu.enqueue_dma source(%dma_start3A_202 : memref<128xi32, #tpu.memory_space<hbm>>) target(%dma_start3A_200 : memref<128xi32, #tpu.memory_space<vmem>>) target_semaphore(%arg8 : memref<!tpu.dma_semaphore, #tpu.memory_space<semaphore_mem>>)
      %while3A_203 = arith.constant 0 : i32
      scf.yield %while3A_203 : i32
    }
    %broadcast_in_dim3A = arith.constant 10000 : i32
    %broadcast_in_dim3A_20 = vector.broadcast %broadcast_in_dim3A : i32 to vector<16xi32>
    %while3A_21 = arith.constant 80 : i32
    %while3A_22 = arith.constant 0 : i32
    %while3A_23 = arith.subi %while3A_21, %min3A : i32
    %while3A_24 = arith.addi %min3A, %while3A_23 : i32
    %while3A_25 = arith.constant 1 : i32
    %while3A_26 = arith.divsi %while3A_23, %while3A_25 : i32
    %while3A_27 = arith.muli %while3A_26, %while3A_25 : i32
    %while3A_28 = arith.addi %min3A, %while3A_27 : i32
    %while3A_29 = arith.constant 1 : i32
    %while3A_30 = scf.for %while3A_187 = %min3A to %while3A_28 step %while3A_29 iter_args(%while3A_188 = %while3A_22) -> (i32)  : i32 {
      %swap3A = arith.index_cast %while3A_187 : i32 to index
      %swap3A_189 = arith.constant 0 : index
      %swap3A_190 = tpu.vector_load %arg4[%swap3A, %swap3A_189] {strides = array<i32>} : memref<80x128xi32, #tpu.memory_space<vmem>>, vector<1x16xi32>,
      %swap3A_191 = vector.shape_cast %swap3A_190 : vector<1x16xi32> to vector<16xi32>
      %swap3A_192 = vector.shape_cast %broadcast_in_dim3A_20 : vector<16xi32> to vector<1x16xi32>
      tpu.vector_store %arg4[%swap3A, %swap3A_189], %swap3A_192 {strides = array<i32>} : memref<80x128xi32, #tpu.memory_space<vmem>>, vector<1x16xi32>,
      %swap3A_193 = arith.index_cast %while3A_187 : i32 to index
      %swap3A_194 = arith.constant 16 : index
      %swap3A_195 = tpu.vector_load %arg4[%swap3A_193, %swap3A_194] {strides = array<i32>} : memref<80x128xi32, #tpu.memory_space<vmem>>, vector<1x16xi32>,
      %swap3A_196 = vector.shape_cast %swap3A_195 : vector<1x16xi32> to vector<16xi32>
      %swap3A_197 = vector.shape_cast %broadcast_in_dim3A_20 : vector<16xi32> to vector<1x16xi32>
      tpu.vector_store %arg4[%swap3A_193, %swap3A_194], %swap3A_197 {strides = array<i32>} : memref<80x128xi32, #tpu.memory_space<vmem>>, vector<1x16xi32>,
      %swap3A_198 = arith.index_cast %while3A_187 : i32 to index
      %swap3A_199 = arith.constant 32 : index
      %swap3A_200 = tpu.vector_load %arg4[%swap3A_198, %swap3A_199] {strides = array<i32>} : memref<80x128xi32, #tpu.memory_space<vmem>>, vector<1x16xi32>,
      %swap3A_201 = vector.shape_cast %swap3A_200 : vector<1x16xi32> to vector<16xi32>
      %swap3A_202 = vector.shape_cast %broadcast_in_dim3A_20 : vector<16xi32> to vector<1x16xi32>
      tpu.vector_store %arg4[%swap3A_198, %swap3A_199], %swap3A_202 {strides = array<i32>} : memref<80x128xi32, #tpu.memory_space<vmem>>, vector<1x16xi32>,
      %swap3A_203 = arith.index_cast %while3A_187 : i32 to index
      %swap3A_204 = arith.constant 48 : index
      %swap3A_205 = tpu.vector_load %arg4[%swap3A_203, %swap3A_204] {strides = array<i32>} : memref<80x128xi32, #tpu.memory_space<vmem>>, vector<1x16xi32>,
      %swap3A_206 = vector.shape_cast %swap3A_205 : vector<1x16xi32> to vector<16xi32>
      %swap3A_207 = vector.shape_cast %broadcast_in_dim3A_20 : vector<16xi32> to vector<1x16xi32>
      tpu.vector_store %arg4[%swap3A_203, %swap3A_204], %swap3A_207 {strides = array<i32>} : memref<80x128xi32, #tpu.memory_space<vmem>>, vector<1x16xi32>,
      %swap3A_208 = arith.index_cast %while3A_187 : i32 to index
      %swap3A_209 = arith.constant 64 : index
      %swap3A_210 = tpu.vector_load %arg4[%swap3A_208, %swap3A_209] {strides = array<i32>} : memref<80x128xi32, #tpu.memory_space<vmem>>, vector<1x16xi32>,
      %swap3A_211 = vector.shape_cast %swap3A_210 : vector<1x16xi32> to vector<16xi32>
      %swap3A_212 = vector.shape_cast %broadcast_in_dim3A_20 : vector<16xi32> to vector<1x16xi32>
      tpu.vector_store %arg4[%swap3A_208, %swap3A_209], %swap3A_212 {strides = array<i32>} : memref<80x128xi32, #tpu.memory_space<vmem>>, vector<1x16xi32>,
      %swap3A_213 = arith.index_cast %while3A_187 : i32 to index
      %swap3A_214 = arith.constant 80 : index
      %swap3A_215 = tpu.vector_load %arg4[%swap3A_213, %swap3A_214] {strides = array<i32>} : memref<80x128xi32, #tpu.memory_space<vmem>>, vector<1x16xi32>,
      %swap3A_216 = vector.shape_cast %swap3A_215 : vector<1x16xi32> to vector<16xi32>
      %swap3A_217 = vector.shape_cast %broadcast_in_dim3A_20 : vector<16xi32> to vector<1x16xi32>
      tpu.vector_store %arg4[%swap3A_213, %swap3A_214], %swap3A_217 {strides = array<i32>} : memref<80x128xi32, #tpu.memory_space<vmem>>, vector<1x16xi32>,
      %swap3A_218 = arith.index_cast %while3A_187 : i32 to index
      %swap3A_219 = arith.constant 96 : index
      %swap3A_220 = tpu.vector_load %arg4[%swap3A_218, %swap3A_219] {strides = array<i32>} : memref<80x128xi32, #tpu.memory_space<vmem>>, vector<1x16xi32>,
      %swap3A_221 = vector.shape_cast %swap3A_220 : vector<1x16xi32> to vector<16xi32>
      %swap3A_222 = vector.shape_cast %broadcast_in_dim3A_20 : vector<16xi32> to vector<1x16xi32>
      tpu.vector_store %arg4[%swap3A_218, %swap3A_219], %swap3A_222 {strides = array<i32>} : memref<80x128xi32, #tpu.memory_space<vmem>>, vector<1x16xi32>,
      %swap3A_223 = arith.index_cast %while3A_187 : i32 to index
      %swap3A_224 = arith.constant 112 : index
      %swap3A_225 = tpu.vector_load %arg4[%swap3A_223, %swap3A_224] {strides = array<i32>} : memref<80x128xi32, #tpu.memory_space<vmem>>, vector<1x16xi32>,
      %swap3A_226 = vector.shape_cast %swap3A_225 : vector<1x16xi32> to vector<16xi32>
      %swap3A_227 = vector.shape_cast %broadcast_in_dim3A_20 : vector<16xi32> to vector<1x16xi32>
      tpu.vector_store %arg4[%swap3A_223, %swap3A_224], %swap3A_227 {strides = array<i32>} : memref<80x128xi32, #tpu.memory_space<vmem>>, vector<1x16xi32>,
      %while3A_228 = arith.constant 0 : i32
      scf.yield %while3A_228 : i32
    }
    %while3A_31 = arith.constant 1 : i32
    %while3A_32 = scf.for %while3A_187 = %while3A_28 to %while3A_24 step %while3A_31 iter_args(%while3A_188 = %while3A_30) -> (i32)  : i32 {
      %swap3A = arith.index_cast %while3A_187 : i32 to index
      %swap3A_189 = arith.constant 0 : index
      %swap3A_190 = tpu.vector_load %arg4[%swap3A, %swap3A_189] {strides = array<i32>} : memref<80x128xi32, #tpu.memory_space<vmem>>, vector<1x16xi32>,
      %swap3A_191 = vector.shape_cast %swap3A_190 : vector<1x16xi32> to vector<16xi32>
      %swap3A_192 = vector.shape_cast %broadcast_in_dim3A_20 : vector<16xi32> to vector<1x16xi32>
      tpu.vector_store %arg4[%swap3A, %swap3A_189], %swap3A_192 {strides = array<i32>} : memref<80x128xi32, #tpu.memory_space<vmem>>, vector<1x16xi32>,
      %swap3A_193 = arith.index_cast %while3A_187 : i32 to index
      %swap3A_194 = arith.constant 16 : index
      %swap3A_195 = tpu.vector_load %arg4[%swap3A_193, %swap3A_194] {strides = array<i32>} : memref<80x128xi32, #tpu.memory_space<vmem>>, vector<1x16xi32>,
      %swap3A_196 = vector.shape_cast %swap3A_195 : vector<1x16xi32> to vector<16xi32>
      %swap3A_197 = vector.shape_cast %broadcast_in_dim3A_20 : vector<16xi32> to vector<1x16xi32>
      tpu.vector_store %arg4[%swap3A_193, %swap3A_194], %swap3A_197 {strides = array<i32>} : memref<80x128xi32, #tpu.memory_space<vmem>>, vector<1x16xi32>,
      %swap3A_198 = arith.index_cast %while3A_187 : i32 to index
      %swap3A_199 = arith.constant 32 : index
      %swap3A_200 = tpu.vector_load %arg4[%swap3A_198, %swap3A_199] {strides = array<i32>} : memref<80x128xi32, #tpu.memory_space<vmem>>, vector<1x16xi32>,
      %swap3A_201 = vector.shape_cast %swap3A_200 : vector<1x16xi32> to vector<16xi32>
      %swap3A_202 = vector.shape_cast %broadcast_in_dim3A_20 : vector<16xi32> to vector<1x16xi32>
      tpu.vector_store %arg4[%swap3A_198, %swap3A_199], %swap3A_202 {strides = array<i32>} : memref<80x128xi32, #tpu.memory_space<vmem>>, vector<1x16xi32>,
      %swap3A_203 = arith.index_cast %while3A_187 : i32 to index
      %swap3A_204 = arith.constant 48 : index
      %swap3A_205 = tpu.vector_load %arg4[%swap3A_203, %swap3A_204] {strides = array<i32>} : memref<80x128xi32, #tpu.memory_space<vmem>>, vector<1x16xi32>,
      %swap3A_206 = vector.shape_cast %swap3A_205 : vector<1x16xi32> to vector<16xi32>
      %swap3A_207 = vector.shape_cast %broadcast_in_dim3A_20 : vector<16xi32> to vector<1x16xi32>
      tpu.vector_store %arg4[%swap3A_203, %swap3A_204], %swap3A_207 {strides = array<i32>} : memref<80x128xi32, #tpu.memory_space<vmem>>, vector<1x16xi32>,
      %swap3A_208 = arith.index_cast %while3A_187 : i32 to index
      %swap3A_209 = arith.constant 64 : index
      %swap3A_210 = tpu.vector_load %arg4[%swap3A_208, %swap3A_209] {strides = array<i32>} : memref<80x128xi32, #tpu.memory_space<vmem>>, vector<1x16xi32>,
      %swap3A_211 = vector.shape_cast %swap3A_210 : vector<1x16xi32> to vector<16xi32>
      %swap3A_212 = vector.shape_cast %broadcast_in_dim3A_20 : vector<16xi32> to vector<1x16xi32>
      tpu.vector_store %arg4[%swap3A_208, %swap3A_209], %swap3A_212 {strides = array<i32>} : memref<80x128xi32, #tpu.memory_space<vmem>>, vector<1x16xi32>,
      %swap3A_213 = arith.index_cast %while3A_187 : i32 to index
      %swap3A_214 = arith.constant 80 : index
      %swap3A_215 = tpu.vector_load %arg4[%swap3A_213, %swap3A_214] {strides = array<i32>} : memref<80x128xi32, #tpu.memory_space<vmem>>, vector<1x16xi32>,
      %swap3A_216 = vector.shape_cast %swap3A_215 : vector<1x16xi32> to vector<16xi32>
      %swap3A_217 = vector.shape_cast %broadcast_in_dim3A_20 : vector<16xi32> to vector<1x16xi32>
      tpu.vector_store %arg4[%swap3A_213, %swap3A_214], %swap3A_217 {strides = array<i32>} : memref<80x128xi32, #tpu.memory_space<vmem>>, vector<1x16xi32>,
      %swap3A_218 = arith.index_cast %while3A_187 : i32 to index
      %swap3A_219 = arith.constant 96 : index
      %swap3A_220 = tpu.vector_load %arg4[%swap3A_218, %swap3A_219] {strides = array<i32>} : memref<80x128xi32, #tpu.memory_space<vmem>>, vector<1x16xi32>,
      %swap3A_221 = vector.shape_cast %swap3A_220 : vector<1x16xi32> to vector<16xi32>
      %swap3A_222 = vector.shape_cast %broadcast_in_dim3A_20 : vector<16xi32> to vector<1x16xi32>
      tpu.vector_store %arg4[%swap3A_218, %swap3A_219], %swap3A_222 {strides = array<i32>} : memref<80x128xi32, #tpu.memory_space<vmem>>, vector<1x16xi32>,
      %swap3A_223 = arith.index_cast %while3A_187 : i32 to index
      %swap3A_224 = arith.constant 112 : index
      %swap3A_225 = tpu.vector_load %arg4[%swap3A_223, %swap3A_224] {strides = array<i32>} : memref<80x128xi32, #tpu.memory_space<vmem>>, vector<1x16xi32>,
      %swap3A_226 = vector.shape_cast %swap3A_225 : vector<1x16xi32> to vector<16xi32>
      %swap3A_227 = vector.shape_cast %broadcast_in_dim3A_20 : vector<16xi32> to vector<1x16xi32>
      tpu.vector_store %arg4[%swap3A_223, %swap3A_224], %swap3A_227 {strides = array<i32>} : memref<80x128xi32, #tpu.memory_space<vmem>>, vector<1x16xi32>,
      %while3A_228 = arith.constant 0 : i32
      scf.yield %while3A_228 : i32
    }
    %broadcast_in_dim3A_33 = arith.constant 1.000000e+00 : f32
    %broadcast_in_dim3A_34 = vector.broadcast %broadcast_in_dim3A_33 : f32 to vector<16xf32>
    %scan3A = arith.constant 0 : i32
    %scan3A_35 = arith.constant 0 : i32
    %scan3A_36 = arith.constant 128 : i32
    %scan3A_37 = arith.addi %scan3A_35, %scan3A_36 : i32
    %scan3A_38 = arith.constant 1 : i32
    %scan3A_39 = scf.for %scan3A_187 = %scan3A_35 to %scan3A_37 step %scan3A_38 iter_args(%scan3A_188 = %scan3A) -> (i32)  : i32 {
      %swap3A = arith.index_cast %scan3A_187 : i32 to index
      %swap3A_189 = arith.constant 0 : index
      %swap3A_190 = tpu.vector_load %arg5[%swap3A, %swap3A_189] {strides = array<i32>} : memref<128x16xf32, #tpu.memory_space<vmem>>, vector<1x16xf32>,
      %swap3A_191 = vector.shape_cast %swap3A_190 : vector<1x16xf32> to vector<16xf32>
      %swap3A_192 = vector.shape_cast %broadcast_in_dim3A_34 : vector<16xf32> to vector<1x16xf32>
      tpu.vector_store %arg5[%swap3A, %swap3A_189], %swap3A_192 {strides = array<i32>} : memref<128x16xf32, #tpu.memory_space<vmem>>, vector<1x16xf32>,
      %scan3A_193 = arith.constant 0 : i32
      scf.yield %scan3A_193 : i32
    }
    %scan3A_40 = arith.constant 128 : i32
    %broadcast_in_dim3A_41 = arith.constant 0.000000e+00 : f32
    %broadcast_in_dim3A_42 = vector.broadcast %broadcast_in_dim3A_41 : f32 to vector<16xf32>
    %scan3A_43 = arith.constant 0 : i32
    %scan3A_44 = arith.constant 0 : i32
    %scan3A_45 = arith.constant 640 : i32
    %scan3A_46 = arith.addi %scan3A_44, %scan3A_45 : i32
    %scan3A_47 = arith.constant 1 : i32
    %scan3A_48 = scf.for %scan3A_187 = %scan3A_44 to %scan3A_46 step %scan3A_47 iter_args(%scan3A_188 = %scan3A_43) -> (i32)  : i32 {
      %swap3A = arith.index_cast %scan3A_187 : i32 to index
      %swap3A_189 = arith.constant 0 : index
      %swap3A_190 = tpu.vector_load %arg6[%swap3A, %swap3A_189] {strides = array<i32>} : memref<640x16xf32, #tpu.memory_space<vmem>>, vector<1x16xf32>,
      %swap3A_191 = vector.shape_cast %swap3A_190 : vector<1x16xf32> to vector<16xf32>
      %swap3A_192 = vector.shape_cast %broadcast_in_dim3A_42 : vector<16xf32> to vector<1x16xf32>
      tpu.vector_store %arg6[%swap3A, %swap3A_189], %swap3A_192 {strides = array<i32>} : memref<640x16xf32, #tpu.memory_space<vmem>>, vector<1x16xf32>,
      %scan3A_193 = arith.constant 0 : i32
      scf.yield %scan3A_193 : i32
    }
    %scan3A_49 = arith.constant 640 : i32
    %mul3A_50 = arith.constant 640 : i32
    %mul3A_51 = arith.muli %arg1, %mul3A_50 : i32
    "tpu.region"() ({
      %run_scoped3A = tpu.sem_alloc : memref<!tpu.dma_semaphore, #tpu.memory_space<semaphore_mem>>
      %dma_start3A_187 = arith.constant 0 : i32
      %dma_start3A_188 = tpu.memref_slice %arg7[%mul3A_51, %dma_start3A_187] : memref<10240x16xf32, #tpu.memory_space<vmem_shared>> -> memref<640x16xf32, #tpu.memory_space<vmem_shared>>
      %dma_start3A_189 = arith.constant 0 : i32
      %dma_start3A_190 = tpu.memref_slice %arg7[%mul3A_51, %dma_start3A_189] : memref<10240x16xf32, #tpu.memory_space<vmem_shared>> -> memref<640x16xf32, #tpu.memory_space<vmem_shared>>
      tpu.enqueue_dma source(%arg6 : memref<640x16xf32, #tpu.memory_space<vmem>>) target(%dma_start3A_190 : memref<640x16xf32, #tpu.memory_space<vmem_shared>>) target_semaphore(%run_scoped3A : memref<!tpu.dma_semaphore, #tpu.memory_space<semaphore_mem>>)
      %dma_wait3A_191 = arith.constant 0 : i32
      %dma_wait3A_192 = tpu.memref_slice %arg7[%mul3A_51, %dma_wait3A_191] : memref<10240x16xf32, #tpu.memory_space<vmem_shared>> -> memref<640x16xf32, #tpu.memory_space<vmem_shared>>
      %dma_wait3A_193 = arith.constant 0 : i32
      %dma_wait3A_194 = tpu.memref_slice %arg7[%mul3A_51, %dma_wait3A_193] : memref<10240x16xf32, #tpu.memory_space<vmem_shared>> -> memref<640x16xf32, #tpu.memory_space<vmem_shared>>
      tpu.wait_dma2 semaphore(%run_scoped3A : memref<!tpu.dma_semaphore, #tpu.memory_space<semaphore_mem>>) src(%arg6 : memref<640x16xf32, #tpu.memory_space<vmem>>) dst(%dma_wait3A_194 : memref<640x16xf32, #tpu.memory_space<vmem_shared>>)
      tpu.yield
    }) : () -> ()
    %while3A_52 = arith.constant 0 : i32
    %while3A_53 = arith.constant 0 : i32
    %while3A_54 = arith.constant 0 : i32
    %while3A_55 = arith.subi %min3A, %while3A_53 : i32
    %while3A_56 = arith.addi %while3A_53, %while3A_55 : i32
    %while3A_57 = arith.constant 1 : i32
    %while3A_58 = arith.divsi %while3A_55, %while3A_57 : i32
    %while3A_59 = arith.muli %while3A_58, %while3A_57 : i32
    %while3A_60 = arith.addi %while3A_53, %while3A_59 : i32
    %while3A_61 = arith.constant 1 : i32
    %while3A_62 = scf.for %while3A_187 = %while3A_53 to %while3A_60 step %while3A_61 iter_args(%while3A_188 = %while3A_54) -> (i32)  : i32 {
      %dma_wait3A_189 = arith.constant 0 : i32
      %dma_wait3A_190 = arith.constant 0 : i32
      %dma_wait3A_191 = tpu.memref_slice %arg4[%while3A_52, %dma_wait3A_190] : memref<80x128xi32, #tpu.memory_space<vmem>> -> memref<1x128xi32, #tpu.memory_space<vmem>>
      %dma_wait3A_192 = tpu.memref_squeeze %dma_wait3A_191 : memref<1x128xi32, #tpu.memory_space<vmem>> -> memref<128xi32, #tpu.memory_space<vmem>>
      %dma_wait3A_193 = arith.constant 0 : i32
      %dma_wait3A_194 = tpu.memref_slice %arg2[%dma_wait3A_189, %dma_wait3A_193] : memref<2x320000xi32, #tpu.memory_space<hbm>> -> memref<1x128xi32, #tpu.memory_space<hbm>>
      %dma_wait3A_195 = tpu.memref_squeeze %dma_wait3A_194 : memref<1x128xi32, #tpu.memory_space<hbm>> -> memref<128xi32, #tpu.memory_space<hbm>>
      %dma_wait3A_196 = arith.constant 0 : i32
      %dma_wait3A_197 = tpu.memref_slice %arg4[%while3A_52, %dma_wait3A_196] : memref<80x128xi32, #tpu.memory_space<vmem>> -> memref<1x128xi32, #tpu.memory_space<vmem>>
      %dma_wait3A_198 = tpu.memref_squeeze %dma_wait3A_197 : memref<1x128xi32, #tpu.memory_space<vmem>> -> memref<128xi32, #tpu.memory_space<vmem>>
      %dma_wait3A_199 = arith.constant 0 : i32
      %dma_wait3A_200 = tpu.memref_slice %arg2[%dma_wait3A_189, %dma_wait3A_199] : memref<2x320000xi32, #tpu.memory_space<hbm>> -> memref<1x128xi32, #tpu.memory_space<hbm>>
      %dma_wait3A_201 = tpu.memref_squeeze %dma_wait3A_200 : memref<1x128xi32, #tpu.memory_space<hbm>> -> memref<128xi32, #tpu.memory_space<hbm>>
      tpu.wait_dma2 semaphore(%arg8 : memref<!tpu.dma_semaphore, #tpu.memory_space<semaphore_mem>>) src(%dma_wait3A_201 : memref<128xi32, #tpu.memory_space<hbm>>) dst(%dma_wait3A_198 : memref<128xi32, #tpu.memory_space<vmem>>)
      %while3A_202 = arith.constant 0 : i32
      scf.yield %while3A_202 : i32
    }
    %while3A_63 = arith.constant 1 : i32
    %while3A_64 = scf.for %while3A_187 = %while3A_60 to %while3A_56 step %while3A_63 iter_args(%while3A_188 = %while3A_62) -> (i32)  : i32 {
      %dma_wait3A_189 = arith.constant 0 : i32
      %dma_wait3A_190 = arith.constant 0 : i32
      %dma_wait3A_191 = tpu.memref_slice %arg4[%while3A_52, %dma_wait3A_190] : memref<80x128xi32, #tpu.memory_space<vmem>> -> memref<1x128xi32, #tpu.memory_space<vmem>>
      %dma_wait3A_192 = tpu.memref_squeeze %dma_wait3A_191 : memref<1x128xi32, #tpu.memory_space<vmem>> -> memref<128xi32, #tpu.memory_space<vmem>>
      %dma_wait3A_193 = arith.constant 0 : i32
      %dma_wait3A_194 = tpu.memref_slice %arg2[%dma_wait3A_189, %dma_wait3A_193] : memref<2x320000xi32, #tpu.memory_space<hbm>> -> memref<1x128xi32, #tpu.memory_space<hbm>>
      %dma_wait3A_195 = tpu.memref_squeeze %dma_wait3A_194 : memref<1x128xi32, #tpu.memory_space<hbm>> -> memref<128xi32, #tpu.memory_space<hbm>>
      %dma_wait3A_196 = arith.constant 0 : i32
      %dma_wait3A_197 = tpu.memref_slice %arg4[%while3A_52, %dma_wait3A_196] : memref<80x128xi32, #tpu.memory_space<vmem>> -> memref<1x128xi32, #tpu.memory_space<vmem>>
      %dma_wait3A_198 = tpu.memref_squeeze %dma_wait3A_197 : memref<1x128xi32, #tpu.memory_space<vmem>> -> memref<128xi32, #tpu.memory_space<vmem>>
      %dma_wait3A_199 = arith.constant 0 : i32
      %dma_wait3A_200 = tpu.memref_slice %arg2[%dma_wait3A_189, %dma_wait3A_199] : memref<2x320000xi32, #tpu.memory_space<hbm>> -> memref<1x128xi32, #tpu.memory_space<hbm>>
      %dma_wait3A_201 = tpu.memref_squeeze %dma_wait3A_200 : memref<1x128xi32, #tpu.memory_space<hbm>> -> memref<128xi32, #tpu.memory_space<hbm>>
      tpu.wait_dma2 semaphore(%arg8 : memref<!tpu.dma_semaphore, #tpu.memory_space<semaphore_mem>>) src(%dma_wait3A_201 : memref<128xi32, #tpu.memory_space<hbm>>) dst(%dma_wait3A_198 : memref<128xi32, #tpu.memory_space<vmem>>)
      %while3A_202 = arith.constant 0 : i32
      scf.yield %while3A_202 : i32
    }
    %barrier3A = arith.constant 0 : index
    tpu.barrier barrier_id(%barrier3A)
    %dma_start3A = arith.constant 0 : i32
    %dma_start3A_65 = arith.constant 0 : i32
    %dma_start3A_66 = tpu.memref_slice %arg4[%dma_start3A, %dma_start3A_65] : memref<80x128xi32, #tpu.memory_space<vmem>> -> memref<1x128xi32, #tpu.memory_space<vmem>>
    %dma_start3A_67 = tpu.memref_squeeze %dma_start3A_66 : memref<1x128xi32, #tpu.memory_space<vmem>> -> memref<128xi32, #tpu.memory_space<vmem>>
    %dma_start3A_68 = arith.constant 0 : i32
    %dma_start3A_69 = arith.constant 0 : i32
    %dma_start3A_70 = tpu.memref_slice %arg7[%dma_start3A_68, %dma_start3A_69] : memref<10240x16xf32, #tpu.memory_space<vmem_shared>> -> memref<10240x16xf32, #tpu.memory_space<vmem_shared>>
    tpu.enqueue_indirect_dma source(%arg5 : memref<128x16xf32, #tpu.memory_space<vmem>>) target(%dma_start3A_70 : memref<10240x16xf32, #tpu.memory_space<vmem_shared>>) offsets(%dma_start3A_67 : memref<128xi32, #tpu.memory_space<vmem>>) semaphore(%arg8 : memref<!tpu.dma_semaphore, #tpu.memory_space<semaphore_mem>>) {add = true}
    %dma_start3A_71 = arith.constant 1 : i32
    %dma_start3A_72 = arith.constant 0 : i32
    %dma_start3A_73 = tpu.memref_slice %arg4[%dma_start3A_71, %dma_start3A_72] : memref<80x128xi32, #tpu.memory_space<vmem>> -> memref<1x128xi32, #tpu.memory_space<vmem>>
    %dma_start3A_74 = tpu.memref_squeeze %dma_start3A_73 : memref<1x128xi32, #tpu.memory_space<vmem>> -> memref<128xi32, #tpu.memory_space<vmem>>
    %dma_start3A_75 = arith.constant 0 : i32
    %dma_start3A_76 = arith.constant 0 : i32
    %dma_start3A_77 = tpu.memref_slice %arg7[%dma_start3A_75, %dma_start3A_76] : memref<10240x16xf32, #tpu.memory_space<vmem_shared>> -> memref<10240x16xf32, #tpu.memory_space<vmem_shared>>
    tpu.enqueue_indirect_dma source(%arg5 : memref<128x16xf32, #tpu.memory_space<vmem>>) target(%dma_start3A_77 : memref<10240x16xf32, #tpu.memory_space<vmem_shared>>) offsets(%dma_start3A_74 : memref<128xi32, #tpu.memory_space<vmem>>) semaphore(%arg8 : memref<!tpu.dma_semaphore, #tpu.memory_space<semaphore_mem>>) {add = true}
    %dma_start3A_78 = arith.constant 2 : i32
    %dma_start3A_79 = arith.constant 0 : i32
    %dma_start3A_80 = tpu.memref_slice %arg4[%dma_start3A_78, %dma_start3A_79] : memref<80x128xi32, #tpu.memory_space<vmem>> -> memref<1x128xi32, #tpu.memory_space<vmem>>
    %dma_start3A_81 = tpu.memref_squeeze %dma_start3A_80 : memref<1x128xi32, #tpu.memory_space<vmem>> -> memref<128xi32, #tpu.memory_space<vmem>>
    %dma_start3A_82 = arith.constant 0 : i32
    %dma_start3A_83 = arith.constant 0 : i32
    %dma_start3A_84 = tpu.memref_slice %arg7[%dma_start3A_82, %dma_start3A_83] : memref<10240x16xf32, #tpu.memory_space<vmem_shared>> -> memref<10240x16xf32, #tpu.memory_space<vmem_shared>>
    tpu.enqueue_indirect_dma source(%arg5 : memref<128x16xf32, #tpu.memory_space<vmem>>) target(%dma_start3A_84 : memref<10240x16xf32, #tpu.memory_space<vmem_shared>>) offsets(%dma_start3A_81 : memref<128xi32, #tpu.memory_space<vmem>>) semaphore(%arg8 : memref<!tpu.dma_semaphore, #tpu.memory_space<semaphore_mem>>) {add = true}
    %dma_start3A_85 = arith.constant 3 : i32
    %dma_start3A_86 = arith.constant 0 : i32
    %dma_start3A_87 = tpu.memref_slice %arg4[%dma_start3A_85, %dma_start3A_86] : memref<80x128xi32, #tpu.memory_space<vmem>> -> memref<1x128xi32, #tpu.memory_space<vmem>>
    %dma_start3A_88 = tpu.memref_squeeze %dma_start3A_87 : memref<1x128xi32, #tpu.memory_space<vmem>> -> memref<128xi32, #tpu.memory_space<vmem>>
    %dma_start3A_89 = arith.constant 0 : i32
    %dma_start3A_90 = arith.constant 0 : i32
    %dma_start3A_91 = tpu.memref_slice %arg7[%dma_start3A_89, %dma_start3A_90] : memref<10240x16xf32, #tpu.memory_space<vmem_shared>> -> memref<10240x16xf32, #tpu.memory_space<vmem_shared>>
    tpu.enqueue_indirect_dma source(%arg5 : memref<128x16xf32, #tpu.memory_space<vmem>>) target(%dma_start3A_91 : memref<10240x16xf32, #tpu.memory_space<vmem_shared>>) offsets(%dma_start3A_88 : memref<128xi32, #tpu.memory_space<vmem>>) semaphore(%arg8 : memref<!tpu.dma_semaphore, #tpu.memory_space<semaphore_mem>>) {add = true}
    %dma_start3A_92 = arith.constant 4 : i32
    %dma_start3A_93 = arith.constant 0 : i32
    %dma_start3A_94 = tpu.memref_slice %arg4[%dma_start3A_92, %dma_start3A_93] : memref<80x128xi32, #tpu.memory_space<vmem>> -> memref<1x128xi32, #tpu.memory_space<vmem>>
    %dma_start3A_95 = tpu.memref_squeeze %dma_start3A_94 : memref<1x128xi32, #tpu.memory_space<vmem>> -> memref<128xi32, #tpu.memory_space<vmem>>
    %dma_start3A_96 = arith.constant 0 : i32
    %dma_start3A_97 = arith.constant 0 : i32
    %dma_start3A_98 = tpu.memref_slice %arg7[%dma_start3A_96, %dma_start3A_97] : memref<10240x16xf32, #tpu.memory_space<vmem_shared>> -> memref<10240x16xf32, #tpu.memory_space<vmem_shared>>
    tpu.enqueue_indirect_dma source(%arg5 : memref<128x16xf32, #tpu.memory_space<vmem>>) target(%dma_start3A_98 : memref<10240x16xf32, #tpu.memory_space<vmem_shared>>) offsets(%dma_start3A_95 : memref<128xi32, #tpu.memory_space<vmem>>) semaphore(%arg8 : memref<!tpu.dma_semaphore, #tpu.memory_space<semaphore_mem>>) {add = true}
    %dma_start3A_99 = arith.constant 5 : i32
    %dma_start3A_100 = arith.constant 0 : i32
    %dma_start3A_101 = tpu.memref_slice %arg4[%dma_start3A_99, %dma_start3A_100] : memref<80x128xi32, #tpu.memory_space<vmem>> -> memref<1x128xi32, #tpu.memory_space<vmem>>
    %dma_start3A_102 = tpu.memref_squeeze %dma_start3A_101 : memref<1x128xi32, #tpu.memory_space<vmem>> -> memref<128xi32, #tpu.memory_space<vmem>>
    %dma_start3A_103 = arith.constant 0 : i32
    %dma_start3A_104 = arith.constant 0 : i32
    %dma_start3A_105 = tpu.memref_slice %arg7[%dma_start3A_103, %dma_start3A_104] : memref<10240x16xf32, #tpu.memory_space<vmem_shared>> -> memref<10240x16xf32, #tpu.memory_space<vmem_shared>>
    tpu.enqueue_indirect_dma source(%arg5 : memref<128x16xf32, #tpu.memory_space<vmem>>) target(%dma_start3A_105 : memref<10240x16xf32, #tpu.memory_space<vmem_shared>>) offsets(%dma_start3A_102 : memref<128xi32, #tpu.memory_space<vmem>>) semaphore(%arg8 : memref<!tpu.dma_semaphore, #tpu.memory_space<semaphore_mem>>) {add = true}
    %dma_start3A_106 = arith.constant 6 : i32
    %dma_start3A_107 = arith.constant 0 : i32
    %dma_start3A_108 = tpu.memref_slice %arg4[%dma_start3A_106, %dma_start3A_107] : memref<80x128xi32, #tpu.memory_space<vmem>> -> memref<1x128xi32, #tpu.memory_space<vmem>>
    %dma_start3A_109 = tpu.memref_squeeze %dma_start3A_108 : memref<1x128xi32, #tpu.memory_space<vmem>> -> memref<128xi32, #tpu.memory_space<vmem>>
    %dma_start3A_110 = arith.constant 0 : i32
    %dma_start3A_111 = arith.constant 0 : i32
    %dma_start3A_112 = tpu.memref_slice %arg7[%dma_start3A_110, %dma_start3A_111] : memref<10240x16xf32, #tpu.memory_space<vmem_shared>> -> memref<10240x16xf32, #tpu.memory_space<vmem_shared>>
    tpu.enqueue_indirect_dma source(%arg5 : memref<128x16xf32, #tpu.memory_space<vmem>>) target(%dma_start3A_112 : memref<10240x16xf32, #tpu.memory_space<vmem_shared>>) offsets(%dma_start3A_109 : memref<128xi32, #tpu.memory_space<vmem>>) semaphore(%arg8 : memref<!tpu.dma_semaphore, #tpu.memory_space<semaphore_mem>>) {add = true}
    %dma_start3A_113 = arith.constant 7 : i32
    %dma_start3A_114 = arith.constant 0 : i32
    %dma_start3A_115 = tpu.memref_slice %arg4[%dma_start3A_113, %dma_start3A_114] : memref<80x128xi32, #tpu.memory_space<vmem>> -> memref<1x128xi32, #tpu.memory_space<vmem>>
    %dma_start3A_116 = tpu.memref_squeeze %dma_start3A_115 : memref<1x128xi32, #tpu.memory_space<vmem>> -> memref<128xi32, #tpu.memory_space<vmem>>
    %dma_start3A_117 = arith.constant 0 : i32
    %dma_start3A_118 = arith.constant 0 : i32
    %dma_start3A_119 = tpu.memref_slice %arg7[%dma_start3A_117, %dma_start3A_118] : memref<10240x16xf32, #tpu.memory_space<vmem_shared>> -> memref<10240x16xf32, #tpu.memory_space<vmem_shared>>
    tpu.enqueue_indirect_dma source(%arg5 : memref<128x16xf32, #tpu.memory_space<vmem>>) target(%dma_start3A_119 : memref<10240x16xf32, #tpu.memory_space<vmem_shared>>) offsets(%dma_start3A_116 : memref<128xi32, #tpu.memory_space<vmem>>) semaphore(%arg8 : memref<!tpu.dma_semaphore, #tpu.memory_space<semaphore_mem>>) {add = true}
    %scan3A_120 = arith.constant 0 : i32
    %scan3A_121 = arith.constant 0 : i32
    %scan3A_122 = arith.constant 9 : i32
    %scan3A_123 = arith.addi %scan3A_121, %scan3A_122 : i32
    %scan3A_124 = arith.constant 1 : i32
    %scan3A_125 = scf.for %scan3A_187 = %scan3A_121 to %scan3A_123 step %scan3A_124 iter_args(%scan3A_188 = %scan3A_120) -> (i32)  : i32 {
      %mul3A_189 = arith.constant 8 : i32
      %mul3A_190 = arith.muli %mul3A_189, %scan3A_187 : i32
      %add3A_191 = arith.constant 0 : i32
      %add3A_192 = arith.addi %mul3A_190, %add3A_191 : i32
      %dma_wait3A_193 = arith.constant 0 : i32
      %dma_wait3A_194 = tpu.memref_slice %arg4[%add3A_192, %dma_wait3A_193] : memref<80x128xi32, #tpu.memory_space<vmem>> -> memref<1x128xi32, #tpu.memory_space<vmem>>
      %dma_wait3A_195 = tpu.memref_squeeze %dma_wait3A_194 : memref<1x128xi32, #tpu.memory_space<vmem>> -> memref<128xi32, #tpu.memory_space<vmem>>
      %dma_wait3A_196 = arith.constant 0 : i32
      %dma_wait3A_197 = arith.constant 0 : i32
      %dma_wait3A_198 = tpu.memref_slice %arg7[%dma_wait3A_196, %dma_wait3A_197] : memref<10240x16xf32, #tpu.memory_space<vmem_shared>> -> memref<10240x16xf32, #tpu.memory_space<vmem_shared>>
      tpu.wait_indirect_dma semaphore(%arg8 : memref<!tpu.dma_semaphore, #tpu.memory_space<semaphore_mem>>) src(%arg5 : memref<128x16xf32, #tpu.memory_space<vmem>>) dst(%dma_wait3A_198 : memref<10240x16xf32, #tpu.memory_space<vmem_shared>>)
      %add3A_199 = arith.constant 8 : i32
      %add3A_200 = arith.addi %add3A_192, %add3A_199 : i32
      %dma_start3A_201 = arith.constant 0 : i32
      %dma_start3A_202 = tpu.memref_slice %arg4[%add3A_200, %dma_start3A_201] : memref<80x128xi32, #tpu.memory_space<vmem>> -> memref<1x128xi32, #tpu.memory_space<vmem>>
      %dma_start3A_203 = tpu.memref_squeeze %dma_start3A_202 : memref<1x128xi32, #tpu.memory_space<vmem>> -> memref<128xi32, #tpu.memory_space<vmem>>
      %dma_start3A_204 = arith.constant 0 : i32
      %dma_start3A_205 = arith.constant 0 : i32
      %dma_start3A_206 = tpu.memref_slice %arg7[%dma_start3A_204, %dma_start3A_205] : memref<10240x16xf32, #tpu.memory_space<vmem_shared>> -> memref<10240x16xf32, #tpu.memory_space<vmem_shared>>
      tpu.enqueue_indirect_dma source(%arg5 : memref<128x16xf32, #tpu.memory_space<vmem>>) target(%dma_start3A_206 : memref<10240x16xf32, #tpu.memory_space<vmem_shared>>) offsets(%dma_start3A_203 : memref<128xi32, #tpu.memory_space<vmem>>) semaphore(%arg8 : memref<!tpu.dma_semaphore, #tpu.memory_space<semaphore_mem>>) {add = true}
      %mul3A_207 = arith.constant 8 : i32
      %mul3A_208 = arith.muli %mul3A_207, %scan3A_187 : i32
      %add3A_209 = arith.constant 1 : i32
      %add3A_210 = arith.addi %mul3A_208, %add3A_209 : i32
      %dma_wait3A_211 = arith.constant 0 : i32
      %dma_wait3A_212 = tpu.memref_slice %arg4[%add3A_210, %dma_wait3A_211] : memref<80x128xi32, #tpu.memory_space<vmem>> -> memref<1x128xi32, #tpu.memory_space<vmem>>
      %dma_wait3A_213 = tpu.memref_squeeze %dma_wait3A_212 : memref<1x128xi32, #tpu.memory_space<vmem>> -> memref<128xi32, #tpu.memory_space<vmem>>
      %dma_wait3A_214 = arith.constant 0 : i32
      %dma_wait3A_215 = arith.constant 0 : i32
      %dma_wait3A_216 = tpu.memref_slice %arg7[%dma_wait3A_214, %dma_wait3A_215] : memref<10240x16xf32, #tpu.memory_space<vmem_shared>> -> memref<10240x16xf32, #tpu.memory_space<vmem_shared>>
      tpu.wait_indirect_dma semaphore(%arg8 : memref<!tpu.dma_semaphore, #tpu.memory_space<semaphore_mem>>) src(%arg5 : memref<128x16xf32, #tpu.memory_space<vmem>>) dst(%dma_wait3A_216 : memref<10240x16xf32, #tpu.memory_space<vmem_shared>>)
      %add3A_217 = arith.constant 8 : i32
      %add3A_218 = arith.addi %add3A_210, %add3A_217 : i32
      %dma_start3A_219 = arith.constant 0 : i32
      %dma_start3A_220 = tpu.memref_slice %arg4[%add3A_218, %dma_start3A_219] : memref<80x128xi32, #tpu.memory_space<vmem>> -> memref<1x128xi32, #tpu.memory_space<vmem>>
      %dma_start3A_221 = tpu.memref_squeeze %dma_start3A_220 : memref<1x128xi32, #tpu.memory_space<vmem>> -> memref<128xi32, #tpu.memory_space<vmem>>
      %dma_start3A_222 = arith.constant 0 : i32
      %dma_start3A_223 = arith.constant 0 : i32
      %dma_start3A_224 = tpu.memref_slice %arg7[%dma_start3A_222, %dma_start3A_223] : memref<10240x16xf32, #tpu.memory_space<vmem_shared>> -> memref<10240x16xf32, #tpu.memory_space<vmem_shared>>
      tpu.enqueue_indirect_dma source(%arg5 : memref<128x16xf32, #tpu.memory_space<vmem>>) target(%dma_start3A_224 : memref<10240x16xf32, #tpu.memory_space<vmem_shared>>) offsets(%dma_start3A_221 : memref<128xi32, #tpu.memory_space<vmem>>) semaphore(%arg8 : memref<!tpu.dma_semaphore, #tpu.memory_space<semaphore_mem>>) {add = true}
      %mul3A_225 = arith.constant 8 : i32
      %mul3A_226 = arith.muli %mul3A_225, %scan3A_187 : i32
      %add3A_227 = arith.constant 2 : i32
      %add3A_228 = arith.addi %mul3A_226, %add3A_227 : i32
      %dma_wait3A_229 = arith.constant 0 : i32
      %dma_wait3A_230 = tpu.memref_slice %arg4[%add3A_228, %dma_wait3A_229] : memref<80x128xi32, #tpu.memory_space<vmem>> -> memref<1x128xi32, #tpu.memory_space<vmem>>
      %dma_wait3A_231 = tpu.memref_squeeze %dma_wait3A_230 : memref<1x128xi32, #tpu.memory_space<vmem>> -> memref<128xi32, #tpu.memory_space<vmem>>
      %dma_wait3A_232 = arith.constant 0 : i32
      %dma_wait3A_233 = arith.constant 0 : i32
      %dma_wait3A_234 = tpu.memref_slice %arg7[%dma_wait3A_232, %dma_wait3A_233] : memref<10240x16xf32, #tpu.memory_space<vmem_shared>> -> memref<10240x16xf32, #tpu.memory_space<vmem_shared>>
      tpu.wait_indirect_dma semaphore(%arg8 : memref<!tpu.dma_semaphore, #tpu.memory_space<semaphore_mem>>) src(%arg5 : memref<128x16xf32, #tpu.memory_space<vmem>>) dst(%dma_wait3A_234 : memref<10240x16xf32, #tpu.memory_space<vmem_shared>>)
      %add3A_235 = arith.constant 8 : i32
      %add3A_236 = arith.addi %add3A_228, %add3A_235 : i32
      %dma_start3A_237 = arith.constant 0 : i32
      %dma_start3A_238 = tpu.memref_slice %arg4[%add3A_236, %dma_start3A_237] : memref<80x128xi32, #tpu.memory_space<vmem>> -> memref<1x128xi32, #tpu.memory_space<vmem>>
      %dma_start3A_239 = tpu.memref_squeeze %dma_start3A_238 : memref<1x128xi32, #tpu.memory_space<vmem>> -> memref<128xi32, #tpu.memory_space<vmem>>
      %dma_start3A_240 = arith.constant 0 : i32
      %dma_start3A_241 = arith.constant 0 : i32
      %dma_start3A_242 = tpu.memref_slice %arg7[%dma_start3A_240, %dma_start3A_241] : memref<10240x16xf32, #tpu.memory_space<vmem_shared>> -> memref<10240x16xf32, #tpu.memory_space<vmem_shared>>
      tpu.enqueue_indirect_dma source(%arg5 : memref<128x16xf32, #tpu.memory_space<vmem>>) target(%dma_start3A_242 : memref<10240x16xf32, #tpu.memory_space<vmem_shared>>) offsets(%dma_start3A_239 : memref<128xi32, #tpu.memory_space<vmem>>) semaphore(%arg8 : memref<!tpu.dma_semaphore, #tpu.memory_space<semaphore_mem>>) {add = true}
      %mul3A_243 = arith.constant 8 : i32
      %mul3A_244 = arith.muli %mul3A_243, %scan3A_187 : i32
      %add3A_245 = arith.constant 3 : i32
      %add3A_246 = arith.addi %mul3A_244, %add3A_245 : i32
      %dma_wait3A_247 = arith.constant 0 : i32
      %dma_wait3A_248 = tpu.memref_slice %arg4[%add3A_246, %dma_wait3A_247] : memref<80x128xi32, #tpu.memory_space<vmem>> -> memref<1x128xi32, #tpu.memory_space<vmem>>
      %dma_wait3A_249 = tpu.memref_squeeze %dma_wait3A_248 : memref<1x128xi32, #tpu.memory_space<vmem>> -> memref<128xi32, #tpu.memory_space<vmem>>
      %dma_wait3A_250 = arith.constant 0 : i32
      %dma_wait3A_251 = arith.constant 0 : i32
      %dma_wait3A_252 = tpu.memref_slice %arg7[%dma_wait3A_250, %dma_wait3A_251] : memref<10240x16xf32, #tpu.memory_space<vmem_shared>> -> memref<10240x16xf32, #tpu.memory_space<vmem_shared>>
      tpu.wait_indirect_dma semaphore(%arg8 : memref<!tpu.dma_semaphore, #tpu.memory_space<semaphore_mem>>) src(%arg5 : memref<128x16xf32, #tpu.memory_space<vmem>>) dst(%dma_wait3A_252 : memref<10240x16xf32, #tpu.memory_space<vmem_shared>>)
      %add3A_253 = arith.constant 8 : i32
      %add3A_254 = arith.addi %add3A_246, %add3A_253 : i32
      %dma_start3A_255 = arith.constant 0 : i32
      %dma_start3A_256 = tpu.memref_slice %arg4[%add3A_254, %dma_start3A_255] : memref<80x128xi32, #tpu.memory_space<vmem>> -> memref<1x128xi32, #tpu.memory_space<vmem>>
      %dma_start3A_257 = tpu.memref_squeeze %dma_start3A_256 : memref<1x128xi32, #tpu.memory_space<vmem>> -> memref<128xi32, #tpu.memory_space<vmem>>
      %dma_start3A_258 = arith.constant 0 : i32
      %dma_start3A_259 = arith.constant 0 : i32
      %dma_start3A_260 = tpu.memref_slice %arg7[%dma_start3A_258, %dma_start3A_259] : memref<10240x16xf32, #tpu.memory_space<vmem_shared>> -> memref<10240x16xf32, #tpu.memory_space<vmem_shared>>
      tpu.enqueue_indirect_dma source(%arg5 : memref<128x16xf32, #tpu.memory_space<vmem>>) target(%dma_start3A_260 : memref<10240x16xf32, #tpu.memory_space<vmem_shared>>) offsets(%dma_start3A_257 : memref<128xi32, #tpu.memory_space<vmem>>) semaphore(%arg8 : memref<!tpu.dma_semaphore, #tpu.memory_space<semaphore_mem>>) {add = true}
      %mul3A_261 = arith.constant 8 : i32
      %mul3A_262 = arith.muli %mul3A_261, %scan3A_187 : i32
      %add3A_263 = arith.constant 4 : i32
      %add3A_264 = arith.addi %mul3A_262, %add3A_263 : i32
      %dma_wait3A_265 = arith.constant 0 : i32
      %dma_wait3A_266 = tpu.memref_slice %arg4[%add3A_264, %dma_wait3A_265] : memref<80x128xi32, #tpu.memory_space<vmem>> -> memref<1x128xi32, #tpu.memory_space<vmem>>
      %dma_wait3A_267 = tpu.memref_squeeze %dma_wait3A_266 : memref<1x128xi32, #tpu.memory_space<vmem>> -> memref<128xi32, #tpu.memory_space<vmem>>
      %dma_wait3A_268 = arith.constant 0 : i32
      %dma_wait3A_269 = arith.constant 0 : i32
      %dma_wait3A_270 = tpu.memref_slice %arg7[%dma_wait3A_268, %dma_wait3A_269] : memref<10240x16xf32, #tpu.memory_space<vmem_shared>> -> memref<10240x16xf32, #tpu.memory_space<vmem_shared>>
      tpu.wait_indirect_dma semaphore(%arg8 : memref<!tpu.dma_semaphore, #tpu.memory_space<semaphore_mem>>) src(%arg5 : memref<128x16xf32, #tpu.memory_space<vmem>>) dst(%dma_wait3A_270 : memref<10240x16xf32, #tpu.memory_space<vmem_shared>>)
      %add3A_271 = arith.constant 8 : i32
      %add3A_272 = arith.addi %add3A_264, %add3A_271 : i32
      %dma_start3A_273 = arith.constant 0 : i32
      %dma_start3A_274 = tpu.memref_slice %arg4[%add3A_272, %dma_start3A_273] : memref<80x128xi32, #tpu.memory_space<vmem>> -> memref<1x128xi32, #tpu.memory_space<vmem>>
      %dma_start3A_275 = tpu.memref_squeeze %dma_start3A_274 : memref<1x128xi32, #tpu.memory_space<vmem>> -> memref<128xi32, #tpu.memory_space<vmem>>
      %dma_start3A_276 = arith.constant 0 : i32
      %dma_start3A_277 = arith.constant 0 : i32
      %dma_start3A_278 = tpu.memref_slice %arg7[%dma_start3A_276, %dma_start3A_277] : memref<10240x16xf32, #tpu.memory_space<vmem_shared>> -> memref<10240x16xf32, #tpu.memory_space<vmem_shared>>
      tpu.enqueue_indirect_dma source(%arg5 : memref<128x16xf32, #tpu.memory_space<vmem>>) target(%dma_start3A_278 : memref<10240x16xf32, #tpu.memory_space<vmem_shared>>) offsets(%dma_start3A_275 : memref<128xi32, #tpu.memory_space<vmem>>) semaphore(%arg8 : memref<!tpu.dma_semaphore, #tpu.memory_space<semaphore_mem>>) {add = true}
      %mul3A_279 = arith.constant 8 : i32
      %mul3A_280 = arith.muli %mul3A_279, %scan3A_187 : i32
      %add3A_281 = arith.constant 5 : i32
      %add3A_282 = arith.addi %mul3A_280, %add3A_281 : i32
      %dma_wait3A_283 = arith.constant 0 : i32
      %dma_wait3A_284 = tpu.memref_slice %arg4[%add3A_282, %dma_wait3A_283] : memref<80x128xi32, #tpu.memory_space<vmem>> -> memref<1x128xi32, #tpu.memory_space<vmem>>
      %dma_wait3A_285 = tpu.memref_squeeze %dma_wait3A_284 : memref<1x128xi32, #tpu.memory_space<vmem>> -> memref<128xi32, #tpu.memory_space<vmem>>
      %dma_wait3A_286 = arith.constant 0 : i32
      %dma_wait3A_287 = arith.constant 0 : i32
      %dma_wait3A_288 = tpu.memref_slice %arg7[%dma_wait3A_286, %dma_wait3A_287] : memref<10240x16xf32, #tpu.memory_space<vmem_shared>> -> memref<10240x16xf32, #tpu.memory_space<vmem_shared>>
      tpu.wait_indirect_dma semaphore(%arg8 : memref<!tpu.dma_semaphore, #tpu.memory_space<semaphore_mem>>) src(%arg5 : memref<128x16xf32, #tpu.memory_space<vmem>>) dst(%dma_wait3A_288 : memref<10240x16xf32, #tpu.memory_space<vmem_shared>>)
      %add3A_289 = arith.constant 8 : i32
      %add3A_290 = arith.addi %add3A_282, %add3A_289 : i32
      %dma_start3A_291 = arith.constant 0 : i32
      %dma_start3A_292 = tpu.memref_slice %arg4[%add3A_290, %dma_start3A_291] : memref<80x128xi32, #tpu.memory_space<vmem>> -> memref<1x128xi32, #tpu.memory_space<vmem>>
      %dma_start3A_293 = tpu.memref_squeeze %dma_start3A_292 : memref<1x128xi32, #tpu.memory_space<vmem>> -> memref<128xi32, #tpu.memory_space<vmem>>
      %dma_start3A_294 = arith.constant 0 : i32
      %dma_start3A_295 = arith.constant 0 : i32
      %dma_start3A_296 = tpu.memref_slice %arg7[%dma_start3A_294, %dma_start3A_295] : memref<10240x16xf32, #tpu.memory_space<vmem_shared>> -> memref<10240x16xf32, #tpu.memory_space<vmem_shared>>
      tpu.enqueue_indirect_dma source(%arg5 : memref<128x16xf32, #tpu.memory_space<vmem>>) target(%dma_start3A_296 : memref<10240x16xf32, #tpu.memory_space<vmem_shared>>) offsets(%dma_start3A_293 : memref<128xi32, #tpu.memory_space<vmem>>) semaphore(%arg8 : memref<!tpu.dma_semaphore, #tpu.memory_space<semaphore_mem>>) {add = true}
      %mul3A_297 = arith.constant 8 : i32
      %mul3A_298 = arith.muli %mul3A_297, %scan3A_187 : i32
      %add3A_299 = arith.constant 6 : i32
      %add3A_300 = arith.addi %mul3A_298, %add3A_299 : i32
      %dma_wait3A_301 = arith.constant 0 : i32
      %dma_wait3A_302 = tpu.memref_slice %arg4[%add3A_300, %dma_wait3A_301] : memref<80x128xi32, #tpu.memory_space<vmem>> -> memref<1x128xi32, #tpu.memory_space<vmem>>
      %dma_wait3A_303 = tpu.memref_squeeze %dma_wait3A_302 : memref<1x128xi32, #tpu.memory_space<vmem>> -> memref<128xi32, #tpu.memory_space<vmem>>
      %dma_wait3A_304 = arith.constant 0 : i32
      %dma_wait3A_305 = arith.constant 0 : i32
      %dma_wait3A_306 = tpu.memref_slice %arg7[%dma_wait3A_304, %dma_wait3A_305] : memref<10240x16xf32, #tpu.memory_space<vmem_shared>> -> memref<10240x16xf32, #tpu.memory_space<vmem_shared>>
      tpu.wait_indirect_dma semaphore(%arg8 : memref<!tpu.dma_semaphore, #tpu.memory_space<semaphore_mem>>) src(%arg5 : memref<128x16xf32, #tpu.memory_space<vmem>>) dst(%dma_wait3A_306 : memref<10240x16xf32, #tpu.memory_space<vmem_shared>>)
      %add3A_307 = arith.constant 8 : i32
      %add3A_308 = arith.addi %add3A_300, %add3A_307 : i32
      %dma_start3A_309 = arith.constant 0 : i32
      %dma_start3A_310 = tpu.memref_slice %arg4[%add3A_308, %dma_start3A_309] : memref<80x128xi32, #tpu.memory_space<vmem>> -> memref<1x128xi32, #tpu.memory_space<vmem>>
      %dma_start3A_311 = tpu.memref_squeeze %dma_start3A_310 : memref<1x128xi32, #tpu.memory_space<vmem>> -> memref<128xi32, #tpu.memory_space<vmem>>
      %dma_start3A_312 = arith.constant 0 : i32
      %dma_start3A_313 = arith.constant 0 : i32
      %dma_start3A_314 = tpu.memref_slice %arg7[%dma_start3A_312, %dma_start3A_313] : memref<10240x16xf32, #tpu.memory_space<vmem_shared>> -> memref<10240x16xf32, #tpu.memory_space<vmem_shared>>
      tpu.enqueue_indirect_dma source(%arg5 : memref<128x16xf32, #tpu.memory_space<vmem>>) target(%dma_start3A_314 : memref<10240x16xf32, #tpu.memory_space<vmem_shared>>) offsets(%dma_start3A_311 : memref<128xi32, #tpu.memory_space<vmem>>) semaphore(%arg8 : memref<!tpu.dma_semaphore, #tpu.memory_space<semaphore_mem>>) {add = true}
      %mul3A_315 = arith.constant 8 : i32
      %mul3A_316 = arith.muli %mul3A_315, %scan3A_187 : i32
      %add3A_317 = arith.constant 7 : i32
      %add3A_318 = arith.addi %mul3A_316, %add3A_317 : i32
      %dma_wait3A_319 = arith.constant 0 : i32
      %dma_wait3A_320 = tpu.memref_slice %arg4[%add3A_318, %dma_wait3A_319] : memref<80x128xi32, #tpu.memory_space<vmem>> -> memref<1x128xi32, #tpu.memory_space<vmem>>
      %dma_wait3A_321 = tpu.memref_squeeze %dma_wait3A_320 : memref<1x128xi32, #tpu.memory_space<vmem>> -> memref<128xi32, #tpu.memory_space<vmem>>
      %dma_wait3A_322 = arith.constant 0 : i32
      %dma_wait3A_323 = arith.constant 0 : i32
      %dma_wait3A_324 = tpu.memref_slice %arg7[%dma_wait3A_322, %dma_wait3A_323] : memref<10240x16xf32, #tpu.memory_space<vmem_shared>> -> memref<10240x16xf32, #tpu.memory_space<vmem_shared>>
      tpu.wait_indirect_dma semaphore(%arg8 : memref<!tpu.dma_semaphore, #tpu.memory_space<semaphore_mem>>) src(%arg5 : memref<128x16xf32, #tpu.memory_space<vmem>>) dst(%dma_wait3A_324 : memref<10240x16xf32, #tpu.memory_space<vmem_shared>>)
      %add3A_325 = arith.constant 8 : i32
      %add3A_326 = arith.addi %add3A_318, %add3A_325 : i32
      %dma_start3A_327 = arith.constant 0 : i32
      %dma_start3A_328 = tpu.memref_slice %arg4[%add3A_326, %dma_start3A_327] : memref<80x128xi32, #tpu.memory_space<vmem>> -> memref<1x128xi32, #tpu.memory_space<vmem>>
      %dma_start3A_329 = tpu.memref_squeeze %dma_start3A_328 : memref<1x128xi32, #tpu.memory_space<vmem>> -> memref<128xi32, #tpu.memory_space<vmem>>
      %dma_start3A_330 = arith.constant 0 : i32
      %dma_start3A_331 = arith.constant 0 : i32
      %dma_start3A_332 = tpu.memref_slice %arg7[%dma_start3A_330, %dma_start3A_331] : memref<10240x16xf32, #tpu.memory_space<vmem_shared>> -> memref<10240x16xf32, #tpu.memory_space<vmem_shared>>
      tpu.enqueue_indirect_dma source(%arg5 : memref<128x16xf32, #tpu.memory_space<vmem>>) target(%dma_start3A_332 : memref<10240x16xf32, #tpu.memory_space<vmem_shared>>) offsets(%dma_start3A_329 : memref<128xi32, #tpu.memory_space<vmem>>) semaphore(%arg8 : memref<!tpu.dma_semaphore, #tpu.memory_space<semaphore_mem>>) {add = true}
      %scan3A_333 = arith.constant 0 : i32
      scf.yield %scan3A_333 : i32
    }
    %scan3A_126 = arith.constant 9 : i32
    %dma_wait3A = arith.constant 0 : i32
    %dma_wait3A_127 = arith.constant 0 : i32
    %dma_wait3A_128 = tpu.memref_slice %arg4[%dma_wait3A, %dma_wait3A_127] : memref<80x128xi32, #tpu.memory_space<vmem>> -> memref<1x128xi32, #tpu.memory_space<vmem>>
    %dma_wait3A_129 = tpu.memref_squeeze %dma_wait3A_128 : memref<1x128xi32, #tpu.memory_space<vmem>> -> memref<128xi32, #tpu.memory_space<vmem>>
    %dma_wait3A_130 = arith.constant 0 : i32
    %dma_wait3A_131 = arith.constant 0 : i32
    %dma_wait3A_132 = tpu.memref_slice %arg7[%dma_wait3A_130, %dma_wait3A_131] : memref<10240x16xf32, #tpu.memory_space<vmem_shared>> -> memref<10240x16xf32, #tpu.memory_space<vmem_shared>>
    tpu.wait_indirect_dma semaphore(%arg8 : memref<!tpu.dma_semaphore, #tpu.memory_space<semaphore_mem>>) src(%arg5 : memref<128x16xf32, #tpu.memory_space<vmem>>) dst(%dma_wait3A_132 : memref<10240x16xf32, #tpu.memory_space<vmem_shared>>)
    %dma_wait3A_133 = arith.constant 1 : i32
    %dma_wait3A_134 = arith.constant 0 : i32
    %dma_wait3A_135 = tpu.memref_slice %arg4[%dma_wait3A_133, %dma_wait3A_134] : memref<80x128xi32, #tpu.memory_space<vmem>> -> memref<1x128xi32, #tpu.memory_space<vmem>>
    %dma_wait3A_136 = tpu.memref_squeeze %dma_wait3A_135 : memref<1x128xi32, #tpu.memory_space<vmem>> -> memref<128xi32, #tpu.memory_space<vmem>>
    %dma_wait3A_137 = arith.constant 0 : i32
    %dma_wait3A_138 = arith.constant 0 : i32
    %dma_wait3A_139 = tpu.memref_slice %arg7[%dma_wait3A_137, %dma_wait3A_138] : memref<10240x16xf32, #tpu.memory_space<vmem_shared>> -> memref<10240x16xf32, #tpu.memory_space<vmem_shared>>
    tpu.wait_indirect_dma semaphore(%arg8 : memref<!tpu.dma_semaphore, #tpu.memory_space<semaphore_mem>>) src(%arg5 : memref<128x16xf32, #tpu.memory_space<vmem>>) dst(%dma_wait3A_139 : memref<10240x16xf32, #tpu.memory_space<vmem_shared>>)
    %dma_wait3A_140 = arith.constant 2 : i32
    %dma_wait3A_141 = arith.constant 0 : i32
    %dma_wait3A_142 = tpu.memref_slice %arg4[%dma_wait3A_140, %dma_wait3A_141] : memref<80x128xi32, #tpu.memory_space<vmem>> -> memref<1x128xi32, #tpu.memory_space<vmem>>
    %dma_wait3A_143 = tpu.memref_squeeze %dma_wait3A_142 : memref<1x128xi32, #tpu.memory_space<vmem>> -> memref<128xi32, #tpu.memory_space<vmem>>
    %dma_wait3A_144 = arith.constant 0 : i32
    %dma_wait3A_145 = arith.constant 0 : i32
    %dma_wait3A_146 = tpu.memref_slice %arg7[%dma_wait3A_144, %dma_wait3A_145] : memref<10240x16xf32, #tpu.memory_space<vmem_shared>> -> memref<10240x16xf32, #tpu.memory_space<vmem_shared>>
    tpu.wait_indirect_dma semaphore(%arg8 : memref<!tpu.dma_semaphore, #tpu.memory_space<semaphore_mem>>) src(%arg5 : memref<128x16xf32, #tpu.memory_space<vmem>>) dst(%dma_wait3A_146 : memref<10240x16xf32, #tpu.memory_space<vmem_shared>>)
    %dma_wait3A_147 = arith.constant 3 : i32
    %dma_wait3A_148 = arith.constant 0 : i32
    %dma_wait3A_149 = tpu.memref_slice %arg4[%dma_wait3A_147, %dma_wait3A_148] : memref<80x128xi32, #tpu.memory_space<vmem>> -> memref<1x128xi32, #tpu.memory_space<vmem>>
    %dma_wait3A_150 = tpu.memref_squeeze %dma_wait3A_149 : memref<1x128xi32, #tpu.memory_space<vmem>> -> memref<128xi32, #tpu.memory_space<vmem>>
    %dma_wait3A_151 = arith.constant 0 : i32
    %dma_wait3A_152 = arith.constant 0 : i32
    %dma_wait3A_153 = tpu.memref_slice %arg7[%dma_wait3A_151, %dma_wait3A_152] : memref<10240x16xf32, #tpu.memory_space<vmem_shared>> -> memref<10240x16xf32, #tpu.memory_space<vmem_shared>>
    tpu.wait_indirect_dma semaphore(%arg8 : memref<!tpu.dma_semaphore, #tpu.memory_space<semaphore_mem>>) src(%arg5 : memref<128x16xf32, #tpu.memory_space<vmem>>) dst(%dma_wait3A_153 : memref<10240x16xf32, #tpu.memory_space<vmem_shared>>)
    %dma_wait3A_154 = arith.constant 4 : i32
    %dma_wait3A_155 = arith.constant 0 : i32
    %dma_wait3A_156 = tpu.memref_slice %arg4[%dma_wait3A_154, %dma_wait3A_155] : memref<80x128xi32, #tpu.memory_space<vmem>> -> memref<1x128xi32, #tpu.memory_space<vmem>>
    %dma_wait3A_157 = tpu.memref_squeeze %dma_wait3A_156 : memref<1x128xi32, #tpu.memory_space<vmem>> -> memref<128xi32, #tpu.memory_space<vmem>>
    %dma_wait3A_158 = arith.constant 0 : i32
    %dma_wait3A_159 = arith.constant 0 : i32
    %dma_wait3A_160 = tpu.memref_slice %arg7[%dma_wait3A_158, %dma_wait3A_159] : memref<10240x16xf32, #tpu.memory_space<vmem_shared>> -> memref<10240x16xf32, #tpu.memory_space<vmem_shared>>
    tpu.wait_indirect_dma semaphore(%arg8 : memref<!tpu.dma_semaphore, #tpu.memory_space<semaphore_mem>>) src(%arg5 : memref<128x16xf32, #tpu.memory_space<vmem>>) dst(%dma_wait3A_160 : memref<10240x16xf32, #tpu.memory_space<vmem_shared>>)
    %dma_wait3A_161 = arith.constant 5 : i32
    %dma_wait3A_162 = arith.constant 0 : i32
    %dma_wait3A_163 = tpu.memref_slice %arg4[%dma_wait3A_161, %dma_wait3A_162] : memref<80x128xi32, #tpu.memory_space<vmem>> -> memref<1x128xi32, #tpu.memory_space<vmem>>
    %dma_wait3A_164 = tpu.memref_squeeze %dma_wait3A_163 : memref<1x128xi32, #tpu.memory_space<vmem>> -> memref<128xi32, #tpu.memory_space<vmem>>
    %dma_wait3A_165 = arith.constant 0 : i32
    %dma_wait3A_166 = arith.constant 0 : i32
    %dma_wait3A_167 = tpu.memref_slice %arg7[%dma_wait3A_165, %dma_wait3A_166] : memref<10240x16xf32, #tpu.memory_space<vmem_shared>> -> memref<10240x16xf32, #tpu.memory_space<vmem_shared>>
    tpu.wait_indirect_dma semaphore(%arg8 : memref<!tpu.dma_semaphore, #tpu.memory_space<semaphore_mem>>) src(%arg5 : memref<128x16xf32, #tpu.memory_space<vmem>>) dst(%dma_wait3A_167 : memref<10240x16xf32, #tpu.memory_space<vmem_shared>>)
    %dma_wait3A_168 = arith.constant 6 : i32
    %dma_wait3A_169 = arith.constant 0 : i32
    %dma_wait3A_170 = tpu.memref_slice %arg4[%dma_wait3A_168, %dma_wait3A_169] : memref<80x128xi32, #tpu.memory_space<vmem>> -> memref<1x128xi32, #tpu.memory_space<vmem>>
    %dma_wait3A_171 = tpu.memref_squeeze %dma_wait3A_170 : memref<1x128xi32, #tpu.memory_space<vmem>> -> memref<128xi32, #tpu.memory_space<vmem>>
    %dma_wait3A_172 = arith.constant 0 : i32
    %dma_wait3A_173 = arith.constant 0 : i32
    %dma_wait3A_174 = tpu.memref_slice %arg7[%dma_wait3A_172, %dma_wait3A_173] : memref<10240x16xf32, #tpu.memory_space<vmem_shared>> -> memref<10240x16xf32, #tpu.memory_space<vmem_shared>>
    tpu.wait_indirect_dma semaphore(%arg8 : memref<!tpu.dma_semaphore, #tpu.memory_space<semaphore_mem>>) src(%arg5 : memref<128x16xf32, #tpu.memory_space<vmem>>) dst(%dma_wait3A_174 : memref<10240x16xf32, #tpu.memory_space<vmem_shared>>)
    %dma_wait3A_175 = arith.constant 7 : i32
    %dma_wait3A_176 = arith.constant 0 : i32
    %dma_wait3A_177 = tpu.memref_slice %arg4[%dma_wait3A_175, %dma_wait3A_176] : memref<80x128xi32, #tpu.memory_space<vmem>> -> memref<1x128xi32, #tpu.memory_space<vmem>>
    %dma_wait3A_178 = tpu.memref_squeeze %dma_wait3A_177 : memref<1x128xi32, #tpu.memory_space<vmem>> -> memref<128xi32, #tpu.memory_space<vmem>>
    %dma_wait3A_179 = arith.constant 0 : i32
    %dma_wait3A_180 = arith.constant 0 : i32
    %dma_wait3A_181 = tpu.memref_slice %arg7[%dma_wait3A_179, %dma_wait3A_180] : memref<10240x16xf32, #tpu.memory_space<vmem_shared>> -> memref<10240x16xf32, #tpu.memory_space<vmem_shared>>
    tpu.wait_indirect_dma semaphore(%arg8 : memref<!tpu.dma_semaphore, #tpu.memory_space<semaphore_mem>>) src(%arg5 : memref<128x16xf32, #tpu.memory_space<vmem>>) dst(%dma_wait3A_181 : memref<10240x16xf32, #tpu.memory_space<vmem_shared>>)
    %barrier3A_182 = arith.constant 0 : index
    tpu.barrier barrier_id(%barrier3A_182)
    %mul3A_183 = arith.constant 640 : i32
    %mul3A_184 = arith.muli %arg1, %mul3A_183 : i32
    %mul3A_185 = arith.constant 640 : i32
    %mul3A_186 = arith.muli %arg1, %mul3A_185 : i32
    "tpu.region"() ({
      %run_scoped3A = tpu.sem_alloc : memref<!tpu.dma_semaphore, #tpu.memory_space<semaphore_mem>>
      %dma_start3A_187 = arith.constant 0 : i32
      %dma_start3A_188 = tpu.memref_slice %arg3[%arg0, %mul3A_186, %dma_start3A_187] : memref<2x10240x16xf32, #tpu.memory_space<hbm>> -> memref<1x640x16xf32, #tpu.memory_space<hbm>>
      %dma_start3A_189 = tpu.memref_squeeze %dma_start3A_188 : memref<1x640x16xf32, #tpu.memory_space<hbm>> -> memref<640x16xf32, #tpu.memory_space<hbm>>
      %dma_start3A_190 = arith.constant 0 : i32
      %dma_start3A_191 = tpu.memref_slice %arg7[%mul3A_184, %dma_start3A_190] : memref<10240x16xf32, #tpu.memory_space<vmem_shared>> -> memref<640x16xf32, #tpu.memory_space<vmem_shared>>
      tpu.enqueue_dma source(%dma_start3A_191 : memref<640x16xf32, #tpu.memory_space<vmem_shared>>) target(%dma_start3A_189 : memref<640x16xf32, #tpu.memory_space<hbm>>) target_semaphore(%run_scoped3A : memref<!tpu.dma_semaphore, #tpu.memory_space<semaphore_mem>>)
      %dma_wait3A_192 = arith.constant 0 : i32
      %dma_wait3A_193 = tpu.memref_slice %arg3[%arg0, %mul3A_186, %dma_wait3A_192] : memref<2x10240x16xf32, #tpu.memory_space<hbm>> -> memref<1x640x16xf32, #tpu.memory_space<hbm>>
      %dma_wait3A_194 = tpu.memref_squeeze %dma_wait3A_193 : memref<1x640x16xf32, #tpu.memory_space<hbm>> -> memref<640x16xf32, #tpu.memory_space<hbm>>
      %dma_wait3A_195 = arith.constant 0 : i32
      %dma_wait3A_196 = tpu.memref_slice %arg7[%mul3A_184, %dma_wait3A_195] : memref<10240x16xf32, #tpu.memory_space<vmem_shared>> -> memref<640x16xf32, #tpu.memory_space<vmem_shared>>
      tpu.wait_dma2 semaphore(%run_scoped3A : memref<!tpu.dma_semaphore, #tpu.memory_space<semaphore_mem>>) src(%dma_wait3A_196 : memref<640x16xf32, #tpu.memory_space<vmem_shared>>) dst(%dma_wait3A_194 : memref<640x16xf32, #tpu.memory_space<hbm>>)
      tpu.yield
    }) : () -> ()
    return
  }
}

module attributes {stable_mosaic.version = 14 : i64} {
  func.func @body(%arg0: i32, %arg1: memref<2048x128xf32, #tpu.memory_space<vmem>>, %arg2: memref<128x32xf32, #tpu.memory_space<vmem>>, %arg3: memref<2x2048x16xf32, #tpu.memory_space<vmem>>, %arg4: memref<512x128xf32, #tpu.memory_space<vmem>>, %arg5: memref<512x128xf32, #tpu.memory_space<vmem>>) attributes {dimension_semantics = [#tpu.dimension_semantics<arbitrary>], iteration_bounds = array<i64: 5>, scalar_prefetch = 0 : i64, scratch_operands = 0 : i64, tpu.core_type = #tpu.core_type<tc>, window_params = [{transform_indices = @transform_0, window_bounds = array<i64: 2048, 128>}, {pipeline_mode = #tpu.pipeline_mode<synchronous>, transform_indices = @transform_1, window_bounds = array<i64: 128, 32>}, {transform_indices = @transform_2, window_bounds = array<i64: 2, 2048, 16>}, {transform_indices = @transform_3, window_bounds = array<i64: 512, 128>}, {transform_indices = @transform_4, window_bounds = array<i64: 512, 128>}]} {
    %get3A = arith.constant 0 : index
    %get3A_0 = arith.constant 0 : index
    %get3A_1 = arith.constant 0 : index
    %get3A_2 = vector.load %arg3[%get3A, %get3A_0, %get3A_1] : memref<2x2048x16xf32, #tpu.memory_space<vmem>>, vector<1x2048x1xf32>
    %get3A_3 = vector.shape_cast %get3A_2 : vector<1x2048x1xf32> to vector<2048x1xf32>
    %get3A_4 = arith.constant 1 : index
    %get3A_5 = arith.constant 0 : index
    %get3A_6 = arith.constant 0 : index
    %get3A_7 = vector.load %arg3[%get3A_4, %get3A_5, %get3A_6] : memref<2x2048x16xf32, #tpu.memory_space<vmem>>, vector<1x2048x1xf32>
    %get3A_8 = vector.shape_cast %get3A_7 : vector<1x2048x1xf32> to vector<2048x1xf32>
    %add3A = arith.addf %get3A_3, %get3A_8 : vector<2048x1xf32>
    %mul3A = arith.constant 2048 : i32
    %mul3A_9 = arith.muli %arg0, %mul3A : i32
    %iota3A = tpu.iota {dimensions = array<i32: 0>} : vector<2048x1xi32>
    %add3A_10 = vector.broadcast %mul3A_9 : i32 to vector<2048x1xi32>
    %add3A_11 = arith.addi %add3A_10, %iota3A : vector<2048x1xi32>
    %lt3A = arith.constant 10000 : i32
    %lt3A_12 = vector.broadcast %lt3A : i32 to vector<2048x1xi32>
    %lt3A_13 = arith.cmpi slt, %add3A_11, %lt3A_12 : vector<2048x1xi32>
    %gt3A = arith.constant 0.000000e+00 : f32
    %gt3A_14 = vector.broadcast %gt3A : f32 to vector<2048x1xf32>
    %gt3A_15 = arith.cmpf ogt, %add3A, %gt3A_14 : vector<2048x1xf32>
    %and3A = arith.andi %gt3A_15, %lt3A_13 : vector<2048x1xi1>
    %max3A = arith.constant 9.99999996E-13 : f32
    %max3A_16 = vector.broadcast %max3A : f32 to vector<2048x1xf32>
    %max3A_17 = arith.maximumf %add3A, %max3A_16 : vector<2048x1xf32>
    %rsqrt3A = math.rsqrt %max3A_17 : vector<2048x1xf32>
    %jit3A = arith.constant 0.000000e+00 : f32
    %broadcast_in_dim3A = vector.broadcast %jit3A : f32 to vector<2048x1xf32>
    %select_n3A = arith.select %and3A, %rsqrt3A, %broadcast_in_dim3A : vector<2048x1xi1>, vector<2048x1xf32>
    %get3A_18 = arith.constant 0 : index
    %get3A_19 = arith.constant 0 : index
    %get3A_20 = vector.load %arg2[%get3A_18, %get3A_19] : memref<128x32xf32, #tpu.memory_space<vmem>>, vector<128x32xf32>
    %concatenate3A = tpu.concatenate %get3A_20, %get3A_20, %get3A_20, %get3A_20 in 1 : vector<128x32xf32>, vector<128x32xf32>, vector<128x32xf32>, vector<128x32xf32> -> vector<128x128xf32>
    %get3A_21 = arith.constant 0 : index
    %get3A_22 = arith.constant 0 : index
    %get3A_23 = vector.load %arg1[%get3A_21, %get3A_22] : memref<2048x128xf32, #tpu.memory_space<vmem>>, vector<2048x128xf32>
    %dot_general3A = arith.constant dense<0.000000e+00> : vector<2048x128xf32>
    %dot_general3A_24 = tpu.matmul %get3A_23, %concatenate3A, %dot_general3A {dimension_numbers = #tpu.dot_dimension_numbers<[1], [0], [0], [1], [0, 0, 1, 1], [], []>, transpose_lhs_hint = false} : vector<2048x128xf32>, vector<128x128xf32>, vector<2048x128xf32> -> vector<2048x128xf32>
    %jit3A_25 = arith.constant 0.000000e+00 : f32
    %broadcast_in_dim3A_26 = vector.shape_cast %lt3A_13 : vector<2048x1xi1> to vector<2048x1xi1>
    %broadcast_in_dim3A_27 = vector.broadcast %broadcast_in_dim3A_26 : vector<2048x1xi1> to vector<2048x128xi1>
    %broadcast_in_dim3A_28 = vector.broadcast %jit3A_25 : f32 to vector<2048x128xf32>
    %select_n3A_29 = arith.select %broadcast_in_dim3A_27, %dot_general3A_24, %broadcast_in_dim3A_28 : vector<2048x128xi1>, vector<2048x128xf32>
    %mul3A_30 = vector.broadcast %select_n3A : vector<2048x1xf32> to vector<2048x128xf32>
    %mul3A_31 = arith.mulf %select_n3A_29, %mul3A_30 : vector<2048x128xf32>
    %iota3A_32 = tpu.iota {dimensions = array<i32: 1>} : vector<1x128xi32>
    %reshape3A = vector.shape_cast %mul3A_31 : vector<2048x128xf32> to vector<512x4x128xf32>
    %broadcast_in_dim3A_33 = vector.shape_cast %select_n3A : vector<2048x1xf32> to vector<2048x1xf32>
    %broadcast_in_dim3A_34 = vector.broadcast %broadcast_in_dim3A_33 : vector<2048x1xf32> to vector<2048x128xf32>
    %reshape3A_35 = vector.shape_cast %broadcast_in_dim3A_34 : vector<2048x128xf32> to vector<512x4x128xf32>
    %broadcast_in_dim3A_36 = arith.constant 0.000000e+00 : f32
    %broadcast_in_dim3A_37 = vector.broadcast %broadcast_in_dim3A_36 : f32 to vector<512x128xf32>
    %broadcast_in_dim3A_38 = arith.constant 0.000000e+00 : f32
    %broadcast_in_dim3A_39 = vector.broadcast %broadcast_in_dim3A_38 : f32 to vector<512x128xf32>
    %ge3A = arith.constant 0 : i32
    %ge3A_40 = vector.broadcast %ge3A : i32 to vector<1x128xi32>
    %ge3A_41 = arith.cmpi sge, %iota3A_32, %ge3A_40 : vector<1x128xi32>
    %lt3A_42 = arith.constant 32 : i32
    %lt3A_43 = vector.broadcast %lt3A_42 : i32 to vector<1x128xi32>
    %lt3A_44 = arith.cmpi slt, %iota3A_32, %lt3A_43 : vector<1x128xi32>
    %and3A_45 = arith.andi %ge3A_41, %lt3A_44 : vector<1x128xi1>
    %convert_element_type3A = arith.extui %and3A_45 : vector<1x128xi1> to vector<1x128xi32>
    %convert_element_type3A_46 = arith.sitofp %convert_element_type3A : vector<1x128xi32> to vector<1x128xf32>
    %slice3A = vector.extract_strided_slice %reshape3A {offsets = [0, 0, 0], sizes = [512, 1, 128], strides = [1, 1, 1]} : vector<512x4x128xf32> to vector<512x1x128xf32>
    %squeeze3A = vector.shape_cast %slice3A : vector<512x1x128xf32> to vector<512x128xf32>
    %mul3A_47 = vector.broadcast %convert_element_type3A_46 : vector<1x128xf32> to vector<512x128xf32>
    %mul3A_48 = arith.mulf %squeeze3A, %mul3A_47 : vector<512x128xf32>
    %add3A_49 = arith.addf %broadcast_in_dim3A_37, %mul3A_48 : vector<512x128xf32>
    %slice3A_50 = vector.extract_strided_slice %reshape3A_35 {offsets = [0, 0, 0], sizes = [512, 1, 128], strides = [1, 1, 1]} : vector<512x4x128xf32> to vector<512x1x128xf32>
    %squeeze3A_51 = vector.shape_cast %slice3A_50 : vector<512x1x128xf32> to vector<512x128xf32>
    %mul3A_52 = vector.broadcast %convert_element_type3A_46 : vector<1x128xf32> to vector<512x128xf32>
    %mul3A_53 = arith.mulf %squeeze3A_51, %mul3A_52 : vector<512x128xf32>
    %add3A_54 = arith.addf %broadcast_in_dim3A_39, %mul3A_53 : vector<512x128xf32>
    %ge3A_55 = arith.constant 32 : i32
    %ge3A_56 = vector.broadcast %ge3A_55 : i32 to vector<1x128xi32>
    %ge3A_57 = arith.cmpi sge, %iota3A_32, %ge3A_56 : vector<1x128xi32>
    %lt3A_58 = arith.constant 64 : i32
    %lt3A_59 = vector.broadcast %lt3A_58 : i32 to vector<1x128xi32>
    %lt3A_60 = arith.cmpi slt, %iota3A_32, %lt3A_59 : vector<1x128xi32>
    %and3A_61 = arith.andi %ge3A_57, %lt3A_60 : vector<1x128xi1>
    %convert_element_type3A_62 = arith.extui %and3A_61 : vector<1x128xi1> to vector<1x128xi32>
    %convert_element_type3A_63 = arith.sitofp %convert_element_type3A_62 : vector<1x128xi32> to vector<1x128xf32>
    %slice3A_64 = vector.extract_strided_slice %reshape3A {offsets = [0, 1, 0], sizes = [512, 1, 128], strides = [1, 1, 1]} : vector<512x4x128xf32> to vector<512x1x128xf32>
    %squeeze3A_65 = vector.shape_cast %slice3A_64 : vector<512x1x128xf32> to vector<512x128xf32>
    %mul3A_66 = vector.broadcast %convert_element_type3A_63 : vector<1x128xf32> to vector<512x128xf32>
    %mul3A_67 = arith.mulf %squeeze3A_65, %mul3A_66 : vector<512x128xf32>
    %add3A_68 = arith.addf %add3A_49, %mul3A_67 : vector<512x128xf32>
    %slice3A_69 = vector.extract_strided_slice %reshape3A_35 {offsets = [0, 1, 0], sizes = [512, 1, 128], strides = [1, 1, 1]} : vector<512x4x128xf32> to vector<512x1x128xf32>
    %squeeze3A_70 = vector.shape_cast %slice3A_69 : vector<512x1x128xf32> to vector<512x128xf32>
    %mul3A_71 = vector.broadcast %convert_element_type3A_63 : vector<1x128xf32> to vector<512x128xf32>
    %mul3A_72 = arith.mulf %squeeze3A_70, %mul3A_71 : vector<512x128xf32>
    %add3A_73 = arith.addf %add3A_54, %mul3A_72 : vector<512x128xf32>
    %ge3A_74 = arith.constant 64 : i32
    %ge3A_75 = vector.broadcast %ge3A_74 : i32 to vector<1x128xi32>
    %ge3A_76 = arith.cmpi sge, %iota3A_32, %ge3A_75 : vector<1x128xi32>
    %lt3A_77 = arith.constant 96 : i32
    %lt3A_78 = vector.broadcast %lt3A_77 : i32 to vector<1x128xi32>
    %lt3A_79 = arith.cmpi slt, %iota3A_32, %lt3A_78 : vector<1x128xi32>
    %and3A_80 = arith.andi %ge3A_76, %lt3A_79 : vector<1x128xi1>
    %convert_element_type3A_81 = arith.extui %and3A_80 : vector<1x128xi1> to vector<1x128xi32>
    %convert_element_type3A_82 = arith.sitofp %convert_element_type3A_81 : vector<1x128xi32> to vector<1x128xf32>
    %slice3A_83 = vector.extract_strided_slice %reshape3A {offsets = [0, 2, 0], sizes = [512, 1, 128], strides = [1, 1, 1]} : vector<512x4x128xf32> to vector<512x1x128xf32>
    %squeeze3A_84 = vector.shape_cast %slice3A_83 : vector<512x1x128xf32> to vector<512x128xf32>
    %mul3A_85 = vector.broadcast %convert_element_type3A_82 : vector<1x128xf32> to vector<512x128xf32>
    %mul3A_86 = arith.mulf %squeeze3A_84, %mul3A_85 : vector<512x128xf32>
    %add3A_87 = arith.addf %add3A_68, %mul3A_86 : vector<512x128xf32>
    %slice3A_88 = vector.extract_strided_slice %reshape3A_35 {offsets = [0, 2, 0], sizes = [512, 1, 128], strides = [1, 1, 1]} : vector<512x4x128xf32> to vector<512x1x128xf32>
    %squeeze3A_89 = vector.shape_cast %slice3A_88 : vector<512x1x128xf32> to vector<512x128xf32>
    %mul3A_90 = vector.broadcast %convert_element_type3A_82 : vector<1x128xf32> to vector<512x128xf32>
    %mul3A_91 = arith.mulf %squeeze3A_89, %mul3A_90 : vector<512x128xf32>
    %add3A_92 = arith.addf %add3A_73, %mul3A_91 : vector<512x128xf32>
    %ge3A_93 = arith.constant 96 : i32
    %ge3A_94 = vector.broadcast %ge3A_93 : i32 to vector<1x128xi32>
    %ge3A_95 = arith.cmpi sge, %iota3A_32, %ge3A_94 : vector<1x128xi32>
    %lt3A_96 = arith.constant 128 : i32
    %lt3A_97 = vector.broadcast %lt3A_96 : i32 to vector<1x128xi32>
    %lt3A_98 = arith.cmpi slt, %iota3A_32, %lt3A_97 : vector<1x128xi32>
    %and3A_99 = arith.andi %ge3A_95, %lt3A_98 : vector<1x128xi1>
    %convert_element_type3A_100 = arith.extui %and3A_99 : vector<1x128xi1> to vector<1x128xi32>
    %convert_element_type3A_101 = arith.sitofp %convert_element_type3A_100 : vector<1x128xi32> to vector<1x128xf32>
    %slice3A_102 = vector.extract_strided_slice %reshape3A {offsets = [0, 3, 0], sizes = [512, 1, 128], strides = [1, 1, 1]} : vector<512x4x128xf32> to vector<512x1x128xf32>
    %squeeze3A_103 = vector.shape_cast %slice3A_102 : vector<512x1x128xf32> to vector<512x128xf32>
    %mul3A_104 = vector.broadcast %convert_element_type3A_101 : vector<1x128xf32> to vector<512x128xf32>
    %mul3A_105 = arith.mulf %squeeze3A_103, %mul3A_104 : vector<512x128xf32>
    %add3A_106 = arith.addf %add3A_87, %mul3A_105 : vector<512x128xf32>
    %slice3A_107 = vector.extract_strided_slice %reshape3A_35 {offsets = [0, 3, 0], sizes = [512, 1, 128], strides = [1, 1, 1]} : vector<512x4x128xf32> to vector<512x1x128xf32>
    %squeeze3A_108 = vector.shape_cast %slice3A_107 : vector<512x1x128xf32> to vector<512x128xf32>
    %mul3A_109 = vector.broadcast %convert_element_type3A_101 : vector<1x128xf32> to vector<512x128xf32>
    %mul3A_110 = arith.mulf %squeeze3A_108, %mul3A_109 : vector<512x128xf32>
    %add3A_111 = arith.addf %add3A_92, %mul3A_110 : vector<512x128xf32>
    %swap3A = arith.constant 0 : index
    %swap3A_112 = arith.constant 0 : index
    %swap3A_113 = vector.load %arg4[%swap3A, %swap3A_112] : memref<512x128xf32, #tpu.memory_space<vmem>>, vector<512x128xf32>
    tpu.vector_store %arg4[%swap3A, %swap3A_112], %add3A_106 {strides = array<i32>} : memref<512x128xf32, #tpu.memory_space<vmem>>, vector<512x128xf32>,
    %swap3A_114 = arith.constant 0 : index
    %swap3A_115 = arith.constant 0 : index
    %swap3A_116 = vector.load %arg5[%swap3A_114, %swap3A_115] : memref<512x128xf32, #tpu.memory_space<vmem>>, vector<512x128xf32>
    tpu.vector_store %arg5[%swap3A_114, %swap3A_115], %add3A_111 {strides = array<i32>} : memref<512x128xf32, #tpu.memory_space<vmem>>, vector<512x128xf32>,
    return
  }
  func.func @transform_0(%arg0: i32) -> (i32, i32) {
    %c0_i32 = arith.constant 0 : i32
    %c0_i32_0 = arith.constant 0 : i32
    return %arg0, %c0_i32 : i32, i32
  }
  func.func @transform_1(%arg0: i32) -> (i32, i32) {
    %c0_i32 = arith.constant 0 : i32
    %c0_i32_0 = arith.constant 0 : i32
    %c0_i32_1 = arith.constant 0 : i32
    return %c0_i32, %c0_i32_0 : i32, i32
  }
  func.func @transform_2(%arg0: i32) -> (i32, i32, i32) {
    %c0_i32 = arith.constant 0 : i32
    %c0_i32_0 = arith.constant 0 : i32
    %c0_i32_1 = arith.constant 0 : i32
    return %c0_i32, %arg0, %c0_i32_0 : i32, i32, i32
  }
  func.func @transform_3(%arg0: i32) -> (i32, i32) {
    %c0_i32 = arith.constant 0 : i32
    %c0_i32_0 = arith.constant 0 : i32
    return %arg0, %c0_i32 : i32, i32
  }
  func.func @transform_4(%arg0: i32) -> (i32, i32) {
    %c0_i32 = arith.constant 0 : i32
    %c0_i32_0 = arith.constant 0 : i32
    return %arg0, %c0_i32 : i32, i32
  }
}

module attributes {stable_mosaic.version = 14 : i64} {
  func.func @body(%arg0: i32, %arg1: memref<2x512x128xf32, #tpu.memory_space<vmem>>, %arg2: memref<512x128xf32, #tpu.memory_space<vmem>>, %arg3: memref<32x128xf32, #tpu.memory_space<vmem>>, %arg4: memref<128xf32, #tpu.memory_space<vmem>>, %arg5: memref<2048x128xf32, #tpu.memory_space<vmem>>) attributes {dimension_semantics = [#tpu.dimension_semantics<arbitrary>], iteration_bounds = array<i64: 5>, scalar_prefetch = 0 : i64, scratch_operands = 0 : i64, tpu.core_type = #tpu.core_type<tc>, window_params = [{transform_indices = @transform_0, window_bounds = array<i64: 2, 512, 128>}, {transform_indices = @transform_1, window_bounds = array<i64: 512, 128>}, {pipeline_mode = #tpu.pipeline_mode<synchronous>, transform_indices = @transform_2, window_bounds = array<i64: 32, 128>}, {pipeline_mode = #tpu.pipeline_mode<synchronous>, transform_indices = @transform_3, window_bounds = array<i64: 128>}, {transform_indices = @transform_4, window_bounds = array<i64: 2048, 128>}]} {
    %get3A = arith.constant 0 : index
    %get3A_0 = arith.constant 0 : index
    %get3A_1 = arith.constant 0 : index
    %get3A_2 = vector.load %arg1[%get3A, %get3A_0, %get3A_1] : memref<2x512x128xf32, #tpu.memory_space<vmem>>, vector<1x512x128xf32>
    %get3A_3 = vector.shape_cast %get3A_2 : vector<1x512x128xf32> to vector<512x128xf32>
    %get3A_4 = arith.constant 1 : index
    %get3A_5 = arith.constant 0 : index
    %get3A_6 = arith.constant 0 : index
    %get3A_7 = vector.load %arg1[%get3A_4, %get3A_5, %get3A_6] : memref<2x512x128xf32, #tpu.memory_space<vmem>>, vector<1x512x128xf32>
    %get3A_8 = vector.shape_cast %get3A_7 : vector<1x512x128xf32> to vector<512x128xf32>
    %add3A = arith.addf %get3A_3, %get3A_8 : vector<512x128xf32>
    %get3A_9 = arith.constant 0 : index
    %get3A_10 = arith.constant 0 : index
    %get3A_11 = vector.load %arg2[%get3A_9, %get3A_10] : memref<512x128xf32, #tpu.memory_space<vmem>>, vector<512x128xf32>
    %mul3A = arith.mulf %add3A, %get3A_11 : vector<512x128xf32>
    %reshape3A = vector.shape_cast %mul3A : vector<512x128xf32> to vector<512x1x128xf32>
    %broadcast_in_dim3A = vector.shape_cast %reshape3A : vector<512x1x128xf32> to vector<512x1x128xf32>
    %broadcast_in_dim3A_12 = vector.broadcast %broadcast_in_dim3A : vector<512x1x128xf32> to vector<512x4x128xf32>
    %reshape3A_13 = vector.shape_cast %broadcast_in_dim3A_12 : vector<512x4x128xf32> to vector<2048x128xf32>
    %iota3A = tpu.iota {dimensions = array<i32: 0>} : vector<2048x1xi32>
    %jit3A = arith.constant 4 : i32
    %eq3A = arith.constant 0 : i32
    %eq3A_14 = arith.cmpi eq, %jit3A, %eq3A : i32
    %jit3A_15 = arith.constant 1 : i32
    %select_n3A = arith.select %eq3A_14, %jit3A_15, %jit3A : i32
    %rem3A = vector.broadcast %select_n3A : i32 to vector<2048x1xi32>
    %rem3A_16 = arith.remsi %iota3A, %rem3A : vector<2048x1xi32>
    %ne3A = arith.constant 0 : i32
    %ne3A_17 = vector.broadcast %ne3A : i32 to vector<2048x1xi32>
    %ne3A_18 = arith.cmpi ne, %rem3A_16, %ne3A_17 : vector<2048x1xi32>
    %lt3A = arith.constant 0 : i32
    %lt3A_19 = vector.broadcast %lt3A : i32 to vector<2048x1xi32>
    %lt3A_20 = arith.cmpi slt, %rem3A_16, %lt3A_19 : vector<2048x1xi32>
    %lt3A_21 = arith.constant 0 : i32
    %lt3A_22 = arith.cmpi slt, %select_n3A, %lt3A_21 : i32
    %ne3A_23 = vector.broadcast %lt3A_22 : i1 to vector<2048x1xi1>
    %ne3A_24 = vector.broadcast %ne3A_23 : vector<2048x1xi1> to vector<2048x1xi1>
    %ne3A_25 = arith.xori %lt3A_20, %ne3A_24 : vector<2048x1xi1>
    %and3A = arith.andi %ne3A_25, %ne3A_18 : vector<2048x1xi1>
    %add3A_26 = vector.broadcast %select_n3A : i32 to vector<2048x1xi32>
    %add3A_27 = arith.addi %rem3A_16, %add3A_26 : vector<2048x1xi32>
    %select_n3A_28 = arith.select %and3A, %add3A_27, %rem3A_16 : vector<2048x1xi1>, vector<2048x1xi32>
    %broadcast_in_dim3A_29 = arith.constant 0.000000e+00 : f32
    %broadcast_in_dim3A_30 = vector.broadcast %broadcast_in_dim3A_29 : f32 to vector<2048x32xf32>
    %eq3A_31 = arith.constant 0 : i32
    %eq3A_32 = vector.broadcast %eq3A_31 : i32 to vector<2048x1xi32>
    %eq3A_33 = arith.cmpi eq, %select_n3A_28, %eq3A_32 : vector<2048x1xi32>
    %slice3A = vector.extract_strided_slice %reshape3A_13 {offsets = [0, 0], sizes = [2048, 32], strides = [1, 1]} : vector<2048x128xf32> to vector<2048x32xf32>
    %jit3A_34 = arith.constant 0.000000e+00 : f32
    %broadcast_in_dim3A_35 = vector.shape_cast %eq3A_33 : vector<2048x1xi1> to vector<2048x1xi1>
    %broadcast_in_dim3A_36 = vector.broadcast %broadcast_in_dim3A_35 : vector<2048x1xi1> to vector<2048x32xi1>
    %broadcast_in_dim3A_37 = vector.broadcast %jit3A_34 : f32 to vector<2048x32xf32>
    %select_n3A_38 = arith.select %broadcast_in_dim3A_36, %slice3A, %broadcast_in_dim3A_37 : vector<2048x32xi1>, vector<2048x32xf32>
    %add3A_39 = arith.addf %broadcast_in_dim3A_30, %select_n3A_38 : vector<2048x32xf32>
    %eq3A_40 = arith.constant 1 : i32
    %eq3A_41 = vector.broadcast %eq3A_40 : i32 to vector<2048x1xi32>
    %eq3A_42 = arith.cmpi eq, %select_n3A_28, %eq3A_41 : vector<2048x1xi32>
    %slice3A_43 = vector.extract_strided_slice %reshape3A_13 {offsets = [0, 32], sizes = [2048, 32], strides = [1, 1]} : vector<2048x128xf32> to vector<2048x32xf32>
    %jit3A_44 = arith.constant 0.000000e+00 : f32
    %broadcast_in_dim3A_45 = vector.shape_cast %eq3A_42 : vector<2048x1xi1> to vector<2048x1xi1>
    %broadcast_in_dim3A_46 = vector.broadcast %broadcast_in_dim3A_45 : vector<2048x1xi1> to vector<2048x32xi1>
    %broadcast_in_dim3A_47 = vector.broadcast %jit3A_44 : f32 to vector<2048x32xf32>
    %select_n3A_48 = arith.select %broadcast_in_dim3A_46, %slice3A_43, %broadcast_in_dim3A_47 : vector<2048x32xi1>, vector<2048x32xf32>
    %add3A_49 = arith.addf %add3A_39, %select_n3A_48 : vector<2048x32xf32>
    %eq3A_50 = arith.constant 2 : i32
    %eq3A_51 = vector.broadcast %eq3A_50 : i32 to vector<2048x1xi32>
    %eq3A_52 = arith.cmpi eq, %select_n3A_28, %eq3A_51 : vector<2048x1xi32>
    %slice3A_53 = vector.extract_strided_slice %reshape3A_13 {offsets = [0, 64], sizes = [2048, 32], strides = [1, 1]} : vector<2048x128xf32> to vector<2048x32xf32>
    %jit3A_54 = arith.constant 0.000000e+00 : f32
    %broadcast_in_dim3A_55 = vector.shape_cast %eq3A_52 : vector<2048x1xi1> to vector<2048x1xi1>
    %broadcast_in_dim3A_56 = vector.broadcast %broadcast_in_dim3A_55 : vector<2048x1xi1> to vector<2048x32xi1>
    %broadcast_in_dim3A_57 = vector.broadcast %jit3A_54 : f32 to vector<2048x32xf32>
    %select_n3A_58 = arith.select %broadcast_in_dim3A_56, %slice3A_53, %broadcast_in_dim3A_57 : vector<2048x32xi1>, vector<2048x32xf32>
    %add3A_59 = arith.addf %add3A_49, %select_n3A_58 : vector<2048x32xf32>
    %eq3A_60 = arith.constant 3 : i32
    %eq3A_61 = vector.broadcast %eq3A_60 : i32 to vector<2048x1xi32>
    %eq3A_62 = arith.cmpi eq, %select_n3A_28, %eq3A_61 : vector<2048x1xi32>
    %slice3A_63 = vector.extract_strided_slice %reshape3A_13 {offsets = [0, 96], sizes = [2048, 32], strides = [1, 1]} : vector<2048x128xf32> to vector<2048x32xf32>
    %jit3A_64 = arith.constant 0.000000e+00 : f32
    %broadcast_in_dim3A_65 = vector.shape_cast %eq3A_62 : vector<2048x1xi1> to vector<2048x1xi1>
    %broadcast_in_dim3A_66 = vector.broadcast %broadcast_in_dim3A_65 : vector<2048x1xi1> to vector<2048x32xi1>
    %broadcast_in_dim3A_67 = vector.broadcast %jit3A_64 : f32 to vector<2048x32xf32>
    %select_n3A_68 = arith.select %broadcast_in_dim3A_66, %slice3A_63, %broadcast_in_dim3A_67 : vector<2048x32xi1>, vector<2048x32xf32>
    %add3A_69 = arith.addf %add3A_59, %select_n3A_68 : vector<2048x32xf32>
    %get3A_70 = arith.constant 0 : index
    %get3A_71 = arith.constant 0 : index
    %get3A_72 = vector.load %arg3[%get3A_70, %get3A_71] : memref<32x128xf32, #tpu.memory_space<vmem>>, vector<32x128xf32>
    %dot_general3A = arith.constant dense<0.000000e+00> : vector<2048x128xf32>
    %dot_general3A_73 = tpu.matmul %add3A_69, %get3A_72, %dot_general3A {dimension_numbers = #tpu.dot_dimension_numbers<[1], [0], [0], [1], [0, 0, 1, 1], [], []>, transpose_lhs_hint = false} : vector<2048x32xf32>, vector<32x128xf32>, vector<2048x128xf32> -> vector<2048x128xf32>
    %get3A_74 = arith.constant 0 : index
    %get3A_75 = vector.load %arg4[%get3A_74] : memref<128xf32, #tpu.memory_space<vmem>>, vector<128xf32>
    %broadcast_in_dim3A_76 = vector.shape_cast %get3A_75 : vector<128xf32> to vector<1x128xf32>
    %add3A_77 = vector.broadcast %broadcast_in_dim3A_76 : vector<1x128xf32> to vector<2048x128xf32>
    %add3A_78 = arith.addf %dot_general3A_73, %add3A_77 : vector<2048x128xf32>
    %reduce_max3A = arith.constant dense<0xFF800000> : vector<2048xf32>
    %reduce_max3A_79 = vector.multi_reduction <maximumf>, %add3A_78, %reduce_max3A [1] : vector<2048x128xf32> to vector<2048xf32>
    %broadcast_in_dim3A_80 = vector.shape_cast %reduce_max3A_79 : vector<2048xf32> to vector<2048x1xf32>
    %sub3A = vector.broadcast %broadcast_in_dim3A_80 : vector<2048x1xf32> to vector<2048x128xf32>
    %sub3A_81 = arith.subf %add3A_78, %sub3A : vector<2048x128xf32>
    %exp3A = math.exp %sub3A_81 : vector<2048x128xf32>
    %reduce_sum3A = arith.constant dense<0.000000e+00> : vector<2048xf32>
    %reduce_sum3A_82 = vector.multi_reduction <add>, %exp3A, %reduce_sum3A [1] : vector<2048x128xf32> to vector<2048xf32>
    %broadcast_in_dim3A_83 = vector.shape_cast %reduce_sum3A_82 : vector<2048xf32> to vector<2048x1xf32>
    %log3A = math.log %broadcast_in_dim3A_83 : vector<2048x1xf32>
    %sub3A_84 = vector.broadcast %log3A : vector<2048x1xf32> to vector<2048x128xf32>
    %sub3A_85 = arith.subf %sub3A_81, %sub3A_84 : vector<2048x128xf32>
    %swap3A = arith.constant 0 : index
    %swap3A_86 = arith.constant 0 : index
    %swap3A_87 = vector.load %arg5[%swap3A, %swap3A_86] : memref<2048x128xf32, #tpu.memory_space<vmem>>, vector<2048x128xf32>
    tpu.vector_store %arg5[%swap3A, %swap3A_86], %sub3A_85 {strides = array<i32>} : memref<2048x128xf32, #tpu.memory_space<vmem>>, vector<2048x128xf32>,
    return
  }
  func.func @transform_0(%arg0: i32) -> (i32, i32, i32) {
    %c0_i32 = arith.constant 0 : i32
    %c0_i32_0 = arith.constant 0 : i32
    %c0_i32_1 = arith.constant 0 : i32
    return %c0_i32, %arg0, %c0_i32_0 : i32, i32, i32
  }
  func.func @transform_1(%arg0: i32) -> (i32, i32) {
    %c0_i32 = arith.constant 0 : i32
    %c0_i32_0 = arith.constant 0 : i32
    return %arg0, %c0_i32 : i32, i32
  }
  func.func @transform_2(%arg0: i32) -> (i32, i32) {
    %c0_i32 = arith.constant 0 : i32
    %c0_i32_0 = arith.constant 0 : i32
    %c0_i32_1 = arith.constant 0 : i32
    return %c0_i32, %c0_i32_0 : i32, i32
  }
  func.func @transform_3(%arg0: i32) -> i32 {
    %c0_i32 = arith.constant 0 : i32
    %c0_i32_0 = arith.constant 0 : i32
    return %c0_i32 : i32
  }
  func.func @transform_4(%arg0: i32) -> (i32, i32) {
    %c0_i32 = arith.constant 0 : i32
    %c0_i32_0 = arith.constant 0 : i32
    return %arg0, %c0_i32 : i32, i32
  }
}

</mosaic_0001>

<sc_bundles>
// kernel: kernel.10.cloned.1.call-start
scs
__scs_entry_jumppad:
0x0: {  	(pc) =	sbr.rel $0x88, $3  }
0x1: {  	(tag) =	ssettag $0x0;
	lr =	simm.s32 $0x1  }
0x2: {  	[smem:$0x3F9B] =	sst lr;
	_ =	strace $0xD0000000  }
0x3: {  	_ = 	snop  }
0x4: {  	_ = 	snop  }
0x5: {  	_ = 	snop  }
0x6: {  	_ = 	snop  }
0x7: {  	_ = 	snop  }
__scs_overlays_trampoline_lowered:
0x8: {  	[smem:$0x3FAA] =	sst s0  }
0x9: {  	[smem:$0x3FAB] =	sst s1  }
0xa: {  	[smem:$0x3FAC] =	sst s2  }
0xb: {  	[smem:$0x3FAD] =	sst s3  }
0xc: {  	[smem:$0x3FAE] =	sst s4  }
0xd: {  	[smem:$0x3FAF] =	sst s5  }
0xe: {  	[smem:$0x3FB0] =	sst s6  }
0xf: {  	[smem:$0x3FB1] =	sst s7  }
0x10: {  	[smem:$0x3FB2] =	sst s8  }
0x11: {  	[smem:$0x3FB3] =	sst s9;
	s0 =	simm.s32 @!p0 $0x0  }
0x12: {  	s1 =	sld [smem:$0x3F99];
	s0 =	simm.s32 @p0 $0x1  }
0x13: {  	[smem:$0x3FB4] =	sst s0;
	s0 =	simm.s32 @!p1 $0x0  }
0x14: {  	s2 =	sld [smem:$0x3F98];
	s0 =	simm.s32 @p1 $0x1  }
0x15: {  	[smem:$0x3FB5] =	sst s0;
	s0 =	simm.s32 @!p2 $0x0  }
0x16: {  	s3 =	sld [smem:$0x3FDB];
	s0 =	simm.s32 @p2 $0x1  }
0x17: {  	s4 =	simm.s32 $0x1BF5;
	[smem:$0x3FB7] =	sst s0  }
0x18: {  	s0 =	sld [smem:$0x3F9A];
	_ =	swait.ge [sflag:s4], $0x0  }
0x19: {  	s7 =	sld [smem:$0x3F9B]  }
0x1a: {  	s8 =	sadd.s32 $0xFFFFE003, lr  }
0x1b: {  	s9 =	sadd.s32 $0xFFFFFEF7, lr;
	s5 =	simm.s32 $0xFFFFFFFF;
	p2 =	slt.u32 s8, $0xFFFFF086  }
0x1c: {  	p1 =	slt.u32 s9, $0xF7A;
	s5 =	simm.s32 @!p2 $0x0  }
0x1d: {  	s5 =	simm.s32 @p1 $0x1;
	p0 =	seq.s32 s7, s2  }
0x1e: {  	s7 =	smul.u32 @!p0 $0xF7A, s2;
	p2 =	seq.s32 @!p0 s5, $0x0  }
0x1f: {  	s9 =	smul.u32 $0xF7A, s1;
	s8 =	simm.s32 @!p0 $0x1BF5;
	p2 =	por !p2, p0  }
0x20: {  	[sflag:s8] =	ssyncset.s32 @!p0 $0xFFFFF086;
	s6 =	sadd.s32 @!p0 s3, s7;
	s7 =	simm.s32 @!p0 $0x108  }
0x21: {  	s3 =	sadd.s32 s3, s9;
	s6 =	sadd.s32 @!p0 $0x88, s6;
	s7 =	simm.s32 @p2 $0x1082  }
0x22: {  	[simem:s7], [sflag:s8] =	dma.local @!p0 [hbm:s6], $0xF7A  }
0x23: {  	s9 =	sor.u32 $0xD0000000, s2;
	s6 =	simm.s32 $0x108;
	_ =	swait.ge @!p0 [sflag:s8], $0x0  }
0x24: {  	s3 =	sadd.s32 $0x88, s3;
	s6 =	simm.s32 @!p1 $0x1082;
	[sflag:s4] =	ssyncset.s32 $0xFFFFF086  }
0x25: {  	[simem:s6], [sflag:s4] =	dma.local [hbm:s3], $0xF7A  }
0x26: {  	[smem:$0x3F9B] =	sst s1;
	(tag) =	ssettag s2;
	_ =	strace s9  }
0x27: {  	s1 =	sld [smem:$0x3FAB]  }
0x28: {  	s2 =	sld [smem:$0x3FAC]  }
0x29: {  	s4 =	sld [smem:$0x3FAE]  }
0x2a: {  	p0 =	seq.s32 s5, $0x0;
	s5 =	sld [smem:$0x3FAF]  }
0x2b: {  	s6 =	sld [smem:$0x3FB0]  }
0x2c: {  	s7 =	sld [smem:$0x3FB1]  }
0x2d: {  	s3 =	simm.s32 $0x108;
	s8 =	sld [smem:$0x3FB2]  }
0x2e: {  	s3 =	simm.s32 @!p0 $0x1082;
	s9 =	sld [smem:$0x3FB3]  }
0x2f: {  	lr =	sadd.s32 s0, s3;
	s0 =	sld [smem:$0x3FAA]  }
0x30: {  	s3 =	sld [smem:$0x3FAD]  }
0x31: {  	[smem:$0x3FB6] =	sst s10  }
0x32: {  	s10 =	sld [smem:$0x3FB4];
	_ =	sdelay $0x3  }
0x33: {  	p0 =	seq.s32 s10, $0x1;
	s10 =	sld [smem:$0x3FB6];
	_ =	sdelay $0x3  }
0x34: {  	[smem:$0x3FB6] =	sst s10  }
0x35: {  	s10 =	sld [smem:$0x3FB5];
	_ =	sdelay $0x3  }
0x36: {  	p1 =	seq.s32 s10, $0x1;
	s10 =	sld [smem:$0x3FB6];
	_ =	sdelay $0x3  }
0x37: {  	[smem:$0x3FB6] =	sst s10  }
0x38: {  	s10 =	sld [smem:$0x3FB7]  }
0x39: {  	_ = 	snop;
	(pc) =	sbr.ind lr, $3  }
0x3a: {  	_ = 	snop  }
0x3b: {  	_ = 	snop  }
0x3c: {  	p2 =	seq.s32 s10, $0x1;
	s10 =	sld [smem:$0x3FB6]  }
0x3d: {  	_ =	shalt  }
0x3e: {  	_ =	shalt  }
0x3f: {  	_ =	shalt  }
0x40: {  	_ =	shalt  }
0x41: {  	_ =	shalt  }
0x42: {  	_ =	shalt  }
0x43: {  	_ =	shalt  }
0x44: {  	_ =	shalt  }
0x45: {  	_ =	shalt  }
0x46: {  	_ =	shalt  }
0x47: {  	_ =	shalt  }
0x48: {  	_ =	shalt  }
0x49: {  	_ =	shalt  }
0x4a: {  	_ =	shalt  }
0x4b: {  	_ =	shalt  }
0x4c: {  	_ =	shalt  }
0x4d: {  	_ =	shalt  }
0x4e: {  	_ =	shalt  }
0x4f: {  	_ =	shalt  }
0x50: {  	_ =	shalt  }
0x51: {  	_ =	shalt  }
0x52: {  	_ =	shalt  }
0x53: {  	_ =	shalt  }
0x54: {  	_ =	shalt  }
0x55: {  	_ =	shalt  }
0x56: {  	_ =	shalt  }
0x57: {  	_ =	shalt  }
0x58: {  	_ =	shalt  }
0x59: {  	_ =	shalt  }
0x5a: {  	_ =	shalt  }
0x5b: {  	_ =	shalt  }
0x5c: {  	_ =	shalt  }
0x5d: {  	_ =	shalt  }
0x5e: {  	_ =	shalt  }
0x5f: {  	_ =	shalt  }
0x60: {  	_ =	shalt  }
0x61: {  	_ =	shalt  }
0x62: {  	_ =	shalt  }
0x63: {  	_ =	shalt  }
0x64: {  	_ =	shalt  }
0x65: {  	_ =	shalt  }
0x66: {  	_ =	shalt  }
0x67: {  	_ =	shalt  }
0x68: {  	_ =	shalt  }
0x69: {  	_ =	shalt  }
0x6a: {  	_ =	shalt  }
0x6b: {  	_ =	shalt  }
0x6c: {  	_ =	shalt  }
0x6d: {  	_ =	shalt  }
0x6e: {  	_ =	shalt  }
0x6f: {  	_ =	shalt  }
0x70: {  	_ =	shalt  }
0x71: {  	_ =	shalt  }
0x72: {  	_ =	shalt  }
0x73: {  	_ =	shalt  }
0x74: {  	_ =	shalt  }
0x75: {  	_ =	shalt  }
0x76: {  	_ =	shalt  }
0x77: {  	_ =	shalt  }
0x78: {  	_ =	shalt  }
0x79: {  	_ =	shalt  }
0x7a: {  	_ =	shalt  }
0x7b: {  	_ =	shalt  }
0x7c: {  	_ =	shalt  }
0x7d: {  	_ =	shalt  }
0x7e: {  	_ =	shalt  }
0x7f: {  	_ =	shalt  }
0x80: {  	_ =	shalt  }
0x81: {  	_ =	shalt  }
0x82: {  	_ =	shalt  }
0x83: {  	_ =	shalt  }
0x84: {  	_ =	shalt  }
0x85: {  	_ =	shalt  }
0x86: {  	_ =	shalt  }
0x87: {  	_ =	shalt  }
.Lfunc_end0:
.L_simem_size_0:
called_computation.1_lowered:
.L_overlay_start_0:
0x88: {  	s2 =	sld [smem:$0x3FD9]  }
0x89: {  	s3 =	sld [smem:$0x3FFE];
	_ =	sdelay $0x1  }
0x8a: {  	s1 =	srdreg.scid  }
0x8b: {  	s0 =	sand.u32 $0x1, s1  }
0x8c: {  	s17 =	sshll.u32 s0, $0xA;
	s2 =	sadd.s32 s3, s2  }
0x8d: {  	s2 =	sadd.s32 s2, s17  }
0x8e: {  	[smem:$0x3FC2] =	sst s2  }
0x8f: {  	_ = 	snop  }
0x90: {  	s2 =	sld [smem:$0x3FD0];
	(tm) =	ssettm $0x1  }
0x91: {  	s18 =	sld [smem:$0x3FFB];
	_ =	sdelay $0x3  }
0x92: {  	_ =	strace s18  }
0x93: {  	s3 =	sld [smem:$0x3FFC];
	_ =	sdelay $0x3  }
0x94: {  	_ =	strace s3  }
0x95: {  	s3 =	sld [smem:$0x3FFD];
	_ =	sdelay $0x3  }
0x96: {  	_ =	strace s3  }
0x97: {  	_ =	strace $0x8FFFFFFF  }
0x98: {  	s19 =	sld [smem:$0x3FDB];
	_ =	sdelay $0x1  }
0x99: {  	s4 =	simm.s32 $_scs_section_size  }
0x9a: {  	s5 =	simm.s32 $_size__tile_overlayer_lowered;
	s6 =	simm.s32 $_tile_overlayer_lowered  }
0x9b: {  	s22 =	simm.s32 $0x1BFF;
	s21 =	sshll.u32 s6, $0x1;
	s3 =	sadd.s32 s4, s19  }
0x9c: {  	s7 =	simm.s32 $0x0;
	s20 =	sshll.u32 s5, $0x1;
	s5 =	sadd.s32 s21, s3  }
0x9d: {  	[timem:s7], [sflag:s22] =	dma.local [hbm:s5], s20  }
0x9e: {  	_ =	swait.ge [sflag:s22], s20  }
0x9f: {  	s4 =	ssub.s32 $0x0, s20;
	[sflag:s22] =	ssyncset.done $0x0  }
0xa0: {  	[sflag:s22] =	ssyncadd.s32 s4;
	_ =	sdelay $0x1  }
0xa1: {  	s23 =	simm.s32 $0x1B8B  }
0xa2: {  	_ =	swait.ge [sflag:s23], $0x1  }
0xa3: {  	[sflag:s23] =	ssyncset.done $0x0  }
0xa4: {  	s25 =	simm.s32 $0x1B8E;
	s24 =	sld [smem:$0x3FFE];
	[sflag:s23] =	ssyncadd.s32 $0xFFFFFFFF  }
0xa5: {  	s26 =	simm.s32 $execute0_lowered;
	[smem:$0x3FD2] =	sst s25  }
0xa6: {  	s5 =	sshll.u32 s26, $0x1;
	_ =	strace $0x80000049;
	[dreg:$0x1] =	wrdreg $0xFFFFFFFF  }
0xa7: {  	s28 =	simm.s32 $_size_execute0_lowered;
	s3 =	sadd.s32 s3, s5;
	[dreg:$0x0] =	wrdreg $0x0  }
0xa8: {  	s5 =	sshll.u32 s28, $0x1;
	[dreg:$0x2] =	wrdreg s3  }
0xa9: {  	[dreg:$0x3] =	wrdreg s5  }
0xaa: {  	[dreg:$0x4] =	wrdreg $0xC0  }
0xab: {  	_ =	task [dreg:s7], $0x5FFFF  }
0xac: {  	[dreg:$0x1] =	wrdreg $0xFFFFFFFF  }
0xad: {  	[dreg:$0x0] =	wrdreg $0x60  }
0xae: {  	[dreg:$0x2] =	wrdreg s2  }
0xaf: {  	[dreg:$0x3] =	wrdreg s24  }
0xb0: {  	[dreg:$0x4] =	wrdreg $0x190000  }
0xb1: {  	[dreg:$0x5] =	wrdreg $0x140000  }
0xb2: {  	[dreg:$0x6] =	wrdreg $0x9  }
0xb3: {  	_ =	task.clear_ibuf [dreg:s7], $0x7FFFF;
	_ =	strace $0x90000049  }
0xb4: {  	s29 =	simm.s32 $0x9;
	_ =	strace $0x8000004B  }
0xb5: {  	_ =	swait.ge [sflag:s29], $0x1  }
0xb6: {  	[sflag:s29] =	ssyncadd.s32 $0xFFFFFFFF  }
0xb7: {  	_ =	strace $0x9000004B  }
0xb8: {  	_ =	sfence  }
0xb9: {  	s30 =	sld [smem:$0x0];
	_ =	sdelay $0x2  }
0xba: {  	s31 =	sshll.u32 s1, $0xD;
	s1 =	sshrl.u32 s1, $0x2  }
0xbb: {  	s3 =	sand.u32 $0x4000, s31;
	s1 =	sadd.s32 s1, s30  }
0xbc: {  	s0 =	sor.u32 s3, s0;
	s1 =	sshll.u32 s1, $0x11  }
0xbd: {  	s0 =	sor.u32 s1, s0  }
0xbe: {  	s0 =	sadd.s32 $0x8F2B, s0  }
0xbf: {  	[sflag:s0] =	ssyncadd.remote.s32 $0x1  }
0xc0: {  	_ =	sfence.sel $0xFFFF  }
0xc1: {  	[dreg:$0x0] =	wrdreg $0xFFFFFFFF;
	(pc) =	sbr.abs _section_cstart, $3  }
0xc2: {  	[dreg:$0x1] =	wrdreg $0xFFFFFFFF  }
0xc3: {  	_ =	task.clear_ibuf [dreg:s7], $0x2FFFF;
	_ =	strace $0x9FFFFFFF  }
0xc4: {  	(tm) =	ssettm $0x7FFFFFFF  }
0xc5: {  	_ =	shalt  }
tec
execute0_lowered:
.L_overlay_start_1:
0x0: {  	(tag) =	ssettag $0x1  }
0x1: {  	s0 =	rddreg [dreg:$0x0]  }
0x2: {  	s2 =	rddreg [dreg:$0x1]  }
0x3: {  	s1 =	rddreg [dreg:$0x2]  }
0x4: {  	s3 =	rddreg [dreg:$0x3]  }
0x5: {  	s7 =	simm.s32 $0x0;
	s4 =	srdreg.scid;
	s11 =	stileid.u32  }
0x6: {  	s28 =	simm.s32 $0x9;
	s15 =	simm.s32 $0x5;
	s6 =	smul.u32 $0x5000, s11  }
0x7: {  	s4 =	sand.u32 $0x1, s4;
	s5 =	sshll.u32 s11, $0x1;
	s11 =	smul.u32 $0xA0, s11  }
0x8: {  	s12 =	simm.s32 $0xA000;
	s14 =	simm.s32 $0xD000;
	s16 =	smul.u32 $0x50000, s4  }
0x9: {  	[smem:$0x7FF] =	sst s7;
	s5 =	sor.u32 s4, s5;
	s9 =	smul.u32 $0xFFFFFFB0, s4  }
0xa: {  	_ =	strace $0x8000004A;
	s10 =	ssub.s32 $0x2, s4;
	s22 =	smul.u32 $0x2800, s4  }
0xb: {  	s8 =	smul.u32 $0xFFFFFFB0, s5;
	s5 =	sadd.s32 $0x2400, s2;
	s17 =	sshrl.u32 s10, $0x1  }
0xc: {  	s18 =	sadd.s32 s6, s1;
	s19 =	sshrl.u32 s6, $0x3;
	s20 =	sadd.s32 s6, s3  }
0xd: {  	s7 =	sadd.s32 s6, s16;
	s9 =	ssub.s32 s9, s11;
	s0 =	sadd.s32 s0, s19  }
0xe: {  	[dreg:$0x6] =	wrdreg s20;
	s31 =	sshrl.u32 s18, $0x3;
	s19 =	simm.s32 $0x1  }
0xf: {  	s20 =	simm.s32 $0x2;
	[dreg:$0x10] =	wrdreg s5;
	s18 =	simm.s32 $0xC000  }
0x10: {  	s7 =	sshrl.u32 s7, $0x3;
	p0 =	slt.s32 s8, $0xFFFFF68C;
	[dreg:$0x5] =	wrdreg s0  }
0x11: {  	s0 =	sadd.s32 s22, s6;
	[dreg:$0xf] =	wrdreg s31;
	s2 =	sadd.s32 s7, s2  }
0x12: {  	s7 =	ssub.s32 s10, s17;
	s8 =	simm.s32 @!p0 $0xFFFFF68C;
	p0 =	slt.s32 s9, $0xFFFFF68C  }
0x13: {  	[dreg:$0xa] =	wrdreg s0;
	s0 =	sadd.s32 $0x4E200, s0;
	s10 =	simm.s32 $0x13  }
0x14: {  	s17 =	simm.s32 $0x14;
	s21 =	sadd.s32 $0x1FE00, s2;
	[dreg:$0xd] =	wrdreg s0  }
0x15: {  	s9 =	simm.s32 @!p0 $0xFFFFF68C;
	s24 =	smax.u32 s7, $0x1;
	[dreg:$0x7] =	wrdreg s21  }
0x16: {  	s23 =	sshll.u32 s9, $0x9;
	[dreg:$0x8] =	wrdreg s24;
	s25 =	ssub.s32 $0xFFFFF63C, s9  }
0x17: {  	s26 =	ssub.s32 $0xFFFFF68C, s9;
	[dreg:$0x9] =	wrdreg s25;
	s2 =	sshra.s32 s23, $0x2  }
0x18: {  	p0 =	slt.u32 s8, $0xFFFFF68C;
	[dreg:$0xb] =	wrdreg s26;
	s29 =	sadd.s32 $0x4E200, s2  }
0x19: {  	s0 =	simm.s32 $0x0;
	s30 =	sadd.s32 $0x50A00, s2;
	[dreg:$0xc] =	wrdreg s29  }
0x1a: {  	v0 =	vimm.s32 $0x2710;
	v1 =	vimm.f32 $0.0e+00;
	s21 =	simm.s32 $0x80;
	s9 =	simm.s32 $0xB000;
	[dreg:$0xe] =	wrdreg s30  }
.LBB2_1:
0x1b: {  	s7 =	rddreg [dreg:$0x9]  }
0x1c: {  	s25 =	sadd.s32 $0x1, s7  }
0x1d: {  	p1 =	seq.s32 s25, $0x0  }
.Ltmp0:
0x1e: {  	_ = 	snop;
	(pc) =	sbr.rel @p1 .LBB2_3-.Ltmp0, $4  }
0x1f: {  	_ = 	snop  }
0x20: {  	s26 =	rddreg [dreg:$0xa]  }
0x21: {  	s29 =	simm.s32 $0x80;
	s30 =	simm.s32 $0x0;
	s8 =	sshrl.u32 s26, $0x3  }
0x22: {  	s31 =	sadd.s32 $0x80, s26;
	s7 =	simm.s32 $0x0;
	s8 =	sadd.s32 s5, s8  }
.LBB2_2:
0x23: {  	[tilespmem:s30], [sflag:$0x1] =	stream.linear.gather [hbm4b:s8+s7], $0x80, $0x38;
	[tilespmem:$0x1E000] =	vst v63  }
0x24: {  	s25 =	sadd.s32 $0x1, s25  }
0x25: {  	p1 =	seq.s32 s25, $0x0  }
.Ltmp1:
0x26: {  	s30 =	smov.u32 s29;
	(pc) =	sbr.rel @!p1 .LBB2_2-.Ltmp1, $3  }
0x27: {  	_ =	sdelay $0x1  }
0x28: {  	s8 =	sshrl.u32 s31, $0x3  }
0x29: {  	s29 =	sadd.s32 $0x80, s29;
	s31 =	sadd.s32 $0x80, s31;
	s8 =	sadd.s32 s5, s8  }
.LBB2_3:
.Ltmp2:
0x2a: {  	(pc) =	sbr.rel @!p0 .LBB2_4-.Ltmp2, $2  }
0x2b: {  	_ =	sdelay $0x2  }
0x2c: {  	[tilespmem:s30], [sflag:$0x1] =	stream.linear.gather [hbm4b:s8+s7], $0x80, $0x38;
	[tilespmem:$0x1E000] =	vst v63  }
0x2d: {  	s29 =	rddreg [dreg:$0xc]  }
0x2e: {  	s7 =	rddreg [dreg:$0xb];
	[tilespmem:s29+$0x0] =	vst v0  }
0x2f: {  	[tilespmem:s29+$0x70] =	vst v0;
	p1 =	seq.s32 s7, $0x1  }
.Ltmp3:
0x30: {  	[tilespmem:s29+$0x60] =	vst v0;
	(pc) =	sbr.rel @p1 .LBB2_22-.Ltmp3, $4  }
0x31: {  	[tilespmem:s29+$0x50] =	vst v0  }
0x32: {  	[tilespmem:s29+$0x40] =	vst v0  }
0x33: {  	[tilespmem:s29+$0x30] =	vst v0  }
0x34: {  	s25 =	sadd.s32 $0xFFFFFFFF, s7;
	[tilespmem:s29+$0x20] =	vst v0  }
.LBB2_21:
0x35: {  	p1 =	seq.s32 s25, $0x1;
	s25 =	sadd.s32 $0xFFFFFFFF, s25;
	[tilespmem:s29+$0x10] =	vst v0;
	s29 =	sadd.s32 $0x80, s29  }
0x36: {  	[tilespmem:s29+$0x0] =	vst v0  }
0x37: {  	[tilespmem:s29+$0x70] =	vst v0  }
.Ltmp4:
0x38: {  	[tilespmem:s29+$0x60] =	vst v0;
	(pc) =	sbr.rel @!p1 .LBB2_21-.Ltmp4, $4  }
0x39: {  	[tilespmem:s29+$0x50] =	vst v0  }
0x3a: {  	[tilespmem:s29+$0x40] =	vst v0  }
0x3b: {  	[tilespmem:s29+$0x30] =	vst v0  }
0x3c: {  	[tilespmem:s29+$0x20] =	vst v0  }
.LBB2_22:
0x3d: {  	[tilespmem:s29+$0x10] =	vst v0  }
.LBB2_4:
0x3e: {  	s7 =	rddreg [dreg:$0x9]  }
0x3f: {  	s29 =	sadd.s32 $0x1, s7  }
0x40: {  	p1 =	seq.s32 s29, $0x0  }
.Ltmp5:
0x41: {  	_ = 	snop;
	(pc) =	sbr.rel @p1 .LBB2_6-.Ltmp5, $4  }
0x42: {  	_ = 	snop  }
0x43: {  	s26 =	rddreg [dreg:$0xd]  }
0x44: {  	s25 =	simm.s32 $0x2800;
	s30 =	simm.s32 $0x2880;
	s8 =	sshrl.u32 s26, $0x3  }
0x45: {  	s31 =	sadd.s32 $0x80, s26;
	s7 =	simm.s32 $0x0;
	s8 =	sadd.s32 s5, s8  }
.LBB2_5:
0x46: {  	[tilespmem:s25], [sflag:$0x2] =	stream.linear.gather [hbm4b:s8+s7], $0x80, $0x38;
	[tilespmem:$0x1E000] =	vst v63  }
0x47: {  	s29 =	sadd.s32 $0x1, s29  }
0x48: {  	p1 =	seq.s32 s29, $0x0  }
.Ltmp6:
0x49: {  	s25 =	smov.u32 s30;
	(pc) =	sbr.rel @!p1 .LBB2_5-.Ltmp6, $3  }
0x4a: {  	_ =	sdelay $0x1  }
0x4b: {  	s8 =	sshrl.u32 s31, $0x3  }
0x4c: {  	s31 =	sadd.s32 $0x80, s31;
	s30 =	sadd.s32 $0x80, s30;
	s8 =	sadd.s32 s5, s8  }
.LBB2_6:
.Ltmp7:
0x4d: {  	(pc) =	sbr.rel @!p0 .LBB2_10-.Ltmp7, $3  }
0x4e: {  	_ =	sdelay $0x1  }
0x4f: {  	[tilespmem:s25], [sflag:$0x2] =	stream.linear.gather [hbm4b:s8+s7], $0x80, $0x38;
	[tilespmem:$0x1E000] =	vst v63  }
0x50: {  	[dreg:$0x11] =	wrdreg s0;
	s30 =	simm.s32 $0x0;
	s0 =	simm.s32 $0xD  }
0x51: {  	s29 =	rddreg [dreg:$0xe]  }
0x52: {  	s7 =	rddreg [dreg:$0xb];
	[tilespmem:s29+$0x0] =	vst v0  }
0x53: {  	[tilespmem:s29+$0x70] =	vst v0;
	p1 =	sne.s32 s7, $0x1  }
.Ltmp8:
0x54: {  	[tilespmem:s29+$0x60] =	vst v0;
	(pc) =	sbr.rel @!p1 .LBB2_9-.Ltmp8, $4  }
0x55: {  	[tilespmem:s29+$0x50] =	vst v0  }
0x56: {  	[tilespmem:s29+$0x40] =	vst v0  }
0x57: {  	[tilespmem:s29+$0x30] =	vst v0  }
0x58: {  	s25 =	sadd.s32 $0xFFFFFFFF, s7;
	[tilespmem:s29+$0x20] =	vst v0  }
.LBB2_8:
0x59: {  	p1 =	sne.s32 s25, $0x1;
	s25 =	sadd.s32 $0xFFFFFFFF, s25;
	[tilespmem:s29+$0x10] =	vst v0;
	s29 =	sadd.s32 $0x80, s29  }
0x5a: {  	[tilespmem:s29+$0x0] =	vst v0  }
0x5b: {  	[tilespmem:s29+$0x70] =	vst v0  }
.Ltmp9:
0x5c: {  	[tilespmem:s29+$0x60] =	vst v0;
	(pc) =	sbr.rel @p1 .LBB2_8-.Ltmp9, $4  }
0x5d: {  	[tilespmem:s29+$0x50] =	vst v0  }
0x5e: {  	[tilespmem:s29+$0x40] =	vst v0  }
0x5f: {  	[tilespmem:s29+$0x30] =	vst v0  }
0x60: {  	[tilespmem:s29+$0x20] =	vst v0  }
.LBB2_9:
0x61: {  	[tilespmem:s29+$0x10] =	vst v0  }
.LBB2_10:
0x62: {  	s8 =	stileid.u32  }
0x63: {  	s7 =	rddreg [dreg:$0x5];
	s8 =	sshll.u32 s8, $0x6  }
0x64: {  	s29 =	rddreg [dreg:$0xf];
	s2 =	sor.u32 $0x1C15, s8  }
0x65: {  	s31 =	simm.s32 $0x15;
	[dreg:$0x12] =	wrdreg s2  }
0x66: {  	[spmem:s29], [sflag:s2] =	dma.local [hbm:s7], $0xA00  }
0x67: {  	_ =	swait.ge [sflag:s31], $0xA00  }
0x68: {  	[sflag:s31] =	ssyncset.done $0x0  }
0x69: {  	s25 =	simm.s32 $0x80;
	s8 =	simm.s32 $0x0;
	[sflag:s31] =	ssyncadd.s32 $0xFFFFF600  }
.LBB2_11:
0x6a: {  	p1 =	sne.s32 s25, $0x13F80;
	[tilespmem:s8+$0xF000] =	vst v1;
	s29 =	smov.u32 s25;
	s25 =	sadd.s32 $0x80, s25  }
.Ltmp10:
0x6b: {  	[tilespmem:s8+$0xF010] =	vst v1;
	(pc) =	sbr.rel @p1 .LBB2_11-.Ltmp10, $2  }
0x6c: {  	_ =	sdelay $0x2  }
0x6d: {  	s8 =	sshra.s32 s29, $0x2  }
0x6e: {  	[tilespmem:s8+$0xF000] =	vst v1  }
0x6f: {  	[tilespmem:s8+$0xF010] =	vst v1;
	s7 =	rddreg [dreg:$0x6];
	s26 =	simm.s32 $0xF000;
	s29 =	simm.s32 $0x15  }
0x70: {  	[spmem:s7] =	stream.linear.scatter [tilespmem:s26], [sflag:$0x15], $0x5000, $0x38;
	[tilespmem:$0x1E000] =	vst v63  }
0x71: {  	_ =	swait.ge [sflag:s29], $0x5000  }
0x72: {  	s31 =	rddreg [dreg:$0x9]  }
0x73: {  	s25 =	sadd.s32 $0x1, s31  }
0x74: {  	p1 =	seq.s32 s25, $0x0  }
.Ltmp11:
0x75: {  	_ = 	snop;
	(pc) =	sbr.rel @p1 .LBB2_14-.Ltmp11, $4  }
0x76: {  	[sflag:s29] =	ssyncset.done $0x0  }
0x77: {  	[sflag:s29] =	ssyncadd.s32 $0xFFFFB000  }
0x78: {  	_ =	swait.ge [sflag:s19], $0x80  }
0x79: {  	[sflag:s19] =	ssyncset.done $0x0  }
.LBB2_13:
0x7a: {  	s25 =	sadd.s32 $0x1, s25  }
0x7b: {  	[sflag:s19] =	ssyncadd.s32 $0xFFFFFF80;
	p1 =	seq.s32 s25, $0x0  }
.Ltmp12:
0x7c: {  	(pc) =	sbr.rel @!p1 .LBB2_13-.Ltmp12, $3  }
0x7d: {  	_ =	sdelay $0x1  }
0x7e: {  	_ =	swait.ge [sflag:s19], $0x80  }
0x7f: {  	[sflag:s19] =	ssyncset.done $0x0  }
.LBB2_14:
0x80: {  	s7 =	rddreg [dreg:$0x9]  }
0x81: {  	s25 =	sadd.s32 $0x1, s7  }
0x82: {  	[sflag:s19] =	ssyncadd.s32 $0xFFFFFF80;
	p1 =	seq.s32 s25, $0x0  }
.Ltmp13:
0x83: {  	s11 =	simm.s32 $0x7000;
	s31 =	simm.s32 $0x8000;
	(pc) =	sbr.rel @p1 .LBB2_16-.Ltmp13, $4  }
0x84: {  	s6 =	simm.s32 $0xA000;
	s16 =	simm.s32 $0xB000;
	s22 =	simm.s32 $0xC000  }
0x85: {  	s13 =	simm.s32 $0xD000;
	s4 =	simm.s32 $0xE000;
	s23 =	simm.s32 $0x6  }
0x86: {  	s24 =	simm.s32 $0xB;
	s26 =	simm.s32 $0x7;
	_ =	swait.ge [sflag:s20], $0x80  }
0x87: {  	s5 =	simm.s32 $0xC;
	s29 =	simm.s32 $0x8;
	[sflag:s20] =	ssyncset.done $0x0  }
.LBB2_15:
0x88: {  	s25 =	sadd.s32 $0x1, s25  }
0x89: {  	[sflag:s20] =	ssyncadd.s32 $0xFFFFFF80;
	p1 =	seq.s32 s25, $0x0  }
.Ltmp14:
0x8a: {  	(pc) =	sbr.rel @!p1 .LBB2_15-.Ltmp14, $3  }
0x8b: {  	_ =	sdelay $0x1  }
0x8c: {  	_ =	swait.ge [sflag:s20], $0x80  }
0x8d: {  	[sflag:s20] =	ssyncset.done $0x0  }
.LBB2_16:
0x8e: {  	[sflag:s20] =	ssyncadd.s32 $0xFFFFFF80  }
0x8f: {  	s7 =	simm.s32 $0xF000;
	s8 =	simm.s32 $0x2800;
	[bflag:$0x0] =	sbarrier.arrive $0xFFFF  }
0x90: {  	[spmem:s3] =	stream.indirect.scatter.add.f32 [tilespmem:s7], [sflag:$0x10], $0x20, s8, s21, $0xb8;
	[tilespmem:$0x1E000] =	vst v63  }
0x91: {  	_ = 	snop  }
0x92: {  	[spmem:s3] =	stream.indirect.scatter.add.f32 [tilespmem:s7], [sflag:$0x11], $0x20, s8, s21, $0xb8;
	[tilespmem:$0x1E000] =	vst v63  }
0x93: {  	_ = 	snop  }
0x94: {  	[spmem:s3] =	stream.indirect.scatter.add.f32 [tilespmem:s7], [sflag:$0x12], $0x20, s8, s21, $0xb8;
	[tilespmem:$0x1E000] =	vst v63  }
0x95: {  	_ = 	snop  }
0x96: {  	[spmem:s3] =	stream.indirect.scatter.add.f32 [tilespmem:s7], [sflag:$0x13], $0x20, s8, s21, $0xb8;
	[tilespmem:$0x1E000] =	vst v63  }
0x97: {  	_ = 	snop  }
0x98: {  	[spmem:s3] =	stream.indirect.scatter.add.f32 [tilespmem:s7], [sflag:$0x14], $0x20, s8, s21, $0xb8;
	[tilespmem:$0x1E000] =	vst v63  }
0x99: {  	s25 =	simm.s32 $0x5000  }
0x9a: {  	[tilespmem:s25], [sflag:$0x1] =	stream.indirect.gather [spmem:s1], $0x20, s30, s21, $0xb8;
	[tilespmem:$0x1E000] =	vst v63  }
0x9b: {  	s30 =	simm.s32 $0x6000  }
0x9c: {  	[tilespmem:s30], [sflag:$0x2] =	stream.indirect.gather [spmem:s1], $0x20, s21, s21, $0xb8;
	[tilespmem:$0x1E000] =	vst v63  }
0x9d: {  	s2 =	simm.s32 $0x100  }
0x9e: {  	[tilespmem:s11], [sflag:$0x3] =	stream.indirect.gather [spmem:s1], $0x20, s2, s21, $0xb8;
	[tilespmem:$0x1E000] =	vst v63  }
0x9f: {  	s7 =	simm.s32 $0x180  }
0xa0: {  	[tilespmem:s31], [sflag:$0x4] =	stream.indirect.gather [spmem:s1], $0x20, s7, s21, $0xb8;
	[tilespmem:$0x1E000] =	vst v63  }
0xa1: {  	s2 =	simm.s32 $0x200;
	s7 =	simm.s32 $0x9000  }
0xa2: {  	[tilespmem:s7], [sflag:$0x5] =	stream.indirect.gather [spmem:s1], $0x20, s2, s21, $0xb8;
	[tilespmem:$0x1E000] =	vst v63  }
0xa3: {  	_ =	swait.ge [sflag:s19], $0x1000  }
0xa4: {  	[sflag:s19] =	ssyncset.done $0x0  }
0xa5: {  	s2 =	simm.s32 $0x2800;
	[sflag:s19] =	ssyncadd.s32 $0xFFFFF000  }
0xa6: {  	[spmem:s3] =	stream.indirect.scatter.add.f32 [tilespmem:s25], [sflag:$0xB], $0x20, s2, s21, $0xb8;
	[tilespmem:$0x1E000] =	vst v63  }
0xa7: {  	s2 =	simm.s32 $0x10  }
0xa8: {  	_ =	swait.ge [sflag:s2], $0x1000  }
0xa9: {  	[sflag:s2] =	ssyncset.done $0x0  }
0xaa: {  	[sflag:s2] =	ssyncadd.s32 $0xFFFFF000;
	s2 =	simm.s32 $0x280  }
0xab: {  	[tilespmem:s6], [sflag:$0x6] =	stream.indirect.gather [spmem:s1], $0x20, s2, s21, $0xb8;
	[tilespmem:$0x1E000] =	vst v63  }
0xac: {  	_ =	swait.ge [sflag:s20], $0x1000  }
0xad: {  	[sflag:s20] =	ssyncset.done $0x0  }
0xae: {  	s8 =	simm.s32 $0x11;
	s2 =	simm.s32 $0x2880;
	[sflag:s20] =	ssyncadd.s32 $0xFFFFF000  }
0xaf: {  	[spmem:s3] =	stream.indirect.scatter.add.f32 [tilespmem:s30], [sflag:$0xC], $0x20, s2, s21, $0xb8;
	[tilespmem:$0x1E000] =	vst v63  }
0xb0: {  	_ =	swait.ge [sflag:s8], $0x1000  }
0xb1: {  	[sflag:s8] =	ssyncset.done $0x0  }
0xb2: {  	s2 =	simm.s32 $0x300;
	[sflag:s8] =	ssyncadd.s32 $0xFFFFF000;
	s8 =	simm.s32 $0x3  }
0xb3: {  	[tilespmem:s16], [sflag:$0x7] =	stream.indirect.gather [spmem:s1], $0x20, s2, s21, $0xb8;
	[tilespmem:$0x1E000] =	vst v63  }
0xb4: {  	_ =	swait.ge [sflag:s8], $0x1000  }
0xb5: {  	[sflag:s8] =	ssyncset.done $0x0  }
0xb6: {  	s2 =	simm.s32 $0x2900;
	[sflag:s8] =	ssyncadd.s32 $0xFFFFF000;
	s8 =	simm.s32 $0x12  }
0xb7: {  	[spmem:s3] =	stream.indirect.scatter.add.f32 [tilespmem:s11], [sflag:$0xD], $0x20, s2, s21, $0xb8;
	[tilespmem:$0x1E000] =	vst v63  }
0xb8: {  	_ =	swait.ge [sflag:s8], $0x1000  }
0xb9: {  	[sflag:s8] =	ssyncset.done $0x0  }
0xba: {  	s2 =	simm.s32 $0x380;
	[sflag:s8] =	ssyncadd.s32 $0xFFFFF000;
	s8 =	simm.s32 $0x4  }
0xbb: {  	[tilespmem:s22], [sflag:$0x8] =	stream.indirect.gather [spmem:s1], $0x20, s2, s21, $0xb8;
	[tilespmem:$0x1E000] =	vst v63  }
0xbc: {  	_ =	swait.ge [sflag:s8], $0x1000  }
0xbd: {  	[sflag:s8] =	ssyncset.done $0x0  }
0xbe: {  	s2 =	simm.s32 $0x2980;
	[sflag:s8] =	ssyncadd.s32 $0xFFFFF000  }
0xbf: {  	[spmem:s3] =	stream.indirect.scatter.add.f32 [tilespmem:s31], [sflag:$0xE], $0x20, s2, s21, $0xb8;
	[tilespmem:$0x1E000] =	vst v63  }
0xc0: {  	_ =	swait.ge [sflag:s10], $0x1000  }
0xc1: {  	[sflag:s10] =	ssyncset.done $0x0  }
0xc2: {  	s2 =	simm.s32 $0x400;
	[sflag:s10] =	ssyncadd.s32 $0xFFFFF000  }
0xc3: {  	[tilespmem:s13], [sflag:$0x9] =	stream.indirect.gather [spmem:s1], $0x20, s2, s21, $0xb8;
	[tilespmem:$0x1E000] =	vst v63  }
0xc4: {  	_ =	swait.ge [sflag:s15], $0x1000  }
0xc5: {  	[sflag:s15] =	ssyncset.done $0x0  }
0xc6: {  	s2 =	simm.s32 $0x2A00;
	[sflag:s15] =	ssyncadd.s32 $0xFFFFF000  }
0xc7: {  	[spmem:s3] =	stream.indirect.scatter.add.f32 [tilespmem:s7], [sflag:$0xF], $0x20, s2, s21, $0xb8;
	[tilespmem:$0x1E000] =	vst v63  }
0xc8: {  	_ =	swait.ge [sflag:s17], $0x1000  }
0xc9: {  	[sflag:s17] =	ssyncset.done $0x0  }
0xca: {  	s2 =	simm.s32 $0x480;
	[sflag:s17] =	ssyncadd.s32 $0xFFFFF000  }
0xcb: {  	[tilespmem:s4], [sflag:$0xA] =	stream.indirect.gather [spmem:s1], $0x20, s2, s21, $0xb8;
	[tilespmem:$0x1E000] =	vst v63  }
0xcc: {  	_ =	swait.ge [sflag:s23], $0x1000  }
0xcd: {  	[sflag:s23] =	ssyncset.done $0x0  }
0xce: {  	s7 =	simm.s32 $0x2A80;
	[sflag:s23] =	ssyncadd.s32 $0xFFFFF000  }
0xcf: {  	[spmem:s3] =	stream.indirect.scatter.add.f32 [tilespmem:s6], [sflag:$0x10], $0x20, s7, s21, $0xb8;
	[tilespmem:$0x1E000] =	vst v63  }
0xd0: {  	p1 =	por $0x0, $0x0;
	s8 =	simm.s32 $0x1400;
	_ =	swait.ge [sflag:s24], $0x1000  }
0xd1: {  	s8 =	simm.s32 @p1 $0x0;
	[sflag:s24] =	ssyncset.done $0x0  }
0xd2: {  	s8 =	sshra.s32 s8, $0x2;
	[sflag:s24] =	ssyncadd.s32 $0xFFFFF000  }
0xd3: {  	[tilespmem:s25], [sflag:$0x1] =	stream.indirect.gather [spmem:s1], $0x20, s8, s21, $0xb8;
	[tilespmem:$0x1E000] =	vst v63  }
0xd4: {  	_ =	swait.ge [sflag:s26], $0x1000  }
0xd5: {  	[sflag:s26] =	ssyncset.done $0x0  }
0xd6: {  	s23 =	simm.s32 $0x2B00;
	[sflag:s26] =	ssyncadd.s32 $0xFFFFF000  }
0xd7: {  	[spmem:s3] =	stream.indirect.scatter.add.f32 [tilespmem:s16], [sflag:$0x11], $0x20, s23, s21, $0xb8;
	[tilespmem:$0x1E000] =	vst v63  }
0xd8: {  	s8 =	simm.s32 $0x1600;
	_ =	swait.ge [sflag:s5], $0x1000  }
0xd9: {  	s8 =	simm.s32 @p1 $0x200;
	[sflag:s5] =	ssyncset.done $0x0  }
0xda: {  	s8 =	sshra.s32 s8, $0x2;
	[sflag:s5] =	ssyncadd.s32 $0xFFFFF000  }
0xdb: {  	[tilespmem:s30], [sflag:$0x2] =	stream.indirect.gather [spmem:s1], $0x20, s8, s21, $0xb8;
	[tilespmem:$0x1E000] =	vst v63  }
0xdc: {  	_ =	swait.ge [sflag:s29], $0x1000  }
0xdd: {  	[sflag:s29] =	ssyncset.done $0x0  }
0xde: {  	s24 =	simm.s32 $0x2B80;
	[sflag:s29] =	ssyncadd.s32 $0xFFFFF000  }
0xdf: {  	[spmem:s3] =	stream.indirect.scatter.add.f32 [tilespmem:s22], [sflag:$0x12], $0x20, s24, s21, $0xb8;
	[tilespmem:$0x1E000] =	vst v63  }
0xe0: {  	s8 =	simm.s32 $0x1800;
	_ =	swait.ge [sflag:s0], $0x1000  }
0xe1: {  	s8 =	simm.s32 @p1 $0x400;
	[sflag:s0] =	ssyncset.done $0x0  }
0xe2: {  	s8 =	sshra.s32 s8, $0x2;
	[sflag:s0] =	ssyncadd.s32 $0xFFFFF000  }
0xe3: {  	[tilespmem:s11], [sflag:$0x3] =	stream.indirect.gather [spmem:s1], $0x20, s8, s21, $0xb8;
	[tilespmem:$0x1E000] =	vst v63  }
0xe4: {  	_ =	swait.ge [sflag:s28], $0x1000  }
0xe5: {  	[sflag:s28] =	ssyncset.done $0x0  }
0xe6: {  	s25 =	simm.s32 $0x2C00;
	s0 =	simm.s32 $0xE;
	[sflag:s28] =	ssyncadd.s32 $0xFFFFF000  }
0xe7: {  	[spmem:s3] =	stream.indirect.scatter.add.f32 [tilespmem:s13], [sflag:$0x13], $0x20, s25, s21, $0xb8;
	[tilespmem:$0x1E000] =	vst v63  }
0xe8: {  	s8 =	simm.s32 $0x1A00;
	_ =	swait.ge [sflag:s0], $0x1000  }
0xe9: {  	s6 =	simm.s32 $0xA;
	s8 =	simm.s32 @p1 $0x600;
	[sflag:s0] =	ssyncset.done $0x0  }
0xea: {  	s7 =	simm.s32 $0x8;
	s8 =	sshra.s32 s8, $0x2;
	[sflag:s0] =	ssyncadd.s32 $0xFFFFF000  }
0xeb: {  	[tilespmem:s31], [sflag:$0x4] =	stream.indirect.gather [spmem:s1], $0x20, s8, s21, $0xb8;
	[tilespmem:$0x1E000] =	vst v63  }
0xec: {  	s26 =	simm.s32 $0x2C80;
	s23 =	simm.s32 $0x6;
	_ =	swait.ge [sflag:s6], $0x1000  }
0xed: {  	s5 =	simm.s32 $0xC;
	s29 =	simm.s32 $0x3000;
	[sflag:s6] =	ssyncset.done $0x0  }
0xee: {  	s24 =	simm.s32 $0xB;
	s31 =	simm.s32 $0xF;
	[sflag:s6] =	ssyncadd.s32 $0xFFFFF000  }
0xef: {  	[spmem:s3] =	stream.indirect.scatter.add.f32 [tilespmem:s4], [sflag:$0x14], $0x20, s26, s21, $0xb8;
	[tilespmem:$0x1E000] =	vst v63  }
0xf0: {  	s11 =	simm.s32 $0x9;
	s8 =	simm.s32 $0x1C00;
	_ =	swait.ge [sflag:s31], $0x1000  }
0xf1: {  	s28 =	simm.s32 $0xD;
	s8 =	simm.s32 @p1 $0x800;
	[sflag:s31] =	ssyncset.done $0x0  }
0xf2: {  	s8 =	sshra.s32 s8, $0x2;
	s26 =	simm.s32 $0x7;
	[sflag:s31] =	ssyncadd.s32 $0xFFFFF000  }
.LBB2_17:
0xf3: {  	s22 =	simm.s32 $0x9000;
	s31 =	smov.u32 s29  }
0xf4: {  	[tilespmem:s22], [sflag:$0x5] =	stream.indirect.gather [spmem:s1], $0x20, s8, s21, $0xb8;
	[tilespmem:$0x1E000] =	vst v63  }
0xf5: {  	p1 =	sne.s32 s29, $0xA800;
	s29 =	sadd.s32 $0x1400, s29;
	_ =	swait.ge [sflag:s19], $0x1000  }
0xf6: {  	s13 =	simm.s32 $0x5000;
	s25 =	sshra.s32 s31, $0x2;
	[sflag:s19] =	ssyncset.done $0x0  }
0xf7: {  	s2 =	simm.s32 $0x10;
	s8 =	sadd.s32 $0x2100, s25;
	[sflag:s19] =	ssyncadd.s32 $0xFFFFF000  }
0xf8: {  	[spmem:s3] =	stream.indirect.scatter.add.f32 [tilespmem:s13], [sflag:$0xB], $0x20, s8, s21, $0xb8;
	[tilespmem:$0x1E000] =	vst v63  }
0xf9: {  	_ =	swait.ge [sflag:s2], $0x1000  }
0xfa: {  	[sflag:s2] =	ssyncset.done $0x0  }
0xfb: {  	s8 =	sadd.s32 $0xFFFFFB80, s25;
	[sflag:s2] =	ssyncadd.s32 $0xFFFFF000  }
0xfc: {  	[tilespmem:s12], [sflag:$0x6] =	stream.indirect.gather [spmem:s1], $0x20, s8, s21, $0xb8;
	[tilespmem:$0x1E000] =	vst v63  }
0xfd: {  	_ =	swait.ge [sflag:s20], $0x1000  }
0xfe: {  	[sflag:s20] =	ssyncset.done $0x0  }
0xff: {  	s2 =	simm.s32 $0x11;
	s8 =	sadd.s32 $0x2180, s25;
	[sflag:s20] =	ssyncadd.s32 $0xFFFFF000  }
0x100: {  	[spmem:s3] =	stream.indirect.scatter.add.f32 [tilespmem:s30], [sflag:$0xC], $0x20, s8, s21, $0xb8;
	[tilespmem:$0x1E000] =	vst v63  }
0x101: {  	_ =	swait.ge [sflag:s2], $0x1000  }
0x102: {  	[sflag:s2] =	ssyncset.done $0x0  }
0x103: {  	s8 =	sadd.s32 $0xFFFFFC00, s25;
	[sflag:s2] =	ssyncadd.s32 $0xFFFFF000;
	s2 =	simm.s32 $0x3  }
0x104: {  	[tilespmem:s9], [sflag:$0x7] =	stream.indirect.gather [spmem:s1], $0x20, s8, s21, $0xb8;
	[tilespmem:$0x1E000] =	vst v63  }
0x105: {  	_ =	swait.ge [sflag:s2], $0x1000  }
0x106: {  	s4 =	simm.s32 $0x7000;
	[sflag:s2] =	ssyncset.done $0x0  }
0x107: {  	s8 =	sadd.s32 $0x2200, s25;
	[sflag:s2] =	ssyncadd.s32 $0xFFFFF000;
	s2 =	simm.s32 $0x12  }
0x108: {  	[spmem:s3] =	stream.indirect.scatter.add.f32 [tilespmem:s4], [sflag:$0xD], $0x20, s8, s21, $0xb8;
	[tilespmem:$0x1E000] =	vst v63  }
0x109: {  	_ =	swait.ge [sflag:s2], $0x1000  }
0x10a: {  	[sflag:s2] =	ssyncset.done $0x0  }
0x10b: {  	s8 =	sadd.s32 $0xFFFFFC80, s25;
	[sflag:s2] =	ssyncadd.s32 $0xFFFFF000;
	s2 =	simm.s32 $0x4  }
0x10c: {  	[tilespmem:s18], [sflag:$0x8] =	stream.indirect.gather [spmem:s1], $0x20, s8, s21, $0xb8;
	[tilespmem:$0x1E000] =	vst v63  }
0x10d: {  	_ =	swait.ge [sflag:s2], $0x1000  }
0x10e: {  	[sflag:s2] =	ssyncset.done $0x0  }
0x10f: {  	s8 =	sadd.s32 $0x2280, s25;
	[sflag:s2] =	ssyncadd.s32 $0xFFFFF000;
	s2 =	simm.s32 $0x8000  }
0x110: {  	[spmem:s3] =	stream.indirect.scatter.add.f32 [tilespmem:s2], [sflag:$0xE], $0x20, s8, s21, $0xb8;
	[tilespmem:$0x1E000] =	vst v63  }
0x111: {  	_ =	swait.ge [sflag:s10], $0x1000  }
0x112: {  	[sflag:s10] =	ssyncset.done $0x0  }
0x113: {  	s8 =	sadd.s32 $0xFFFFFD00, s25;
	[sflag:s10] =	ssyncadd.s32 $0xFFFFF000  }
0x114: {  	[tilespmem:s14], [sflag:$0x9] =	stream.indirect.gather [spmem:s1], $0x20, s8, s21, $0xb8;
	[tilespmem:$0x1E000] =	vst v63  }
0x115: {  	_ =	swait.ge [sflag:s15], $0x1000  }
0x116: {  	[sflag:s15] =	ssyncset.done $0x0  }
0x117: {  	s16 =	simm.s32 $0x9000;
	s8 =	sadd.s32 $0x2300, s25;
	[sflag:s15] =	ssyncadd.s32 $0xFFFFF000  }
0x118: {  	[spmem:s3] =	stream.indirect.scatter.add.f32 [tilespmem:s22], [sflag:$0xF], $0x20, s8, s21, $0xb8;
	[tilespmem:$0x1E000] =	vst v63  }
0x119: {  	_ =	swait.ge [sflag:s17], $0x1000  }
0x11a: {  	[sflag:s17] =	ssyncset.done $0x0  }
0x11b: {  	s8 =	sadd.s32 $0xFFFFFD80, s25;
	s22 =	simm.s32 $0xE000;
	[sflag:s17] =	ssyncadd.s32 $0xFFFFF000  }
0x11c: {  	[tilespmem:s22], [sflag:$0xA] =	stream.indirect.gather [spmem:s1], $0x20, s8, s21, $0xb8;
	[tilespmem:$0x1E000] =	vst v63  }
0x11d: {  	_ =	swait.ge [sflag:s23], $0x1000  }
0x11e: {  	[sflag:s23] =	ssyncset.done $0x0  }
0x11f: {  	s30 =	sadd.s32 $0xFFFFFA00, s31;
	s8 =	sadd.s32 $0x2380, s25;
	[sflag:s23] =	ssyncadd.s32 $0xFFFFF000  }
0x120: {  	[spmem:s3] =	stream.indirect.scatter.add.f32 [tilespmem:s12], [sflag:$0x10], $0x20, s8, s21, $0xb8;
	[tilespmem:$0x1E000] =	vst v63  }
0x121: {  	p2 =	seq.s32 s31, $0xA800;
	s8 =	sadd.s32 $0xFFFFF800, s31;
	_ =	swait.ge [sflag:s24], $0x1000  }
0x122: {  	s30 =	simm.s32 @p2 $0x200;
	s8 =	simm.s32 @p2 $0x0;
	[sflag:s24] =	ssyncset.done $0x0  }
0x123: {  	s8 =	sshra.s32 s8, $0x2;
	[sflag:s24] =	ssyncadd.s32 $0xFFFFF000  }
0x124: {  	[tilespmem:s13], [sflag:$0x1] =	stream.indirect.gather [spmem:s1], $0x20, s8, s21, $0xb8;
	[tilespmem:$0x1E000] =	vst v63  }
0x125: {  	_ =	swait.ge [sflag:s26], $0x1000  }
0x126: {  	[sflag:s26] =	ssyncset.done $0x0  }
0x127: {  	s8 =	sadd.s32 $0x2400, s25;
	[sflag:s26] =	ssyncadd.s32 $0xFFFFF000  }
0x128: {  	[spmem:s3] =	stream.indirect.scatter.add.f32 [tilespmem:s9], [sflag:$0x11], $0x20, s8, s21, $0xb8;
	[tilespmem:$0x1E000] =	vst v63  }
0x129: {  	_ =	swait.ge [sflag:s5], $0x1000  }
0x12a: {  	[sflag:s5] =	ssyncset.done $0x0  }
0x12b: {  	s8 =	sshra.s32 s30, $0x2;
	s30 =	simm.s32 $0x6000;
	[sflag:s5] =	ssyncadd.s32 $0xFFFFF000  }
0x12c: {  	[tilespmem:s30], [sflag:$0x2] =	stream.indirect.gather [spmem:s1], $0x20, s8, s21, $0xb8;
	[tilespmem:$0x1E000] =	vst v63  }
0x12d: {  	_ =	swait.ge [sflag:s7], $0x1000  }
0x12e: {  	[sflag:s7] =	ssyncset.done $0x0  }
0x12f: {  	s8 =	sadd.s32 $0x2480, s25;
	[sflag:s7] =	ssyncadd.s32 $0xFFFFF000  }
0x130: {  	[spmem:s3] =	stream.indirect.scatter.add.f32 [tilespmem:s18], [sflag:$0x12], $0x20, s8, s21, $0xb8;
	[tilespmem:$0x1E000] =	vst v63  }
0x131: {  	s8 =	sadd.s32 $0xFFFFFC00, s31;
	_ =	swait.ge [sflag:s28], $0x1000  }
0x132: {  	s8 =	simm.s32 @p2 $0x400;
	[sflag:s28] =	ssyncset.done $0x0  }
0x133: {  	s8 =	sshra.s32 s8, $0x2;
	[sflag:s28] =	ssyncadd.s32 $0xFFFFF000  }
0x134: {  	[tilespmem:s4], [sflag:$0x3] =	stream.indirect.gather [spmem:s1], $0x20, s8, s21, $0xb8;
	[tilespmem:$0x1E000] =	vst v63  }
0x135: {  	_ =	swait.ge [sflag:s11], $0x1000  }
0x136: {  	[sflag:s11] =	ssyncset.done $0x0  }
0x137: {  	s8 =	sadd.s32 $0x2500, s25;
	[sflag:s11] =	ssyncadd.s32 $0xFFFFF000  }
0x138: {  	[spmem:s3] =	stream.indirect.scatter.add.f32 [tilespmem:s14], [sflag:$0x13], $0x20, s8, s21, $0xb8;
	[tilespmem:$0x1E000] =	vst v63  }
0x139: {  	s8 =	sadd.s32 $0xFFFFFE00, s31;
	_ =	swait.ge [sflag:s0], $0x1000  }
0x13a: {  	s8 =	simm.s32 @p2 $0x600;
	[sflag:s0] =	ssyncset.done $0x0  }
0x13b: {  	s8 =	sshra.s32 s8, $0x2;
	[sflag:s0] =	ssyncadd.s32 $0xFFFFF000  }
0x13c: {  	[tilespmem:s2], [sflag:$0x4] =	stream.indirect.gather [spmem:s1], $0x20, s8, s21, $0xb8;
	[tilespmem:$0x1E000] =	vst v63  }
0x13d: {  	_ =	swait.ge [sflag:s6], $0x1000  }
0x13e: {  	s8 =	sadd.s32 $0x2580, s25;
	[sflag:s6] =	ssyncset.done $0x0  }
.Ltmp15:
0x13f: {  	s25 =	simm.s32 $0xF;
	[sflag:s6] =	ssyncadd.s32 $0xFFFFF000;
	(pc) =	sbr.rel @p1 .LBB2_17-.Ltmp15, $4  }
0x140: {  	[spmem:s3] =	stream.indirect.scatter.add.f32 [tilespmem:s22], [sflag:$0x14], $0x20, s8, s21, $0xb8;
	[tilespmem:$0x1E000] =	vst v63  }
0x141: {  	_ =	swait.ge [sflag:s25], $0x1000  }
0x142: {  	s31 =	simm.s32 @p2 $0x800;
	[sflag:s25] =	ssyncset.done $0x0  }
0x143: {  	s8 =	sshra.s32 s31, $0x2;
	[sflag:s25] =	ssyncadd.s32 $0xFFFFF000  }
0x144: {  	[tilespmem:s16], [sflag:$0x5] =	stream.indirect.gather [spmem:s1], $0x20, s8, s21, $0xb8;
	[tilespmem:$0x1E000] =	vst v63  }
0x145: {  	s0 =	simm.s32 $0x10  }
0x146: {  	_ =	swait.ge [sflag:s0], $0x1000  }
0x147: {  	[sflag:s0] =	ssyncset.done $0x0  }
0x148: {  	[sflag:s0] =	ssyncadd.s32 $0xFFFFF000  }
0x149: {  	_ =	swait.ge [sflag:s19], $0x1000  }
0x14a: {  	[sflag:s19] =	ssyncset.done $0x0  }
0x14b: {  	s13 =	simm.s32 $0x11;
	[sflag:s19] =	ssyncadd.s32 $0xFFFFF000  }
0x14c: {  	_ =	swait.ge [sflag:s13], $0x1000  }
0x14d: {  	[sflag:s13] =	ssyncset.done $0x0  }
0x14e: {  	[sflag:s13] =	ssyncadd.s32 $0xFFFFF000  }
0x14f: {  	_ =	swait.ge [sflag:s20], $0x1000  }
0x150: {  	[sflag:s20] =	ssyncset.done $0x0  }
0x151: {  	s16 =	simm.s32 $0x12;
	[sflag:s20] =	ssyncadd.s32 $0xFFFFF000  }
0x152: {  	_ =	swait.ge [sflag:s16], $0x1000  }
0x153: {  	[sflag:s16] =	ssyncset.done $0x0  }
0x154: {  	s22 =	simm.s32 $0x3;
	[sflag:s16] =	ssyncadd.s32 $0xFFFFF000  }
0x155: {  	_ =	swait.ge [sflag:s22], $0x1000  }
0x156: {  	[sflag:s22] =	ssyncset.done $0x0  }
0x157: {  	[sflag:s22] =	ssyncadd.s32 $0xFFFFF000  }
0x158: {  	_ =	swait.ge [sflag:s10], $0x1000  }
0x159: {  	[sflag:s10] =	ssyncset.done $0x0  }
0x15a: {  	s23 =	simm.s32 $0x4;
	[sflag:s10] =	ssyncadd.s32 $0xFFFFF000  }
0x15b: {  	_ =	swait.ge [sflag:s23], $0x1000  }
0x15c: {  	[sflag:s23] =	ssyncset.done $0x0  }
0x15d: {  	[sflag:s23] =	ssyncadd.s32 $0xFFFFF000  }
0x15e: {  	_ =	swait.ge [sflag:s17], $0x1000  }
0x15f: {  	[sflag:s17] =	ssyncset.done $0x0  }
0x160: {  	[sflag:s17] =	ssyncadd.s32 $0xFFFFF000  }
0x161: {  	_ =	swait.ge [sflag:s15], $0x1000  }
0x162: {  	[sflag:s15] =	ssyncset.done $0x0  }
0x163: {  	[sflag:s15] =	ssyncadd.s32 $0xFFFFF000  }
0x164: {  	[bflag:$0x0] =	sbarrier.arrive $0xFFFF  }
0x165: {  	s7 =	rddreg [dreg:$0x6]  }
0x166: {  	s25 =	rddreg [dreg:$0x7]  }
0x167: {  	s29 =	simm.s32 $0x15;
	s26 =	rddreg [dreg:$0x12];
	s24 =	sshrl.u32 s7, $0x3  }
0x168: {  	[hbm:s25], [sflag:s26] =	dma.local [spmem:s24], $0xA00  }
0x169: {  	_ =	swait.ge [sflag:s29], $0xA00  }
0x16a: {  	s30 =	rddreg [dreg:$0x11]  }
0x16b: {  	s31 =	rddreg [dreg:$0x8];
	s0 =	sadd.s32 $0x1, s30  }
0x16c: {  	p1 =	sne.s32 s0, s31  }
.Ltmp16:
0x16d: {  	_ = 	snop;
	(pc) =	sbr.rel @p1 .LBB2_1-.Ltmp16, $3  }
0x16e: {  	_ =	sdelay $0x1  }
0x16f: {  	[sflag:s29] =	ssyncset.done $0x0  }
0x170: {  	s28 =	simm.s32 $0x9;
	s5 =	rddreg [dreg:$0x10];
	[sflag:s29] =	ssyncadd.s32 $0xFFFFF600  }
0x171: {  	_ =	sfence.sel $0x180000  }
0x172: {  	[bflag:$0x0] =	sbarrier.arrive $0xFFFF  }
0x173: {  	_ =	strace $0x9000004A  }
0x174: {  	s0 =	stileid.u32;
	[bflag:$0x2] =	sbarrier.arrive $0xFFFF  }
0x175: {  	p0 =	sne.s32 s0, $0x0;
	s0 =	rddreg [dreg:$0x4]  }
0x176: {  	s0 =	sadd.s32 @!p0 $0x100000, s0  }
0x177: {  	[sflag:s0] =	ssyncadd.tile.s32 @!p0 $0x1;
	_ =	shalt  }
.Lfunc_end2:
_tile_overlayer_lowered:
.L_overlay_start_2:
0x178: {  	(tag) =	ssettag $0x2  }
0x179: {  	s0 =	rddreg [dreg:$0x0];
	s2 =	stileid.u32  }
0x17a: {  	s1 =	rddreg [dreg:$0x1];
	p0 =	sne.s32 s2, $0x0  }
0x17b: {  	s3 =	rddreg [dreg:$0x2];
	[bflag:$0x3] =	sbarrier.arrive $0xFFFF;
	s2 =	simm.s32 @!p0 $0x1C15  }
0x17c: {  	[timem:s3], [sflag:s2] =	dma.local @!p0 [hbm:s0], s1  }
0x17d: {  	s0 =	simm.s32 @!p0 $0x15  }
0x17e: {  	_ =	swait.ge @!p0 [sflag:s0], s1  }
0x17f: {  	s1 =	ssub.s32 @!p0 $0x0, s1;
	[sflag:s0] =	ssyncset.done @!p0 $0x0  }
0x180: {  	[sflag:s0] =	ssyncadd.s32 @!p0 s1  }
0x181: {  	[bflag:$0x3] =	sbarrier.arrive $0xFFFF  }
0x182: {  	_ =	shalt  }

// kernel: kernel.13.cloned.1.call-start
scs
__scs_entry_jumppad:
0x0: {  	(pc) =	sbr.rel $0x88, $3  }
0x1: {  	(tag) =	ssettag $0x0;
	lr =	simm.s32 $0x1  }
0x2: {  	[smem:$0x3F9B] =	sst lr;
	_ =	strace $0xD0000000  }
0x3: {  	_ = 	snop  }
0x4: {  	_ = 	snop  }
0x5: {  	_ = 	snop  }
0x6: {  	_ = 	snop  }
0x7: {  	_ = 	snop  }
__scs_overlays_trampoline_lowered:
0x8: {  	[smem:$0x3FAA] =	sst s0  }
0x9: {  	[smem:$0x3FAB] =	sst s1  }
0xa: {  	[smem:$0x3FAC] =	sst s2  }
0xb: {  	[smem:$0x3FAD] =	sst s3  }
0xc: {  	[smem:$0x3FAE] =	sst s4  }
0xd: {  	[smem:$0x3FAF] =	sst s5  }
0xe: {  	[smem:$0x3FB0] =	sst s6  }
0xf: {  	[smem:$0x3FB1] =	sst s7  }
0x10: {  	[smem:$0x3FB2] =	sst s8  }
0x11: {  	[smem:$0x3FB3] =	sst s9;
	s0 =	simm.s32 @!p0 $0x0  }
0x12: {  	s1 =	sld [smem:$0x3F99];
	s0 =	simm.s32 @p0 $0x1  }
0x13: {  	[smem:$0x3FB4] =	sst s0;
	s0 =	simm.s32 @!p1 $0x0  }
0x14: {  	s2 =	sld [smem:$0x3F98];
	s0 =	simm.s32 @p1 $0x1  }
0x15: {  	[smem:$0x3FB5] =	sst s0;
	s0 =	simm.s32 @!p2 $0x0  }
0x16: {  	s3 =	sld [smem:$0x3FDB];
	s0 =	simm.s32 @p2 $0x1  }
0x17: {  	s4 =	simm.s32 $0x1BF5;
	[smem:$0x3FB7] =	sst s0  }
0x18: {  	s0 =	sld [smem:$0x3F9A];
	_ =	swait.ge [sflag:s4], $0x0  }
0x19: {  	s7 =	sld [smem:$0x3F9B]  }
0x1a: {  	s8 =	sadd.s32 $0xFFFFE003, lr  }
0x1b: {  	s9 =	sadd.s32 $0xFFFFFEF7, lr;
	s5 =	simm.s32 $0xFFFFFFFF;
	p2 =	slt.u32 s8, $0xFFFFF086  }
0x1c: {  	p1 =	slt.u32 s9, $0xF7A;
	s5 =	simm.s32 @!p2 $0x0  }
0x1d: {  	s5 =	simm.s32 @p1 $0x1;
	p0 =	seq.s32 s7, s2  }
0x1e: {  	s7 =	smul.u32 @!p0 $0xF7A, s2;
	p2 =	seq.s32 @!p0 s5, $0x0  }
0x1f: {  	s9 =	smul.u32 $0xF7A, s1;
	s8 =	simm.s32 @!p0 $0x1BF5;
	p2 =	por !p2, p0  }
0x20: {  	[sflag:s8] =	ssyncset.s32 @!p0 $0xFFFFF086;
	s6 =	sadd.s32 @!p0 s3, s7;
	s7 =	simm.s32 @!p0 $0x108  }
0x21: {  	s3 =	sadd.s32 s3, s9;
	s6 =	sadd.s32 @!p0 $0x88, s6;
	s7 =	simm.s32 @p2 $0x1082  }
0x22: {  	[simem:s7], [sflag:s8] =	dma.local @!p0 [hbm:s6], $0xF7A  }
0x23: {  	s9 =	sor.u32 $0xD0000000, s2;
	s6 =	simm.s32 $0x108;
	_ =	swait.ge @!p0 [sflag:s8], $0x0  }
0x24: {  	s3 =	sadd.s32 $0x88, s3;
	s6 =	simm.s32 @!p1 $0x1082;
	[sflag:s4] =	ssyncset.s32 $0xFFFFF086  }
0x25: {  	[simem:s6], [sflag:s4] =	dma.local [hbm:s3], $0xF7A  }
0x26: {  	[smem:$0x3F9B] =	sst s1;
	(tag) =	ssettag s2;
	_ =	strace s9  }
0x27: {  	s1 =	sld [smem:$0x3FAB]  }
0x28: {  	s2 =	sld [smem:$0x3FAC]  }
0x29: {  	s4 =	sld [smem:$0x3FAE]  }
0x2a: {  	p0 =	seq.s32 s5, $0x0;
	s5 =	sld [smem:$0x3FAF]  }
0x2b: {  	s6 =	sld [smem:$0x3FB0]  }
0x2c: {  	s7 =	sld [smem:$0x3FB1]  }
0x2d: {  	s3 =	simm.s32 $0x108;
	s8 =	sld [smem:$0x3FB2]  }
0x2e: {  	s3 =	simm.s32 @!p0 $0x1082;
	s9 =	sld [smem:$0x3FB3]  }
0x2f: {  	lr =	sadd.s32 s0, s3;
	s0 =	sld [smem:$0x3FAA]  }
0x30: {  	s3 =	sld [smem:$0x3FAD]  }
0x31: {  	[smem:$0x3FB6] =	sst s10  }
0x32: {  	s10 =	sld [smem:$0x3FB4];
	_ =	sdelay $0x3  }
0x33: {  	p0 =	seq.s32 s10, $0x1;
	s10 =	sld [smem:$0x3FB6];
	_ =	sdelay $0x3  }
0x34: {  	[smem:$0x3FB6] =	sst s10  }
0x35: {  	s10 =	sld [smem:$0x3FB5];
	_ =	sdelay $0x3  }
0x36: {  	p1 =	seq.s32 s10, $0x1;
	s10 =	sld [smem:$0x3FB6];
	_ =	sdelay $0x3  }
0x37: {  	[smem:$0x3FB6] =	sst s10  }
0x38: {  	s10 =	sld [smem:$0x3FB7]  }
0x39: {  	_ = 	snop;
	(pc) =	sbr.ind lr, $3  }
0x3a: {  	_ = 	snop  }
0x3b: {  	_ = 	snop  }
0x3c: {  	p2 =	seq.s32 s10, $0x1;
	s10 =	sld [smem:$0x3FB6]  }
0x3d: {  	_ =	shalt  }
0x3e: {  	_ =	shalt  }
0x3f: {  	_ =	shalt  }
0x40: {  	_ =	shalt  }
0x41: {  	_ =	shalt  }
0x42: {  	_ =	shalt  }
0x43: {  	_ =	shalt  }
0x44: {  	_ =	shalt  }
0x45: {  	_ =	shalt  }
0x46: {  	_ =	shalt  }
0x47: {  	_ =	shalt  }
0x48: {  	_ =	shalt  }
0x49: {  	_ =	shalt  }
0x4a: {  	_ =	shalt  }
0x4b: {  	_ =	shalt  }
0x4c: {  	_ =	shalt  }
0x4d: {  	_ =	shalt  }
0x4e: {  	_ =	shalt  }
0x4f: {  	_ =	shalt  }
0x50: {  	_ =	shalt  }
0x51: {  	_ =	shalt  }
0x52: {  	_ =	shalt  }
0x53: {  	_ =	shalt  }
0x54: {  	_ =	shalt  }
0x55: {  	_ =	shalt  }
0x56: {  	_ =	shalt  }
0x57: {  	_ =	shalt  }
0x58: {  	_ =	shalt  }
0x59: {  	_ =	shalt  }
0x5a: {  	_ =	shalt  }
0x5b: {  	_ =	shalt  }
0x5c: {  	_ =	shalt  }
0x5d: {  	_ =	shalt  }
0x5e: {  	_ =	shalt  }
0x5f: {  	_ =	shalt  }
0x60: {  	_ =	shalt  }
0x61: {  	_ =	shalt  }
0x62: {  	_ =	shalt  }
0x63: {  	_ =	shalt  }
0x64: {  	_ =	shalt  }
0x65: {  	_ =	shalt  }
0x66: {  	_ =	shalt  }
0x67: {  	_ =	shalt  }
0x68: {  	_ =	shalt  }
0x69: {  	_ =	shalt  }
0x6a: {  	_ =	shalt  }
0x6b: {  	_ =	shalt  }
0x6c: {  	_ =	shalt  }
0x6d: {  	_ =	shalt  }
0x6e: {  	_ =	shalt  }
0x6f: {  	_ =	shalt  }
0x70: {  	_ =	shalt  }
0x71: {  	_ =	shalt  }
0x72: {  	_ =	shalt  }
0x73: {  	_ =	shalt  }
0x74: {  	_ =	shalt  }
0x75: {  	_ =	shalt  }
0x76: {  	_ =	shalt  }
0x77: {  	_ =	shalt  }
0x78: {  	_ =	shalt  }
0x79: {  	_ =	shalt  }
0x7a: {  	_ =	shalt  }
0x7b: {  	_ =	shalt  }
0x7c: {  	_ =	shalt  }
0x7d: {  	_ =	shalt  }
0x7e: {  	_ =	shalt  }
0x7f: {  	_ =	shalt  }
0x80: {  	_ =	shalt  }
0x81: {  	_ =	shalt  }
0x82: {  	_ =	shalt  }
0x83: {  	_ =	shalt  }
0x84: {  	_ =	shalt  }
0x85: {  	_ =	shalt  }
0x86: {  	_ =	shalt  }
0x87: {  	_ =	shalt  }
.Lfunc_end0:
.L_simem_size_0:
called_computation.2_lowered:
.L_overlay_start_0:
0x88: {  	s2 =	sld [smem:$0x3FD9]  }
0x89: {  	s3 =	sld [smem:$0x3FFE];
	_ =	sdelay $0x1  }
0x8a: {  	s1 =	srdreg.scid  }
0x8b: {  	s0 =	sand.u32 $0x1, s1  }
0x8c: {  	s17 =	sshll.u32 s0, $0xA;
	s2 =	sadd.s32 s3, s2  }
0x8d: {  	s2 =	sadd.s32 s2, s17  }
0x8e: {  	[smem:$0x3FC2] =	sst s2  }
0x8f: {  	_ = 	snop  }
0x90: {  	s2 =	sld [smem:$0x3FC6]  }
0x91: {  	s18 =	sld [smem:$0x3FD0];
	(tm) =	ssettm $0x1  }
0x92: {  	s4 =	sld [smem:$0x3FFB];
	_ =	sdelay $0x3  }
0x93: {  	_ =	strace s4  }
0x94: {  	s4 =	sld [smem:$0x3FFC];
	_ =	sdelay $0x3  }
0x95: {  	_ =	strace s4  }
0x96: {  	s4 =	sld [smem:$0x3FFD];
	_ =	sdelay $0x3  }
0x97: {  	_ =	strace s4  }
0x98: {  	_ =	strace $0x8FFFFFFF  }
0x99: {  	s19 =	sld [smem:$0x3FDB];
	_ =	sdelay $0x1  }
0x9a: {  	s5 =	simm.s32 $_scs_section_size  }
0x9b: {  	s6 =	simm.s32 $_size__tile_overlayer_lowered;
	s7 =	simm.s32 $_tile_overlayer_lowered  }
0x9c: {  	s22 =	simm.s32 $0x1BFF;
	s21 =	sshll.u32 s7, $0x1;
	s4 =	sadd.s32 s5, s19  }
0x9d: {  	s8 =	simm.s32 $0x0;
	s20 =	sshll.u32 s6, $0x1;
	s6 =	sadd.s32 s21, s4  }
0x9e: {  	[timem:s8], [sflag:s22] =	dma.local [hbm:s6], s20  }
0x9f: {  	_ =	swait.ge [sflag:s22], s20  }
0xa0: {  	s5 =	ssub.s32 $0x0, s20;
	[sflag:s22] =	ssyncset.done $0x0  }
0xa1: {  	[sflag:s22] =	ssyncadd.s32 s5;
	_ =	sdelay $0x1  }
0xa2: {  	s23 =	simm.s32 $0x1B8B  }
0xa3: {  	_ =	swait.ge [sflag:s23], $0x1  }
0xa4: {  	[sflag:s23] =	ssyncset.done $0x0  }
0xa5: {  	s25 =	simm.s32 $0x1B8E;
	s24 =	sld [smem:$0x3FFE];
	[sflag:s23] =	ssyncadd.s32 $0xFFFFFFFF  }
0xa6: {  	s26 =	simm.s32 $execute0_lowered;
	[smem:$0x3FD2] =	sst s25  }
0xa7: {  	s6 =	sshll.u32 s26, $0x1;
	_ =	strace $0x8000004C;
	[dreg:$0x1] =	wrdreg $0xFFFFFFFF  }
0xa8: {  	s28 =	simm.s32 $_size_execute0_lowered;
	s4 =	sadd.s32 s4, s6;
	[dreg:$0x0] =	wrdreg $0x0  }
0xa9: {  	s6 =	sshll.u32 s28, $0x1;
	[dreg:$0x2] =	wrdreg s4  }
0xaa: {  	[dreg:$0x3] =	wrdreg s6  }
0xab: {  	[dreg:$0x4] =	wrdreg $0xC0  }
0xac: {  	_ =	task [dreg:s8], $0x5FFFF  }
0xad: {  	[dreg:$0x1] =	wrdreg $0xFFFFFFFF  }
0xae: {  	[dreg:$0x0] =	wrdreg $0x60  }
0xaf: {  	[dreg:$0x2] =	wrdreg s24  }
0xb0: {  	[dreg:$0x3] =	wrdreg s2  }
0xb1: {  	[dreg:$0x4] =	wrdreg s18  }
0xb2: {  	[dreg:$0x5] =	wrdreg $0x190200  }
0xb3: {  	[dreg:$0x6] =	wrdreg $0x140200  }
0xb4: {  	[dreg:$0x7] =	wrdreg $0x9  }
0xb5: {  	_ =	task.clear_ibuf [dreg:s8], $0x8FFFF;
	_ =	strace $0x9000004C  }
0xb6: {  	s29 =	simm.s32 $0x9;
	_ =	strace $0x8000004E  }
0xb7: {  	_ =	swait.ge [sflag:s29], $0x1  }
0xb8: {  	[sflag:s29] =	ssyncadd.s32 $0xFFFFFFFF  }
0xb9: {  	_ =	strace $0x9000004E  }
0xba: {  	_ =	sfence  }
0xbb: {  	s30 =	sld [smem:$0x0];
	_ =	sdelay $0x2  }
0xbc: {  	s31 =	sshll.u32 s1, $0xD;
	s1 =	sshrl.u32 s1, $0x2  }
0xbd: {  	s3 =	sand.u32 $0x4000, s31;
	s1 =	sadd.s32 s1, s30  }
0xbe: {  	s0 =	sor.u32 s3, s0;
	s1 =	sshll.u32 s1, $0x11  }
0xbf: {  	s0 =	sor.u32 s1, s0  }
0xc0: {  	s0 =	sadd.s32 $0x8F2B, s0  }
0xc1: {  	[sflag:s0] =	ssyncadd.remote.s32 $0x1  }
0xc2: {  	_ =	sfence.sel $0xFFFF  }
0xc3: {  	[dreg:$0x0] =	wrdreg $0xFFFFFFFF;
	(pc) =	sbr.abs _section_cstart, $3  }
0xc4: {  	[dreg:$0x1] =	wrdreg $0xFFFFFFFF  }
0xc5: {  	_ =	task.clear_ibuf [dreg:s8], $0x2FFFF;
	_ =	strace $0x9FFFFFFF  }
0xc6: {  	(tm) =	ssettm $0x7FFFFFFF  }
0xc7: {  	_ =	shalt  }
tec
execute0_lowered:
.L_overlay_start_1:
0x0: {  	(tag) =	ssettag $0x1  }
0x1: {  	s0 =	rddreg [dreg:$0x0]  }
0x2: {  	s1 =	rddreg [dreg:$0x2];
	s2 =	srdreg.scid  }
0x3: {  	s3 =	simm.s32 $0x0;
	s15 =	stileid.u32;
	s28 =	rddreg [dreg:$0x3]  }
0x4: {  	[smem:$0x7FF] =	sst s3;
	s2 =	sand.u32 $0x1, s2;
	s5 =	smul.u32 $0x5000, s15  }
0x5: {  	s29 =	sadd.s32 $0x1FE00, s0;
	s6 =	sadd.s32 $0x15E00, s0;
	s8 =	sshll.u32 s15, $0x1  }
0x6: {  	s16 =	sor.u32 s2, s8;
	s17 =	sshrl.u32 s5, $0x3;
	s9 =	sadd.s32 $0x1000, s5  }
0x7: {  	s10 =	sadd.s32 $0x2000, s5;
	s22 =	sadd.s32 $0x3000, s5;
	s13 =	sadd.s32 $0x4000, s5  }
0x8: {  	s19 =	sadd.s32 s29, s17;
	s8 =	sadd.s32 s6, s17;
	s18 =	sshrl.u32 s9, $0x3  }
0x9: {  	s20 =	sshrl.u32 s10, $0x3;
	s23 =	sshrl.u32 s22, $0x3;
	s24 =	sshrl.u32 s13, $0x3  }
0xa: {  	[dreg:$0x7] =	wrdreg s8;
	s11 =	sadd.s32 s29, s18;
	s21 =	sadd.s32 s29, s20  }
0xb: {  	s14 =	sadd.s32 s29, s23;
	s3 =	sadd.s32 s29, s24;
	s29 =	rddreg [dreg:$0x4]  }
0xc: {  	s8 =	sadd.s32 s6, s18;
	[dreg:$0x8] =	wrdreg s11  }
0xd: {  	s4 =	ssub.s32 $0x2, s2;
	[dreg:$0x9] =	wrdreg s8  }
0xe: {  	s12 =	smul.u32 $0x50000, s2;
	s7 =	sshrl.u32 s4, $0x1;
	[dreg:$0xa] =	wrdreg s21  }
0xf: {  	s4 =	ssub.s32 s4, s7;
	s7 =	smul.u32 $0xFFFFFFB0, s16;
	[dreg:$0xc] =	wrdreg s14  }
0x10: {  	s25 =	sadd.s32 s5, s12;
	s8 =	sadd.s32 s6, s20;
	[dreg:$0xe] =	wrdreg s3  }
0x11: {  	s11 =	sadd.s32 s6, s23;
	s3 =	sshrl.u32 s25, $0x3;
	[dreg:$0xb] =	wrdreg s8  }
0x12: {  	s6 =	sadd.s32 s6, s24;
	p0 =	slt.s32 s7, $0xFFFFF68C;
	[dreg:$0xd] =	wrdreg s11  }
0x13: {  	[dreg:$0xf] =	wrdreg s6;
	s1 =	sadd.s32 s1, s3;
	s7 =	simm.s32 @!p0 $0xFFFFF68C  }
0x14: {  	[dreg:$0x10] =	wrdreg s1;
	s6 =	sadd.s32 $0x9C4, s7  }
0x15: {  	s11 =	sadd.s32 s10, s28;
	_ =	strace $0x8000004D;
	[smem:$0x7FA] =	sst s6  }
0x16: {  	s12 =	sadd.s32 s22, s28;
	[dreg:$0x12] =	wrdreg s11  }
0x17: {  	s14 =	sadd.s32 s13, s28;
	[dreg:$0x13] =	wrdreg s12  }
0x18: {  	s16 =	sadd.s32 s5, s28;
	[dreg:$0x14] =	wrdreg s14  }
0x19: {  	s31 =	simm.s32 $0x5;
	s3 =	sadd.s32 s5, s29;
	[dreg:$0x16] =	wrdreg s16  }
0x1a: {  	s30 =	simm.s32 $0xC;
	s20 =	smax.u32 s4, $0x1;
	[dreg:$0x17] =	wrdreg s3  }
0x1b: {  	s15 =	smul.u32 $0xA0, s15;
	s22 =	sadd.s32 $0xA000, s19;
	[dreg:$0x18] =	wrdreg s20  }
0x1c: {  	s26 =	smul.u32 $0xFFFFFFB0, s2;
	s23 =	sadd.s32 $0xA200, s19;
	[dreg:$0x1c] =	wrdreg s22  }
0x1d: {  	s17 =	sadd.s32 $0x2400, s0;
	s24 =	sadd.s32 $0xA400, s19;
	[dreg:$0x1d] =	wrdreg s23  }
0x1e: {  	s25 =	sadd.s32 $0xA600, s19;
	s13 =	simm.s32 $0x8000;
	[dreg:$0x1e] =	wrdreg s24  }
0x1f: {  	s4 =	simm.s32 $0xC000;
	s10 =	simm.s32 $0x4;
	[dreg:$0x1f] =	wrdreg s25  }
0x20: {  	s1 =	ssub.s32 s26, s15;
	s26 =	sadd.s32 $0xA800, s19;
	[dreg:$0x6] =	wrdreg s19  }
0x21: {  	p0 =	slt.s32 s1, $0xFFFFF68C;
	[smem:$0x7FB] =	sst s26;
	s20 =	simm.s32 $0xB000  }
0x22: {  	s24 =	simm.s32 $0x1;
	s22 =	simm.s32 $0x2;
	s26 =	simm.s32 $0x3  }
0x23: {  	s23 =	simm.s32 $0x7;
	s25 =	simm.s32 $0xB;
	s3 =	simm.s32 $0x80  }
0x24: {  	[smem:$0x7FD] =	sst s17;
	s1 =	simm.s32 @!p0 $0xFFFFF68C;
	p0 =	slt.u32 s7, $0xFFFFF68C  }
0x25: {  	s7 =	sadd.s32 s9, s28;
	s9 =	smul.u32 $0x2800, s2;
	s2 =	simm.s32 $0xF000  }
0x26: {  	[dreg:$0x11] =	wrdreg s7;
	s18 =	sshll.u32 s1, $0x9;
	s1 =	sadd.s32 $0x9C3, s1  }
0x27: {  	s15 =	sadd.s32 s9, s5;
	s0 =	sshra.s32 s18, $0x2;
	[dreg:$0x19] =	wrdreg s1  }
0x28: {  	s5 =	simm.s32 $0x6;
	s21 =	sadd.s32 $0x4E200, s0;
	[dreg:$0x15] =	wrdreg s15  }
0x29: {  	s1 =	simm.s32 $0x0;
	s0 =	sadd.s32 $0x50A00, s0;
	[dreg:$0x1a] =	wrdreg s21  }
0x2a: {  	s9 =	simm.s32 $0xB000;
	s29 =	sadd.s32 $0x4E200, s15;
	[dreg:$0x1b] =	wrdreg s0  }
0x2b: {  	v0 =	vimm.s32 $0x2710;
	v1 =	vimm.f32 $0.0e+00;
	s15 =	simm.s32 $0x9000;
	[smem:$0x7FC] =	sst s29;
	s0 =	simm.s32 $0xA000  }
.LBB2_1:
0x2c: {  	s8 =	sld [smem:$0x7FA];
	_ =	sdelay $0x2  }
0x2d: {  	p1 =	sgt.u32 s8, $0x1  }
.Ltmp0:
0x2e: {  	_ = 	snop;
	(pc) =	sbr.rel @!p1 .LBB2_3-.Ltmp0, $4  }
0x2f: {  	_ = 	snop  }
0x30: {  	s16 =	smov.u32 s28;
	s6 =	rddreg [dreg:$0x15];
	s11 =	simm.s32 $0x1  }
0x31: {  	s28 =	simm.s32 $0x0;
	s14 =	sshrl.u32 s6, $0x3;
	s21 =	sadd.s32 $0x80, s6  }
0x32: {  	s6 =	simm.s32 $0x0;
	s29 =	sadd.s32 s17, s14;
	s14 =	simm.s32 $0x80  }
.LBB2_2:
0x33: {  	[tilespmem:s28], [sflag:$0x8] =	stream.linear.gather [hbm4b:s29+s6], $0x80, $0x38;
	[tilespmem:$0x1E020] =	vst v63  }
0x34: {  	s11 =	sadd.s32 $0x1, s11  }
0x35: {  	p1 =	slt.u32 s11, s8  }
.Ltmp1:
0x36: {  	s28 =	smov.u32 s14;
	(pc) =	sbr.rel @p1 .LBB2_2-.Ltmp1, $3  }
0x37: {  	_ =	sdelay $0x1  }
0x38: {  	s29 =	sshrl.u32 s21, $0x3  }
0x39: {  	s14 =	sadd.s32 $0x80, s14;
	s21 =	sadd.s32 $0x80, s21;
	s29 =	sadd.s32 s17, s29  }
.LBB2_3:
.Ltmp2:
0x3a: {  	(pc) =	sbr.rel @!p0 .LBB2_4-.Ltmp2, $2  }
0x3b: {  	_ =	sdelay $0x2  }
0x3c: {  	[tilespmem:s28], [sflag:$0x8] =	stream.linear.gather [hbm4b:s29+s6], $0x80, $0x38;
	[tilespmem:$0x1E020] =	vst v63  }
0x3d: {  	s14 =	rddreg [dreg:$0x1a]  }
0x3e: {  	s6 =	rddreg [dreg:$0x19]  }
0x3f: {  	[tilespmem:s14+$0x0] =	vst v0;
	s11 =	sadd.s32 $0x1, s6  }
0x40: {  	[tilespmem:s14+$0x70] =	vst v0;
	p1 =	slt.u32 s11, $0x4F  }
.Ltmp3:
0x41: {  	[tilespmem:s14+$0x60] =	vst v0;
	(pc) =	sbr.rel @!p1 .LBB2_32-.Ltmp3, $4  }
0x42: {  	[tilespmem:s14+$0x50] =	vst v0  }
0x43: {  	[tilespmem:s14+$0x40] =	vst v0  }
0x44: {  	[tilespmem:s14+$0x30] =	vst v0  }
0x45: {  	[tilespmem:s14+$0x20] =	vst v0  }
.LBB2_31:
0x46: {  	s11 =	sadd.s32 $0x1, s11;
	[tilespmem:s14+$0x10] =	vst v0;
	s14 =	sadd.s32 $0x80, s14  }
0x47: {  	[tilespmem:s14+$0x0] =	vst v0;
	p1 =	slt.u32 s11, $0x4F  }
0x48: {  	[tilespmem:s14+$0x70] =	vst v0  }
.Ltmp4:
0x49: {  	[tilespmem:s14+$0x60] =	vst v0;
	(pc) =	sbr.rel @p1 .LBB2_31-.Ltmp4, $4  }
0x4a: {  	[tilespmem:s14+$0x50] =	vst v0  }
0x4b: {  	[tilespmem:s14+$0x40] =	vst v0  }
0x4c: {  	[tilespmem:s14+$0x30] =	vst v0  }
0x4d: {  	[tilespmem:s14+$0x20] =	vst v0  }
.LBB2_32:
0x4e: {  	[tilespmem:s14+$0x10] =	vst v0  }
.LBB2_4:
0x4f: {  	p1 =	sgt.u32 s8, $0x1  }
.Ltmp5:
0x50: {  	s6 =	sld [smem:$0x7FC];
	(pc) =	sbr.rel @!p1 .LBB2_6-.Ltmp5, $4  }
0x51: {  	_ = 	snop  }
0x52: {  	s11 =	simm.s32 $0x2800  }
0x53: {  	s14 =	simm.s32 $0x1;
	s28 =	simm.s32 $0x2880;
	s21 =	sshrl.u32 s6, $0x3  }
0x54: {  	s29 =	sadd.s32 s17, s21;
	s21 =	sadd.s32 $0x80, s6;
	s6 =	simm.s32 $0x0  }
.LBB2_5:
0x55: {  	[tilespmem:s11], [sflag:$0x4] =	stream.linear.gather [hbm4b:s29+s6], $0x80, $0x38;
	[tilespmem:$0x1E020] =	vst v63  }
0x56: {  	s14 =	sadd.s32 $0x1, s14  }
0x57: {  	p1 =	slt.u32 s14, s8  }
.Ltmp6:
0x58: {  	s11 =	smov.u32 s28;
	(pc) =	sbr.rel @p1 .LBB2_5-.Ltmp6, $3  }
0x59: {  	_ =	sdelay $0x1  }
0x5a: {  	s29 =	sshrl.u32 s21, $0x3  }
0x5b: {  	s21 =	sadd.s32 $0x80, s21;
	s28 =	sadd.s32 $0x80, s28;
	s29 =	sadd.s32 s17, s29  }
.LBB2_6:
.Ltmp7:
0x5c: {  	(pc) =	sbr.rel @!p0 .LBB2_10-.Ltmp7, $3  }
0x5d: {  	_ =	sdelay $0x1  }
0x5e: {  	[tilespmem:s11], [sflag:$0x4] =	stream.linear.gather [hbm4b:s29+s6], $0x80, $0x38;
	[tilespmem:$0x1E020] =	vst v63  }
0x5f: {  	s28 =	simm.s32 $0x0;
	s29 =	simm.s32 $0x6000  }
0x60: {  	s14 =	rddreg [dreg:$0x1b]  }
0x61: {  	s6 =	rddreg [dreg:$0x19]  }
0x62: {  	[tilespmem:s14+$0x0] =	vst v0;
	s11 =	sadd.s32 $0x1, s6  }
0x63: {  	[tilespmem:s14+$0x70] =	vst v0;
	p1 =	slt.u32 s11, $0x4F  }
.Ltmp8:
0x64: {  	[tilespmem:s14+$0x60] =	vst v0;
	(pc) =	sbr.rel @!p1 .LBB2_9-.Ltmp8, $4  }
0x65: {  	[tilespmem:s14+$0x50] =	vst v0  }
0x66: {  	[tilespmem:s14+$0x40] =	vst v0  }
0x67: {  	[tilespmem:s14+$0x30] =	vst v0  }
0x68: {  	[tilespmem:s14+$0x20] =	vst v0  }
.LBB2_8:
0x69: {  	s11 =	sadd.s32 $0x1, s11;
	[tilespmem:s14+$0x10] =	vst v0;
	s14 =	sadd.s32 $0x80, s14  }
0x6a: {  	[tilespmem:s14+$0x0] =	vst v0;
	p1 =	slt.u32 s11, $0x4F  }
0x6b: {  	[tilespmem:s14+$0x70] =	vst v0  }
.Ltmp9:
0x6c: {  	[tilespmem:s14+$0x60] =	vst v0;
	(pc) =	sbr.rel @p1 .LBB2_8-.Ltmp9, $4  }
0x6d: {  	[tilespmem:s14+$0x50] =	vst v0  }
0x6e: {  	[tilespmem:s14+$0x40] =	vst v0  }
0x6f: {  	[tilespmem:s14+$0x30] =	vst v0  }
0x70: {  	[tilespmem:s14+$0x20] =	vst v0  }
.LBB2_9:
0x71: {  	[tilespmem:s14+$0x10] =	vst v0  }
.LBB2_10:
0x72: {  	s11 =	simm.s32 $0x0  }
0x73: {  	s14 =	rddreg [dreg:$0x1];
	s6 =	simm.s32 $0x14000;
	s19 =	simm.s32 $0x15  }
0x74: {  	[tilespmem:s6], [sflag:$0x15] =	stream.linear.gather [hbm4b:s14+s11], $0x20, $0x38;
	[tilespmem:$0x1E020] =	vst v63  }
0x75: {  	_ =	swait.ge [sflag:s19], $0x20  }
0x76: {  	[sflag:s19] =	ssyncset.done $0x0  }
0x77: {  	s7 =	simm.s32 $0x5000;
	s21 =	rddreg [dreg:$0x6];
	[sflag:s19] =	ssyncadd.s32 $0xFFFFFFE0  }
0x78: {  	[tilespmem:s7], [sflag:$0x1] =	stream.linear.gather [hbm4b:s21+s11], $0x1000, $0x38;
	[tilespmem:$0x1E020] =	vst v63  }
0x79: {  	s12 =	rddreg [dreg:$0x1c]  }
0x7a: {  	[tilespmem:s29], [sflag:$0x2] =	stream.linear.gather [hbm4b:s12+s11], $0x1000, $0x38;
	[tilespmem:$0x1E020] =	vst v63  }
0x7b: {  	s17 =	simm.s32 $0x7000;
	s14 =	rddreg [dreg:$0x7]  }
0x7c: {  	[tilespmem:s17], [sflag:$0x3] =	stream.linear.gather [hbm4b:s14+s11], $0x1000, $0x38;
	[tilespmem:$0x1E020] =	vst v63  }
0x7d: {  	s18 =	rddreg [dreg:$0x8]  }
0x7e: {  	[tilespmem:s15], [sflag:$0x5] =	stream.linear.gather [hbm4b:s18+s11], $0x1000, $0x38;
	[tilespmem:$0x1E020] =	vst v63  }
0x7f: {  	s19 =	rddreg [dreg:$0x1d]  }
0x80: {  	[tilespmem:s0], [sflag:$0x6] =	stream.linear.gather [hbm4b:s19+s11], $0x1000, $0x38;
	[tilespmem:$0x1E020] =	vst v63  }
0x81: {  	s21 =	rddreg [dreg:$0x9]  }
0x82: {  	[tilespmem:s20], [sflag:$0x7] =	stream.linear.gather [hbm4b:s21+s11], $0x1000, $0x38;
	[tilespmem:$0x1E020] =	vst v63  }
0x83: {  	s14 =	simm.s32 $0x0;
	s11 =	simm.s32 $0x80  }
.LBB2_11:
0x84: {  	p1 =	sne.s32 s11, $0x13F80;
	[tilespmem:s14+$0xF000] =	vst v1;
	s21 =	smov.u32 s11;
	s11 =	sadd.s32 $0x80, s11  }
.Ltmp10:
0x85: {  	[tilespmem:s14+$0xF010] =	vst v1;
	(pc) =	sbr.rel @p1 .LBB2_11-.Ltmp10, $2  }
0x86: {  	_ =	sdelay $0x2  }
0x87: {  	s14 =	sshra.s32 s21, $0x2  }
0x88: {  	[tilespmem:s14+$0xF000] =	vst v1  }
0x89: {  	[tilespmem:s14+$0xF010] =	vst v1  }
0x8a: {  	_ =	swait.ge [sflag:s24], $0x1000  }
0x8b: {  	[sflag:s24] =	ssyncset.done $0x0  }
0x8c: {  	[sflag:s24] =	ssyncadd.s32 $0xFFFFF000  }
0x8d: {  	_ =	swait.ge [sflag:s22], $0x1000  }
0x8e: {  	[sflag:s22] =	ssyncset.done $0x0  }
0x8f: {  	[sflag:s22] =	ssyncadd.s32 $0xFFFFF000  }
0x90: {  	_ =	swait.ge [sflag:s26], $0x1000  }
0x91: {  	[sflag:s26] =	ssyncset.done $0x0  }
0x92: {  	s11 =	simm.s32 $0x0;
	[sflag:s26] =	ssyncadd.s32 $0xFFFFF000  }
0x93: {  	v2 =	vld [tilespmem:s11+$0x5000]  }
0x94: {  	v3 =	vld [tilespmem:s11+$0x6000];
	_ =	sdelay $0x1  }
0x95: {  	v4 =	vld [tilespmem:s11+$0x7000];
	_ =	sdelay $0x1  }
0x96: {  	v5 =	vld [tilespmem:$0x14000]  }
0x97: {  	v2 =	vadd.f32 v3, v2;
	_ =	sdelay $0x1  }
0x98: {  	v2 =	vmul.f32 v2, v4;
	_ =	sdelay $0x1  }
0x99: {  	v2 =	vadd.f32 v2, v5  }
0x9a: {  	v3 =	vld [tilespmem:s11+$0x5010]  }
0x9b: {  	v5 =	vld [tilespmem:s11+$0x6010];
	v2 =	vmax.f32 v2, $0.0e+00  }
0x9c: {  	v4 =	vmul.f32 v2, v4  }
0x9d: {  	v2 =	vld [tilespmem:s11+$0x7010]  }
0x9e: {  	[tilespmem:s11+$0x8000] =	vst v4  }
0x9f: {  	v4 =	vld [tilespmem:$0x14010]  }
0xa0: {  	v3 =	vadd.f32 v5, v3;
	_ =	sdelay $0x1  }
0xa1: {  	v3 =	vmul.f32 v3, v2;
	_ =	sdelay $0x1  }
0xa2: {  	s21 =	simm.s32 $0x20;
	v4 =	vadd.f32 v3, v4  }
0xa3: {  	s14 =	simm.s32 $0x100;
	v3 =	vld [tilespmem:s21+$0x5000]  }
.LBB2_13:
0xa4: {  	p1 =	sne.s32 s14, $0x3F80;
	v5 =	vld [tilespmem:s21+$0x6000];
	v4 =	vmax.f32 v4, $0.0e+00  }
0xa5: {  	v2 =	vmul.f32 v4, v2  }
0xa6: {  	v4 =	vld [tilespmem:s21+$0x7000]  }
0xa7: {  	[tilespmem:s11+$0x8010] =	vst v2;
	s11 =	smov.u32 s21  }
0xa8: {  	v2 =	vld [tilespmem:$0x14000]  }
0xa9: {  	v3 =	vadd.f32 v5, v3;
	_ =	sdelay $0x1  }
0xaa: {  	v3 =	vmul.f32 v3, v4;
	_ =	sdelay $0x1  }
0xab: {  	v2 =	vadd.f32 v3, v2  }
0xac: {  	v3 =	vld [tilespmem:s11+$0x5010]  }
0xad: {  	v2 =	vmax.f32 v2, $0.0e+00;
	v5 =	vld [tilespmem:s11+$0x6010]  }
0xae: {  	v4 =	vmul.f32 v2, v4  }
0xaf: {  	v2 =	vld [tilespmem:s11+$0x7010]  }
0xb0: {  	[tilespmem:s11+$0x8000] =	vst v4  }
0xb1: {  	v4 =	vld [tilespmem:$0x14010]  }
0xb2: {  	v3 =	vadd.f32 v5, v3  }
.Ltmp11:
0xb3: {  	(pc) =	sbr.rel @p1 .LBB2_13-.Ltmp11, $3  }
0xb4: {  	v3 =	vmul.f32 v3, v2;
	_ =	sdelay $0x1  }
0xb5: {  	s21 =	sshra.s32 s14, $0x2;
	v4 =	vadd.f32 v3, v4  }
0xb6: {  	s14 =	sadd.s32 $0x80, s14;
	v3 =	vld [tilespmem:s21+$0x5000]  }
0xb7: {  	v5 =	vld [tilespmem:s21+$0x6000];
	v4 =	vmax.f32 v4, $0.0e+00  }
0xb8: {  	v2 =	vmul.f32 v4, v2  }
0xb9: {  	v4 =	vld [tilespmem:s21+$0x7000]  }
0xba: {  	[tilespmem:s11+$0x8010] =	vst v2  }
0xbb: {  	v2 =	vld [tilespmem:$0x14000]  }
0xbc: {  	v3 =	vadd.f32 v5, v3;
	_ =	sdelay $0x1  }
0xbd: {  	v3 =	vmul.f32 v3, v4;
	_ =	sdelay $0x1  }
0xbe: {  	v2 =	vadd.f32 v3, v2  }
0xbf: {  	v5 =	vld [tilespmem:s21+$0x6010]  }
0xc0: {  	v3 =	vld [tilespmem:s21+$0x5010];
	v2 =	vmax.f32 v2, $0.0e+00  }
0xc1: {  	v2 =	vmul.f32 v2, v4  }
0xc2: {  	v4 =	vld [tilespmem:s21+$0x7010]  }
0xc3: {  	[tilespmem:s21+$0x8000] =	vst v2  }
0xc4: {  	v2 =	vld [tilespmem:$0x14010]  }
0xc5: {  	v3 =	vadd.f32 v5, v3;
	_ =	sdelay $0x1  }
0xc6: {  	v3 =	vmul.f32 v3, v4;
	_ =	sdelay $0x1  }
0xc7: {  	v2 =	vadd.f32 v3, v2;
	_ =	sdelay $0x1  }
0xc8: {  	v2 =	vmax.f32 v2, $0.0e+00  }
0xc9: {  	v2 =	vmul.f32 v2, v4;
	_ =	sdelay $0x1  }
0xca: {  	s6 =	rddreg [dreg:$0x16];
	[tilespmem:s21+$0x8010] =	vst v2  }
0xcb: {  	[spmem:s6] =	stream.linear.scatter [tilespmem:s13], [sflag:$0xB], $0x1000, $0x38;
	[tilespmem:$0x1E020] =	vst v63  }
0xcc: {  	s12 =	simm.s32 $0x0;
	s17 =	rddreg [dreg:$0xa];
	s14 =	simm.s32 $0x5000  }
0xcd: {  	[tilespmem:s14], [sflag:$0x1] =	stream.linear.gather [hbm4b:s17+s12], $0x1000, $0x38;
	[tilespmem:$0x1E020] =	vst v63  }
0xce: {  	s18 =	rddreg [dreg:$0x1e]  }
0xcf: {  	[tilespmem:s29], [sflag:$0x2] =	stream.linear.gather [hbm4b:s18+s12], $0x1000, $0x38;
	[tilespmem:$0x1E020] =	vst v63  }
0xd0: {  	s19 =	rddreg [dreg:$0xb];
	s21 =	simm.s32 $0x7000  }
0xd1: {  	[tilespmem:s21], [sflag:$0x3] =	stream.linear.gather [hbm4b:s19+s12], $0x1000, $0x38;
	[tilespmem:$0x1E020] =	vst v63  }
0xd2: {  	_ =	swait.ge [sflag:s31], $0x1000  }
0xd3: {  	[sflag:s31] =	ssyncset.done $0x0  }
0xd4: {  	[sflag:s31] =	ssyncadd.s32 $0xFFFFF000  }
0xd5: {  	_ =	swait.ge [sflag:s5], $0x1000  }
0xd6: {  	[sflag:s5] =	ssyncset.done $0x0  }
0xd7: {  	[sflag:s5] =	ssyncadd.s32 $0xFFFFF000  }
0xd8: {  	_ =	swait.ge [sflag:s23], $0x1000  }
0xd9: {  	[sflag:s23] =	ssyncset.done $0x0  }
0xda: {  	s11 =	simm.s32 $0x0;
	[sflag:s23] =	ssyncadd.s32 $0xFFFFF000  }
0xdb: {  	v2 =	vld [tilespmem:s11+$0x9000]  }
0xdc: {  	v3 =	vld [tilespmem:s11+$0xA000];
	_ =	sdelay $0x1  }
0xdd: {  	v4 =	vld [tilespmem:s11+$0xB000];
	_ =	sdelay $0x1  }
0xde: {  	v5 =	vld [tilespmem:$0x14000]  }
0xdf: {  	v2 =	vadd.f32 v3, v2;
	_ =	sdelay $0x1  }
0xe0: {  	v2 =	vmul.f32 v2, v4;
	_ =	sdelay $0x1  }
0xe1: {  	v2 =	vadd.f32 v2, v5  }
0xe2: {  	v3 =	vld [tilespmem:s11+$0x9010]  }
0xe3: {  	v5 =	vld [tilespmem:s11+$0xA010];
	v2 =	vmax.f32 v2, $0.0e+00  }
0xe4: {  	v4 =	vmul.f32 v2, v4  }
0xe5: {  	v2 =	vld [tilespmem:s11+$0xB010]  }
0xe6: {  	[tilespmem:s11+$0xC000] =	vst v4  }
0xe7: {  	v4 =	vld [tilespmem:$0x14010]  }
0xe8: {  	v3 =	vadd.f32 v5, v3;
	_ =	sdelay $0x1  }
0xe9: {  	v3 =	vmul.f32 v3, v2;
	_ =	sdelay $0x1  }
0xea: {  	s21 =	simm.s32 $0x20;
	v4 =	vadd.f32 v3, v4  }
0xeb: {  	s14 =	simm.s32 $0x100;
	v3 =	vld [tilespmem:s21+$0x9000]  }
.LBB2_15:
0xec: {  	p1 =	sne.s32 s14, $0x3F80;
	v5 =	vld [tilespmem:s21+$0xA000];
	v4 =	vmax.f32 v4, $0.0e+00  }
0xed: {  	v2 =	vmul.f32 v4, v2  }
0xee: {  	v4 =	vld [tilespmem:s21+$0xB000]  }
0xef: {  	[tilespmem:s11+$0xC010] =	vst v2;
	s11 =	smov.u32 s21  }
0xf0: {  	v2 =	vld [tilespmem:$0x14000]  }
0xf1: {  	v3 =	vadd.f32 v5, v3;
	_ =	sdelay $0x1  }
0xf2: {  	v3 =	vmul.f32 v3, v4;
	_ =	sdelay $0x1  }
0xf3: {  	v2 =	vadd.f32 v3, v2  }
0xf4: {  	v3 =	vld [tilespmem:s11+$0x9010]  }
0xf5: {  	v2 =	vmax.f32 v2, $0.0e+00;
	v5 =	vld [tilespmem:s11+$0xA010]  }
0xf6: {  	v4 =	vmul.f32 v2, v4  }
0xf7: {  	v2 =	vld [tilespmem:s11+$0xB010]  }
0xf8: {  	[tilespmem:s11+$0xC000] =	vst v4  }
0xf9: {  	v4 =	vld [tilespmem:$0x14010]  }
0xfa: {  	v3 =	vadd.f32 v5, v3  }
.Ltmp12:
0xfb: {  	(pc) =	sbr.rel @p1 .LBB2_15-.Ltmp12, $3  }
0xfc: {  	v3 =	vmul.f32 v3, v2;
	_ =	sdelay $0x1  }
0xfd: {  	s21 =	sshra.s32 s14, $0x2;
	v4 =	vadd.f32 v3, v4  }
0xfe: {  	s14 =	sadd.s32 $0x80, s14;
	v3 =	vld [tilespmem:s21+$0x9000]  }
0xff: {  	v5 =	vld [tilespmem:s21+$0xA000];
	v4 =	vmax.f32 v4, $0.0e+00  }
0x100: {  	v2 =	vmul.f32 v4, v2  }
0x101: {  	v4 =	vld [tilespmem:s21+$0xB000]  }
0x102: {  	[tilespmem:s11+$0xC010] =	vst v2  }
0x103: {  	v2 =	vld [tilespmem:$0x14000]  }
0x104: {  	v3 =	vadd.f32 v5, v3;
	_ =	sdelay $0x1  }
0x105: {  	v3 =	vmul.f32 v3, v4;
	_ =	sdelay $0x1  }
0x106: {  	v2 =	vadd.f32 v3, v2  }
0x107: {  	v5 =	vld [tilespmem:s21+$0xA010]  }
0x108: {  	v3 =	vld [tilespmem:s21+$0x9010];
	v2 =	vmax.f32 v2, $0.0e+00  }
0x109: {  	v2 =	vmul.f32 v2, v4  }
0x10a: {  	v4 =	vld [tilespmem:s21+$0xB010]  }
0x10b: {  	[tilespmem:s21+$0xC000] =	vst v2  }
0x10c: {  	v2 =	vld [tilespmem:$0x14010]  }
0x10d: {  	v3 =	vadd.f32 v5, v3;
	_ =	sdelay $0x1  }
0x10e: {  	v3 =	vmul.f32 v3, v4;
	_ =	sdelay $0x1  }
0x10f: {  	v2 =	vadd.f32 v3, v2;
	_ =	sdelay $0x1  }
0x110: {  	v2 =	vmax.f32 v2, $0.0e+00  }
0x111: {  	v2 =	vmul.f32 v2, v4;
	_ =	sdelay $0x1  }
0x112: {  	s6 =	rddreg [dreg:$0x11];
	[tilespmem:s21+$0xC010] =	vst v2  }
0x113: {  	[spmem:s6] =	stream.linear.scatter [tilespmem:s4], [sflag:$0xC], $0x1000, $0x38;
	[tilespmem:$0x1E020] =	vst v63  }
0x114: {  	s17 =	simm.s32 $0x0;
	s18 =	rddreg [dreg:$0xc]  }
0x115: {  	[tilespmem:s15], [sflag:$0x5] =	stream.linear.gather [hbm4b:s18+s17], $0x1000, $0x38;
	[tilespmem:$0x1E020] =	vst v63  }
0x116: {  	s19 =	rddreg [dreg:$0x1f]  }
0x117: {  	[tilespmem:s0], [sflag:$0x6] =	stream.linear.gather [hbm4b:s19+s17], $0x1000, $0x38;
	[tilespmem:$0x1E020] =	vst v63  }
0x118: {  	s21 =	rddreg [dreg:$0xd]  }
0x119: {  	[tilespmem:s20], [sflag:$0x7] =	stream.linear.gather [hbm4b:s21+s17], $0x1000, $0x38;
	[tilespmem:$0x1E020] =	vst v63  }
0x11a: {  	_ =	swait.ge [sflag:s24], $0x1000  }
0x11b: {  	[sflag:s24] =	ssyncset.done $0x0  }
0x11c: {  	[sflag:s24] =	ssyncadd.s32 $0xFFFFF000  }
0x11d: {  	_ =	swait.ge [sflag:s22], $0x1000  }
0x11e: {  	[sflag:s22] =	ssyncset.done $0x0  }
0x11f: {  	[sflag:s22] =	ssyncadd.s32 $0xFFFFF000  }
0x120: {  	_ =	swait.ge [sflag:s26], $0x1000  }
0x121: {  	[sflag:s26] =	ssyncset.done $0x0  }
0x122: {  	[sflag:s26] =	ssyncadd.s32 $0xFFFFF000  }
0x123: {  	_ =	swait.ge [sflag:s25], $0x1000  }
0x124: {  	[sflag:s25] =	ssyncset.done $0x0  }
0x125: {  	s11 =	simm.s32 $0x0;
	[sflag:s25] =	ssyncadd.s32 $0xFFFFF000  }
0x126: {  	v2 =	vld [tilespmem:s11+$0x5000]  }
0x127: {  	v3 =	vld [tilespmem:s11+$0x6000];
	_ =	sdelay $0x1  }
0x128: {  	v4 =	vld [tilespmem:s11+$0x7000];
	_ =	sdelay $0x1  }
0x129: {  	v5 =	vld [tilespmem:$0x14000]  }
0x12a: {  	v2 =	vadd.f32 v3, v2;
	_ =	sdelay $0x1  }
0x12b: {  	v2 =	vmul.f32 v2, v4;
	_ =	sdelay $0x1  }
0x12c: {  	v2 =	vadd.f32 v2, v5  }
0x12d: {  	v3 =	vld [tilespmem:s11+$0x5010]  }
0x12e: {  	v5 =	vld [tilespmem:s11+$0x6010];
	v2 =	vmax.f32 v2, $0.0e+00  }
0x12f: {  	v4 =	vmul.f32 v2, v4  }
0x130: {  	v2 =	vld [tilespmem:s11+$0x7010]  }
0x131: {  	[tilespmem:s11+$0x8000] =	vst v4  }
0x132: {  	v4 =	vld [tilespmem:$0x14010]  }
0x133: {  	v3 =	vadd.f32 v5, v3;
	_ =	sdelay $0x1  }
0x134: {  	v3 =	vmul.f32 v3, v2;
	_ =	sdelay $0x1  }
0x135: {  	s21 =	simm.s32 $0x20;
	v4 =	vadd.f32 v3, v4  }
0x136: {  	s14 =	simm.s32 $0x100;
	v3 =	vld [tilespmem:s21+$0x5000]  }
.LBB2_17:
0x137: {  	p1 =	sne.s32 s14, $0x3F80;
	v5 =	vld [tilespmem:s21+$0x6000];
	v4 =	vmax.f32 v4, $0.0e+00  }
0x138: {  	v2 =	vmul.f32 v4, v2  }
0x139: {  	v4 =	vld [tilespmem:s21+$0x7000]  }
0x13a: {  	[tilespmem:s11+$0x8010] =	vst v2;
	s11 =	smov.u32 s21  }
0x13b: {  	v2 =	vld [tilespmem:$0x14000]  }
0x13c: {  	v3 =	vadd.f32 v5, v3;
	_ =	sdelay $0x1  }
0x13d: {  	v3 =	vmul.f32 v3, v4;
	_ =	sdelay $0x1  }
0x13e: {  	v2 =	vadd.f32 v3, v2  }
0x13f: {  	v3 =	vld [tilespmem:s11+$0x5010]  }
0x140: {  	v2 =	vmax.f32 v2, $0.0e+00;
	v5 =	vld [tilespmem:s11+$0x6010]  }
0x141: {  	v4 =	vmul.f32 v2, v4  }
0x142: {  	v2 =	vld [tilespmem:s11+$0x7010]  }
0x143: {  	[tilespmem:s11+$0x8000] =	vst v4  }
0x144: {  	v4 =	vld [tilespmem:$0x14010]  }
0x145: {  	v3 =	vadd.f32 v5, v3  }
.Ltmp13:
0x146: {  	(pc) =	sbr.rel @p1 .LBB2_17-.Ltmp13, $3  }
0x147: {  	v3 =	vmul.f32 v3, v2;
	_ =	sdelay $0x1  }
0x148: {  	s21 =	sshra.s32 s14, $0x2;
	v4 =	vadd.f32 v3, v4  }
0x149: {  	s14 =	sadd.s32 $0x80, s14;
	v3 =	vld [tilespmem:s21+$0x5000]  }
0x14a: {  	v5 =	vld [tilespmem:s21+$0x6000];
	v4 =	vmax.f32 v4, $0.0e+00  }
0x14b: {  	v2 =	vmul.f32 v4, v2  }
0x14c: {  	v4 =	vld [tilespmem:s21+$0x7000]  }
0x14d: {  	[tilespmem:s11+$0x8010] =	vst v2  }
0x14e: {  	v2 =	vld [tilespmem:$0x14000]  }
0x14f: {  	v3 =	vadd.f32 v5, v3;
	_ =	sdelay $0x1  }
0x150: {  	v3 =	vmul.f32 v3, v4;
	_ =	sdelay $0x1  }
0x151: {  	v2 =	vadd.f32 v3, v2  }
0x152: {  	v5 =	vld [tilespmem:s21+$0x6010]  }
0x153: {  	v3 =	vld [tilespmem:s21+$0x5010];
	v2 =	vmax.f32 v2, $0.0e+00  }
0x154: {  	v2 =	vmul.f32 v2, v4  }
0x155: {  	v4 =	vld [tilespmem:s21+$0x7010]  }
0x156: {  	[tilespmem:s21+$0x8000] =	vst v2  }
0x157: {  	v2 =	vld [tilespmem:$0x14010]  }
0x158: {  	v3 =	vadd.f32 v5, v3;
	_ =	sdelay $0x1  }
0x159: {  	v3 =	vmul.f32 v3, v4;
	_ =	sdelay $0x1  }
0x15a: {  	v2 =	vadd.f32 v3, v2;
	_ =	sdelay $0x1  }
0x15b: {  	v2 =	vmax.f32 v2, $0.0e+00  }
0x15c: {  	v2 =	vmul.f32 v2, v4  }
0x15d: {  	s6 =	rddreg [dreg:$0x12]  }
0x15e: {  	s17 =	rddreg [dreg:$0xe];
	[tilespmem:s21+$0x8010] =	vst v2  }
0x15f: {  	[spmem:s6] =	stream.linear.scatter [tilespmem:s13], [sflag:$0xB], $0x1000, $0x38;
	[tilespmem:$0x1E020] =	vst v63  }
0x160: {  	s12 =	simm.s32 $0x0;
	s14 =	simm.s32 $0x5000;
	s18 =	sld [smem:$0x7FB]  }
0x161: {  	[tilespmem:s14], [sflag:$0x1] =	stream.linear.gather [hbm4b:s17+s12], $0x1000, $0x38;
	[tilespmem:$0x1E020] =	vst v63  }
0x162: {  	_ = 	snop  }
0x163: {  	[tilespmem:s29], [sflag:$0x2] =	stream.linear.gather [hbm4b:s18+s12], $0x1000, $0x38;
	[tilespmem:$0x1E020] =	vst v63  }
0x164: {  	s19 =	rddreg [dreg:$0xf];
	s21 =	simm.s32 $0x7000  }
0x165: {  	[tilespmem:s21], [sflag:$0x3] =	stream.linear.gather [hbm4b:s19+s12], $0x1000, $0x38;
	[tilespmem:$0x1E020] =	vst v63  }
0x166: {  	_ =	swait.ge [sflag:s31], $0x1000  }
0x167: {  	[sflag:s31] =	ssyncset.done $0x0  }
0x168: {  	[sflag:s31] =	ssyncadd.s32 $0xFFFFF000  }
0x169: {  	_ =	swait.ge [sflag:s5], $0x1000  }
0x16a: {  	[sflag:s5] =	ssyncset.done $0x0  }
0x16b: {  	[sflag:s5] =	ssyncadd.s32 $0xFFFFF000  }
0x16c: {  	_ =	swait.ge [sflag:s23], $0x1000  }
0x16d: {  	[sflag:s23] =	ssyncset.done $0x0  }
0x16e: {  	[sflag:s23] =	ssyncadd.s32 $0xFFFFF000  }
0x16f: {  	_ =	swait.ge [sflag:s30], $0x1000  }
0x170: {  	[sflag:s30] =	ssyncset.done $0x0  }
0x171: {  	s11 =	simm.s32 $0x0;
	[sflag:s30] =	ssyncadd.s32 $0xFFFFF000  }
0x172: {  	v2 =	vld [tilespmem:s11+$0x9000]  }
0x173: {  	v3 =	vld [tilespmem:s11+$0xA000];
	_ =	sdelay $0x1  }
0x174: {  	v4 =	vld [tilespmem:s11+$0xB000];
	_ =	sdelay $0x1  }
0x175: {  	v5 =	vld [tilespmem:$0x14000]  }
0x176: {  	v2 =	vadd.f32 v3, v2;
	_ =	sdelay $0x1  }
0x177: {  	v2 =	vmul.f32 v2, v4;
	_ =	sdelay $0x1  }
0x178: {  	v2 =	vadd.f32 v2, v5  }
0x179: {  	v3 =	vld [tilespmem:s11+$0x9010]  }
0x17a: {  	v5 =	vld [tilespmem:s11+$0xA010];
	v2 =	vmax.f32 v2, $0.0e+00  }
0x17b: {  	v4 =	vmul.f32 v2, v4  }
0x17c: {  	v2 =	vld [tilespmem:s11+$0xB010]  }
0x17d: {  	[tilespmem:s11+$0xC000] =	vst v4  }
0x17e: {  	v4 =	vld [tilespmem:$0x14010]  }
0x17f: {  	v3 =	vadd.f32 v5, v3;
	_ =	sdelay $0x1  }
0x180: {  	v3 =	vmul.f32 v3, v2;
	_ =	sdelay $0x1  }
0x181: {  	s21 =	simm.s32 $0x20;
	v4 =	vadd.f32 v3, v4  }
0x182: {  	s14 =	simm.s32 $0x100;
	v3 =	vld [tilespmem:s21+$0x9000]  }
.LBB2_19:
0x183: {  	p1 =	sne.s32 s14, $0x3F80;
	v5 =	vld [tilespmem:s21+$0xA000];
	v4 =	vmax.f32 v4, $0.0e+00  }
0x184: {  	v2 =	vmul.f32 v4, v2  }
0x185: {  	v4 =	vld [tilespmem:s21+$0xB000]  }
0x186: {  	[tilespmem:s11+$0xC010] =	vst v2;
	s11 =	smov.u32 s21  }
0x187: {  	v2 =	vld [tilespmem:$0x14000]  }
0x188: {  	v3 =	vadd.f32 v5, v3;
	_ =	sdelay $0x1  }
0x189: {  	v3 =	vmul.f32 v3, v4;
	_ =	sdelay $0x1  }
0x18a: {  	v2 =	vadd.f32 v3, v2  }
0x18b: {  	v3 =	vld [tilespmem:s11+$0x9010]  }
0x18c: {  	v2 =	vmax.f32 v2, $0.0e+00;
	v5 =	vld [tilespmem:s11+$0xA010]  }
0x18d: {  	v4 =	vmul.f32 v2, v4  }
0x18e: {  	v2 =	vld [tilespmem:s11+$0xB010]  }
0x18f: {  	[tilespmem:s11+$0xC000] =	vst v4  }
0x190: {  	v4 =	vld [tilespmem:$0x14010]  }
0x191: {  	v3 =	vadd.f32 v5, v3  }
.Ltmp14:
0x192: {  	(pc) =	sbr.rel @p1 .LBB2_19-.Ltmp14, $3  }
0x193: {  	v3 =	vmul.f32 v3, v2;
	_ =	sdelay $0x1  }
0x194: {  	s21 =	sshra.s32 s14, $0x2;
	v4 =	vadd.f32 v3, v4  }
0x195: {  	s14 =	sadd.s32 $0x80, s14;
	v3 =	vld [tilespmem:s21+$0x9000]  }
0x196: {  	v5 =	vld [tilespmem:s21+$0xA000];
	v4 =	vmax.f32 v4, $0.0e+00  }
0x197: {  	v2 =	vmul.f32 v4, v2  }
0x198: {  	v4 =	vld [tilespmem:s21+$0xB000]  }
0x199: {  	[tilespmem:s11+$0xC010] =	vst v2  }
0x19a: {  	v2 =	vld [tilespmem:$0x14000]  }
0x19b: {  	v3 =	vadd.f32 v5, v3;
	_ =	sdelay $0x1  }
0x19c: {  	v3 =	vmul.f32 v3, v4;
	_ =	sdelay $0x1  }
0x19d: {  	v2 =	vadd.f32 v3, v2  }
0x19e: {  	v5 =	vld [tilespmem:s21+$0xA010]  }
0x19f: {  	v3 =	vld [tilespmem:s21+$0x9010];
	v2 =	vmax.f32 v2, $0.0e+00  }
0x1a0: {  	v2 =	vmul.f32 v2, v4  }
0x1a1: {  	v4 =	vld [tilespmem:s21+$0xB010]  }
0x1a2: {  	[tilespmem:s21+$0xC000] =	vst v2  }
0x1a3: {  	v2 =	vld [tilespmem:$0x14010]  }
0x1a4: {  	v3 =	vadd.f32 v5, v3;
	_ =	sdelay $0x1  }
0x1a5: {  	v3 =	vmul.f32 v3, v4;
	_ =	sdelay $0x1  }
0x1a6: {  	v2 =	vadd.f32 v3, v2;
	_ =	sdelay $0x1  }
0x1a7: {  	v2 =	vmax.f32 v2, $0.0e+00  }
0x1a8: {  	v2 =	vmul.f32 v2, v4;
	_ =	sdelay $0x1  }
0x1a9: {  	s6 =	rddreg [dreg:$0x13];
	[tilespmem:s21+$0xC010] =	vst v2  }
0x1aa: {  	[spmem:s6] =	stream.linear.scatter [tilespmem:s4], [sflag:$0xC], $0x1000, $0x38;
	[tilespmem:$0x1E020] =	vst v63  }
0x1ab: {  	_ =	swait.ge [sflag:s24], $0x1000  }
0x1ac: {  	[sflag:s24] =	ssyncset.done $0x0  }
0x1ad: {  	[sflag:s24] =	ssyncadd.s32 $0xFFFFF000  }
0x1ae: {  	_ =	swait.ge [sflag:s22], $0x1000  }
0x1af: {  	[sflag:s22] =	ssyncset.done $0x0  }
0x1b0: {  	[sflag:s22] =	ssyncadd.s32 $0xFFFFF000  }
0x1b1: {  	_ =	swait.ge [sflag:s26], $0x1000  }
0x1b2: {  	[sflag:s26] =	ssyncset.done $0x0  }
0x1b3: {  	[sflag:s26] =	ssyncadd.s32 $0xFFFFF000  }
0x1b4: {  	_ =	swait.ge [sflag:s25], $0x1000  }
0x1b5: {  	[sflag:s25] =	ssyncset.done $0x0  }
0x1b6: {  	s11 =	simm.s32 $0x0;
	[sflag:s25] =	ssyncadd.s32 $0xFFFFF000  }
0x1b7: {  	v2 =	vld [tilespmem:s11+$0x5000]  }
0x1b8: {  	v3 =	vld [tilespmem:s11+$0x6000];
	_ =	sdelay $0x1  }
0x1b9: {  	v4 =	vld [tilespmem:s11+$0x7000];
	_ =	sdelay $0x1  }
0x1ba: {  	v5 =	vld [tilespmem:$0x14000]  }
0x1bb: {  	v2 =	vadd.f32 v3, v2;
	_ =	sdelay $0x1  }
0x1bc: {  	v2 =	vmul.f32 v2, v4;
	_ =	sdelay $0x1  }
0x1bd: {  	v2 =	vadd.f32 v2, v5  }
0x1be: {  	v3 =	vld [tilespmem:s11+$0x5010]  }
0x1bf: {  	v5 =	vld [tilespmem:s11+$0x6010];
	v2 =	vmax.f32 v2, $0.0e+00  }
0x1c0: {  	v4 =	vmul.f32 v2, v4  }
0x1c1: {  	v2 =	vld [tilespmem:s11+$0x7010]  }
0x1c2: {  	[tilespmem:s11+$0x8000] =	vst v4  }
0x1c3: {  	v4 =	vld [tilespmem:$0x14010]  }
0x1c4: {  	v3 =	vadd.f32 v5, v3;
	_ =	sdelay $0x1  }
0x1c5: {  	v3 =	vmul.f32 v3, v2;
	_ =	sdelay $0x1  }
0x1c6: {  	s21 =	simm.s32 $0x20;
	v4 =	vadd.f32 v3, v4  }
0x1c7: {  	s14 =	simm.s32 $0x100;
	v3 =	vld [tilespmem:s21+$0x5000]  }
.LBB2_21:
0x1c8: {  	p1 =	sne.s32 s14, $0x3F80;
	v5 =	vld [tilespmem:s21+$0x6000];
	v4 =	vmax.f32 v4, $0.0e+00  }
0x1c9: {  	v2 =	vmul.f32 v4, v2  }
0x1ca: {  	v4 =	vld [tilespmem:s21+$0x7000]  }
0x1cb: {  	[tilespmem:s11+$0x8010] =	vst v2;
	s11 =	smov.u32 s21  }
0x1cc: {  	v2 =	vld [tilespmem:$0x14000]  }
0x1cd: {  	v3 =	vadd.f32 v5, v3;
	_ =	sdelay $0x1  }
0x1ce: {  	v3 =	vmul.f32 v3, v4;
	_ =	sdelay $0x1  }
0x1cf: {  	v2 =	vadd.f32 v3, v2  }
0x1d0: {  	v3 =	vld [tilespmem:s11+$0x5010]  }
0x1d1: {  	v2 =	vmax.f32 v2, $0.0e+00;
	v5 =	vld [tilespmem:s11+$0x6010]  }
0x1d2: {  	v4 =	vmul.f32 v2, v4  }
0x1d3: {  	v2 =	vld [tilespmem:s11+$0x7010]  }
0x1d4: {  	[tilespmem:s11+$0x8000] =	vst v4  }
0x1d5: {  	v4 =	vld [tilespmem:$0x14010]  }
0x1d6: {  	v3 =	vadd.f32 v5, v3  }
.Ltmp15:
0x1d7: {  	(pc) =	sbr.rel @p1 .LBB2_21-.Ltmp15, $3  }
0x1d8: {  	v3 =	vmul.f32 v3, v2;
	_ =	sdelay $0x1  }
0x1d9: {  	s21 =	sshra.s32 s14, $0x2;
	v4 =	vadd.f32 v3, v4  }
0x1da: {  	s14 =	sadd.s32 $0x80, s14;
	v3 =	vld [tilespmem:s21+$0x5000]  }
0x1db: {  	v5 =	vld [tilespmem:s21+$0x6000];
	v4 =	vmax.f32 v4, $0.0e+00  }
0x1dc: {  	v2 =	vmul.f32 v4, v2  }
0x1dd: {  	v61 =	vld [tilespmem:s21+$0x7000]  }
0x1de: {  	[tilespmem:s11+$0x8010] =	vst v2  }
0x1df: {  	v2 =	vld [tilespmem:$0x14000]  }
0x1e0: {  	v3 =	vadd.f32 v5, v3;
	_ =	sdelay $0x1  }
0x1e1: {  	v3 =	vmul.f32 v3, v61;
	_ =	sdelay $0x1  }
0x1e2: {  	v2 =	vadd.f32 v3, v2  }
0x1e3: {  	v62 =	vld [tilespmem:s21+$0x6010]  }
0x1e4: {  	v3 =	vld [tilespmem:s21+$0x5010];
	v2 =	vmax.f32 v2, $0.0e+00  }
0x1e5: {  	v2 =	vmul.f32 v2, v61  }
0x1e6: {  	v63 =	vld [tilespmem:s21+$0x7010]  }
0x1e7: {  	[tilespmem:s21+$0x8000] =	vst v2  }
0x1e8: {  	v2 =	vld [tilespmem:$0x14010]  }
0x1e9: {  	v3 =	vadd.f32 v62, v3;
	_ =	sdelay $0x1  }
0x1ea: {  	v3 =	vmul.f32 v3, v63;
	_ =	sdelay $0x1  }
0x1eb: {  	v2 =	vadd.f32 v3, v2;
	_ =	sdelay $0x1  }
0x1ec: {  	v2 =	vmax.f32 v2, $0.0e+00  }
0x1ed: {  	v2 =	vmul.f32 v2, v63  }
0x1ee: {  	[smem:$0x7F9] =	sst s1  }
0x1ef: {  	s6 =	rddreg [dreg:$0x14];
	[tilespmem:s21+$0x8010] =	vst v2  }
0x1f0: {  	[spmem:s6] =	stream.linear.scatter [tilespmem:s13], [sflag:$0xB], $0x1000, $0x38;
	[tilespmem:$0x1E020] =	vst v63  }
0x1f1: {  	_ =	swait.ge [sflag:s30], $0x1000  }
0x1f2: {  	[sflag:s30] =	ssyncset.done $0x0  }
0x1f3: {  	[sflag:s30] =	ssyncadd.s32 $0xFFFFF000  }
0x1f4: {  	_ =	swait.ge [sflag:s25], $0x1000  }
0x1f5: {  	p1 =	sgt.u32 s8, $0x1;
	[sflag:s25] =	ssyncset.done $0x0  }
0x1f6: {  	s21 =	simm.s32 $0x15;
	s19 =	rddreg [dreg:$0x17];
	[sflag:s25] =	ssyncadd.s32 $0xFFFFF000  }
0x1f7: {  	[spmem:s19] =	stream.linear.scatter [tilespmem:s2], [sflag:$0x15], $0x5000, $0x38;
	[tilespmem:$0x1E020] =	vst v63  }
.Ltmp16:
0x1f8: {  	_ =	swait.ge [sflag:s21], $0x5000;
	(pc) =	sbr.rel @!p1 .LBB2_24-.Ltmp16, $4  }
0x1f9: {  	[sflag:s21] =	ssyncset.done $0x0  }
0x1fa: {  	s4 =	simm.s32 $0x8;
	[sflag:s21] =	ssyncadd.s32 $0xFFFFB000  }
0x1fb: {  	_ =	swait.ge [sflag:s4], $0x80  }
0x1fc: {  	s11 =	simm.s32 $0x1;
	[sflag:s4] =	ssyncset.done $0x0  }
.LBB2_23:
0x1fd: {  	s11 =	sadd.s32 $0x1, s11  }
0x1fe: {  	[sflag:s4] =	ssyncadd.s32 $0xFFFFFF80;
	p1 =	slt.u32 s11, s8  }
.Ltmp17:
0x1ff: {  	(pc) =	sbr.rel @p1 .LBB2_23-.Ltmp17, $3  }
0x200: {  	_ =	sdelay $0x1  }
0x201: {  	_ =	swait.ge [sflag:s4], $0x80  }
0x202: {  	[sflag:s4] =	ssyncset.done $0x0  }
.LBB2_24:
0x203: {  	p1 =	sgt.u32 s8, $0x1  }
.Ltmp18:
0x204: {  	_ = 	snop;
	(pc) =	sbr.rel @!p1 .LBB2_26-.Ltmp18, $4  }
0x205: {  	[sflag:s4] =	ssyncadd.s32 $0xFFFFFF80;
	s11 =	simm.s32 $0x1;
	s6 =	simm.s32 $0x5000  }
0x206: {  	s14 =	simm.s32 $0x7000;
	s7 =	simm.s32 $0x10;
	_ =	swait.ge [sflag:s10], $0x80  }
0x207: {  	s1 =	simm.s32 $0xD;
	s18 =	simm.s32 $0x9;
	[sflag:s10] =	ssyncset.done $0x0  }
0x208: {  	s12 =	simm.s32 $0xD000;
	s21 =	simm.s32 $0xE;
	s19 =	rddreg [dreg:$0x4]  }
.LBB2_25:
0x209: {  	s11 =	sadd.s32 $0x1, s11  }
0x20a: {  	[sflag:s10] =	ssyncadd.s32 $0xFFFFFF80;
	p1 =	slt.u32 s11, s8  }
.Ltmp19:
0x20b: {  	(pc) =	sbr.rel @p1 .LBB2_25-.Ltmp19, $3  }
0x20c: {  	_ =	sdelay $0x1  }
0x20d: {  	_ =	swait.ge [sflag:s10], $0x80  }
0x20e: {  	[sflag:s10] =	ssyncset.done $0x0  }
.LBB2_26:
0x20f: {  	[sflag:s10] =	ssyncadd.s32 $0xFFFFFF80  }
0x210: {  	s11 =	simm.s32 $0x2800;
	[bflag:$0x0] =	sbarrier.arrive $0xFFFF  }
0x211: {  	[spmem:s19] =	stream.indirect.scatter.add.f32 [tilespmem:s2], [sflag:$0x10], $0x20, s11, s3, $0xb8;
	[tilespmem:$0x1E020] =	vst v63  }
0x212: {  	_ = 	snop  }
0x213: {  	[spmem:s19] =	stream.indirect.scatter.add.f32 [tilespmem:s2], [sflag:$0x11], $0x20, s11, s3, $0xb8;
	[tilespmem:$0x1E020] =	vst v63  }
0x214: {  	_ = 	snop  }
0x215: {  	[spmem:s19] =	stream.indirect.scatter.add.f32 [tilespmem:s2], [sflag:$0x12], $0x20, s11, s3, $0xb8;
	[tilespmem:$0x1E020] =	vst v63  }
0x216: {  	_ = 	snop  }
0x217: {  	[spmem:s19] =	stream.indirect.scatter.add.f32 [tilespmem:s2], [sflag:$0x13], $0x20, s11, s3, $0xb8;
	[tilespmem:$0x1E020] =	vst v63  }
0x218: {  	_ = 	snop  }
0x219: {  	[spmem:s19] =	stream.indirect.scatter.add.f32 [tilespmem:s2], [sflag:$0x14], $0x20, s11, s3, $0xb8;
	[tilespmem:$0x1E020] =	vst v63  }
0x21a: {  	_ = 	snop  }
0x21b: {  	[tilespmem:s6], [sflag:$0x1] =	stream.indirect.gather [spmem:s16], $0x20, s28, s3, $0xb8;
	[tilespmem:$0x1E020] =	vst v63  }
0x21c: {  	_ = 	snop  }
0x21d: {  	[tilespmem:s29], [sflag:$0x2] =	stream.indirect.gather [spmem:s16], $0x20, s3, s3, $0xb8;
	[tilespmem:$0x1E020] =	vst v63  }
0x21e: {  	s17 =	simm.s32 $0x100  }
0x21f: {  	[tilespmem:s14], [sflag:$0x3] =	stream.indirect.gather [spmem:s16], $0x20, s17, s3, $0xb8;
	[tilespmem:$0x1E020] =	vst v63  }
0x220: {  	s8 =	simm.s32 $0x180  }
0x221: {  	[tilespmem:s13], [sflag:$0x4] =	stream.indirect.gather [spmem:s16], $0x20, s8, s3, $0xb8;
	[tilespmem:$0x1E020] =	vst v63  }
0x222: {  	s11 =	simm.s32 $0x200  }
0x223: {  	[tilespmem:s15], [sflag:$0x5] =	stream.indirect.gather [spmem:s16], $0x20, s11, s3, $0xb8;
	[tilespmem:$0x1E020] =	vst v63  }
0x224: {  	_ =	swait.ge [sflag:s24], $0x1000  }
0x225: {  	[sflag:s24] =	ssyncset.done $0x0  }
0x226: {  	s17 =	simm.s32 $0x2800;
	[sflag:s24] =	ssyncadd.s32 $0xFFFFF000  }
0x227: {  	[spmem:s19] =	stream.indirect.scatter.add.f32 [tilespmem:s6], [sflag:$0xB], $0x20, s17, s3, $0xb8;
	[tilespmem:$0x1E020] =	vst v63  }
0x228: {  	_ =	swait.ge [sflag:s7], $0x1000  }
0x229: {  	[sflag:s7] =	ssyncset.done $0x0  }
0x22a: {  	s24 =	simm.s32 $0x280;
	[sflag:s7] =	ssyncadd.s32 $0xFFFFF000  }
0x22b: {  	[tilespmem:s0], [sflag:$0x6] =	stream.indirect.gather [spmem:s16], $0x20, s24, s3, $0xb8;
	[tilespmem:$0x1E020] =	vst v63  }
0x22c: {  	_ =	swait.ge [sflag:s22], $0x1000  }
0x22d: {  	[sflag:s22] =	ssyncset.done $0x0  }
0x22e: {  	s2 =	simm.s32 $0x2880;
	s6 =	simm.s32 $0x11;
	[sflag:s22] =	ssyncadd.s32 $0xFFFFF000  }
0x22f: {  	[spmem:s19] =	stream.indirect.scatter.add.f32 [tilespmem:s29], [sflag:$0xC], $0x20, s2, s3, $0xb8;
	[tilespmem:$0x1E020] =	vst v63  }
0x230: {  	_ =	swait.ge [sflag:s6], $0x1000  }
0x231: {  	[sflag:s6] =	ssyncset.done $0x0  }
0x232: {  	s7 =	simm.s32 $0x300;
	[sflag:s6] =	ssyncadd.s32 $0xFFFFF000  }
0x233: {  	[tilespmem:s20], [sflag:$0x7] =	stream.indirect.gather [spmem:s16], $0x20, s7, s3, $0xb8;
	[tilespmem:$0x1E020] =	vst v63  }
0x234: {  	_ =	swait.ge [sflag:s26], $0x1000  }
0x235: {  	[sflag:s26] =	ssyncset.done $0x0  }
0x236: {  	s8 =	simm.s32 $0x2900;
	s11 =	simm.s32 $0x12;
	[sflag:s26] =	ssyncadd.s32 $0xFFFFF000  }
0x237: {  	[spmem:s19] =	stream.indirect.scatter.add.f32 [tilespmem:s14], [sflag:$0xD], $0x20, s8, s3, $0xb8;
	[tilespmem:$0x1E020] =	vst v63  }
0x238: {  	_ =	swait.ge [sflag:s11], $0x1000  }
0x239: {  	[sflag:s11] =	ssyncset.done $0x0  }
0x23a: {  	s17 =	simm.s32 $0x380;
	s2 =	simm.s32 $0xC000;
	[sflag:s11] =	ssyncadd.s32 $0xFFFFF000  }
0x23b: {  	[tilespmem:s2], [sflag:$0x8] =	stream.indirect.gather [spmem:s16], $0x20, s17, s3, $0xb8;
	[tilespmem:$0x1E020] =	vst v63  }
0x23c: {  	_ =	swait.ge [sflag:s10], $0x1000  }
0x23d: {  	[sflag:s10] =	ssyncset.done $0x0  }
0x23e: {  	s22 =	simm.s32 $0x2980;
	s26 =	simm.s32 $0x13;
	[sflag:s10] =	ssyncadd.s32 $0xFFFFF000  }
0x23f: {  	[spmem:s19] =	stream.indirect.scatter.add.f32 [tilespmem:s13], [sflag:$0xE], $0x20, s22, s3, $0xb8;
	[tilespmem:$0x1E020] =	vst v63  }
0x240: {  	_ =	swait.ge [sflag:s26], $0x1000  }
0x241: {  	[sflag:s26] =	ssyncset.done $0x0  }
0x242: {  	s8 =	simm.s32 $0x400;
	[sflag:s26] =	ssyncadd.s32 $0xFFFFF000  }
0x243: {  	[tilespmem:s12], [sflag:$0x9] =	stream.indirect.gather [spmem:s16], $0x20, s8, s3, $0xb8;
	[tilespmem:$0x1E020] =	vst v63  }
0x244: {  	_ =	swait.ge [sflag:s31], $0x1000  }
0x245: {  	[sflag:s31] =	ssyncset.done $0x0  }
0x246: {  	s11 =	simm.s32 $0x14;
	s10 =	simm.s32 $0x2A00;
	[sflag:s31] =	ssyncadd.s32 $0xFFFFF000  }
0x247: {  	[spmem:s19] =	stream.indirect.scatter.add.f32 [tilespmem:s15], [sflag:$0xF], $0x20, s10, s3, $0xb8;
	[tilespmem:$0x1E020] =	vst v63  }
0x248: {  	_ =	swait.ge [sflag:s11], $0x1000  }
0x249: {  	[sflag:s11] =	ssyncset.done $0x0  }
0x24a: {  	s17 =	simm.s32 $0xE000;
	s15 =	simm.s32 $0x480;
	[sflag:s11] =	ssyncadd.s32 $0xFFFFF000  }
0x24b: {  	[tilespmem:s17], [sflag:$0xA] =	stream.indirect.gather [spmem:s16], $0x20, s15, s3, $0xb8;
	[tilespmem:$0x1E020] =	vst v63  }
0x24c: {  	_ =	swait.ge [sflag:s5], $0x1000  }
0x24d: {  	[sflag:s5] =	ssyncset.done $0x0  }
0x24e: {  	s22 =	simm.s32 $0x2A80;
	[sflag:s5] =	ssyncadd.s32 $0xFFFFF000  }
0x24f: {  	[spmem:s19] =	stream.indirect.scatter.add.f32 [tilespmem:s0], [sflag:$0x10], $0x20, s22, s3, $0xb8;
	[tilespmem:$0x1E020] =	vst v63  }
0x250: {  	p1 =	por $0x0, $0x0;
	s11 =	simm.s32 $0x1400;
	_ =	swait.ge [sflag:s25], $0x1000  }
0x251: {  	s11 =	simm.s32 @p1 $0x0;
	[sflag:s25] =	ssyncset.done $0x0  }
0x252: {  	s24 =	simm.s32 $0x5000;
	s11 =	sshra.s32 s11, $0x2;
	[sflag:s25] =	ssyncadd.s32 $0xFFFFF000  }
0x253: {  	[tilespmem:s24], [sflag:$0x1] =	stream.indirect.gather [spmem:s16], $0x20, s11, s3, $0xb8;
	[tilespmem:$0x1E020] =	vst v63  }
0x254: {  	_ =	swait.ge [sflag:s23], $0x1000  }
0x255: {  	[sflag:s23] =	ssyncset.done $0x0  }
0x256: {  	[sflag:s23] =	ssyncadd.s32 $0xFFFFF000;
	s23 =	simm.s32 $0x2B00  }
0x257: {  	[spmem:s19] =	stream.indirect.scatter.add.f32 [tilespmem:s20], [sflag:$0x11], $0x20, s23, s3, $0xb8;
	[tilespmem:$0x1E020] =	vst v63  }
0x258: {  	s11 =	simm.s32 $0x1600;
	_ =	swait.ge [sflag:s30], $0x1000  }
0x259: {  	s11 =	simm.s32 @p1 $0x200;
	[sflag:s30] =	ssyncset.done $0x0  }
0x25a: {  	s11 =	sshra.s32 s11, $0x2;
	[sflag:s30] =	ssyncadd.s32 $0xFFFFF000  }
0x25b: {  	[tilespmem:s29], [sflag:$0x2] =	stream.indirect.gather [spmem:s16], $0x20, s11, s3, $0xb8;
	[tilespmem:$0x1E020] =	vst v63  }
0x25c: {  	_ =	swait.ge [sflag:s4], $0x1000  }
0x25d: {  	[sflag:s4] =	ssyncset.done $0x0  }
0x25e: {  	s24 =	simm.s32 $0x2B80;
	[sflag:s4] =	ssyncadd.s32 $0xFFFFF000  }
0x25f: {  	[spmem:s19] =	stream.indirect.scatter.add.f32 [tilespmem:s2], [sflag:$0x12], $0x20, s24, s3, $0xb8;
	[tilespmem:$0x1E020] =	vst v63  }
0x260: {  	s11 =	simm.s32 $0x1800;
	_ =	swait.ge [sflag:s1], $0x1000  }
0x261: {  	s11 =	simm.s32 @p1 $0x400;
	[sflag:s1] =	ssyncset.done $0x0  }
0x262: {  	s28 =	smov.u32 s16;
	s11 =	sshra.s32 s11, $0x2;
	[sflag:s1] =	ssyncadd.s32 $0xFFFFF000  }
0x263: {  	[tilespmem:s14], [sflag:$0x3] =	stream.indirect.gather [spmem:s16], $0x20, s11, s3, $0xb8;
	[tilespmem:$0x1E020] =	vst v63  }
0x264: {  	s7 =	simm.s32 $0x10;
	s26 =	simm.s32 $0x2C80;
	_ =	swait.ge [sflag:s18], $0x1000  }
0x265: {  	s31 =	simm.s32 $0xA;
	s5 =	simm.s32 $0x5;
	[sflag:s18] =	ssyncset.done $0x0  }
0x266: {  	s0 =	simm.s32 $0xB;
	s25 =	simm.s32 $0x2C00;
	[sflag:s18] =	ssyncadd.s32 $0xFFFFF000  }
0x267: {  	[spmem:s19] =	stream.indirect.scatter.add.f32 [tilespmem:s12], [sflag:$0x13], $0x20, s25, s3, $0xb8;
	[tilespmem:$0x1E020] =	vst v63  }
0x268: {  	s22 =	simm.s32 $0x1;
	s11 =	simm.s32 $0x1A00;
	_ =	swait.ge [sflag:s21], $0x1000  }
0x269: {  	s23 =	simm.s32 $0x6;
	s11 =	simm.s32 @p1 $0x600;
	[sflag:s21] =	ssyncset.done $0x0  }
0x26a: {  	s30 =	simm.s32 $0xF;
	s11 =	sshra.s32 s11, $0x2;
	[sflag:s21] =	ssyncadd.s32 $0xFFFFF000  }
0x26b: {  	[tilespmem:s13], [sflag:$0x4] =	stream.indirect.gather [spmem:s16], $0x20, s11, s3, $0xb8;
	[tilespmem:$0x1E020] =	vst v63  }
0x26c: {  	s4 =	simm.s32 $0x8;
	s2 =	simm.s32 $0xC;
	_ =	swait.ge [sflag:s31], $0x1000  }
0x26d: {  	s24 =	simm.s32 $0xE;
	s14 =	simm.s32 $0x1C00;
	[sflag:s31] =	ssyncset.done $0x0  }
0x26e: {  	s1 =	simm.s32 $0xD;
	s14 =	simm.s32 @p1 $0x800;
	[sflag:s31] =	ssyncadd.s32 $0xFFFFF000  }
0x26f: {  	[spmem:s19] =	stream.indirect.scatter.add.f32 [tilespmem:s17], [sflag:$0x14], $0x20, s26, s3, $0xb8;
	[tilespmem:$0x1E020] =	vst v63  }
0x270: {  	s14 =	sshra.s32 s14, $0x2;
	s18 =	simm.s32 $0x9;
	_ =	swait.ge [sflag:s30], $0x1000  }
0x271: {  	s25 =	simm.s32 $0x7;
	s13 =	simm.s32 $0x3;
	[sflag:s30] =	ssyncset.done $0x0  }
0x272: {  	s11 =	simm.s32 $0x3000;
	s26 =	simm.s32 $0x2;
	[sflag:s30] =	ssyncadd.s32 $0xFFFFF000  }
.LBB2_27:
0x273: {  	s20 =	simm.s32 $0x9000  }
0x274: {  	[tilespmem:s20], [sflag:$0x5] =	stream.indirect.gather [spmem:s28], $0x20, s14, s3, $0xb8;
	[tilespmem:$0x1E020] =	vst v63  }
0x275: {  	s14 =	smov.u32 s11  }
0x276: {  	p1 =	sne.s32 s11, $0xA800;
	s11 =	sadd.s32 $0x1400, s11;
	_ =	swait.ge [sflag:s22], $0x1000  }
0x277: {  	s21 =	sshra.s32 s14, $0x2;
	[sflag:s22] =	ssyncset.done $0x0  }
0x278: {  	s15 =	simm.s32 $0x5000;
	s28 =	sadd.s32 $0x2100, s21;
	[sflag:s22] =	ssyncadd.s32 $0xFFFFF000  }
0x279: {  	[spmem:s19] =	stream.indirect.scatter.add.f32 [tilespmem:s15], [sflag:$0xB], $0x20, s28, s3, $0xb8;
	[tilespmem:$0x1E020] =	vst v63  }
0x27a: {  	_ =	swait.ge [sflag:s7], $0x1000  }
0x27b: {  	[sflag:s7] =	ssyncset.done $0x0  }
0x27c: {  	s6 =	simm.s32 $0xA000;
	s28 =	sadd.s32 $0xFFFFFB80, s21;
	[sflag:s7] =	ssyncadd.s32 $0xFFFFF000  }
0x27d: {  	[tilespmem:s6], [sflag:$0x6] =	stream.indirect.gather [spmem:s16], $0x20, s28, s3, $0xb8;
	[tilespmem:$0x1E020] =	vst v63  }
0x27e: {  	_ =	swait.ge [sflag:s26], $0x1000  }
0x27f: {  	[sflag:s26] =	ssyncset.done $0x0  }
0x280: {  	s8 =	simm.s32 $0x11;
	s28 =	sadd.s32 $0x2180, s21;
	[sflag:s26] =	ssyncadd.s32 $0xFFFFF000  }
0x281: {  	[spmem:s19] =	stream.indirect.scatter.add.f32 [tilespmem:s29], [sflag:$0xC], $0x20, s28, s3, $0xb8;
	[tilespmem:$0x1E020] =	vst v63  }
0x282: {  	_ =	swait.ge [sflag:s8], $0x1000  }
0x283: {  	[sflag:s8] =	ssyncset.done $0x0  }
0x284: {  	s28 =	sadd.s32 $0xFFFFFC00, s21;
	[sflag:s8] =	ssyncadd.s32 $0xFFFFF000  }
0x285: {  	[tilespmem:s9], [sflag:$0x7] =	stream.indirect.gather [spmem:s16], $0x20, s28, s3, $0xb8;
	[tilespmem:$0x1E020] =	vst v63  }
0x286: {  	_ =	swait.ge [sflag:s13], $0x1000  }
0x287: {  	s10 =	simm.s32 $0x7000;
	[sflag:s13] =	ssyncset.done $0x0  }
0x288: {  	s8 =	simm.s32 $0x12;
	s28 =	sadd.s32 $0x2200, s21;
	[sflag:s13] =	ssyncadd.s32 $0xFFFFF000  }
0x289: {  	[spmem:s19] =	stream.indirect.scatter.add.f32 [tilespmem:s10], [sflag:$0xD], $0x20, s28, s3, $0xb8;
	[tilespmem:$0x1E020] =	vst v63  }
0x28a: {  	_ =	swait.ge [sflag:s8], $0x1000  }
0x28b: {  	s12 =	simm.s32 $0x4;
	[sflag:s8] =	ssyncset.done $0x0  }
0x28c: {  	s28 =	sadd.s32 $0xFFFFFC80, s21;
	[sflag:s8] =	ssyncadd.s32 $0xFFFFF000;
	s8 =	simm.s32 $0xC000  }
0x28d: {  	[tilespmem:s8], [sflag:$0x8] =	stream.indirect.gather [spmem:s16], $0x20, s28, s3, $0xb8;
	[tilespmem:$0x1E020] =	vst v63  }
0x28e: {  	_ =	swait.ge [sflag:s12], $0x1000  }
0x28f: {  	[sflag:s12] =	ssyncset.done $0x0  }
0x290: {  	s28 =	sadd.s32 $0x2280, s21;
	[sflag:s12] =	ssyncadd.s32 $0xFFFFF000;
	s12 =	simm.s32 $0x8000  }
0x291: {  	[spmem:s19] =	stream.indirect.scatter.add.f32 [tilespmem:s12], [sflag:$0xE], $0x20, s28, s3, $0xb8;
	[tilespmem:$0x1E020] =	vst v63  }
0x292: {  	s28 =	simm.s32 $0x13  }
0x293: {  	_ =	swait.ge [sflag:s28], $0x1000  }
0x294: {  	[sflag:s28] =	ssyncset.done $0x0  }
0x295: {  	s17 =	simm.s32 $0xD000;
	[sflag:s28] =	ssyncadd.s32 $0xFFFFF000;
	s28 =	sadd.s32 $0xFFFFFD00, s21  }
0x296: {  	[tilespmem:s17], [sflag:$0x9] =	stream.indirect.gather [spmem:s16], $0x20, s28, s3, $0xb8;
	[tilespmem:$0x1E020] =	vst v63  }
0x297: {  	_ =	swait.ge [sflag:s5], $0x1000  }
0x298: {  	[sflag:s5] =	ssyncset.done $0x0  }
0x299: {  	s28 =	sadd.s32 $0x2300, s21;
	[sflag:s5] =	ssyncadd.s32 $0xFFFFF000  }
0x29a: {  	[spmem:s19] =	stream.indirect.scatter.add.f32 [tilespmem:s20], [sflag:$0xF], $0x20, s28, s3, $0xb8;
	[tilespmem:$0x1E020] =	vst v63  }
0x29b: {  	s30 =	simm.s32 $0x9000;
	s20 =	simm.s32 $0x14  }
0x29c: {  	_ =	swait.ge [sflag:s20], $0x1000  }
0x29d: {  	[sflag:s20] =	ssyncset.done $0x0  }
0x29e: {  	s28 =	sadd.s32 $0xFFFFFD80, s21;
	[sflag:s20] =	ssyncadd.s32 $0xFFFFF000;
	s20 =	simm.s32 $0xE000  }
0x29f: {  	[tilespmem:s20], [sflag:$0xA] =	stream.indirect.gather [spmem:s16], $0x20, s28, s3, $0xb8;
	[tilespmem:$0x1E020] =	vst v63  }
0x2a0: {  	_ =	swait.ge [sflag:s23], $0x1000  }
0x2a1: {  	[sflag:s23] =	ssyncset.done $0x0  }
0x2a2: {  	s29 =	sadd.s32 $0xFFFFFA00, s14;
	s28 =	sadd.s32 $0x2380, s21;
	[sflag:s23] =	ssyncadd.s32 $0xFFFFF000  }
0x2a3: {  	[spmem:s19] =	stream.indirect.scatter.add.f32 [tilespmem:s6], [sflag:$0x10], $0x20, s28, s3, $0xb8;
	[tilespmem:$0x1E020] =	vst v63  }
0x2a4: {  	p2 =	seq.s32 s14, $0xA800;
	s28 =	sadd.s32 $0xFFFFF800, s14;
	_ =	swait.ge [sflag:s0], $0x1000  }
0x2a5: {  	s29 =	simm.s32 @p2 $0x200;
	s28 =	simm.s32 @p2 $0x0;
	[sflag:s0] =	ssyncset.done $0x0  }
0x2a6: {  	s28 =	sshra.s32 s28, $0x2;
	[sflag:s0] =	ssyncadd.s32 $0xFFFFF000  }
0x2a7: {  	[tilespmem:s15], [sflag:$0x1] =	stream.indirect.gather [spmem:s16], $0x20, s28, s3, $0xb8;
	[tilespmem:$0x1E020] =	vst v63  }
0x2a8: {  	_ =	swait.ge [sflag:s25], $0x1000  }
0x2a9: {  	[sflag:s25] =	ssyncset.done $0x0  }
0x2aa: {  	s28 =	sadd.s32 $0x2400, s21;
	[sflag:s25] =	ssyncadd.s32 $0xFFFFF000  }
0x2ab: {  	[spmem:s19] =	stream.indirect.scatter.add.f32 [tilespmem:s9], [sflag:$0x11], $0x20, s28, s3, $0xb8;
	[tilespmem:$0x1E020] =	vst v63  }
0x2ac: {  	_ =	swait.ge [sflag:s2], $0x1000  }
0x2ad: {  	[sflag:s2] =	ssyncset.done $0x0  }
0x2ae: {  	s28 =	sshra.s32 s29, $0x2;
	s29 =	simm.s32 $0x6000;
	[sflag:s2] =	ssyncadd.s32 $0xFFFFF000  }
0x2af: {  	[tilespmem:s29], [sflag:$0x2] =	stream.indirect.gather [spmem:s16], $0x20, s28, s3, $0xb8;
	[tilespmem:$0x1E020] =	vst v63  }
0x2b0: {  	_ =	swait.ge [sflag:s4], $0x1000  }
0x2b1: {  	[sflag:s4] =	ssyncset.done $0x0  }
0x2b2: {  	s28 =	sadd.s32 $0x2480, s21;
	[sflag:s4] =	ssyncadd.s32 $0xFFFFF000  }
0x2b3: {  	[spmem:s19] =	stream.indirect.scatter.add.f32 [tilespmem:s8], [sflag:$0x12], $0x20, s28, s3, $0xb8;
	[tilespmem:$0x1E020] =	vst v63  }
0x2b4: {  	s28 =	sadd.s32 $0xFFFFFC00, s14;
	_ =	swait.ge [sflag:s1], $0x1000  }
0x2b5: {  	s28 =	simm.s32 @p2 $0x400;
	[sflag:s1] =	ssyncset.done $0x0  }
0x2b6: {  	s28 =	sshra.s32 s28, $0x2;
	[sflag:s1] =	ssyncadd.s32 $0xFFFFF000  }
0x2b7: {  	[tilespmem:s10], [sflag:$0x3] =	stream.indirect.gather [spmem:s16], $0x20, s28, s3, $0xb8;
	[tilespmem:$0x1E020] =	vst v63  }
0x2b8: {  	_ =	swait.ge [sflag:s18], $0x1000  }
0x2b9: {  	[sflag:s18] =	ssyncset.done $0x0  }
0x2ba: {  	s28 =	sadd.s32 $0x2500, s21;
	[sflag:s18] =	ssyncadd.s32 $0xFFFFF000  }
0x2bb: {  	[spmem:s19] =	stream.indirect.scatter.add.f32 [tilespmem:s17], [sflag:$0x13], $0x20, s28, s3, $0xb8;
	[tilespmem:$0x1E020] =	vst v63  }
0x2bc: {  	s28 =	sadd.s32 $0xFFFFFE00, s14;
	_ =	swait.ge [sflag:s24], $0x1000  }
0x2bd: {  	s28 =	simm.s32 @p2 $0x600;
	[sflag:s24] =	ssyncset.done $0x0  }
0x2be: {  	s28 =	sshra.s32 s28, $0x2;
	[sflag:s24] =	ssyncadd.s32 $0xFFFFF000  }
0x2bf: {  	[tilespmem:s12], [sflag:$0x4] =	stream.indirect.gather [spmem:s16], $0x20, s28, s3, $0xb8;
	[tilespmem:$0x1E020] =	vst v63  }
0x2c0: {  	s28 =	smov.u32 s16  }
0x2c1: {  	_ =	swait.ge [sflag:s31], $0x1000  }
0x2c2: {  	[sflag:s31] =	ssyncset.done $0x0  }
0x2c3: {  	s21 =	sadd.s32 $0x2580, s21;
	[sflag:s31] =	ssyncadd.s32 $0xFFFFF000  }
0x2c4: {  	[spmem:s19] =	stream.indirect.scatter.add.f32 [tilespmem:s20], [sflag:$0x14], $0x20, s21, s3, $0xb8;
	[tilespmem:$0x1E020] =	vst v63  }
.Ltmp20:
0x2c5: {  	_ = 	snop;
	(pc) =	sbr.rel @p1 .LBB2_27-.Ltmp20, $4  }
0x2c6: {  	s21 =	simm.s32 $0xF  }
0x2c7: {  	_ =	swait.ge [sflag:s21], $0x1000  }
0x2c8: {  	s14 =	simm.s32 @p2 $0x800;
	[sflag:s21] =	ssyncset.done $0x0  }
0x2c9: {  	s14 =	sshra.s32 s14, $0x2;
	[sflag:s21] =	ssyncadd.s32 $0xFFFFF000  }
0x2ca: {  	[tilespmem:s30], [sflag:$0x5] =	stream.indirect.gather [spmem:s28], $0x20, s14, s3, $0xb8;
	[tilespmem:$0x1E020] =	vst v63  }
0x2cb: {  	_ =	swait.ge [sflag:s7], $0x1000  }
0x2cc: {  	[sflag:s7] =	ssyncset.done $0x0  }
0x2cd: {  	[sflag:s7] =	ssyncadd.s32 $0xFFFFF000  }
0x2ce: {  	_ =	swait.ge [sflag:s22], $0x1000  }
0x2cf: {  	[sflag:s22] =	ssyncset.done $0x0  }
0x2d0: {  	s0 =	simm.s32 $0x11;
	[sflag:s22] =	ssyncadd.s32 $0xFFFFF000  }
0x2d1: {  	_ =	swait.ge [sflag:s0], $0x1000  }
0x2d2: {  	[sflag:s0] =	ssyncset.done $0x0  }
0x2d3: {  	[sflag:s0] =	ssyncadd.s32 $0xFFFFF000  }
0x2d4: {  	_ =	swait.ge [sflag:s26], $0x1000  }
0x2d5: {  	[sflag:s26] =	ssyncset.done $0x0  }
0x2d6: {  	s20 =	simm.s32 $0x12;
	[sflag:s26] =	ssyncadd.s32 $0xFFFFF000  }
0x2d7: {  	_ =	swait.ge [sflag:s20], $0x1000  }
0x2d8: {  	[sflag:s20] =	ssyncset.done $0x0  }
0x2d9: {  	[sflag:s20] =	ssyncadd.s32 $0xFFFFF000  }
0x2da: {  	_ =	swait.ge [sflag:s13], $0x1000  }
0x2db: {  	[sflag:s13] =	ssyncset.done $0x0  }
0x2dc: {  	s21 =	simm.s32 $0x13;
	[sflag:s13] =	ssyncadd.s32 $0xFFFFF000  }
0x2dd: {  	_ =	swait.ge [sflag:s21], $0x1000  }
0x2de: {  	[sflag:s21] =	ssyncset.done $0x0  }
0x2df: {  	s22 =	simm.s32 $0x4;
	[sflag:s21] =	ssyncadd.s32 $0xFFFFF000  }
0x2e0: {  	_ =	swait.ge [sflag:s22], $0x1000  }
0x2e1: {  	[sflag:s22] =	ssyncset.done $0x0  }
0x2e2: {  	s23 =	simm.s32 $0x14;
	[sflag:s22] =	ssyncadd.s32 $0xFFFFF000  }
0x2e3: {  	_ =	swait.ge [sflag:s23], $0x1000  }
0x2e4: {  	[sflag:s23] =	ssyncset.done $0x0  }
0x2e5: {  	[sflag:s23] =	ssyncadd.s32 $0xFFFFF000  }
0x2e6: {  	_ =	swait.ge [sflag:s5], $0x1000  }
0x2e7: {  	[sflag:s5] =	ssyncset.done $0x0  }
0x2e8: {  	s11 =	stileid.u32;
	[sflag:s5] =	ssyncadd.s32 $0xFFFFF000  }
0x2e9: {  	s11 =	sshll.u32 s11, $0x6;
	[bflag:$0x0] =	sbarrier.arrive $0xFFFF  }
0x2ea: {  	s11 =	sor.u32 $0x1C15, s11;
	s6 =	rddreg [dreg:$0x17]  }
0x2eb: {  	s26 =	simm.s32 $0x15;
	s25 =	rddreg [dreg:$0x10];
	s24 =	sshrl.u32 s6, $0x3  }
0x2ec: {  	[hbm:s25], [sflag:s11] =	dma.local [spmem:s24], $0xA00  }
0x2ed: {  	_ =	swait.ge [sflag:s26], $0xA00  }
0x2ee: {  	s1 =	sld [smem:$0x7F9];
	_ =	sdelay $0x1  }
0x2ef: {  	s15 =	simm.s32 $0x9000  }
0x2f0: {  	s31 =	simm.s32 $0x5;
	s29 =	rddreg [dreg:$0x18];
	s1 =	sadd.s32 $0x1, s1  }
0x2f1: {  	s4 =	simm.s32 $0xC000;
	s30 =	simm.s32 $0xC;
	p1 =	sne.s32 s1, s29  }
.Ltmp21:
0x2f2: {  	s2 =	simm.s32 $0xF000;
	s10 =	simm.s32 $0x4;
	(pc) =	sbr.rel @p1 .LBB2_1-.Ltmp21, $4  }
0x2f3: {  	s0 =	simm.s32 $0xA000;
	s20 =	simm.s32 $0xB000;
	s13 =	simm.s32 $0x8000  }
0x2f4: {  	s22 =	simm.s32 $0x2;
	s23 =	simm.s32 $0x7;
	s5 =	simm.s32 $0x6  }
0x2f5: {  	s24 =	simm.s32 $0x1;
	s25 =	simm.s32 $0xB;
	[sflag:s26] =	ssyncset.done $0x0  }
0x2f6: {  	s17 =	sld [smem:$0x7FD];
	[sflag:s26] =	ssyncadd.s32 $0xFFFFF600;
	s26 =	simm.s32 $0x3  }
0x2f7: {  	_ =	sfence.sel $0x180000  }
0x2f8: {  	[bflag:$0x0] =	sbarrier.arrive $0xFFFF  }
0x2f9: {  	_ =	strace $0x9000004D  }
0x2fa: {  	s0 =	stileid.u32;
	[bflag:$0x2] =	sbarrier.arrive $0xFFFF  }
0x2fb: {  	p0 =	sne.s32 s0, $0x0;
	s0 =	rddreg [dreg:$0x5]  }
0x2fc: {  	s0 =	sadd.s32 @!p0 $0x100000, s0  }
0x2fd: {  	[sflag:s0] =	ssyncadd.tile.s32 @!p0 $0x1;
	_ =	shalt  }
.Lfunc_end2:
_tile_overlayer_lowered:
.L_overlay_start_2:
0x2fe: {  	(tag) =	ssettag $0x2  }
0x2ff: {  	s0 =	rddreg [dreg:$0x0];
	s2 =	stileid.u32  }
0x300: {  	s1 =	rddreg [dreg:$0x1];
	p0 =	sne.s32 s2, $0x0  }
0x301: {  	s3 =	rddreg [dreg:$0x2];
	[bflag:$0x3] =	sbarrier.arrive $0xFFFF;
	s2 =	simm.s32 @!p0 $0x1C15  }
0x302: {  	[timem:s3], [sflag:s2] =	dma.local @!p0 [hbm:s0], s1  }
0x303: {  	s0 =	simm.s32 @!p0 $0x15  }
0x304: {  	_ =	swait.ge @!p0 [sflag:s0], s1  }
0x305: {  	s1 =	ssub.s32 @!p0 $0x0, s1;
	[sflag:s0] =	ssyncset.done @!p0 $0x0  }
0x306: {  	[sflag:s0] =	ssyncadd.s32 @!p0 s1  }
0x307: {  	[bflag:$0x3] =	sbarrier.arrive $0xFFFF  }
0x308: {  	_ =	shalt  }

// kernel: kernel.7.cloned.1.call-start
scs
__scs_entry_jumppad:
0x0: {  	(pc) =	sbr.rel $0x88, $3  }
0x1: {  	(tag) =	ssettag $0x0;
	lr =	simm.s32 $0x1  }
0x2: {  	[smem:$0x3F9B] =	sst lr;
	_ =	strace $0xD0000000  }
0x3: {  	_ = 	snop  }
0x4: {  	_ = 	snop  }
0x5: {  	_ = 	snop  }
0x6: {  	_ = 	snop  }
0x7: {  	_ = 	snop  }
__scs_overlays_trampoline_lowered:
0x8: {  	[smem:$0x3FAA] =	sst s0  }
0x9: {  	[smem:$0x3FAB] =	sst s1  }
0xa: {  	[smem:$0x3FAC] =	sst s2  }
0xb: {  	[smem:$0x3FAD] =	sst s3  }
0xc: {  	[smem:$0x3FAE] =	sst s4  }
0xd: {  	[smem:$0x3FAF] =	sst s5  }
0xe: {  	[smem:$0x3FB0] =	sst s6  }
0xf: {  	[smem:$0x3FB1] =	sst s7  }
0x10: {  	[smem:$0x3FB2] =	sst s8  }
0x11: {  	[smem:$0x3FB3] =	sst s9;
	s0 =	simm.s32 @!p0 $0x0  }
0x12: {  	s1 =	sld [smem:$0x3F99];
	s0 =	simm.s32 @p0 $0x1  }
0x13: {  	[smem:$0x3FB4] =	sst s0;
	s0 =	simm.s32 @!p1 $0x0  }
0x14: {  	s2 =	sld [smem:$0x3F98];
	s0 =	simm.s32 @p1 $0x1  }
0x15: {  	[smem:$0x3FB5] =	sst s0;
	s0 =	simm.s32 @!p2 $0x0  }
0x16: {  	s3 =	sld [smem:$0x3FDB];
	s0 =	simm.s32 @p2 $0x1  }
0x17: {  	s4 =	simm.s32 $0x1BF5;
	[smem:$0x3FB7] =	sst s0  }
0x18: {  	s0 =	sld [smem:$0x3F9A];
	_ =	swait.ge [sflag:s4], $0x0  }
0x19: {  	s7 =	sld [smem:$0x3F9B]  }
0x1a: {  	s8 =	sadd.s32 $0xFFFFE003, lr  }
0x1b: {  	s9 =	sadd.s32 $0xFFFFFEF7, lr;
	s5 =	simm.s32 $0xFFFFFFFF;
	p2 =	slt.u32 s8, $0xFFFFF086  }
0x1c: {  	p1 =	slt.u32 s9, $0xF7A;
	s5 =	simm.s32 @!p2 $0x0  }
0x1d: {  	s5 =	simm.s32 @p1 $0x1;
	p0 =	seq.s32 s7, s2  }
0x1e: {  	s7 =	smul.u32 @!p0 $0xF7A, s2;
	p2 =	seq.s32 @!p0 s5, $0x0  }
0x1f: {  	s9 =	smul.u32 $0xF7A, s1;
	s8 =	simm.s32 @!p0 $0x1BF5;
	p2 =	por !p2, p0  }
0x20: {  	[sflag:s8] =	ssyncset.s32 @!p0 $0xFFFFF086;
	s6 =	sadd.s32 @!p0 s3, s7;
	s7 =	simm.s32 @!p0 $0x108  }
0x21: {  	s3 =	sadd.s32 s3, s9;
	s6 =	sadd.s32 @!p0 $0x88, s6;
	s7 =	simm.s32 @p2 $0x1082  }
0x22: {  	[simem:s7], [sflag:s8] =	dma.local @!p0 [hbm:s6], $0xF7A  }
0x23: {  	s9 =	sor.u32 $0xD0000000, s2;
	s6 =	simm.s32 $0x108;
	_ =	swait.ge @!p0 [sflag:s8], $0x0  }
0x24: {  	s3 =	sadd.s32 $0x88, s3;
	s6 =	simm.s32 @!p1 $0x1082;
	[sflag:s4] =	ssyncset.s32 $0xFFFFF086  }
0x25: {  	[simem:s6], [sflag:s4] =	dma.local [hbm:s3], $0xF7A  }
0x26: {  	[smem:$0x3F9B] =	sst s1;
	(tag) =	ssettag s2;
	_ =	strace s9  }
0x27: {  	s1 =	sld [smem:$0x3FAB]  }
0x28: {  	s2 =	sld [smem:$0x3FAC]  }
0x29: {  	s4 =	sld [smem:$0x3FAE]  }
0x2a: {  	p0 =	seq.s32 s5, $0x0;
	s5 =	sld [smem:$0x3FAF]  }
0x2b: {  	s6 =	sld [smem:$0x3FB0]  }
0x2c: {  	s7 =	sld [smem:$0x3FB1]  }
0x2d: {  	s3 =	simm.s32 $0x108;
	s8 =	sld [smem:$0x3FB2]  }
0x2e: {  	s3 =	simm.s32 @!p0 $0x1082;
	s9 =	sld [smem:$0x3FB3]  }
0x2f: {  	lr =	sadd.s32 s0, s3;
	s0 =	sld [smem:$0x3FAA]  }
0x30: {  	s3 =	sld [smem:$0x3FAD]  }
0x31: {  	[smem:$0x3FB6] =	sst s10  }
0x32: {  	s10 =	sld [smem:$0x3FB4];
	_ =	sdelay $0x3  }
0x33: {  	p0 =	seq.s32 s10, $0x1;
	s10 =	sld [smem:$0x3FB6];
	_ =	sdelay $0x3  }
0x34: {  	[smem:$0x3FB6] =	sst s10  }
0x35: {  	s10 =	sld [smem:$0x3FB5];
	_ =	sdelay $0x3  }
0x36: {  	p1 =	seq.s32 s10, $0x1;
	s10 =	sld [smem:$0x3FB6];
	_ =	sdelay $0x3  }
0x37: {  	[smem:$0x3FB6] =	sst s10  }
0x38: {  	s10 =	sld [smem:$0x3FB7]  }
0x39: {  	_ = 	snop;
	(pc) =	sbr.ind lr, $3  }
0x3a: {  	_ = 	snop  }
0x3b: {  	_ = 	snop  }
0x3c: {  	p2 =	seq.s32 s10, $0x1;
	s10 =	sld [smem:$0x3FB6]  }
0x3d: {  	_ =	shalt  }
0x3e: {  	_ =	shalt  }
0x3f: {  	_ =	shalt  }
0x40: {  	_ =	shalt  }
0x41: {  	_ =	shalt  }
0x42: {  	_ =	shalt  }
0x43: {  	_ =	shalt  }
0x44: {  	_ =	shalt  }
0x45: {  	_ =	shalt  }
0x46: {  	_ =	shalt  }
0x47: {  	_ =	shalt  }
0x48: {  	_ =	shalt  }
0x49: {  	_ =	shalt  }
0x4a: {  	_ =	shalt  }
0x4b: {  	_ =	shalt  }
0x4c: {  	_ =	shalt  }
0x4d: {  	_ =	shalt  }
0x4e: {  	_ =	shalt  }
0x4f: {  	_ =	shalt  }
0x50: {  	_ =	shalt  }
0x51: {  	_ =	shalt  }
0x52: {  	_ =	shalt  }
0x53: {  	_ =	shalt  }
0x54: {  	_ =	shalt  }
0x55: {  	_ =	shalt  }
0x56: {  	_ =	shalt  }
0x57: {  	_ =	shalt  }
0x58: {  	_ =	shalt  }
0x59: {  	_ =	shalt  }
0x5a: {  	_ =	shalt  }
0x5b: {  	_ =	shalt  }
0x5c: {  	_ =	shalt  }
0x5d: {  	_ =	shalt  }
0x5e: {  	_ =	shalt  }
0x5f: {  	_ =	shalt  }
0x60: {  	_ =	shalt  }
0x61: {  	_ =	shalt  }
0x62: {  	_ =	shalt  }
0x63: {  	_ =	shalt  }
0x64: {  	_ =	shalt  }
0x65: {  	_ =	shalt  }
0x66: {  	_ =	shalt  }
0x67: {  	_ =	shalt  }
0x68: {  	_ =	shalt  }
0x69: {  	_ =	shalt  }
0x6a: {  	_ =	shalt  }
0x6b: {  	_ =	shalt  }
0x6c: {  	_ =	shalt  }
0x6d: {  	_ =	shalt  }
0x6e: {  	_ =	shalt  }
0x6f: {  	_ =	shalt  }
0x70: {  	_ =	shalt  }
0x71: {  	_ =	shalt  }
0x72: {  	_ =	shalt  }
0x73: {  	_ =	shalt  }
0x74: {  	_ =	shalt  }
0x75: {  	_ =	shalt  }
0x76: {  	_ =	shalt  }
0x77: {  	_ =	shalt  }
0x78: {  	_ =	shalt  }
0x79: {  	_ =	shalt  }
0x7a: {  	_ =	shalt  }
0x7b: {  	_ =	shalt  }
0x7c: {  	_ =	shalt  }
0x7d: {  	_ =	shalt  }
0x7e: {  	_ =	shalt  }
0x7f: {  	_ =	shalt  }
0x80: {  	_ =	shalt  }
0x81: {  	_ =	shalt  }
0x82: {  	_ =	shalt  }
0x83: {  	_ =	shalt  }
0x84: {  	_ =	shalt  }
0x85: {  	_ =	shalt  }
0x86: {  	_ =	shalt  }
0x87: {  	_ =	shalt  }
.Lfunc_end0:
.L_simem_size_0:
called_computation_lowered:
.L_overlay_start_0:
0x88: {  	s2 =	sld [smem:$0x3FD9]  }
0x89: {  	s3 =	sld [smem:$0x3FFE];
	_ =	sdelay $0x1  }
0x8a: {  	s1 =	srdreg.scid  }
0x8b: {  	s0 =	sand.u32 $0x1, s1  }
0x8c: {  	s17 =	sshll.u32 s0, $0xA;
	s2 =	sadd.s32 s3, s2  }
0x8d: {  	s2 =	sadd.s32 s2, s17  }
0x8e: {  	[smem:$0x3FC2] =	sst s2  }
0x8f: {  	_ = 	snop  }
0x90: {  	s2 =	sld [smem:$0x3FD0];
	(tm) =	ssettm $0x1  }
0x91: {  	s18 =	sld [smem:$0x3FFB];
	_ =	sdelay $0x3  }
0x92: {  	_ =	strace s18  }
0x93: {  	s3 =	sld [smem:$0x3FFC];
	_ =	sdelay $0x3  }
0x94: {  	_ =	strace s3  }
0x95: {  	s3 =	sld [smem:$0x3FFD];
	_ =	sdelay $0x3  }
0x96: {  	_ =	strace s3  }
0x97: {  	_ =	strace $0x8FFFFFFF  }
0x98: {  	s19 =	sld [smem:$0x3FDB];
	_ =	sdelay $0x1  }
0x99: {  	s4 =	simm.s32 $_scs_section_size  }
0x9a: {  	s5 =	simm.s32 $_size__tile_overlayer_lowered;
	s6 =	simm.s32 $_tile_overlayer_lowered  }
0x9b: {  	s22 =	simm.s32 $0x1BFF;
	s21 =	sshll.u32 s6, $0x1;
	s3 =	sadd.s32 s4, s19  }
0x9c: {  	s7 =	simm.s32 $0x0;
	s20 =	sshll.u32 s5, $0x1;
	s5 =	sadd.s32 s21, s3  }
0x9d: {  	[timem:s7], [sflag:s22] =	dma.local [hbm:s5], s20  }
0x9e: {  	_ =	swait.ge [sflag:s22], s20  }
0x9f: {  	s4 =	ssub.s32 $0x0, s20;
	[sflag:s22] =	ssyncset.done $0x0  }
0xa0: {  	[sflag:s22] =	ssyncadd.s32 s4;
	_ =	sdelay $0x1  }
0xa1: {  	s23 =	simm.s32 $0x1B8B  }
0xa2: {  	_ =	swait.ge [sflag:s23], $0x1  }
0xa3: {  	[sflag:s23] =	ssyncset.done $0x0  }
0xa4: {  	s25 =	simm.s32 $0x1B8E;
	s24 =	sld [smem:$0x3FFE];
	[sflag:s23] =	ssyncadd.s32 $0xFFFFFFFF  }
0xa5: {  	s26 =	simm.s32 $execute0_lowered;
	[smem:$0x3FD2] =	sst s25  }
0xa6: {  	s5 =	sshll.u32 s26, $0x1;
	_ =	strace $0x80000046;
	[dreg:$0x1] =	wrdreg $0xFFFFFFFF  }
0xa7: {  	s28 =	simm.s32 $_size_execute0_lowered;
	s3 =	sadd.s32 s3, s5;
	[dreg:$0x0] =	wrdreg $0x0  }
0xa8: {  	s5 =	sshll.u32 s28, $0x1;
	[dreg:$0x2] =	wrdreg s3  }
0xa9: {  	[dreg:$0x3] =	wrdreg s5  }
0xaa: {  	[dreg:$0x4] =	wrdreg $0xC0  }
0xab: {  	_ =	task [dreg:s7], $0x5FFFF  }
0xac: {  	[dreg:$0x1] =	wrdreg $0xFFFFFFFF  }
0xad: {  	[dreg:$0x0] =	wrdreg $0x60  }
0xae: {  	[dreg:$0x2] =	wrdreg s24  }
0xaf: {  	[dreg:$0x3] =	wrdreg s2  }
0xb0: {  	[dreg:$0x4] =	wrdreg $0x58000  }
0xb1: {  	[dreg:$0x5] =	wrdreg $0x9  }
0xb2: {  	_ =	task.clear_ibuf [dreg:s7], $0x6FFFF;
	_ =	strace $0x90000046  }
0xb3: {  	s29 =	simm.s32 $0x9;
	_ =	strace $0x80000048  }
0xb4: {  	_ =	swait.ge [sflag:s29], $0x1  }
0xb5: {  	[sflag:s29] =	ssyncadd.s32 $0xFFFFFFFF  }
0xb6: {  	_ =	strace $0x90000048  }
0xb7: {  	_ =	sfence  }
0xb8: {  	s30 =	sld [smem:$0x0];
	_ =	sdelay $0x2  }
0xb9: {  	s31 =	sshll.u32 s1, $0xD;
	s1 =	sshrl.u32 s1, $0x2  }
0xba: {  	s3 =	sand.u32 $0x4000, s31;
	s1 =	sadd.s32 s1, s30  }
0xbb: {  	s0 =	sor.u32 s3, s0;
	s1 =	sshll.u32 s1, $0x11  }
0xbc: {  	s0 =	sor.u32 s1, s0  }
0xbd: {  	s0 =	sadd.s32 $0x8F2B, s0  }
0xbe: {  	[sflag:s0] =	ssyncadd.remote.s32 $0x1  }
0xbf: {  	_ =	sfence.sel $0xFFFF  }
0xc0: {  	[dreg:$0x0] =	wrdreg $0xFFFFFFFF;
	(pc) =	sbr.abs _section_cstart, $3  }
0xc1: {  	[dreg:$0x1] =	wrdreg $0xFFFFFFFF  }
0xc2: {  	_ =	task.clear_ibuf [dreg:s7], $0x2FFFF;
	_ =	strace $0x9FFFFFFF  }
0xc3: {  	(tm) =	ssettm $0x7FFFFFFF  }
tec
execute0_lowered:
.L_overlay_start_1:
0x0: {  	(tag) =	ssettag $0x1  }
0x1: {  	s4 =	rddreg [dreg:$0x0]  }
0x2: {  	s1 =	srdreg.scid;
	s6 =	rddreg [dreg:$0x1]  }
0x3: {  	s0 =	stileid.u32;
	s2 =	rddreg [dreg:$0x2]  }
0x4: {  	s3 =	simm.s32 $0x0;
	s14 =	simm.s32 $0x1;
	s15 =	simm.s32 $0x80  }
0x5: {  	s16 =	simm.s32 $0x2800;
	s17 =	simm.s32 $0x100;
	s7 =	smul.u32 $0x2800, s0  }
0x6: {  	s18 =	simm.s32 $0x180;
	s19 =	simm.s32 $0x200;
	s13 =	smul.u32 $0xA0, s0  }
0x7: {  	s20 =	simm.s32 $0x280;
	s5 =	sand.u32 $0x1, s1;
	s28 =	smul.u32 $0x5000, s0  }
0x8: {  	s21 =	simm.s32 $0x300;
	s22 =	simm.s32 $0x380;
	s8 =	smul.u32 $0x28000, s5  }
0x9: {  	s23 =	simm.s32 $0x0;
	s26 =	sshll.u32 s0, $0x1;
	s10 =	smul.u32 $0xFFFFFFB0, s5  }
0xa: {  	[smem:$0x7FF] =	sst s3;
	s1 =	sor.u32 s5, s26;
	s29 =	smul.u32 $0x2800, s5  }
0xb: {  	s4 =	sadd.s32 $0x2400, s4;
	s9 =	ssub.s32 $0x2, s5;
	s12 =	smul.u32 $0xFFFFFFB0, s1  }
0xc: {  	s1 =	rddreg [dreg:$0x3];
	_ =	strace $0x80000047;
	s11 =	sshrl.u32 s9, $0x1  }
0xd: {  	s5 =	sadd.s32 s7, s2;
	s9 =	ssub.s32 s9, s11;
	s8 =	sadd.s32 s7, s8  }
0xe: {  	s10 =	ssub.s32 s10, s13;
	s30 =	sadd.s32 s29, s28;
	p0 =	slt.s32 s12, $0xFFFFF68C  }
0xf: {  	s13 =	simm.s32 $0x2;
	s12 =	simm.s32 @!p0 $0xFFFFF68C;
	p0 =	slt.s32 s10, $0xFFFFF68C  }
0x10: {  	s8 =	sshrl.u32 s8, $0x3;
	s7 =	smax.u32 s9, $0x1;
	s10 =	simm.s32 @!p0 $0xFFFFF68C  }
0x11: {  	s9 =	sadd.s32 $0x4E200, s30;
	s6 =	sadd.s32 s6, s8;
	s31 =	sshll.u32 s10, $0x9  }
0x12: {  	p0 =	slt.u32 s12, $0xFFFFF68C;
	s12 =	simm.s32 $0x3000;
	s11 =	sshra.s32 s31, $0x2  }
0x13: {  	v0 =	vimm.s32 $0x2710;
	v1 =	vimm.f32 $1.000000000e+00;
	v2 =	vimm.f32 $0.0e+00;
	s8 =	ssub.s32 $0xFFFFF63C, s10;
	s10 =	ssub.s32 $0xFFFFF68C, s10;
	s11 =	sadd.s32 $0x4E200, s11  }
.LBB2_1:
0x14: {  	s24 =	sadd.s32 $0x1, s8  }
0x15: {  	p1 =	seq.s32 s24, $0x0  }
.Ltmp0:
0x16: {  	_ = 	snop;
	(pc) =	sbr.rel @p1 .LBB2_3-.Ltmp0, $3  }
0x17: {  	_ =	sdelay $0x1  }
0x18: {  	s25 =	sshrl.u32 s9, $0x3;
	s26 =	simm.s32 $0x80  }
0x19: {  	s28 =	simm.s32 $0x0;
	s29 =	sadd.s32 s4, s25;
	s25 =	sadd.s32 $0x80, s9  }
.LBB2_2:
0x1a: {  	[tilespmem:s28], [sflag:$0x1] =	stream.linear.gather [hbm4b:s29+s3], $0x80, $0x38;
	[tilespmem:$0x8000] =	vst v63  }
0x1b: {  	s24 =	sadd.s32 $0x1, s24  }
0x1c: {  	p1 =	seq.s32 s24, $0x0  }
.Ltmp1:
0x1d: {  	s28 =	smov.u32 s26;
	(pc) =	sbr.rel @!p1 .LBB2_2-.Ltmp1, $3  }
0x1e: {  	_ =	sdelay $0x1  }
0x1f: {  	s29 =	sshrl.u32 s25, $0x3  }
0x20: {  	s25 =	sadd.s32 $0x80, s25;
	s26 =	sadd.s32 $0x80, s26;
	s29 =	sadd.s32 s4, s29  }
.LBB2_3:
.Ltmp2:
0x21: {  	(pc) =	sbr.rel @!p0 .LBB2_7-.Ltmp2, $2  }
0x22: {  	_ =	sdelay $0x2  }
0x23: {  	[tilespmem:s28], [sflag:$0x1] =	stream.linear.gather [hbm4b:s29+s3], $0x80, $0x38;
	[tilespmem:$0x8000] =	vst v63  }
0x24: {  	[tilespmem:s11+$0x0] =	vst v0  }
0x25: {  	[tilespmem:s11+$0x70] =	vst v0;
	p1 =	sne.s32 s10, $0x1  }
.Ltmp3:
0x26: {  	[tilespmem:s11+$0x60] =	vst v0;
	(pc) =	sbr.rel @!p1 .LBB2_6-.Ltmp3, $4  }
0x27: {  	[tilespmem:s11+$0x50] =	vst v0  }
0x28: {  	[tilespmem:s11+$0x40] =	vst v0  }
0x29: {  	[tilespmem:s11+$0x30] =	vst v0  }
0x2a: {  	s24 =	sadd.s32 $0xFFFFFFFF, s10;
	[tilespmem:s11+$0x20] =	vst v0;
	s25 =	smov.u32 s11  }
.LBB2_5:
0x2b: {  	p1 =	sne.s32 s24, $0x1;
	s24 =	sadd.s32 $0xFFFFFFFF, s24;
	[tilespmem:s25+$0x10] =	vst v0;
	s25 =	sadd.s32 $0x80, s25  }
0x2c: {  	[tilespmem:s25+$0x0] =	vst v0  }
0x2d: {  	[tilespmem:s25+$0x70] =	vst v0  }
.Ltmp4:
0x2e: {  	[tilespmem:s25+$0x60] =	vst v0;
	(pc) =	sbr.rel @p1 .LBB2_5-.Ltmp4, $4  }
0x2f: {  	[tilespmem:s25+$0x50] =	vst v0  }
0x30: {  	[tilespmem:s25+$0x40] =	vst v0  }
0x31: {  	[tilespmem:s25+$0x30] =	vst v0  }
0x32: {  	[tilespmem:s25+$0x20] =	vst v0  }
.LBB2_6:
0x33: {  	[tilespmem:s25+$0x10] =	vst v0  }
.LBB2_7:
0x34: {  	s24 =	simm.s32 $0x40;
	s25 =	simm.s32 $0x0  }
.LBB2_8:
0x35: {  	p1 =	sne.s32 s24, $0x1FC0;
	[tilespmem:s25+$0x2800] =	vst v1;
	s25 =	smov.u32 s24;
	s24 =	sadd.s32 $0x40, s24  }
.Ltmp5:
0x36: {  	(pc) =	sbr.rel @p1 .LBB2_8-.Ltmp5, $2  }
0x37: {  	_ =	sdelay $0x2  }
0x38: {  	s25 =	sshra.s32 s25, $0x2  }
0x39: {  	[tilespmem:s25+$0x2800] =	vst v1;
	s24 =	simm.s32 $0x40;
	s25 =	simm.s32 $0x0  }
.LBB2_10:
0x3a: {  	p1 =	sne.s32 s24, $0x9FC0;
	[tilespmem:s25+$0x3000] =	vst v2;
	s25 =	smov.u32 s24;
	s24 =	sadd.s32 $0x40, s24  }
.Ltmp6:
0x3b: {  	(pc) =	sbr.rel @p1 .LBB2_10-.Ltmp6, $2  }
0x3c: {  	_ =	sdelay $0x2  }
0x3d: {  	s25 =	sshra.s32 s25, $0x2  }
0x3e: {  	[tilespmem:s25+$0x3000] =	vst v2;
	s24 =	sadd.s32 $0x1, s8  }
0x3f: {  	[spmem:s5] =	stream.linear.scatter [tilespmem:s12], [sflag:$0x2], $0x2800, $0x38;
	[tilespmem:$0x8000] =	vst v63  }
0x40: {  	p1 =	seq.s32 s24, $0x0  }
.Ltmp7:
0x41: {  	_ =	swait.ge [sflag:s13], $0x2800;
	(pc) =	sbr.rel @p1 .LBB2_13-.Ltmp7, $4  }
0x42: {  	[sflag:s13] =	ssyncset.done $0x0  }
0x43: {  	[sflag:s13] =	ssyncadd.s32 $0xFFFFD800  }
0x44: {  	_ =	swait.ge [sflag:s14], $0x80  }
0x45: {  	[sflag:s14] =	ssyncset.done $0x0  }
.LBB2_12:
0x46: {  	s24 =	sadd.s32 $0x1, s24  }
0x47: {  	[sflag:s14] =	ssyncadd.s32 $0xFFFFFF80;
	p1 =	seq.s32 s24, $0x0  }
.Ltmp8:
0x48: {  	(pc) =	sbr.rel @!p1 .LBB2_12-.Ltmp8, $3  }
0x49: {  	_ =	sdelay $0x1  }
0x4a: {  	_ =	swait.ge [sflag:s14], $0x80  }
0x4b: {  	[sflag:s14] =	ssyncset.done $0x0  }
.LBB2_13:
0x4c: {  	[sflag:s14] =	ssyncadd.s32 $0xFFFFFF80  }
0x4d: {  	s24 =	simm.s32 $0x0;
	[bflag:$0x0] =	sbarrier.arrive $0xFFFF  }
0x4e: {  	[spmem:s2] =	stream.indirect.scatter.add.f32 [tilespmem:s16], [sflag:$0x1], $0x10, s24, s15, $0xb8;
	[tilespmem:$0x8000] =	vst v63  }
0x4f: {  	_ = 	snop  }
0x50: {  	[spmem:s2] =	stream.indirect.scatter.add.f32 [tilespmem:s16], [sflag:$0x1], $0x10, s15, s15, $0xb8;
	[tilespmem:$0x8000] =	vst v63  }
0x51: {  	_ = 	snop  }
0x52: {  	[spmem:s2] =	stream.indirect.scatter.add.f32 [tilespmem:s16], [sflag:$0x1], $0x10, s17, s15, $0xb8;
	[tilespmem:$0x8000] =	vst v63  }
0x53: {  	_ = 	snop  }
0x54: {  	[spmem:s2] =	stream.indirect.scatter.add.f32 [tilespmem:s16], [sflag:$0x1], $0x10, s18, s15, $0xb8;
	[tilespmem:$0x8000] =	vst v63  }
0x55: {  	_ = 	snop  }
0x56: {  	[spmem:s2] =	stream.indirect.scatter.add.f32 [tilespmem:s16], [sflag:$0x1], $0x10, s19, s15, $0xb8;
	[tilespmem:$0x8000] =	vst v63  }
0x57: {  	_ = 	snop  }
0x58: {  	[spmem:s2] =	stream.indirect.scatter.add.f32 [tilespmem:s16], [sflag:$0x1], $0x10, s20, s15, $0xb8;
	[tilespmem:$0x8000] =	vst v63  }
0x59: {  	_ = 	snop  }
0x5a: {  	[spmem:s2] =	stream.indirect.scatter.add.f32 [tilespmem:s16], [sflag:$0x1], $0x10, s21, s15, $0xb8;
	[tilespmem:$0x8000] =	vst v63  }
0x5b: {  	_ = 	snop  }
0x5c: {  	[spmem:s2] =	stream.indirect.scatter.add.f32 [tilespmem:s16], [sflag:$0x1], $0x10, s22, s15, $0xb8;
	[tilespmem:$0x8000] =	vst v63  }
0x5d: {  	_ =	swait.ge [sflag:s14], $0x800  }
0x5e: {  	[sflag:s14] =	ssyncset.done $0x0  }
0x5f: {  	s31 =	simm.s32 $0x400;
	[sflag:s14] =	ssyncadd.s32 $0xFFFFF800  }
0x60: {  	[spmem:s2] =	stream.indirect.scatter.add.f32 [tilespmem:s16], [sflag:$0x1], $0x10, s31, s15, $0xb8;
	[tilespmem:$0x8000] =	vst v63  }
0x61: {  	_ =	swait.ge [sflag:s14], $0x800  }
0x62: {  	[sflag:s14] =	ssyncset.done $0x0  }
0x63: {  	s25 =	simm.s32 $0x480;
	[sflag:s14] =	ssyncadd.s32 $0xFFFFF800  }
0x64: {  	[spmem:s2] =	stream.indirect.scatter.add.f32 [tilespmem:s16], [sflag:$0x1], $0x10, s25, s15, $0xb8;
	[tilespmem:$0x8000] =	vst v63  }
0x65: {  	_ =	swait.ge [sflag:s14], $0x800  }
0x66: {  	[sflag:s14] =	ssyncset.done $0x0  }
0x67: {  	s26 =	simm.s32 $0x500;
	[sflag:s14] =	ssyncadd.s32 $0xFFFFF800  }
0x68: {  	[spmem:s2] =	stream.indirect.scatter.add.f32 [tilespmem:s16], [sflag:$0x1], $0x10, s26, s15, $0xb8;
	[tilespmem:$0x8000] =	vst v63  }
0x69: {  	_ =	swait.ge [sflag:s14], $0x800  }
0x6a: {  	[sflag:s14] =	ssyncset.done $0x0  }
0x6b: {  	s28 =	simm.s32 $0x580;
	[sflag:s14] =	ssyncadd.s32 $0xFFFFF800  }
0x6c: {  	[spmem:s2] =	stream.indirect.scatter.add.f32 [tilespmem:s16], [sflag:$0x1], $0x10, s28, s15, $0xb8;
	[tilespmem:$0x8000] =	vst v63  }
0x6d: {  	_ =	swait.ge [sflag:s14], $0x800  }
0x6e: {  	[sflag:s14] =	ssyncset.done $0x0  }
0x6f: {  	s29 =	simm.s32 $0x600;
	[sflag:s14] =	ssyncadd.s32 $0xFFFFF800  }
0x70: {  	[spmem:s2] =	stream.indirect.scatter.add.f32 [tilespmem:s16], [sflag:$0x1], $0x10, s29, s15, $0xb8;
	[tilespmem:$0x8000] =	vst v63  }
0x71: {  	_ =	swait.ge [sflag:s14], $0x800  }
0x72: {  	[sflag:s14] =	ssyncset.done $0x0  }
0x73: {  	s30 =	simm.s32 $0x680;
	[sflag:s14] =	ssyncadd.s32 $0xFFFFF800  }
0x74: {  	[spmem:s2] =	stream.indirect.scatter.add.f32 [tilespmem:s16], [sflag:$0x1], $0x10, s30, s15, $0xb8;
	[tilespmem:$0x8000] =	vst v63  }
0x75: {  	_ =	swait.ge [sflag:s14], $0x800  }
0x76: {  	[sflag:s14] =	ssyncset.done $0x0  }
0x77: {  	s31 =	simm.s32 $0x700;
	[sflag:s14] =	ssyncadd.s32 $0xFFFFF800  }
0x78: {  	[spmem:s2] =	stream.indirect.scatter.add.f32 [tilespmem:s16], [sflag:$0x1], $0x10, s31, s15, $0xb8;
	[tilespmem:$0x8000] =	vst v63  }
0x79: {  	_ =	swait.ge [sflag:s14], $0x800  }
0x7a: {  	[sflag:s14] =	ssyncset.done $0x0  }
0x7b: {  	s24 =	simm.s32 $0x1000;
	s25 =	simm.s32 $0x780;
	[sflag:s14] =	ssyncadd.s32 $0xFFFFF800  }
.LBB2_14:
0x7c: {  	[spmem:s2] =	stream.indirect.scatter.add.f32 [tilespmem:s16], [sflag:$0x1], $0x10, s25, s15, $0xb8;
	[tilespmem:$0x8000] =	vst v63  }
0x7d: {  	s25 =	smov.u32 s24  }
0x7e: {  	p1 =	sne.s32 s24, $0x8000;
	s24 =	sadd.s32 $0x1000, s24;
	_ =	swait.ge [sflag:s14], $0x800  }
0x7f: {  	s25 =	sshra.s32 s25, $0x2;
	[sflag:s14] =	ssyncset.done $0x0  }
0x80: {  	s26 =	sadd.s32 $0x400, s25;
	[sflag:s14] =	ssyncadd.s32 $0xFFFFF800  }
0x81: {  	[spmem:s2] =	stream.indirect.scatter.add.f32 [tilespmem:s16], [sflag:$0x1], $0x10, s26, s15, $0xb8;
	[tilespmem:$0x8000] =	vst v63  }
0x82: {  	_ =	swait.ge [sflag:s14], $0x800  }
0x83: {  	[sflag:s14] =	ssyncset.done $0x0  }
0x84: {  	s26 =	sadd.s32 $0x480, s25;
	[sflag:s14] =	ssyncadd.s32 $0xFFFFF800  }
0x85: {  	[spmem:s2] =	stream.indirect.scatter.add.f32 [tilespmem:s16], [sflag:$0x1], $0x10, s26, s15, $0xb8;
	[tilespmem:$0x8000] =	vst v63  }
0x86: {  	_ =	swait.ge [sflag:s14], $0x800  }
0x87: {  	[sflag:s14] =	ssyncset.done $0x0  }
0x88: {  	s26 =	sadd.s32 $0x500, s25;
	[sflag:s14] =	ssyncadd.s32 $0xFFFFF800  }
0x89: {  	[spmem:s2] =	stream.indirect.scatter.add.f32 [tilespmem:s16], [sflag:$0x1], $0x10, s26, s15, $0xb8;
	[tilespmem:$0x8000] =	vst v63  }
0x8a: {  	_ =	swait.ge [sflag:s14], $0x800  }
0x8b: {  	[sflag:s14] =	ssyncset.done $0x0  }
0x8c: {  	s26 =	sadd.s32 $0x580, s25;
	[sflag:s14] =	ssyncadd.s32 $0xFFFFF800  }
0x8d: {  	[spmem:s2] =	stream.indirect.scatter.add.f32 [tilespmem:s16], [sflag:$0x1], $0x10, s26, s15, $0xb8;
	[tilespmem:$0x8000] =	vst v63  }
0x8e: {  	_ =	swait.ge [sflag:s14], $0x800  }
0x8f: {  	[sflag:s14] =	ssyncset.done $0x0  }
0x90: {  	s26 =	sadd.s32 $0x600, s25;
	[sflag:s14] =	ssyncadd.s32 $0xFFFFF800  }
0x91: {  	[spmem:s2] =	stream.indirect.scatter.add.f32 [tilespmem:s16], [sflag:$0x1], $0x10, s26, s15, $0xb8;
	[tilespmem:$0x8000] =	vst v63  }
0x92: {  	_ =	swait.ge [sflag:s14], $0x800  }
0x93: {  	[sflag:s14] =	ssyncset.done $0x0  }
0x94: {  	s26 =	sadd.s32 $0x680, s25;
	[sflag:s14] =	ssyncadd.s32 $0xFFFFF800  }
0x95: {  	[spmem:s2] =	stream.indirect.scatter.add.f32 [tilespmem:s16], [sflag:$0x1], $0x10, s26, s15, $0xb8;
	[tilespmem:$0x8000] =	vst v63  }
0x96: {  	_ =	swait.ge [sflag:s14], $0x800  }
0x97: {  	[sflag:s14] =	ssyncset.done $0x0  }
.Ltmp9:
0x98: {  	s26 =	sadd.s32 $0x700, s25;
	[sflag:s14] =	ssyncadd.s32 $0xFFFFF800;
	(pc) =	sbr.rel @p1 .LBB2_14-.Ltmp9, $4  }
0x99: {  	[spmem:s2] =	stream.indirect.scatter.add.f32 [tilespmem:s16], [sflag:$0x1], $0x10, s26, s15, $0xb8;
	[tilespmem:$0x8000] =	vst v63  }
0x9a: {  	_ =	swait.ge [sflag:s14], $0x800  }
0x9b: {  	[sflag:s14] =	ssyncset.done $0x0  }
0x9c: {  	s25 =	sadd.s32 $0x780, s25;
	[sflag:s14] =	ssyncadd.s32 $0xFFFFF800  }
0x9d: {  	[spmem:s2] =	stream.indirect.scatter.add.f32 [tilespmem:s16], [sflag:$0x1], $0x10, s25, s15, $0xb8;
	[tilespmem:$0x8000] =	vst v63  }
0x9e: {  	_ =	swait.ge [sflag:s14], $0x800  }
0x9f: {  	[sflag:s14] =	ssyncset.done $0x0  }
0xa0: {  	[sflag:s14] =	ssyncadd.s32 $0xFFFFF800  }
0xa1: {  	_ =	swait.ge [sflag:s14], $0x800  }
0xa2: {  	[sflag:s14] =	ssyncset.done $0x0  }
0xa3: {  	[sflag:s14] =	ssyncadd.s32 $0xFFFFF800  }
0xa4: {  	_ =	swait.ge [sflag:s14], $0x800  }
0xa5: {  	[sflag:s14] =	ssyncset.done $0x0  }
0xa6: {  	[sflag:s14] =	ssyncadd.s32 $0xFFFFF800  }
0xa7: {  	_ =	swait.ge [sflag:s14], $0x800  }
0xa8: {  	[sflag:s14] =	ssyncset.done $0x0  }
0xa9: {  	[sflag:s14] =	ssyncadd.s32 $0xFFFFF800  }
0xaa: {  	_ =	swait.ge [sflag:s14], $0x800  }
0xab: {  	[sflag:s14] =	ssyncset.done $0x0  }
0xac: {  	[sflag:s14] =	ssyncadd.s32 $0xFFFFF800  }
0xad: {  	_ =	swait.ge [sflag:s14], $0x800  }
0xae: {  	[sflag:s14] =	ssyncset.done $0x0  }
0xaf: {  	[sflag:s14] =	ssyncadd.s32 $0xFFFFF800  }
0xb0: {  	_ =	swait.ge [sflag:s14], $0x800  }
0xb1: {  	[sflag:s14] =	ssyncset.done $0x0  }
0xb2: {  	[sflag:s14] =	ssyncadd.s32 $0xFFFFF800  }
0xb3: {  	_ =	swait.ge [sflag:s14], $0x800  }
0xb4: {  	s24 =	sshll.u32 s0, $0x6;
	s23 =	sadd.s32 $0x1, s23;
	[sflag:s14] =	ssyncset.done $0x0  }
0xb5: {  	s31 =	sshrl.u32 s5, $0x3;
	p1 =	sne.s32 s23, s7;
	[sflag:s14] =	ssyncadd.s32 $0xFFFFF800  }
.Ltmp10:
0xb6: {  	s24 =	sor.u32 $0x1C02, s24;
	[bflag:$0x0] =	sbarrier.arrive $0xFFFF;
	(pc) =	sbr.rel @p1 .LBB2_1-.Ltmp10, $4  }
0xb7: {  	[hbm:s6], [sflag:s24] =	dma.local [spmem:s31], $0x500  }
0xb8: {  	_ =	swait.ge [sflag:s13], $0x500  }
0xb9: {  	[sflag:s13] =	ssyncset.done $0x0  }
0xba: {  	[sflag:s13] =	ssyncadd.s32 $0xFFFFFB00  }
0xbb: {  	_ =	sfence.sel $0x180000  }
0xbc: {  	[bflag:$0x0] =	sbarrier.arrive $0xFFFF  }
0xbd: {  	p0 =	sne.s32 s0, $0x0;
	_ =	strace $0x90000047  }
0xbe: {  	s0 =	sadd.s32 @!p0 $0x100000, s1;
	[bflag:$0x2] =	sbarrier.arrive $0xFFFF  }
0xbf: {  	[sflag:s0] =	ssyncadd.tile.s32 @!p0 $0x1;
	_ =	shalt  }
.Lfunc_end2:
_tile_overlayer_lowered:
.L_overlay_start_2:
0xc0: {  	(tag) =	ssettag $0x2  }
0xc1: {  	s0 =	rddreg [dreg:$0x0];
	s2 =	stileid.u32  }
0xc2: {  	s1 =	rddreg [dreg:$0x1];
	p0 =	sne.s32 s2, $0x0  }
0xc3: {  	s3 =	rddreg [dreg:$0x2];
	[bflag:$0x3] =	sbarrier.arrive $0xFFFF;
	s2 =	simm.s32 @!p0 $0x1C02  }
0xc4: {  	[timem:s3], [sflag:s2] =	dma.local @!p0 [hbm:s0], s1  }
0xc5: {  	s0 =	simm.s32 @!p0 $0x2  }
0xc6: {  	_ =	swait.ge @!p0 [sflag:s0], s1  }
0xc7: {  	s1 =	ssub.s32 @!p0 $0x0, s1;
	[sflag:s0] =	ssyncset.done @!p0 $0x0  }
0xc8: {  	[sflag:s0] =	ssyncadd.s32 @!p0 s1  }
0xc9: {  	[bflag:$0x3] =	sbarrier.arrive $0xFFFF  }
0xca: {  	_ =	shalt  }

</sc_bundles>
